<compile_context>
chip_gen: v7x
topology: tpu7x:2x2x1
jax: 0.10.2.dev20260603
libtpu: 0.0.44.dev20260713+nightly
codegen_flags: <defaults>
</compile_context>

<pallas_src>
import functools

import jax
import jax.numpy as jnp
from jax import lax
from jax.experimental import pallas as pl
from jax.experimental.pallas import tpu as pltpu
from jax.experimental.pallas import tpu_sc as plsc

BATCH = 16384
EMBED = 32
NUSERS = 1000000
NC = 2
NS = 16
L = 16
NW = NC * NS
BPW = BATCH // NW
IDX_CHUNK = 128
NP = BPW // IDX_CHUNK
NCH = BPW // L

AW = 24576
NWIN = NUSERS // AW
NBUF = 4
REM = NUSERS - NWIN * AW
REM_A = (REM // 128) * 128
REM_T = REM - REM_A


def _detile_body(ut_hbm, out_hbm, buf0, buf1, buf2, buf3, tbuf,
                 rs0, rs1, rs2, rs3, ws0, ws1, ws2, ws3):
    j = lax.axis_index("s") * NC + lax.axis_index("c")
    base = j * NUSERS
    bufs = [buf0, buf1, buf2, buf3]
    rsem = [rs0, rs1, rs2, rs3]
    wsem = [ws0, ws1, ws2, ws3]

    def rd(w, k):
        return pltpu.async_copy(ut_hbm.at[j, pl.ds(w * AW, AW)],
                                bufs[k], rsem[k])

    def wr(w, k):
        return pltpu.async_copy(bufs[k], out_hbm.at[pl.ds(base + w * AW, AW)],
                                wsem[k])

    prim = [rd(w, w) for w in range(NBUF)]
    for w in range(NWIN):
        k = w % NBUF
        prim[k].wait()
        wcp = wr(w, k)
        if w + NBUF < NWIN:
            wcp.wait()
            prim[k] = rd(w + NBUF, k)
        else:
            wcp.wait()

    cb = NWIN * AW
    pltpu.sync_copy(ut_hbm.at[j, pl.ds(cb, REM_A)],
                    buf0.at[pl.ds(0, REM_A)])
    pltpu.sync_copy(buf0.at[pl.ds(0, REM_A)],
                    out_hbm.at[pl.ds(base + cb, REM_A)])
    pltpu.sync_copy(ut_hbm.at[j, pl.ds(cb + REM_A, REM_T)], tbuf)
    pltpu.sync_copy(tbuf, out_hbm.at[pl.ds(base + cb + REM_A, REM_T)])


def _gmf_body(users_hbm, movies_hbm, ut_hbm, mt_hbm, wb_hbm, bb_hbm, out_hbm,
              uidx_v, midx_v, eidx_v, ucols_v, mrows_v, w_v, b_v, o_v,
              sem, esem):
    wid = lax.axis_index("s") * NC + lax.axis_index("c")
    base = wid * BPW

    pltpu.sync_copy(users_hbm.at[wid], uidx_v)
    pltpu.sync_copy(movies_hbm.at[wid], midx_v)
    pltpu.sync_copy(wb_hbm, w_v)
    pltpu.sync_copy(bb_hbm, b_v)

    mcopies = []
    for p in range(NP):
        mcopies.append(pltpu.async_copy(
            mt_hbm.at[midx_v.at[p]],
            mrows_v.at[pl.ds(p * IDX_CHUNK, IDX_CHUNK), :], sem))

    def build(s, carry):
        p = s // 8
        r = s % 8
        u16 = uidx_v[p, pl.ds(r * L, L)]
        for j in range(EMBED):
            eidx_v[j, p, pl.ds(r * L, L)] = u16 + (j * NUSERS)
        return carry
    lax.fori_loop(0, NP * 8, build, 0)

    def fire(t, carry):
        j = t // NP
        p = t % NP
        pltpu.async_copy(
            ut_hbm.at[eidx_v.at[j, p]],
            ucols_v.at[j, pl.ds(p * IDX_CHUNK, IDX_CHUNK)], esem)
        return carry
    lax.fori_loop(0, EMBED * NP, fire, 0)

    def drain(t, carry):
        j = t // NP
        p = t % NP
        pltpu.make_async_copy(
            ut_hbm.at[eidx_v.at[j, p]],
            ucols_v.at[j, pl.ds(p * IDX_CHUNK, IDX_CHUNK)], esem).wait()
        return carry
    lax.fori_loop(0, EMBED * NP, drain, 0)
    for cp in mcopies:
        cp.wait()

    lane = lax.iota(jnp.int32, L)
    bias = b_v[...]

    def chunk(c, carry):
        rows = lane + c * L
        acc = bias
        for j in range(EMBED):
            jv = jnp.full((L,), j, jnp.int32)
            uj = ucols_v[j, pl.ds(c * L, L)]
            mj = plsc.load_gather(mrows_v, [rows, jv])
            acc = acc + uj * mj * w_v[j]
        res = 4.0 / (1.0 + jnp.exp(-acc)) + 1.0
        plsc.store_scatter(o_v, [rows], res)
        return carry

    lax.fori_loop(0, NCH, chunk, 0)
    pltpu.sync_copy(o_v, out_hbm.at[pl.ds(base, BPW)])


def kernel(users, movies, user_table, movie_table, W, b):
    users3 = users.astype(jnp.int32).reshape(NW, NP, IDX_CHUNK)
    movies3 = movies.astype(jnp.int32).reshape(NW, NP, IDX_CHUNK)
    wb = jnp.broadcast_to(W.reshape(EMBED, 1), (EMBED, L)).astype(jnp.float32)
    bb = jnp.broadcast_to(b.reshape(1), (L,)).astype(jnp.float32)

    mesh = plsc.VectorSubcoreMesh(core_axis_name="c", subcore_axis_name="s",
                                  num_cores=NC, num_subcores=NS)

    detile = functools.partial(
        pl.kernel,
        out_type=jax.ShapeDtypeStruct((EMBED * NUSERS,), jnp.float32),
        mesh=mesh,
        scratch_types=(
            [pltpu.VMEM((AW,), jnp.float32)] * NBUF
            + [pltpu.VMEM((REM_T,), jnp.float32)]
            + [pltpu.SemaphoreType.DMA] * (2 * NBUF)
        ),
        compiler_params=pltpu.CompilerParams(needs_layout_passes=False,
                                             use_tc_tiling_on_sc=True),
    )(_detile_body)
    ut_flat = detile(user_table.T)

    run = functools.partial(
        pl.kernel,
        out_type=jax.ShapeDtypeStruct((BATCH,), jnp.float32),
        mesh=mesh,
        scratch_types=[
            pltpu.VMEM((NP, IDX_CHUNK), jnp.int32),
            pltpu.VMEM((NP, IDX_CHUNK), jnp.int32),
            pltpu.VMEM((EMBED, NP, IDX_CHUNK), jnp.int32),
            pltpu.VMEM((EMBED, BPW), jnp.float32),
            pltpu.VMEM((BPW, EMBED), jnp.float32),
            pltpu.VMEM((EMBED, L), jnp.float32),
            pltpu.VMEM((L,), jnp.float32),
            pltpu.VMEM((BPW,), jnp.float32),
            pltpu.SemaphoreType.DMA,
            pltpu.SemaphoreType.DMA,
        ],
        compiler_params=pltpu.CompilerParams(needs_layout_passes=False,
                                             use_tc_tiling_on_sc=False),
    )(_gmf_body)
    return run(users3, movies3, ut_flat, movie_table, wb, bb)

# --- scband reference (transcript-rebuilt; emitter-appended) ---
"""Pipeline reference for scband-gmf-38663295599226 (READ-ONLY COPY).

The authoritative reference and input builder live on the scoring server;
editing this copy changes nothing except your own understanding.
"""

import jax, jax.numpy as jnp
import numpy as np

NUM_USERS = 1000000
NUM_MOVIES = 100000
EMBED = 32
BATCH = 16384

def setup_inputs(seed: int = 0) -> dict:
    key = jax.random.key(seed)
    k1, k2, k3, k4, k5, k6 = jax.random.split(key, 6)
    users = jax.random.randint(k1, (BATCH,), 0, NUM_USERS, dtype=jnp.int64 if jax.config.jax_enable_x64 else jnp.int32)
    movies = jax.random.randint(k2, (BATCH,), 0, NUM_MOVIES, dtype=jnp.int64 if jax.config.jax_enable_x64 else jnp.int32)
    user_table = jax.random.normal(k3, (NUM_USERS, EMBED), dtype=jnp.float32)
    movie_table = jax.random.normal(k4, (NUM_MOVIES, EMBED), dtype=jnp.float32)
    # nn.Linear(embedding_size, 1): weight [1, EMBED], bias [1]
    lim = 1.0 / np.sqrt(EMBED)
    W = jax.random.uniform(k5, (1, EMBED), minval=-lim, maxval=lim, dtype=jnp.float32)
    b = jax.random.uniform(k6, (1,), minval=-lim, maxval=lim, dtype=jnp.float32)
    return {"users": users, "movies": movies, "user_table": user_table, "movie_table": movie_table, "W": W, "b": b}

def reference(users, movies, user_table, movie_table, W, b):
    users_embedding = jnp.take(user_table, users, axis=0)      # [B, E]
    movies_embedding = jnp.take(movie_table, movies, axis=0)   # [B, E]
    product = users_embedding * movies_embedding               # [B, E]
    logits = product @ W.T + b                                 # [B, 1]
    out = jax.nn.sigmoid(logits)
    return jnp.squeeze(out) * 4.0 + 1.0                        # [B]

if __name__ == "__main__":
    import jax
    _d = setup_inputs()
    print(jax.jit(kernel)(*tuple(_d.values())))

</pallas_src>

<mosaic_0001>
#map = affine_map<(d0, d1) -> (0, 0, 0)>
#map1 = affine_map<(d0, d1) -> (0)>
#map2 = affine_map<(d0, d1) -> (0, 0)>
module attributes {stable_mosaic.version = 14 : i64} {
  func.func @_gmf_body(%arg0: i32, %arg1: i32, %arg2: memref<32x4x128xi32, #tpu.memory_space<hbm>>, %arg3: memref<32x4x128xi32, #tpu.memory_space<hbm>>, %arg4: memref<32000000xf32, #tpu.memory_space<hbm>>, %arg5: memref<100000x32xf32, #tpu.memory_space<hbm>>, %arg6: memref<32x16xf32, #tpu.memory_space<hbm>>, %arg7: memref<16xf32, #tpu.memory_space<hbm>>, %arg8: memref<16384xf32, #tpu.memory_space<hbm>>, %arg9: memref<4x128xi32, #tpu.memory_space<vmem>>, %arg10: memref<4x128xi32, #tpu.memory_space<vmem>>, %arg11: memref<32x4x128xi32, #tpu.memory_space<vmem>>, %arg12: memref<32x512xf32, #tpu.memory_space<vmem>>, %arg13: memref<512x32xf32, #tpu.memory_space<vmem>>, %arg14: memref<32x16xf32, #tpu.memory_space<vmem>>, %arg15: memref<16xf32, #tpu.memory_space<vmem>>, %arg16: memref<512xf32, #tpu.memory_space<vmem>>, %arg17: memref<!tpu.dma_semaphore, #tpu.memory_space<semaphore_mem>>, %arg18: memref<!tpu.dma_semaphore, #tpu.memory_space<semaphore_mem>>) attributes {dimension_semantics = [#tpu.dimension_semantics<core_parallel>, #tpu.dimension_semantics<subcore_parallel>], iteration_bounds = array<i64: 2, 16>, scalar_prefetch = 0 : i64, scratch_operands = 10 : i64, tpu.core_type = #tpu.core_type<sc_vector_subcore>, window_params = [{transform_indices = #map}, {transform_indices = #map}, {transform_indices = #map1}, {transform_indices = #map2}, {transform_indices = #map2}, {transform_indices = #map1}, {transform_indices = #map1}]} {
    %mul3A = arith.constant 2 : i32
    %mul3A_0 = arith.muli %arg1, %mul3A : i32
    %add3A = arith.addi %mul3A_0, %arg0 : i32
    %mul3A_1 = arith.constant 512 : i32
    %mul3A_2 = arith.muli %add3A, %mul3A_1 : i32
    "tpu.region"() ({
      %run_scoped3A = tpu.sem_alloc : memref<!tpu.dma_semaphore, #tpu.memory_space<semaphore_mem>>
      %dma_start3A_105 = arith.constant 0 : i32
      %dma_start3A_106 = arith.constant 0 : i32
      %dma_start3A_107 = tpu.memref_slice %arg2[%add3A, %dma_start3A_105, %dma_start3A_106] : memref<32x4x128xi32, #tpu.memory_space<hbm>> -> memref<1x4x128xi32, #tpu.memory_space<hbm>>
      %dma_start3A_108 = tpu.memref_squeeze %dma_start3A_107 : memref<1x4x128xi32, #tpu.memory_space<hbm>> -> memref<4x128xi32, #tpu.memory_space<hbm>>
      %dma_start3A_109 = arith.constant 0 : i32
      %dma_start3A_110 = arith.constant 0 : i32
      %dma_start3A_111 = tpu.memref_slice %arg2[%add3A, %dma_start3A_109, %dma_start3A_110] : memref<32x4x128xi32, #tpu.memory_space<hbm>> -> memref<1x4x128xi32, #tpu.memory_space<hbm>>
      %dma_start3A_112 = tpu.memref_squeeze %dma_start3A_111 : memref<1x4x128xi32, #tpu.memory_space<hbm>> -> memref<4x128xi32, #tpu.memory_space<hbm>>
      tpu.enqueue_dma source(%dma_start3A_112 : memref<4x128xi32, #tpu.memory_space<hbm>>) target(%arg9 : memref<4x128xi32, #tpu.memory_space<vmem>>) target_semaphore(%run_scoped3A : memref<!tpu.dma_semaphore, #tpu.memory_space<semaphore_mem>>)
      %dma_wait3A_113 = arith.constant 0 : i32
      %dma_wait3A_114 = arith.constant 0 : i32
      %dma_wait3A_115 = tpu.memref_slice %arg2[%add3A, %dma_wait3A_113, %dma_wait3A_114] : memref<32x4x128xi32, #tpu.memory_space<hbm>> -> memref<1x4x128xi32, #tpu.memory_space<hbm>>
      %dma_wait3A_116 = tpu.memref_squeeze %dma_wait3A_115 : memref<1x4x128xi32, #tpu.memory_space<hbm>> -> memref<4x128xi32, #tpu.memory_space<hbm>>
      %dma_wait3A_117 = arith.constant 0 : i32
      %dma_wait3A_118 = arith.constant 0 : i32
      %dma_wait3A_119 = tpu.memref_slice %arg2[%add3A, %dma_wait3A_117, %dma_wait3A_118] : memref<32x4x128xi32, #tpu.memory_space<hbm>> -> memref<1x4x128xi32, #tpu.memory_space<hbm>>
      %dma_wait3A_120 = tpu.memref_squeeze %dma_wait3A_119 : memref<1x4x128xi32, #tpu.memory_space<hbm>> -> memref<4x128xi32, #tpu.memory_space<hbm>>
      tpu.wait_dma2 semaphore(%run_scoped3A : memref<!tpu.dma_semaphore, #tpu.memory_space<semaphore_mem>>) src(%dma_wait3A_120 : memref<4x128xi32, #tpu.memory_space<hbm>>) dst(%arg9 : memref<4x128xi32, #tpu.memory_space<vmem>>)
      tpu.yield
    }) : () -> ()
    "tpu.region"() ({
      %run_scoped3A = tpu.sem_alloc : memref<!tpu.dma_semaphore, #tpu.memory_space<semaphore_mem>>
      %dma_start3A_105 = arith.constant 0 : i32
      %dma_start3A_106 = arith.constant 0 : i32
      %dma_start3A_107 = tpu.memref_slice %arg3[%add3A, %dma_start3A_105, %dma_start3A_106] : memref<32x4x128xi32, #tpu.memory_space<hbm>> -> memref<1x4x128xi32, #tpu.memory_space<hbm>>
      %dma_start3A_108 = tpu.memref_squeeze %dma_start3A_107 : memref<1x4x128xi32, #tpu.memory_space<hbm>> -> memref<4x128xi32, #tpu.memory_space<hbm>>
      %dma_start3A_109 = arith.constant 0 : i32
      %dma_start3A_110 = arith.constant 0 : i32
      %dma_start3A_111 = tpu.memref_slice %arg3[%add3A, %dma_start3A_109, %dma_start3A_110] : memref<32x4x128xi32, #tpu.memory_space<hbm>> -> memref<1x4x128xi32, #tpu.memory_space<hbm>>
      %dma_start3A_112 = tpu.memref_squeeze %dma_start3A_111 : memref<1x4x128xi32, #tpu.memory_space<hbm>> -> memref<4x128xi32, #tpu.memory_space<hbm>>
      tpu.enqueue_dma source(%dma_start3A_112 : memref<4x128xi32, #tpu.memory_space<hbm>>) target(%arg10 : memref<4x128xi32, #tpu.memory_space<vmem>>) target_semaphore(%run_scoped3A : memref<!tpu.dma_semaphore, #tpu.memory_space<semaphore_mem>>)
      %dma_wait3A_113 = arith.constant 0 : i32
      %dma_wait3A_114 = arith.constant 0 : i32
      %dma_wait3A_115 = tpu.memref_slice %arg3[%add3A, %dma_wait3A_113, %dma_wait3A_114] : memref<32x4x128xi32, #tpu.memory_space<hbm>> -> memref<1x4x128xi32, #tpu.memory_space<hbm>>
      %dma_wait3A_116 = tpu.memref_squeeze %dma_wait3A_115 : memref<1x4x128xi32, #tpu.memory_space<hbm>> -> memref<4x128xi32, #tpu.memory_space<hbm>>
      %dma_wait3A_117 = arith.constant 0 : i32
      %dma_wait3A_118 = arith.constant 0 : i32
      %dma_wait3A_119 = tpu.memref_slice %arg3[%add3A, %dma_wait3A_117, %dma_wait3A_118] : memref<32x4x128xi32, #tpu.memory_space<hbm>> -> memref<1x4x128xi32, #tpu.memory_space<hbm>>
      %dma_wait3A_120 = tpu.memref_squeeze %dma_wait3A_119 : memref<1x4x128xi32, #tpu.memory_space<hbm>> -> memref<4x128xi32, #tpu.memory_space<hbm>>
      tpu.wait_dma2 semaphore(%run_scoped3A : memref<!tpu.dma_semaphore, #tpu.memory_space<semaphore_mem>>) src(%dma_wait3A_120 : memref<4x128xi32, #tpu.memory_space<hbm>>) dst(%arg10 : memref<4x128xi32, #tpu.memory_space<vmem>>)
      tpu.yield
    }) : () -> ()
    "tpu.region"() ({
      %run_scoped3A = tpu.sem_alloc : memref<!tpu.dma_semaphore, #tpu.memory_space<semaphore_mem>>
      tpu.enqueue_dma source(%arg6 : memref<32x16xf32, #tpu.memory_space<hbm>>) target(%arg14 : memref<32x16xf32, #tpu.memory_space<vmem>>) target_semaphore(%run_scoped3A : memref<!tpu.dma_semaphore, #tpu.memory_space<semaphore_mem>>)
      tpu.wait_dma2 semaphore(%run_scoped3A : memref<!tpu.dma_semaphore, #tpu.memory_space<semaphore_mem>>) src(%arg6 : memref<32x16xf32, #tpu.memory_space<hbm>>) dst(%arg14 : memref<32x16xf32, #tpu.memory_space<vmem>>)
      tpu.yield
    }) : () -> ()
    "tpu.region"() ({
      %run_scoped3A = tpu.sem_alloc : memref<!tpu.dma_semaphore, #tpu.memory_space<semaphore_mem>>
      tpu.enqueue_dma source(%arg7 : memref<16xf32, #tpu.memory_space<hbm>>) target(%arg15 : memref<16xf32, #tpu.memory_space<vmem>>) target_semaphore(%run_scoped3A : memref<!tpu.dma_semaphore, #tpu.memory_space<semaphore_mem>>)
      tpu.wait_dma2 semaphore(%run_scoped3A : memref<!tpu.dma_semaphore, #tpu.memory_space<semaphore_mem>>) src(%arg7 : memref<16xf32, #tpu.memory_space<hbm>>) dst(%arg15 : memref<16xf32, #tpu.memory_space<vmem>>)
      tpu.yield
    }) : () -> ()
    %dma_start3A = arith.constant 0 : i32
    %dma_start3A_3 = arith.constant 0 : i32
    %dma_start3A_4 = arith.constant 0 : i32
    %dma_start3A_5 = tpu.memref_slice %arg13[%dma_start3A_3, %dma_start3A_4] : memref<512x32xf32, #tpu.memory_space<vmem>> -> memref<128x32xf32, #tpu.memory_space<vmem>>
    %dma_start3A_6 = arith.constant 0 : i32
    %dma_start3A_7 = tpu.memref_slice %arg10[%dma_start3A, %dma_start3A_6] : memref<4x128xi32, #tpu.memory_space<vmem>> -> memref<1x128xi32, #tpu.memory_space<vmem>>
    %dma_start3A_8 = tpu.memref_squeeze %dma_start3A_7 : memref<1x128xi32, #tpu.memory_space<vmem>> -> memref<128xi32, #tpu.memory_space<vmem>>
    %dma_start3A_9 = arith.constant 0 : i32
    %dma_start3A_10 = arith.constant 0 : i32
    %dma_start3A_11 = tpu.memref_slice %arg5[%dma_start3A_9, %dma_start3A_10] : memref<100000x32xf32, #tpu.memory_space<hbm>> -> memref<100000x32xf32, #tpu.memory_space<hbm>>
    tpu.enqueue_indirect_dma source(%dma_start3A_11 : memref<100000x32xf32, #tpu.memory_space<hbm>>) target(%dma_start3A_5 : memref<128x32xf32, #tpu.memory_space<vmem>>) offsets(%dma_start3A_8 : memref<128xi32, #tpu.memory_space<vmem>>) semaphore(%arg17 : memref<!tpu.dma_semaphore, #tpu.memory_space<semaphore_mem>>)
    %dma_start3A_12 = arith.constant 1 : i32
    %dma_start3A_13 = arith.constant 128 : i32
    %dma_start3A_14 = arith.constant 0 : i32
    %dma_start3A_15 = tpu.memref_slice %arg13[%dma_start3A_13, %dma_start3A_14] : memref<512x32xf32, #tpu.memory_space<vmem>> -> memref<128x32xf32, #tpu.memory_space<vmem>>
    %dma_start3A_16 = arith.constant 0 : i32
    %dma_start3A_17 = tpu.memref_slice %arg10[%dma_start3A_12, %dma_start3A_16] : memref<4x128xi32, #tpu.memory_space<vmem>> -> memref<1x128xi32, #tpu.memory_space<vmem>>
    %dma_start3A_18 = tpu.memref_squeeze %dma_start3A_17 : memref<1x128xi32, #tpu.memory_space<vmem>> -> memref<128xi32, #tpu.memory_space<vmem>>
    %dma_start3A_19 = arith.constant 0 : i32
    %dma_start3A_20 = arith.constant 0 : i32
    %dma_start3A_21 = tpu.memref_slice %arg5[%dma_start3A_19, %dma_start3A_20] : memref<100000x32xf32, #tpu.memory_space<hbm>> -> memref<100000x32xf32, #tpu.memory_space<hbm>>
    tpu.enqueue_indirect_dma source(%dma_start3A_21 : memref<100000x32xf32, #tpu.memory_space<hbm>>) target(%dma_start3A_15 : memref<128x32xf32, #tpu.memory_space<vmem>>) offsets(%dma_start3A_18 : memref<128xi32, #tpu.memory_space<vmem>>) semaphore(%arg17 : memref<!tpu.dma_semaphore, #tpu.memory_space<semaphore_mem>>)
    %dma_start3A_22 = arith.constant 2 : i32
    %dma_start3A_23 = arith.constant 256 : i32
    %dma_start3A_24 = arith.constant 0 : i32
    %dma_start3A_25 = tpu.memref_slice %arg13[%dma_start3A_23, %dma_start3A_24] : memref<512x32xf32, #tpu.memory_space<vmem>> -> memref<128x32xf32, #tpu.memory_space<vmem>>
    %dma_start3A_26 = arith.constant 0 : i32
    %dma_start3A_27 = tpu.memref_slice %arg10[%dma_start3A_22, %dma_start3A_26] : memref<4x128xi32, #tpu.memory_space<vmem>> -> memref<1x128xi32, #tpu.memory_space<vmem>>
    %dma_start3A_28 = tpu.memref_squeeze %dma_start3A_27 : memref<1x128xi32, #tpu.memory_space<vmem>> -> memref<128xi32, #tpu.memory_space<vmem>>
    %dma_start3A_29 = arith.constant 0 : i32
    %dma_start3A_30 = arith.constant 0 : i32
    %dma_start3A_31 = tpu.memref_slice %arg5[%dma_start3A_29, %dma_start3A_30] : memref<100000x32xf32, #tpu.memory_space<hbm>> -> memref<100000x32xf32, #tpu.memory_space<hbm>>
    tpu.enqueue_indirect_dma source(%dma_start3A_31 : memref<100000x32xf32, #tpu.memory_space<hbm>>) target(%dma_start3A_25 : memref<128x32xf32, #tpu.memory_space<vmem>>) offsets(%dma_start3A_28 : memref<128xi32, #tpu.memory_space<vmem>>) semaphore(%arg17 : memref<!tpu.dma_semaphore, #tpu.memory_space<semaphore_mem>>)
    %dma_start3A_32 = arith.constant 3 : i32
    %dma_start3A_33 = arith.constant 384 : i32
    %dma_start3A_34 = arith.constant 0 : i32
    %dma_start3A_35 = tpu.memref_slice %arg13[%dma_start3A_33, %dma_start3A_34] : memref<512x32xf32, #tpu.memory_space<vmem>> -> memref<128x32xf32, #tpu.memory_space<vmem>>
    %dma_start3A_36 = arith.constant 0 : i32
    %dma_start3A_37 = tpu.memref_slice %arg10[%dma_start3A_32, %dma_start3A_36] : memref<4x128xi32, #tpu.memory_space<vmem>> -> memref<1x128xi32, #tpu.memory_space<vmem>>
    %dma_start3A_38 = tpu.memref_squeeze %dma_start3A_37 : memref<1x128xi32, #tpu.memory_space<vmem>> -> memref<128xi32, #tpu.memory_space<vmem>>
    %dma_start3A_39 = arith.constant 0 : i32
    %dma_start3A_40 = arith.constant 0 : i32
    %dma_start3A_41 = tpu.memref_slice %arg5[%dma_start3A_39, %dma_start3A_40] : memref<100000x32xf32, #tpu.memory_space<hbm>> -> memref<100000x32xf32, #tpu.memory_space<hbm>>
    tpu.enqueue_indirect_dma source(%dma_start3A_41 : memref<100000x32xf32, #tpu.memory_space<hbm>>) target(%dma_start3A_35 : memref<128x32xf32, #tpu.memory_space<vmem>>) offsets(%dma_start3A_38 : memref<128xi32, #tpu.memory_space<vmem>>) semaphore(%arg17 : memref<!tpu.dma_semaphore, #tpu.memory_space<semaphore_mem>>)
    %scan3A = arith.constant 0 : i32
    %scan3A_42 = arith.constant 0 : i32
    %scan3A_43 = arith.constant 32 : i32
    %scan3A_44 = arith.addi %scan3A_42, %scan3A_43 : i32
    %scan3A_45 = arith.constant 1 : i32
    scf.for %scan3A_105 = %scan3A_42 to %scan3A_44 step %scan3A_45  : i32 {
      %jit3A = arith.constant 8 : i32
      %div3A = arith.divsi %scan3A_105, %jit3A : i32
      %sign3A = arith.constant 0 : i32
      %sign3A_106 = arith.cmpi sgt, %scan3A_105, %sign3A : i32
      %sign3A_107 = arith.extui %sign3A_106 : i1 to i32
      %sign3A_108 = arith.constant 0 : i32
      %sign3A_109 = arith.cmpi slt, %scan3A_105, %sign3A_108 : i32
      %sign3A_110 = arith.extui %sign3A_109 : i1 to i32
      %sign3A_111 = arith.subi %sign3A_107, %sign3A_110 : i32
      %sign3A_112 = arith.constant 0 : i32
      %sign3A_113 = arith.cmpi sgt, %jit3A, %sign3A_112 : i32
      %sign3A_114 = arith.extui %sign3A_113 : i1 to i32
      %sign3A_115 = arith.constant 0 : i32
      %sign3A_116 = arith.cmpi slt, %jit3A, %sign3A_115 : i32
      %sign3A_117 = arith.extui %sign3A_116 : i1 to i32
      %sign3A_118 = arith.subi %sign3A_114, %sign3A_117 : i32
      %ne3A = arith.cmpi ne, %sign3A_111, %sign3A_118 : i32
      %rem3A = arith.remsi %scan3A_105, %jit3A : i32
      %ne3A_119 = arith.constant 0 : i32
      %ne3A_120 = arith.cmpi ne, %rem3A, %ne3A_119 : i32
      %and3A = arith.andi %ne3A, %ne3A_120 : i1
      %sub3A = arith.constant 1 : i32
      %sub3A_121 = arith.subi %div3A, %sub3A : i32
      %select_n3A = arith.select %and3A, %sub3A_121, %div3A : i32
      %jit3A_122 = arith.constant 8 : i32
      %eq3A = arith.constant 0 : i32
      %eq3A_123 = arith.cmpi eq, %jit3A_122, %eq3A : i32
      %jit3A_124 = arith.constant 1 : i32
      %select_n3A_125 = arith.select %eq3A_123, %jit3A_124, %jit3A_122 : i32
      %rem3A_126 = arith.remsi %scan3A_105, %select_n3A_125 : i32
      %ne3A_127 = arith.constant 0 : i32
      %ne3A_128 = arith.cmpi ne, %rem3A_126, %ne3A_127 : i32
      %lt3A = arith.constant 0 : i32
      %lt3A_129 = arith.cmpi slt, %rem3A_126, %lt3A : i32
      %lt3A_130 = arith.constant 0 : i32
      %lt3A_131 = arith.cmpi slt, %select_n3A_125, %lt3A_130 : i32
      %ne3A_132 = arith.xori %lt3A_129, %lt3A_131 : i1
      %and3A_133 = arith.andi %ne3A_132, %ne3A_128 : i1
      %add3A_134 = arith.addi %rem3A_126, %select_n3A_125 : i32
      %select_n3A_135 = arith.select %and3A_133, %add3A_134, %rem3A_126 : i32
      %mul3A_136 = arith.constant 16 : i32
      %mul3A_137 = arith.muli %select_n3A_135, %mul3A_136 : i32
      %get3A_138 = arith.index_cast %select_n3A : i32 to index
      %get3A_139 = arith.index_cast %mul3A_137 : i32 to index
      %get3A_140 = tpu.vector_load %arg9[%get3A_138, %get3A_139] {strides = array<i32>} : memref<4x128xi32, #tpu.memory_space<vmem>>, vector<16xi32>,
      %add3A_141 = arith.constant 0 : i32
      %add3A_142 = vector.broadcast %add3A_141 : i32 to vector<16xi32>
      %add3A_143 = arith.addi %get3A_140, %add3A_142 : vector<16xi32>
      %mul3A_144 = arith.constant 16 : i32
      %mul3A_145 = arith.muli %select_n3A_135, %mul3A_144 : i32
      %swap3A = arith.constant 0 : i32
      %swap3A_146 = arith.index_cast %swap3A : i32 to index
      %swap3A_147 = arith.index_cast %select_n3A : i32 to index
      %swap3A_148 = arith.index_cast %mul3A_145 : i32 to index
      %swap3A_149 = tpu.vector_load %arg11[%swap3A_146, %swap3A_147, %swap3A_148] {strides = array<i32>} : memref<32x4x128xi32, #tpu.memory_space<vmem>>, vector<16xi32>,
      tpu.vector_store %arg11[%swap3A_146, %swap3A_147, %swap3A_148], %add3A_143 {strides = array<i32>} : memref<32x4x128xi32, #tpu.memory_space<vmem>>, vector<16xi32>,
      %add3A_150 = arith.constant 1000000 : i32
      %add3A_151 = vector.broadcast %add3A_150 : i32 to vector<16xi32>
      %add3A_152 = arith.addi %get3A_140, %add3A_151 : vector<16xi32>
      %mul3A_153 = arith.constant 16 : i32
      %mul3A_154 = arith.muli %select_n3A_135, %mul3A_153 : i32
      %swap3A_155 = arith.constant 1 : i32
      %swap3A_156 = arith.index_cast %swap3A_155 : i32 to index
      %swap3A_157 = arith.index_cast %select_n3A : i32 to index
      %swap3A_158 = arith.index_cast %mul3A_154 : i32 to index
      %swap3A_159 = tpu.vector_load %arg11[%swap3A_156, %swap3A_157, %swap3A_158] {strides = array<i32>} : memref<32x4x128xi32, #tpu.memory_space<vmem>>, vector<16xi32>,
      tpu.vector_store %arg11[%swap3A_156, %swap3A_157, %swap3A_158], %add3A_152 {strides = array<i32>} : memref<32x4x128xi32, #tpu.memory_space<vmem>>, vector<16xi32>,
      %add3A_160 = arith.constant 2000000 : i32
      %add3A_161 = vector.broadcast %add3A_160 : i32 to vector<16xi32>
      %add3A_162 = arith.addi %get3A_140, %add3A_161 : vector<16xi32>
      %mul3A_163 = arith.constant 16 : i32
      %mul3A_164 = arith.muli %select_n3A_135, %mul3A_163 : i32
      %swap3A_165 = arith.constant 2 : i32
      %swap3A_166 = arith.index_cast %swap3A_165 : i32 to index
      %swap3A_167 = arith.index_cast %select_n3A : i32 to index
      %swap3A_168 = arith.index_cast %mul3A_164 : i32 to index
      %swap3A_169 = tpu.vector_load %arg11[%swap3A_166, %swap3A_167, %swap3A_168] {strides = array<i32>} : memref<32x4x128xi32, #tpu.memory_space<vmem>>, vector<16xi32>,
      tpu.vector_store %arg11[%swap3A_166, %swap3A_167, %swap3A_168], %add3A_162 {strides = array<i32>} : memref<32x4x128xi32, #tpu.memory_space<vmem>>, vector<16xi32>,
      %add3A_170 = arith.constant 3000000 : i32
      %add3A_171 = vector.broadcast %add3A_170 : i32 to vector<16xi32>
      %add3A_172 = arith.addi %get3A_140, %add3A_171 : vector<16xi32>
      %mul3A_173 = arith.constant 16 : i32
      %mul3A_174 = arith.muli %select_n3A_135, %mul3A_173 : i32
      %swap3A_175 = arith.constant 3 : i32
      %swap3A_176 = arith.index_cast %swap3A_175 : i32 to index
      %swap3A_177 = arith.index_cast %select_n3A : i32 to index
      %swap3A_178 = arith.index_cast %mul3A_174 : i32 to index
      %swap3A_179 = tpu.vector_load %arg11[%swap3A_176, %swap3A_177, %swap3A_178] {strides = array<i32>} : memref<32x4x128xi32, #tpu.memory_space<vmem>>, vector<16xi32>,
      tpu.vector_store %arg11[%swap3A_176, %swap3A_177, %swap3A_178], %add3A_172 {strides = array<i32>} : memref<32x4x128xi32, #tpu.memory_space<vmem>>, vector<16xi32>,
      %add3A_180 = arith.constant 4000000 : i32
      %add3A_181 = vector.broadcast %add3A_180 : i32 to vector<16xi32>
      %add3A_182 = arith.addi %get3A_140, %add3A_181 : vector<16xi32>
      %mul3A_183 = arith.constant 16 : i32
      %mul3A_184 = arith.muli %select_n3A_135, %mul3A_183 : i32
      %swap3A_185 = arith.constant 4 : i32
      %swap3A_186 = arith.index_cast %swap3A_185 : i32 to index
      %swap3A_187 = arith.index_cast %select_n3A : i32 to index
      %swap3A_188 = arith.index_cast %mul3A_184 : i32 to index
      %swap3A_189 = tpu.vector_load %arg11[%swap3A_186, %swap3A_187, %swap3A_188] {strides = array<i32>} : memref<32x4x128xi32, #tpu.memory_space<vmem>>, vector<16xi32>,
      tpu.vector_store %arg11[%swap3A_186, %swap3A_187, %swap3A_188], %add3A_182 {strides = array<i32>} : memref<32x4x128xi32, #tpu.memory_space<vmem>>, vector<16xi32>,
      %add3A_190 = arith.constant 5000000 : i32
      %add3A_191 = vector.broadcast %add3A_190 : i32 to vector<16xi32>
      %add3A_192 = arith.addi %get3A_140, %add3A_191 : vector<16xi32>
      %mul3A_193 = arith.constant 16 : i32
      %mul3A_194 = arith.muli %select_n3A_135, %mul3A_193 : i32
      %swap3A_195 = arith.constant 5 : i32
      %swap3A_196 = arith.index_cast %swap3A_195 : i32 to index
      %swap3A_197 = arith.index_cast %select_n3A : i32 to index
      %swap3A_198 = arith.index_cast %mul3A_194 : i32 to index
      %swap3A_199 = tpu.vector_load %arg11[%swap3A_196, %swap3A_197, %swap3A_198] {strides = array<i32>} : memref<32x4x128xi32, #tpu.memory_space<vmem>>, vector<16xi32>,
      tpu.vector_store %arg11[%swap3A_196, %swap3A_197, %swap3A_198], %add3A_192 {strides = array<i32>} : memref<32x4x128xi32, #tpu.memory_space<vmem>>, vector<16xi32>,
      %add3A_200 = arith.constant 6000000 : i32
      %add3A_201 = vector.broadcast %add3A_200 : i32 to vector<16xi32>
      %add3A_202 = arith.addi %get3A_140, %add3A_201 : vector<16xi32>
      %mul3A_203 = arith.constant 16 : i32
      %mul3A_204 = arith.muli %select_n3A_135, %mul3A_203 : i32
      %swap3A_205 = arith.constant 6 : i32
      %swap3A_206 = arith.index_cast %swap3A_205 : i32 to index
      %swap3A_207 = arith.index_cast %select_n3A : i32 to index
      %swap3A_208 = arith.index_cast %mul3A_204 : i32 to index
      %swap3A_209 = tpu.vector_load %arg11[%swap3A_206, %swap3A_207, %swap3A_208] {strides = array<i32>} : memref<32x4x128xi32, #tpu.memory_space<vmem>>, vector<16xi32>,
      tpu.vector_store %arg11[%swap3A_206, %swap3A_207, %swap3A_208], %add3A_202 {strides = array<i32>} : memref<32x4x128xi32, #tpu.memory_space<vmem>>, vector<16xi32>,
      %add3A_210 = arith.constant 7000000 : i32
      %add3A_211 = vector.broadcast %add3A_210 : i32 to vector<16xi32>
      %add3A_212 = arith.addi %get3A_140, %add3A_211 : vector<16xi32>
      %mul3A_213 = arith.constant 16 : i32
      %mul3A_214 = arith.muli %select_n3A_135, %mul3A_213 : i32
      %swap3A_215 = arith.constant 7 : i32
      %swap3A_216 = arith.index_cast %swap3A_215 : i32 to index
      %swap3A_217 = arith.index_cast %select_n3A : i32 to index
      %swap3A_218 = arith.index_cast %mul3A_214 : i32 to index
      %swap3A_219 = tpu.vector_load %arg11[%swap3A_216, %swap3A_217, %swap3A_218] {strides = array<i32>} : memref<32x4x128xi32, #tpu.memory_space<vmem>>, vector<16xi32>,
      tpu.vector_store %arg11[%swap3A_216, %swap3A_217, %swap3A_218], %add3A_212 {strides = array<i32>} : memref<32x4x128xi32, #tpu.memory_space<vmem>>, vector<16xi32>,
      %add3A_220 = arith.constant 8000000 : i32
      %add3A_221 = vector.broadcast %add3A_220 : i32 to vector<16xi32>
      %add3A_222 = arith.addi %get3A_140, %add3A_221 : vector<16xi32>
      %mul3A_223 = arith.constant 16 : i32
      %mul3A_224 = arith.muli %select_n3A_135, %mul3A_223 : i32
      %swap3A_225 = arith.constant 8 : i32
      %swap3A_226 = arith.index_cast %swap3A_225 : i32 to index
      %swap3A_227 = arith.index_cast %select_n3A : i32 to index
      %swap3A_228 = arith.index_cast %mul3A_224 : i32 to index
      %swap3A_229 = tpu.vector_load %arg11[%swap3A_226, %swap3A_227, %swap3A_228] {strides = array<i32>} : memref<32x4x128xi32, #tpu.memory_space<vmem>>, vector<16xi32>,
      tpu.vector_store %arg11[%swap3A_226, %swap3A_227, %swap3A_228], %add3A_222 {strides = array<i32>} : memref<32x4x128xi32, #tpu.memory_space<vmem>>, vector<16xi32>,
      %add3A_230 = arith.constant 9000000 : i32
      %add3A_231 = vector.broadcast %add3A_230 : i32 to vector<16xi32>
      %add3A_232 = arith.addi %get3A_140, %add3A_231 : vector<16xi32>
      %mul3A_233 = arith.constant 16 : i32
      %mul3A_234 = arith.muli %select_n3A_135, %mul3A_233 : i32
      %swap3A_235 = arith.constant 9 : i32
      %swap3A_236 = arith.index_cast %swap3A_235 : i32 to index
      %swap3A_237 = arith.index_cast %select_n3A : i32 to index
      %swap3A_238 = arith.index_cast %mul3A_234 : i32 to index
      %swap3A_239 = tpu.vector_load %arg11[%swap3A_236, %swap3A_237, %swap3A_238] {strides = array<i32>} : memref<32x4x128xi32, #tpu.memory_space<vmem>>, vector<16xi32>,
      tpu.vector_store %arg11[%swap3A_236, %swap3A_237, %swap3A_238], %add3A_232 {strides = array<i32>} : memref<32x4x128xi32, #tpu.memory_space<vmem>>, vector<16xi32>,
      %add3A_240 = arith.constant 10000000 : i32
      %add3A_241 = vector.broadcast %add3A_240 : i32 to vector<16xi32>
      %add3A_242 = arith.addi %get3A_140, %add3A_241 : vector<16xi32>
      %mul3A_243 = arith.constant 16 : i32
      %mul3A_244 = arith.muli %select_n3A_135, %mul3A_243 : i32
      %swap3A_245 = arith.constant 10 : i32
      %swap3A_246 = arith.index_cast %swap3A_245 : i32 to index
      %swap3A_247 = arith.index_cast %select_n3A : i32 to index
      %swap3A_248 = arith.index_cast %mul3A_244 : i32 to index
      %swap3A_249 = tpu.vector_load %arg11[%swap3A_246, %swap3A_247, %swap3A_248] {strides = array<i32>} : memref<32x4x128xi32, #tpu.memory_space<vmem>>, vector<16xi32>,
      tpu.vector_store %arg11[%swap3A_246, %swap3A_247, %swap3A_248], %add3A_242 {strides = array<i32>} : memref<32x4x128xi32, #tpu.memory_space<vmem>>, vector<16xi32>,
      %add3A_250 = arith.constant 11000000 : i32
      %add3A_251 = vector.broadcast %add3A_250 : i32 to vector<16xi32>
      %add3A_252 = arith.addi %get3A_140, %add3A_251 : vector<16xi32>
      %mul3A_253 = arith.constant 16 : i32
      %mul3A_254 = arith.muli %select_n3A_135, %mul3A_253 : i32
      %swap3A_255 = arith.constant 11 : i32
      %swap3A_256 = arith.index_cast %swap3A_255 : i32 to index
      %swap3A_257 = arith.index_cast %select_n3A : i32 to index
      %swap3A_258 = arith.index_cast %mul3A_254 : i32 to index
      %swap3A_259 = tpu.vector_load %arg11[%swap3A_256, %swap3A_257, %swap3A_258] {strides = array<i32>} : memref<32x4x128xi32, #tpu.memory_space<vmem>>, vector<16xi32>,
      tpu.vector_store %arg11[%swap3A_256, %swap3A_257, %swap3A_258], %add3A_252 {strides = array<i32>} : memref<32x4x128xi32, #tpu.memory_space<vmem>>, vector<16xi32>,
      %add3A_260 = arith.constant 12000000 : i32
      %add3A_261 = vector.broadcast %add3A_260 : i32 to vector<16xi32>
      %add3A_262 = arith.addi %get3A_140, %add3A_261 : vector<16xi32>
      %mul3A_263 = arith.constant 16 : i32
      %mul3A_264 = arith.muli %select_n3A_135, %mul3A_263 : i32
      %swap3A_265 = arith.constant 12 : i32
      %swap3A_266 = arith.index_cast %swap3A_265 : i32 to index
      %swap3A_267 = arith.index_cast %select_n3A : i32 to index
      %swap3A_268 = arith.index_cast %mul3A_264 : i32 to index
      %swap3A_269 = tpu.vector_load %arg11[%swap3A_266, %swap3A_267, %swap3A_268] {strides = array<i32>} : memref<32x4x128xi32, #tpu.memory_space<vmem>>, vector<16xi32>,
      tpu.vector_store %arg11[%swap3A_266, %swap3A_267, %swap3A_268], %add3A_262 {strides = array<i32>} : memref<32x4x128xi32, #tpu.memory_space<vmem>>, vector<16xi32>,
      %add3A_270 = arith.constant 13000000 : i32
      %add3A_271 = vector.broadcast %add3A_270 : i32 to vector<16xi32>
      %add3A_272 = arith.addi %get3A_140, %add3A_271 : vector<16xi32>
      %mul3A_273 = arith.constant 16 : i32
      %mul3A_274 = arith.muli %select_n3A_135, %mul3A_273 : i32
      %swap3A_275 = arith.constant 13 : i32
      %swap3A_276 = arith.index_cast %swap3A_275 : i32 to index
      %swap3A_277 = arith.index_cast %select_n3A : i32 to index
      %swap3A_278 = arith.index_cast %mul3A_274 : i32 to index
      %swap3A_279 = tpu.vector_load %arg11[%swap3A_276, %swap3A_277, %swap3A_278] {strides = array<i32>} : memref<32x4x128xi32, #tpu.memory_space<vmem>>, vector<16xi32>,
      tpu.vector_store %arg11[%swap3A_276, %swap3A_277, %swap3A_278], %add3A_272 {strides = array<i32>} : memref<32x4x128xi32, #tpu.memory_space<vmem>>, vector<16xi32>,
      %add3A_280 = arith.constant 14000000 : i32
      %add3A_281 = vector.broadcast %add3A_280 : i32 to vector<16xi32>
      %add3A_282 = arith.addi %get3A_140, %add3A_281 : vector<16xi32>
      %mul3A_283 = arith.constant 16 : i32
      %mul3A_284 = arith.muli %select_n3A_135, %mul3A_283 : i32
      %swap3A_285 = arith.constant 14 : i32
      %swap3A_286 = arith.index_cast %swap3A_285 : i32 to index
      %swap3A_287 = arith.index_cast %select_n3A : i32 to index
      %swap3A_288 = arith.index_cast %mul3A_284 : i32 to index
      %swap3A_289 = tpu.vector_load %arg11[%swap3A_286, %swap3A_287, %swap3A_288] {strides = array<i32>} : memref<32x4x128xi32, #tpu.memory_space<vmem>>, vector<16xi32>,
      tpu.vector_store %arg11[%swap3A_286, %swap3A_287, %swap3A_288], %add3A_282 {strides = array<i32>} : memref<32x4x128xi32, #tpu.memory_space<vmem>>, vector<16xi32>,
      %add3A_290 = arith.constant 15000000 : i32
      %add3A_291 = vector.broadcast %add3A_290 : i32 to vector<16xi32>
      %add3A_292 = arith.addi %get3A_140, %add3A_291 : vector<16xi32>
      %mul3A_293 = arith.constant 16 : i32
      %mul3A_294 = arith.muli %select_n3A_135, %mul3A_293 : i32
      %swap3A_295 = arith.constant 15 : i32
      %swap3A_296 = arith.index_cast %swap3A_295 : i32 to index
      %swap3A_297 = arith.index_cast %select_n3A : i32 to index
      %swap3A_298 = arith.index_cast %mul3A_294 : i32 to index
      %swap3A_299 = tpu.vector_load %arg11[%swap3A_296, %swap3A_297, %swap3A_298] {strides = array<i32>} : memref<32x4x128xi32, #tpu.memory_space<vmem>>, vector<16xi32>,
      tpu.vector_store %arg11[%swap3A_296, %swap3A_297, %swap3A_298], %add3A_292 {strides = array<i32>} : memref<32x4x128xi32, #tpu.memory_space<vmem>>, vector<16xi32>,
      %add3A_300 = arith.constant 16000000 : i32
      %add3A_301 = vector.broadcast %add3A_300 : i32 to vector<16xi32>
      %add3A_302 = arith.addi %get3A_140, %add3A_301 : vector<16xi32>
      %mul3A_303 = arith.constant 16 : i32
      %mul3A_304 = arith.muli %select_n3A_135, %mul3A_303 : i32
      %swap3A_305 = arith.constant 16 : i32
      %swap3A_306 = arith.index_cast %swap3A_305 : i32 to index
      %swap3A_307 = arith.index_cast %select_n3A : i32 to index
      %swap3A_308 = arith.index_cast %mul3A_304 : i32 to index
      %swap3A_309 = tpu.vector_load %arg11[%swap3A_306, %swap3A_307, %swap3A_308] {strides = array<i32>} : memref<32x4x128xi32, #tpu.memory_space<vmem>>, vector<16xi32>,
      tpu.vector_store %arg11[%swap3A_306, %swap3A_307, %swap3A_308], %add3A_302 {strides = array<i32>} : memref<32x4x128xi32, #tpu.memory_space<vmem>>, vector<16xi32>,
      %add3A_310 = arith.constant 17000000 : i32
      %add3A_311 = vector.broadcast %add3A_310 : i32 to vector<16xi32>
      %add3A_312 = arith.addi %get3A_140, %add3A_311 : vector<16xi32>
      %mul3A_313 = arith.constant 16 : i32
      %mul3A_314 = arith.muli %select_n3A_135, %mul3A_313 : i32
      %swap3A_315 = arith.constant 17 : i32
      %swap3A_316 = arith.index_cast %swap3A_315 : i32 to index
      %swap3A_317 = arith.index_cast %select_n3A : i32 to index
      %swap3A_318 = arith.index_cast %mul3A_314 : i32 to index
      %swap3A_319 = tpu.vector_load %arg11[%swap3A_316, %swap3A_317, %swap3A_318] {strides = array<i32>} : memref<32x4x128xi32, #tpu.memory_space<vmem>>, vector<16xi32>,
      tpu.vector_store %arg11[%swap3A_316, %swap3A_317, %swap3A_318], %add3A_312 {strides = array<i32>} : memref<32x4x128xi32, #tpu.memory_space<vmem>>, vector<16xi32>,
      %add3A_320 = arith.constant 18000000 : i32
      %add3A_321 = vector.broadcast %add3A_320 : i32 to vector<16xi32>
      %add3A_322 = arith.addi %get3A_140, %add3A_321 : vector<16xi32>
      %mul3A_323 = arith.constant 16 : i32
      %mul3A_324 = arith.muli %select_n3A_135, %mul3A_323 : i32
      %swap3A_325 = arith.constant 18 : i32
      %swap3A_326 = arith.index_cast %swap3A_325 : i32 to index
      %swap3A_327 = arith.index_cast %select_n3A : i32 to index
      %swap3A_328 = arith.index_cast %mul3A_324 : i32 to index
      %swap3A_329 = tpu.vector_load %arg11[%swap3A_326, %swap3A_327, %swap3A_328] {strides = array<i32>} : memref<32x4x128xi32, #tpu.memory_space<vmem>>, vector<16xi32>,
      tpu.vector_store %arg11[%swap3A_326, %swap3A_327, %swap3A_328], %add3A_322 {strides = array<i32>} : memref<32x4x128xi32, #tpu.memory_space<vmem>>, vector<16xi32>,
      %add3A_330 = arith.constant 19000000 : i32
      %add3A_331 = vector.broadcast %add3A_330 : i32 to vector<16xi32>
      %add3A_332 = arith.addi %get3A_140, %add3A_331 : vector<16xi32>
      %mul3A_333 = arith.constant 16 : i32
      %mul3A_334 = arith.muli %select_n3A_135, %mul3A_333 : i32
      %swap3A_335 = arith.constant 19 : i32
      %swap3A_336 = arith.index_cast %swap3A_335 : i32 to index
      %swap3A_337 = arith.index_cast %select_n3A : i32 to index
      %swap3A_338 = arith.index_cast %mul3A_334 : i32 to index
      %swap3A_339 = tpu.vector_load %arg11[%swap3A_336, %swap3A_337, %swap3A_338] {strides = array<i32>} : memref<32x4x128xi32, #tpu.memory_space<vmem>>, vector<16xi32>,
      tpu.vector_store %arg11[%swap3A_336, %swap3A_337, %swap3A_338], %add3A_332 {strides = array<i32>} : memref<32x4x128xi32, #tpu.memory_space<vmem>>, vector<16xi32>,
      %add3A_340 = arith.constant 20000000 : i32
      %add3A_341 = vector.broadcast %add3A_340 : i32 to vector<16xi32>
      %add3A_342 = arith.addi %get3A_140, %add3A_341 : vector<16xi32>
      %mul3A_343 = arith.constant 16 : i32
      %mul3A_344 = arith.muli %select_n3A_135, %mul3A_343 : i32
      %swap3A_345 = arith.constant 20 : i32
      %swap3A_346 = arith.index_cast %swap3A_345 : i32 to index
      %swap3A_347 = arith.index_cast %select_n3A : i32 to index
      %swap3A_348 = arith.index_cast %mul3A_344 : i32 to index
      %swap3A_349 = tpu.vector_load %arg11[%swap3A_346, %swap3A_347, %swap3A_348] {strides = array<i32>} : memref<32x4x128xi32, #tpu.memory_space<vmem>>, vector<16xi32>,
      tpu.vector_store %arg11[%swap3A_346, %swap3A_347, %swap3A_348], %add3A_342 {strides = array<i32>} : memref<32x4x128xi32, #tpu.memory_space<vmem>>, vector<16xi32>,
      %add3A_350 = arith.constant 21000000 : i32
      %add3A_351 = vector.broadcast %add3A_350 : i32 to vector<16xi32>
      %add3A_352 = arith.addi %get3A_140, %add3A_351 : vector<16xi32>
      %mul3A_353 = arith.constant 16 : i32
      %mul3A_354 = arith.muli %select_n3A_135, %mul3A_353 : i32
      %swap3A_355 = arith.constant 21 : i32
      %swap3A_356 = arith.index_cast %swap3A_355 : i32 to index
      %swap3A_357 = arith.index_cast %select_n3A : i32 to index
      %swap3A_358 = arith.index_cast %mul3A_354 : i32 to index
      %swap3A_359 = tpu.vector_load %arg11[%swap3A_356, %swap3A_357, %swap3A_358] {strides = array<i32>} : memref<32x4x128xi32, #tpu.memory_space<vmem>>, vector<16xi32>,
      tpu.vector_store %arg11[%swap3A_356, %swap3A_357, %swap3A_358], %add3A_352 {strides = array<i32>} : memref<32x4x128xi32, #tpu.memory_space<vmem>>, vector<16xi32>,
      %add3A_360 = arith.constant 22000000 : i32
      %add3A_361 = vector.broadcast %add3A_360 : i32 to vector<16xi32>
      %add3A_362 = arith.addi %get3A_140, %add3A_361 : vector<16xi32>
      %mul3A_363 = arith.constant 16 : i32
      %mul3A_364 = arith.muli %select_n3A_135, %mul3A_363 : i32
      %swap3A_365 = arith.constant 22 : i32
      %swap3A_366 = arith.index_cast %swap3A_365 : i32 to index
      %swap3A_367 = arith.index_cast %select_n3A : i32 to index
      %swap3A_368 = arith.index_cast %mul3A_364 : i32 to index
      %swap3A_369 = tpu.vector_load %arg11[%swap3A_366, %swap3A_367, %swap3A_368] {strides = array<i32>} : memref<32x4x128xi32, #tpu.memory_space<vmem>>, vector<16xi32>,
      tpu.vector_store %arg11[%swap3A_366, %swap3A_367, %swap3A_368], %add3A_362 {strides = array<i32>} : memref<32x4x128xi32, #tpu.memory_space<vmem>>, vector<16xi32>,
      %add3A_370 = arith.constant 23000000 : i32
      %add3A_371 = vector.broadcast %add3A_370 : i32 to vector<16xi32>
      %add3A_372 = arith.addi %get3A_140, %add3A_371 : vector<16xi32>
      %mul3A_373 = arith.constant 16 : i32
      %mul3A_374 = arith.muli %select_n3A_135, %mul3A_373 : i32
      %swap3A_375 = arith.constant 23 : i32
      %swap3A_376 = arith.index_cast %swap3A_375 : i32 to index
      %swap3A_377 = arith.index_cast %select_n3A : i32 to index
      %swap3A_378 = arith.index_cast %mul3A_374 : i32 to index
      %swap3A_379 = tpu.vector_load %arg11[%swap3A_376, %swap3A_377, %swap3A_378] {strides = array<i32>} : memref<32x4x128xi32, #tpu.memory_space<vmem>>, vector<16xi32>,
      tpu.vector_store %arg11[%swap3A_376, %swap3A_377, %swap3A_378], %add3A_372 {strides = array<i32>} : memref<32x4x128xi32, #tpu.memory_space<vmem>>, vector<16xi32>,
      %add3A_380 = arith.constant 24000000 : i32
      %add3A_381 = vector.broadcast %add3A_380 : i32 to vector<16xi32>
      %add3A_382 = arith.addi %get3A_140, %add3A_381 : vector<16xi32>
      %mul3A_383 = arith.constant 16 : i32
      %mul3A_384 = arith.muli %select_n3A_135, %mul3A_383 : i32
      %swap3A_385 = arith.constant 24 : i32
      %swap3A_386 = arith.index_cast %swap3A_385 : i32 to index
      %swap3A_387 = arith.index_cast %select_n3A : i32 to index
      %swap3A_388 = arith.index_cast %mul3A_384 : i32 to index
      %swap3A_389 = tpu.vector_load %arg11[%swap3A_386, %swap3A_387, %swap3A_388] {strides = array<i32>} : memref<32x4x128xi32, #tpu.memory_space<vmem>>, vector<16xi32>,
      tpu.vector_store %arg11[%swap3A_386, %swap3A_387, %swap3A_388], %add3A_382 {strides = array<i32>} : memref<32x4x128xi32, #tpu.memory_space<vmem>>, vector<16xi32>,
      %add3A_390 = arith.constant 25000000 : i32
      %add3A_391 = vector.broadcast %add3A_390 : i32 to vector<16xi32>
      %add3A_392 = arith.addi %get3A_140, %add3A_391 : vector<16xi32>
      %mul3A_393 = arith.constant 16 : i32
      %mul3A_394 = arith.muli %select_n3A_135, %mul3A_393 : i32
      %swap3A_395 = arith.constant 25 : i32
      %swap3A_396 = arith.index_cast %swap3A_395 : i32 to index
      %swap3A_397 = arith.index_cast %select_n3A : i32 to index
      %swap3A_398 = arith.index_cast %mul3A_394 : i32 to index
      %swap3A_399 = tpu.vector_load %arg11[%swap3A_396, %swap3A_397, %swap3A_398] {strides = array<i32>} : memref<32x4x128xi32, #tpu.memory_space<vmem>>, vector<16xi32>,
      tpu.vector_store %arg11[%swap3A_396, %swap3A_397, %swap3A_398], %add3A_392 {strides = array<i32>} : memref<32x4x128xi32, #tpu.memory_space<vmem>>, vector<16xi32>,
      %add3A_400 = arith.constant 26000000 : i32
      %add3A_401 = vector.broadcast %add3A_400 : i32 to vector<16xi32>
      %add3A_402 = arith.addi %get3A_140, %add3A_401 : vector<16xi32>
      %mul3A_403 = arith.constant 16 : i32
      %mul3A_404 = arith.muli %select_n3A_135, %mul3A_403 : i32
      %swap3A_405 = arith.constant 26 : i32
      %swap3A_406 = arith.index_cast %swap3A_405 : i32 to index
      %swap3A_407 = arith.index_cast %select_n3A : i32 to index
      %swap3A_408 = arith.index_cast %mul3A_404 : i32 to index
      %swap3A_409 = tpu.vector_load %arg11[%swap3A_406, %swap3A_407, %swap3A_408] {strides = array<i32>} : memref<32x4x128xi32, #tpu.memory_space<vmem>>, vector<16xi32>,
      tpu.vector_store %arg11[%swap3A_406, %swap3A_407, %swap3A_408], %add3A_402 {strides = array<i32>} : memref<32x4x128xi32, #tpu.memory_space<vmem>>, vector<16xi32>,
      %add3A_410 = arith.constant 27000000 : i32
      %add3A_411 = vector.broadcast %add3A_410 : i32 to vector<16xi32>
      %add3A_412 = arith.addi %get3A_140, %add3A_411 : vector<16xi32>
      %mul3A_413 = arith.constant 16 : i32
      %mul3A_414 = arith.muli %select_n3A_135, %mul3A_413 : i32
      %swap3A_415 = arith.constant 27 : i32
      %swap3A_416 = arith.index_cast %swap3A_415 : i32 to index
      %swap3A_417 = arith.index_cast %select_n3A : i32 to index
      %swap3A_418 = arith.index_cast %mul3A_414 : i32 to index
      %swap3A_419 = tpu.vector_load %arg11[%swap3A_416, %swap3A_417, %swap3A_418] {strides = array<i32>} : memref<32x4x128xi32, #tpu.memory_space<vmem>>, vector<16xi32>,
      tpu.vector_store %arg11[%swap3A_416, %swap3A_417, %swap3A_418], %add3A_412 {strides = array<i32>} : memref<32x4x128xi32, #tpu.memory_space<vmem>>, vector<16xi32>,
      %add3A_420 = arith.constant 28000000 : i32
      %add3A_421 = vector.broadcast %add3A_420 : i32 to vector<16xi32>
      %add3A_422 = arith.addi %get3A_140, %add3A_421 : vector<16xi32>
      %mul3A_423 = arith.constant 16 : i32
      %mul3A_424 = arith.muli %select_n3A_135, %mul3A_423 : i32
      %swap3A_425 = arith.constant 28 : i32
      %swap3A_426 = arith.index_cast %swap3A_425 : i32 to index
      %swap3A_427 = arith.index_cast %select_n3A : i32 to index
      %swap3A_428 = arith.index_cast %mul3A_424 : i32 to index
      %swap3A_429 = tpu.vector_load %arg11[%swap3A_426, %swap3A_427, %swap3A_428] {strides = array<i32>} : memref<32x4x128xi32, #tpu.memory_space<vmem>>, vector<16xi32>,
      tpu.vector_store %arg11[%swap3A_426, %swap3A_427, %swap3A_428], %add3A_422 {strides = array<i32>} : memref<32x4x128xi32, #tpu.memory_space<vmem>>, vector<16xi32>,
      %add3A_430 = arith.constant 29000000 : i32
      %add3A_431 = vector.broadcast %add3A_430 : i32 to vector<16xi32>
      %add3A_432 = arith.addi %get3A_140, %add3A_431 : vector<16xi32>
      %mul3A_433 = arith.constant 16 : i32
      %mul3A_434 = arith.muli %select_n3A_135, %mul3A_433 : i32
      %swap3A_435 = arith.constant 29 : i32
      %swap3A_436 = arith.index_cast %swap3A_435 : i32 to index
      %swap3A_437 = arith.index_cast %select_n3A : i32 to index
      %swap3A_438 = arith.index_cast %mul3A_434 : i32 to index
      %swap3A_439 = tpu.vector_load %arg11[%swap3A_436, %swap3A_437, %swap3A_438] {strides = array<i32>} : memref<32x4x128xi32, #tpu.memory_space<vmem>>, vector<16xi32>,
      tpu.vector_store %arg11[%swap3A_436, %swap3A_437, %swap3A_438], %add3A_432 {strides = array<i32>} : memref<32x4x128xi32, #tpu.memory_space<vmem>>, vector<16xi32>,
      %add3A_440 = arith.constant 30000000 : i32
      %add3A_441 = vector.broadcast %add3A_440 : i32 to vector<16xi32>
      %add3A_442 = arith.addi %get3A_140, %add3A_441 : vector<16xi32>
      %mul3A_443 = arith.constant 16 : i32
      %mul3A_444 = arith.muli %select_n3A_135, %mul3A_443 : i32
      %swap3A_445 = arith.constant 30 : i32
      %swap3A_446 = arith.index_cast %swap3A_445 : i32 to index
      %swap3A_447 = arith.index_cast %select_n3A : i32 to index
      %swap3A_448 = arith.index_cast %mul3A_444 : i32 to index
      %swap3A_449 = tpu.vector_load %arg11[%swap3A_446, %swap3A_447, %swap3A_448] {strides = array<i32>} : memref<32x4x128xi32, #tpu.memory_space<vmem>>, vector<16xi32>,
      tpu.vector_store %arg11[%swap3A_446, %swap3A_447, %swap3A_448], %add3A_442 {strides = array<i32>} : memref<32x4x128xi32, #tpu.memory_space<vmem>>, vector<16xi32>,
      %add3A_450 = arith.constant 31000000 : i32
      %add3A_451 = vector.broadcast %add3A_450 : i32 to vector<16xi32>
      %add3A_452 = arith.addi %get3A_140, %add3A_451 : vector<16xi32>
      %mul3A_453 = arith.constant 16 : i32
      %mul3A_454 = arith.muli %select_n3A_135, %mul3A_453 : i32
      %swap3A_455 = arith.constant 31 : i32
      %swap3A_456 = arith.index_cast %swap3A_455 : i32 to index
      %swap3A_457 = arith.index_cast %select_n3A : i32 to index
      %swap3A_458 = arith.index_cast %mul3A_454 : i32 to index
      %swap3A_459 = tpu.vector_load %arg11[%swap3A_456, %swap3A_457, %swap3A_458] {strides = array<i32>} : memref<32x4x128xi32, #tpu.memory_space<vmem>>, vector<16xi32>,
      tpu.vector_store %arg11[%swap3A_456, %swap3A_457, %swap3A_458], %add3A_452 {strides = array<i32>} : memref<32x4x128xi32, #tpu.memory_space<vmem>>, vector<16xi32>,
    }
    %scan3A_46 = arith.constant 32 : i32
    %scan3A_47 = arith.constant 0 : i32
    %scan3A_48 = arith.constant 0 : i32
    %scan3A_49 = arith.constant 128 : i32
    %scan3A_50 = arith.addi %scan3A_48, %scan3A_49 : i32
    %scan3A_51 = arith.constant 1 : i32
    scf.for %scan3A_105 = %scan3A_48 to %scan3A_50 step %scan3A_51  : i32 {
      %jit3A = arith.constant 4 : i32
      %div3A = arith.divsi %scan3A_105, %jit3A : i32
      %sign3A = arith.constant 0 : i32
      %sign3A_106 = arith.cmpi sgt, %scan3A_105, %sign3A : i32
      %sign3A_107 = arith.extui %sign3A_106 : i1 to i32
      %sign3A_108 = arith.constant 0 : i32
      %sign3A_109 = arith.cmpi slt, %scan3A_105, %sign3A_108 : i32
      %sign3A_110 = arith.extui %sign3A_109 : i1 to i32
      %sign3A_111 = arith.subi %sign3A_107, %sign3A_110 : i32
      %sign3A_112 = arith.constant 0 : i32
      %sign3A_113 = arith.cmpi sgt, %jit3A, %sign3A_112 : i32
      %sign3A_114 = arith.extui %sign3A_113 : i1 to i32
      %sign3A_115 = arith.constant 0 : i32
      %sign3A_116 = arith.cmpi slt, %jit3A, %sign3A_115 : i32
      %sign3A_117 = arith.extui %sign3A_116 : i1 to i32
      %sign3A_118 = arith.subi %sign3A_114, %sign3A_117 : i32
      %ne3A = arith.cmpi ne, %sign3A_111, %sign3A_118 : i32
      %rem3A = arith.remsi %scan3A_105, %jit3A : i32
      %ne3A_119 = arith.constant 0 : i32
      %ne3A_120 = arith.cmpi ne, %rem3A, %ne3A_119 : i32
      %and3A = arith.andi %ne3A, %ne3A_120 : i1
      %sub3A = arith.constant 1 : i32
      %sub3A_121 = arith.subi %div3A, %sub3A : i32
      %select_n3A = arith.select %and3A, %sub3A_121, %div3A : i32
      %jit3A_122 = arith.constant 4 : i32
      %eq3A = arith.constant 0 : i32
      %eq3A_123 = arith.cmpi eq, %jit3A_122, %eq3A : i32
      %jit3A_124 = arith.constant 1 : i32
      %select_n3A_125 = arith.select %eq3A_123, %jit3A_124, %jit3A_122 : i32
      %rem3A_126 = arith.remsi %scan3A_105, %select_n3A_125 : i32
      %ne3A_127 = arith.constant 0 : i32
      %ne3A_128 = arith.cmpi ne, %rem3A_126, %ne3A_127 : i32
      %lt3A = arith.constant 0 : i32
      %lt3A_129 = arith.cmpi slt, %rem3A_126, %lt3A : i32
      %lt3A_130 = arith.constant 0 : i32
      %lt3A_131 = arith.cmpi slt, %select_n3A_125, %lt3A_130 : i32
      %ne3A_132 = arith.xori %lt3A_129, %lt3A_131 : i1
      %and3A_133 = arith.andi %ne3A_132, %ne3A_128 : i1
      %add3A_134 = arith.addi %rem3A_126, %select_n3A_125 : i32
      %select_n3A_135 = arith.select %and3A_133, %add3A_134, %rem3A_126 : i32
      %mul3A_136 = arith.constant 128 : i32
      %mul3A_137 = arith.muli %select_n3A_135, %mul3A_136 : i32
      %dma_start3A_138 = tpu.memref_slice %arg12[%select_n3A, %mul3A_137] : memref<32x512xf32, #tpu.memory_space<vmem>> -> memref<1x128xf32, #tpu.memory_space<vmem>>
      %dma_start3A_139 = tpu.memref_squeeze %dma_start3A_138 : memref<1x128xf32, #tpu.memory_space<vmem>> -> memref<128xf32, #tpu.memory_space<vmem>>
      %dma_start3A_140 = arith.constant 0 : i32
      %dma_start3A_141 = tpu.memref_slice %arg11[%select_n3A, %select_n3A_135, %dma_start3A_140] : memref<32x4x128xi32, #tpu.memory_space<vmem>> -> memref<1x1x128xi32, #tpu.memory_space<vmem>>
      %dma_start3A_142 = tpu.memref_squeeze %dma_start3A_141 : memref<1x1x128xi32, #tpu.memory_space<vmem>> -> memref<128xi32, #tpu.memory_space<vmem>>
      %dma_start3A_143 = arith.constant 0 : i32
      %dma_start3A_144 = tpu.memref_slice %arg4[%dma_start3A_143] : memref<32000000xf32, #tpu.memory_space<hbm>> -> memref<32000000xf32, #tpu.memory_space<hbm>>
      tpu.enqueue_indirect_dma source(%dma_start3A_144 : memref<32000000xf32, #tpu.memory_space<hbm>>) target(%dma_start3A_139 : memref<128xf32, #tpu.memory_space<vmem>>) offsets(%dma_start3A_142 : memref<128xi32, #tpu.memory_space<vmem>>) semaphore(%arg18 : memref<!tpu.dma_semaphore, #tpu.memory_space<semaphore_mem>>)
    }
    %scan3A_52 = arith.constant 128 : i32
    %scan3A_53 = arith.constant 0 : i32
    %scan3A_54 = arith.constant 0 : i32
    %scan3A_55 = arith.constant 128 : i32
    %scan3A_56 = arith.addi %scan3A_54, %scan3A_55 : i32
    %scan3A_57 = arith.constant 1 : i32
    scf.for %scan3A_105 = %scan3A_54 to %scan3A_56 step %scan3A_57  : i32 {
      %jit3A = arith.constant 4 : i32
      %div3A = arith.divsi %scan3A_105, %jit3A : i32
      %sign3A = arith.constant 0 : i32
      %sign3A_106 = arith.cmpi sgt, %scan3A_105, %sign3A : i32
      %sign3A_107 = arith.extui %sign3A_106 : i1 to i32
      %sign3A_108 = arith.constant 0 : i32
      %sign3A_109 = arith.cmpi slt, %scan3A_105, %sign3A_108 : i32
      %sign3A_110 = arith.extui %sign3A_109 : i1 to i32
      %sign3A_111 = arith.subi %sign3A_107, %sign3A_110 : i32
      %sign3A_112 = arith.constant 0 : i32
      %sign3A_113 = arith.cmpi sgt, %jit3A, %sign3A_112 : i32
      %sign3A_114 = arith.extui %sign3A_113 : i1 to i32
      %sign3A_115 = arith.constant 0 : i32
      %sign3A_116 = arith.cmpi slt, %jit3A, %sign3A_115 : i32
      %sign3A_117 = arith.extui %sign3A_116 : i1 to i32
      %sign3A_118 = arith.subi %sign3A_114, %sign3A_117 : i32
      %ne3A = arith.cmpi ne, %sign3A_111, %sign3A_118 : i32
      %rem3A = arith.remsi %scan3A_105, %jit3A : i32
      %ne3A_119 = arith.constant 0 : i32
      %ne3A_120 = arith.cmpi ne, %rem3A, %ne3A_119 : i32
      %and3A = arith.andi %ne3A, %ne3A_120 : i1
      %sub3A = arith.constant 1 : i32
      %sub3A_121 = arith.subi %div3A, %sub3A : i32
      %select_n3A = arith.select %and3A, %sub3A_121, %div3A : i32
      %jit3A_122 = arith.constant 4 : i32
      %eq3A = arith.constant 0 : i32
      %eq3A_123 = arith.cmpi eq, %jit3A_122, %eq3A : i32
      %jit3A_124 = arith.constant 1 : i32
      %select_n3A_125 = arith.select %eq3A_123, %jit3A_124, %jit3A_122 : i32
      %rem3A_126 = arith.remsi %scan3A_105, %select_n3A_125 : i32
      %ne3A_127 = arith.constant 0 : i32
      %ne3A_128 = arith.cmpi ne, %rem3A_126, %ne3A_127 : i32
      %lt3A = arith.constant 0 : i32
      %lt3A_129 = arith.cmpi slt, %rem3A_126, %lt3A : i32
      %lt3A_130 = arith.constant 0 : i32
      %lt3A_131 = arith.cmpi slt, %select_n3A_125, %lt3A_130 : i32
      %ne3A_132 = arith.xori %lt3A_129, %lt3A_131 : i1
      %and3A_133 = arith.andi %ne3A_132, %ne3A_128 : i1
      %add3A_134 = arith.addi %rem3A_126, %select_n3A_125 : i32
      %select_n3A_135 = arith.select %and3A_133, %add3A_134, %rem3A_126 : i32
      %mul3A_136 = arith.constant 128 : i32
      %mul3A_137 = arith.muli %select_n3A_135, %mul3A_136 : i32
      %dma_wait3A_138 = tpu.memref_slice %arg12[%select_n3A, %mul3A_137] : memref<32x512xf32, #tpu.memory_space<vmem>> -> memref<1x128xf32, #tpu.memory_space<vmem>>
      %dma_wait3A_139 = tpu.memref_squeeze %dma_wait3A_138 : memref<1x128xf32, #tpu.memory_space<vmem>> -> memref<128xf32, #tpu.memory_space<vmem>>
      %dma_wait3A_140 = arith.constant 0 : i32
      %dma_wait3A_141 = tpu.memref_slice %arg11[%select_n3A, %select_n3A_135, %dma_wait3A_140] : memref<32x4x128xi32, #tpu.memory_space<vmem>> -> memref<1x1x128xi32, #tpu.memory_space<vmem>>
      %dma_wait3A_142 = tpu.memref_squeeze %dma_wait3A_141 : memref<1x1x128xi32, #tpu.memory_space<vmem>> -> memref<128xi32, #tpu.memory_space<vmem>>
      %dma_wait3A_143 = arith.constant 0 : i32
      %dma_wait3A_144 = tpu.memref_slice %arg4[%dma_wait3A_143] : memref<32000000xf32, #tpu.memory_space<hbm>> -> memref<32000000xf32, #tpu.memory_space<hbm>>
      tpu.wait_indirect_dma semaphore(%arg18 : memref<!tpu.dma_semaphore, #tpu.memory_space<semaphore_mem>>) src(%dma_wait3A_144 : memref<32000000xf32, #tpu.memory_space<hbm>>) dst(%dma_wait3A_139 : memref<128xf32, #tpu.memory_space<vmem>>)
    }
    %scan3A_58 = arith.constant 128 : i32
    %dma_wait3A = arith.constant 0 : i32
    %dma_wait3A_59 = arith.constant 0 : i32
    %dma_wait3A_60 = arith.constant 0 : i32
    %dma_wait3A_61 = tpu.memref_slice %arg13[%dma_wait3A_59, %dma_wait3A_60] : memref<512x32xf32, #tpu.memory_space<vmem>> -> memref<128x32xf32, #tpu.memory_space<vmem>>
    %dma_wait3A_62 = arith.constant 0 : i32
    %dma_wait3A_63 = tpu.memref_slice %arg10[%dma_wait3A, %dma_wait3A_62] : memref<4x128xi32, #tpu.memory_space<vmem>> -> memref<1x128xi32, #tpu.memory_space<vmem>>
    %dma_wait3A_64 = tpu.memref_squeeze %dma_wait3A_63 : memref<1x128xi32, #tpu.memory_space<vmem>> -> memref<128xi32, #tpu.memory_space<vmem>>
    %dma_wait3A_65 = arith.constant 0 : i32
    %dma_wait3A_66 = arith.constant 0 : i32
    %dma_wait3A_67 = tpu.memref_slice %arg5[%dma_wait3A_65, %dma_wait3A_66] : memref<100000x32xf32, #tpu.memory_space<hbm>> -> memref<100000x32xf32, #tpu.memory_space<hbm>>
    tpu.wait_indirect_dma semaphore(%arg17 : memref<!tpu.dma_semaphore, #tpu.memory_space<semaphore_mem>>) src(%dma_wait3A_67 : memref<100000x32xf32, #tpu.memory_space<hbm>>) dst(%dma_wait3A_61 : memref<128x32xf32, #tpu.memory_space<vmem>>)
    %dma_wait3A_68 = arith.constant 1 : i32
    %dma_wait3A_69 = arith.constant 128 : i32
    %dma_wait3A_70 = arith.constant 0 : i32
    %dma_wait3A_71 = tpu.memref_slice %arg13[%dma_wait3A_69, %dma_wait3A_70] : memref<512x32xf32, #tpu.memory_space<vmem>> -> memref<128x32xf32, #tpu.memory_space<vmem>>
    %dma_wait3A_72 = arith.constant 0 : i32
    %dma_wait3A_73 = tpu.memref_slice %arg10[%dma_wait3A_68, %dma_wait3A_72] : memref<4x128xi32, #tpu.memory_space<vmem>> -> memref<1x128xi32, #tpu.memory_space<vmem>>
    %dma_wait3A_74 = tpu.memref_squeeze %dma_wait3A_73 : memref<1x128xi32, #tpu.memory_space<vmem>> -> memref<128xi32, #tpu.memory_space<vmem>>
    %dma_wait3A_75 = arith.constant 0 : i32
    %dma_wait3A_76 = arith.constant 0 : i32
    %dma_wait3A_77 = tpu.memref_slice %arg5[%dma_wait3A_75, %dma_wait3A_76] : memref<100000x32xf32, #tpu.memory_space<hbm>> -> memref<100000x32xf32, #tpu.memory_space<hbm>>
    tpu.wait_indirect_dma semaphore(%arg17 : memref<!tpu.dma_semaphore, #tpu.memory_space<semaphore_mem>>) src(%dma_wait3A_77 : memref<100000x32xf32, #tpu.memory_space<hbm>>) dst(%dma_wait3A_71 : memref<128x32xf32, #tpu.memory_space<vmem>>)
    %dma_wait3A_78 = arith.constant 2 : i32
    %dma_wait3A_79 = arith.constant 256 : i32
    %dma_wait3A_80 = arith.constant 0 : i32
    %dma_wait3A_81 = tpu.memref_slice %arg13[%dma_wait3A_79, %dma_wait3A_80] : memref<512x32xf32, #tpu.memory_space<vmem>> -> memref<128x32xf32, #tpu.memory_space<vmem>>
    %dma_wait3A_82 = arith.constant 0 : i32
    %dma_wait3A_83 = tpu.memref_slice %arg10[%dma_wait3A_78, %dma_wait3A_82] : memref<4x128xi32, #tpu.memory_space<vmem>> -> memref<1x128xi32, #tpu.memory_space<vmem>>
    %dma_wait3A_84 = tpu.memref_squeeze %dma_wait3A_83 : memref<1x128xi32, #tpu.memory_space<vmem>> -> memref<128xi32, #tpu.memory_space<vmem>>
    %dma_wait3A_85 = arith.constant 0 : i32
    %dma_wait3A_86 = arith.constant 0 : i32
    %dma_wait3A_87 = tpu.memref_slice %arg5[%dma_wait3A_85, %dma_wait3A_86] : memref<100000x32xf32, #tpu.memory_space<hbm>> -> memref<100000x32xf32, #tpu.memory_space<hbm>>
    tpu.wait_indirect_dma semaphore(%arg17 : memref<!tpu.dma_semaphore, #tpu.memory_space<semaphore_mem>>) src(%dma_wait3A_87 : memref<100000x32xf32, #tpu.memory_space<hbm>>) dst(%dma_wait3A_81 : memref<128x32xf32, #tpu.memory_space<vmem>>)
    %dma_wait3A_88 = arith.constant 3 : i32
    %dma_wait3A_89 = arith.constant 384 : i32
    %dma_wait3A_90 = arith.constant 0 : i32
    %dma_wait3A_91 = tpu.memref_slice %arg13[%dma_wait3A_89, %dma_wait3A_90] : memref<512x32xf32, #tpu.memory_space<vmem>> -> memref<128x32xf32, #tpu.memory_space<vmem>>
    %dma_wait3A_92 = arith.constant 0 : i32
    %dma_wait3A_93 = tpu.memref_slice %arg10[%dma_wait3A_88, %dma_wait3A_92] : memref<4x128xi32, #tpu.memory_space<vmem>> -> memref<1x128xi32, #tpu.memory_space<vmem>>
    %dma_wait3A_94 = tpu.memref_squeeze %dma_wait3A_93 : memref<1x128xi32, #tpu.memory_space<vmem>> -> memref<128xi32, #tpu.memory_space<vmem>>
    %dma_wait3A_95 = arith.constant 0 : i32
    %dma_wait3A_96 = arith.constant 0 : i32
    %dma_wait3A_97 = tpu.memref_slice %arg5[%dma_wait3A_95, %dma_wait3A_96] : memref<100000x32xf32, #tpu.memory_space<hbm>> -> memref<100000x32xf32, #tpu.memory_space<hbm>>
    tpu.wait_indirect_dma semaphore(%arg17 : memref<!tpu.dma_semaphore, #tpu.memory_space<semaphore_mem>>) src(%dma_wait3A_97 : memref<100000x32xf32, #tpu.memory_space<hbm>>) dst(%dma_wait3A_91 : memref<128x32xf32, #tpu.memory_space<vmem>>)
    %iota3A = tpu.iota {dimensions = array<i32: 0>} : vector<16xi32>
    %get3A = arith.constant 0 : index
    %get3A_98 = tpu.vector_load %arg15[%get3A] {strides = array<i32>} : memref<16xf32, #tpu.memory_space<vmem>>, vector<16xf32>,
    %scan3A_99 = arith.constant 0 : i32
    %scan3A_100 = arith.constant 0 : i32
    %scan3A_101 = arith.constant 32 : i32
    %scan3A_102 = arith.addi %scan3A_100, %scan3A_101 : i32
    %scan3A_103 = arith.constant 1 : i32
    scf.for %scan3A_105 = %scan3A_100 to %scan3A_102 step %scan3A_103  : i32 {
      %mul3A_106 = arith.constant 16 : i32
      %mul3A_107 = arith.muli %scan3A_105, %mul3A_106 : i32
      %add3A_108 = vector.broadcast %mul3A_107 : i32 to vector<16xi32>
      %add3A_109 = arith.addi %iota3A, %add3A_108 : vector<16xi32>
      %broadcast_in_dim3A = arith.constant 0 : i32
      %broadcast_in_dim3A_110 = vector.broadcast %broadcast_in_dim3A : i32 to vector<16xi32>
      %mul3A_111 = arith.constant 16 : i32
      %mul3A_112 = arith.muli %scan3A_105, %mul3A_111 : i32
      %get3A_113 = arith.constant 0 : i32
      %get3A_114 = arith.index_cast %get3A_113 : i32 to index
      %get3A_115 = arith.index_cast %mul3A_112 : i32 to index
      %get3A_116 = tpu.vector_load %arg12[%get3A_114, %get3A_115] {strides = array<i32>} : memref<32x512xf32, #tpu.memory_space<vmem>>, vector<16xf32>,
      %gather3A = tpu.vector_load_idx %arg13[%add3A_109, %broadcast_in_dim3A_110] : memref<512x32xf32, #tpu.memory_space<vmem>>[vector<16xi32>, vector<16xi32>], vector<16xf32>,
      %mul3A_117 = arith.mulf %get3A_116, %gather3A : vector<16xf32>
      %get3A_118 = arith.constant 0 : i32
      %get3A_119 = arith.index_cast %get3A_118 : i32 to index
      %get3A_120 = arith.constant 0 : index
      %get3A_121 = tpu.vector_load %arg14[%get3A_119, %get3A_120] {strides = array<i32>} : memref<32x16xf32, #tpu.memory_space<vmem>>, vector<16xf32>,
      %mul3A_122 = arith.mulf %mul3A_117, %get3A_121 : vector<16xf32>
      %add3A_123 = arith.addf %get3A_98, %mul3A_122 : vector<16xf32>
      %broadcast_in_dim3A_124 = arith.constant 1 : i32
      %broadcast_in_dim3A_125 = vector.broadcast %broadcast_in_dim3A_124 : i32 to vector<16xi32>
      %mul3A_126 = arith.constant 16 : i32
      %mul3A_127 = arith.muli %scan3A_105, %mul3A_126 : i32
      %get3A_128 = arith.constant 1 : i32
      %get3A_129 = arith.index_cast %get3A_128 : i32 to index
      %get3A_130 = arith.index_cast %mul3A_127 : i32 to index
      %get3A_131 = tpu.vector_load %arg12[%get3A_129, %get3A_130] {strides = array<i32>} : memref<32x512xf32, #tpu.memory_space<vmem>>, vector<16xf32>,
      %gather3A_132 = tpu.vector_load_idx %arg13[%add3A_109, %broadcast_in_dim3A_125] : memref<512x32xf32, #tpu.memory_space<vmem>>[vector<16xi32>, vector<16xi32>], vector<16xf32>,
      %mul3A_133 = arith.mulf %get3A_131, %gather3A_132 : vector<16xf32>
      %get3A_134 = arith.constant 1 : i32
      %get3A_135 = arith.index_cast %get3A_134 : i32 to index
      %get3A_136 = arith.constant 0 : index
      %get3A_137 = tpu.vector_load %arg14[%get3A_135, %get3A_136] {strides = array<i32>} : memref<32x16xf32, #tpu.memory_space<vmem>>, vector<16xf32>,
      %mul3A_138 = arith.mulf %mul3A_133, %get3A_137 : vector<16xf32>
      %add3A_139 = arith.addf %add3A_123, %mul3A_138 : vector<16xf32>
      %broadcast_in_dim3A_140 = arith.constant 2 : i32
      %broadcast_in_dim3A_141 = vector.broadcast %broadcast_in_dim3A_140 : i32 to vector<16xi32>
      %mul3A_142 = arith.constant 16 : i32
      %mul3A_143 = arith.muli %scan3A_105, %mul3A_142 : i32
      %get3A_144 = arith.constant 2 : i32
      %get3A_145 = arith.index_cast %get3A_144 : i32 to index
      %get3A_146 = arith.index_cast %mul3A_143 : i32 to index
      %get3A_147 = tpu.vector_load %arg12[%get3A_145, %get3A_146] {strides = array<i32>} : memref<32x512xf32, #tpu.memory_space<vmem>>, vector<16xf32>,
      %gather3A_148 = tpu.vector_load_idx %arg13[%add3A_109, %broadcast_in_dim3A_141] : memref<512x32xf32, #tpu.memory_space<vmem>>[vector<16xi32>, vector<16xi32>], vector<16xf32>,
      %mul3A_149 = arith.mulf %get3A_147, %gather3A_148 : vector<16xf32>
      %get3A_150 = arith.constant 2 : i32
      %get3A_151 = arith.index_cast %get3A_150 : i32 to index
      %get3A_152 = arith.constant 0 : index
      %get3A_153 = tpu.vector_load %arg14[%get3A_151, %get3A_152] {strides = array<i32>} : memref<32x16xf32, #tpu.memory_space<vmem>>, vector<16xf32>,
      %mul3A_154 = arith.mulf %mul3A_149, %get3A_153 : vector<16xf32>
      %add3A_155 = arith.addf %add3A_139, %mul3A_154 : vector<16xf32>
      %broadcast_in_dim3A_156 = arith.constant 3 : i32
      %broadcast_in_dim3A_157 = vector.broadcast %broadcast_in_dim3A_156 : i32 to vector<16xi32>
      %mul3A_158 = arith.constant 16 : i32
      %mul3A_159 = arith.muli %scan3A_105, %mul3A_158 : i32
      %get3A_160 = arith.constant 3 : i32
      %get3A_161 = arith.index_cast %get3A_160 : i32 to index
      %get3A_162 = arith.index_cast %mul3A_159 : i32 to index
      %get3A_163 = tpu.vector_load %arg12[%get3A_161, %get3A_162] {strides = array<i32>} : memref<32x512xf32, #tpu.memory_space<vmem>>, vector<16xf32>,
      %gather3A_164 = tpu.vector_load_idx %arg13[%add3A_109, %broadcast_in_dim3A_157] : memref<512x32xf32, #tpu.memory_space<vmem>>[vector<16xi32>, vector<16xi32>], vector<16xf32>,
      %mul3A_165 = arith.mulf %get3A_163, %gather3A_164 : vector<16xf32>
      %get3A_166 = arith.constant 3 : i32
      %get3A_167 = arith.index_cast %get3A_166 : i32 to index
      %get3A_168 = arith.constant 0 : index
      %get3A_169 = tpu.vector_load %arg14[%get3A_167, %get3A_168] {strides = array<i32>} : memref<32x16xf32, #tpu.memory_space<vmem>>, vector<16xf32>,
      %mul3A_170 = arith.mulf %mul3A_165, %get3A_169 : vector<16xf32>
      %add3A_171 = arith.addf %add3A_155, %mul3A_170 : vector<16xf32>
      %broadcast_in_dim3A_172 = arith.constant 4 : i32
      %broadcast_in_dim3A_173 = vector.broadcast %broadcast_in_dim3A_172 : i32 to vector<16xi32>
      %mul3A_174 = arith.constant 16 : i32
      %mul3A_175 = arith.muli %scan3A_105, %mul3A_174 : i32
      %get3A_176 = arith.constant 4 : i32
      %get3A_177 = arith.index_cast %get3A_176 : i32 to index
      %get3A_178 = arith.index_cast %mul3A_175 : i32 to index
      %get3A_179 = tpu.vector_load %arg12[%get3A_177, %get3A_178] {strides = array<i32>} : memref<32x512xf32, #tpu.memory_space<vmem>>, vector<16xf32>,
      %gather3A_180 = tpu.vector_load_idx %arg13[%add3A_109, %broadcast_in_dim3A_173] : memref<512x32xf32, #tpu.memory_space<vmem>>[vector<16xi32>, vector<16xi32>], vector<16xf32>,
      %mul3A_181 = arith.mulf %get3A_179, %gather3A_180 : vector<16xf32>
      %get3A_182 = arith.constant 4 : i32
      %get3A_183 = arith.index_cast %get3A_182 : i32 to index
      %get3A_184 = arith.constant 0 : index
      %get3A_185 = tpu.vector_load %arg14[%get3A_183, %get3A_184] {strides = array<i32>} : memref<32x16xf32, #tpu.memory_space<vmem>>, vector<16xf32>,
      %mul3A_186 = arith.mulf %mul3A_181, %get3A_185 : vector<16xf32>
      %add3A_187 = arith.addf %add3A_171, %mul3A_186 : vector<16xf32>
      %broadcast_in_dim3A_188 = arith.constant 5 : i32
      %broadcast_in_dim3A_189 = vector.broadcast %broadcast_in_dim3A_188 : i32 to vector<16xi32>
      %mul3A_190 = arith.constant 16 : i32
      %mul3A_191 = arith.muli %scan3A_105, %mul3A_190 : i32
      %get3A_192 = arith.constant 5 : i32
      %get3A_193 = arith.index_cast %get3A_192 : i32 to index
      %get3A_194 = arith.index_cast %mul3A_191 : i32 to index
      %get3A_195 = tpu.vector_load %arg12[%get3A_193, %get3A_194] {strides = array<i32>} : memref<32x512xf32, #tpu.memory_space<vmem>>, vector<16xf32>,
      %gather3A_196 = tpu.vector_load_idx %arg13[%add3A_109, %broadcast_in_dim3A_189] : memref<512x32xf32, #tpu.memory_space<vmem>>[vector<16xi32>, vector<16xi32>], vector<16xf32>,
      %mul3A_197 = arith.mulf %get3A_195, %gather3A_196 : vector<16xf32>
      %get3A_198 = arith.constant 5 : i32
      %get3A_199 = arith.index_cast %get3A_198 : i32 to index
      %get3A_200 = arith.constant 0 : index
      %get3A_201 = tpu.vector_load %arg14[%get3A_199, %get3A_200] {strides = array<i32>} : memref<32x16xf32, #tpu.memory_space<vmem>>, vector<16xf32>,
      %mul3A_202 = arith.mulf %mul3A_197, %get3A_201 : vector<16xf32>
      %add3A_203 = arith.addf %add3A_187, %mul3A_202 : vector<16xf32>
      %broadcast_in_dim3A_204 = arith.constant 6 : i32
      %broadcast_in_dim3A_205 = vector.broadcast %broadcast_in_dim3A_204 : i32 to vector<16xi32>
      %mul3A_206 = arith.constant 16 : i32
      %mul3A_207 = arith.muli %scan3A_105, %mul3A_206 : i32
      %get3A_208 = arith.constant 6 : i32
      %get3A_209 = arith.index_cast %get3A_208 : i32 to index
      %get3A_210 = arith.index_cast %mul3A_207 : i32 to index
      %get3A_211 = tpu.vector_load %arg12[%get3A_209, %get3A_210] {strides = array<i32>} : memref<32x512xf32, #tpu.memory_space<vmem>>, vector<16xf32>,
      %gather3A_212 = tpu.vector_load_idx %arg13[%add3A_109, %broadcast_in_dim3A_205] : memref<512x32xf32, #tpu.memory_space<vmem>>[vector<16xi32>, vector<16xi32>], vector<16xf32>,
      %mul3A_213 = arith.mulf %get3A_211, %gather3A_212 : vector<16xf32>
      %get3A_214 = arith.constant 6 : i32
      %get3A_215 = arith.index_cast %get3A_214 : i32 to index
      %get3A_216 = arith.constant 0 : index
      %get3A_217 = tpu.vector_load %arg14[%get3A_215, %get3A_216] {strides = array<i32>} : memref<32x16xf32, #tpu.memory_space<vmem>>, vector<16xf32>,
      %mul3A_218 = arith.mulf %mul3A_213, %get3A_217 : vector<16xf32>
      %add3A_219 = arith.addf %add3A_203, %mul3A_218 : vector<16xf32>
      %broadcast_in_dim3A_220 = arith.constant 7 : i32
      %broadcast_in_dim3A_221 = vector.broadcast %broadcast_in_dim3A_220 : i32 to vector<16xi32>
      %mul3A_222 = arith.constant 16 : i32
      %mul3A_223 = arith.muli %scan3A_105, %mul3A_222 : i32
      %get3A_224 = arith.constant 7 : i32
      %get3A_225 = arith.index_cast %get3A_224 : i32 to index
      %get3A_226 = arith.index_cast %mul3A_223 : i32 to index
      %get3A_227 = tpu.vector_load %arg12[%get3A_225, %get3A_226] {strides = array<i32>} : memref<32x512xf32, #tpu.memory_space<vmem>>, vector<16xf32>,
      %gather3A_228 = tpu.vector_load_idx %arg13[%add3A_109, %broadcast_in_dim3A_221] : memref<512x32xf32, #tpu.memory_space<vmem>>[vector<16xi32>, vector<16xi32>], vector<16xf32>,
      %mul3A_229 = arith.mulf %get3A_227, %gather3A_228 : vector<16xf32>
      %get3A_230 = arith.constant 7 : i32
      %get3A_231 = arith.index_cast %get3A_230 : i32 to index
      %get3A_232 = arith.constant 0 : index
      %get3A_233 = tpu.vector_load %arg14[%get3A_231, %get3A_232] {strides = array<i32>} : memref<32x16xf32, #tpu.memory_space<vmem>>, vector<16xf32>,
      %mul3A_234 = arith.mulf %mul3A_229, %get3A_233 : vector<16xf32>
      %add3A_235 = arith.addf %add3A_219, %mul3A_234 : vector<16xf32>
      %broadcast_in_dim3A_236 = arith.constant 8 : i32
      %broadcast_in_dim3A_237 = vector.broadcast %broadcast_in_dim3A_236 : i32 to vector<16xi32>
      %mul3A_238 = arith.constant 16 : i32
      %mul3A_239 = arith.muli %scan3A_105, %mul3A_238 : i32
      %get3A_240 = arith.constant 8 : i32
      %get3A_241 = arith.index_cast %get3A_240 : i32 to index
      %get3A_242 = arith.index_cast %mul3A_239 : i32 to index
      %get3A_243 = tpu.vector_load %arg12[%get3A_241, %get3A_242] {strides = array<i32>} : memref<32x512xf32, #tpu.memory_space<vmem>>, vector<16xf32>,
      %gather3A_244 = tpu.vector_load_idx %arg13[%add3A_109, %broadcast_in_dim3A_237] : memref<512x32xf32, #tpu.memory_space<vmem>>[vector<16xi32>, vector<16xi32>], vector<16xf32>,
      %mul3A_245 = arith.mulf %get3A_243, %gather3A_244 : vector<16xf32>
      %get3A_246 = arith.constant 8 : i32
      %get3A_247 = arith.index_cast %get3A_246 : i32 to index
      %get3A_248 = arith.constant 0 : index
      %get3A_249 = tpu.vector_load %arg14[%get3A_247, %get3A_248] {strides = array<i32>} : memref<32x16xf32, #tpu.memory_space<vmem>>, vector<16xf32>,
      %mul3A_250 = arith.mulf %mul3A_245, %get3A_249 : vector<16xf32>
      %add3A_251 = arith.addf %add3A_235, %mul3A_250 : vector<16xf32>
      %broadcast_in_dim3A_252 = arith.constant 9 : i32
      %broadcast_in_dim3A_253 = vector.broadcast %broadcast_in_dim3A_252 : i32 to vector<16xi32>
      %mul3A_254 = arith.constant 16 : i32
      %mul3A_255 = arith.muli %scan3A_105, %mul3A_254 : i32
      %get3A_256 = arith.constant 9 : i32
      %get3A_257 = arith.index_cast %get3A_256 : i32 to index
      %get3A_258 = arith.index_cast %mul3A_255 : i32 to index
      %get3A_259 = tpu.vector_load %arg12[%get3A_257, %get3A_258] {strides = array<i32>} : memref<32x512xf32, #tpu.memory_space<vmem>>, vector<16xf32>,
      %gather3A_260 = tpu.vector_load_idx %arg13[%add3A_109, %broadcast_in_dim3A_253] : memref<512x32xf32, #tpu.memory_space<vmem>>[vector<16xi32>, vector<16xi32>], vector<16xf32>,
      %mul3A_261 = arith.mulf %get3A_259, %gather3A_260 : vector<16xf32>
      %get3A_262 = arith.constant 9 : i32
      %get3A_263 = arith.index_cast %get3A_262 : i32 to index
      %get3A_264 = arith.constant 0 : index
      %get3A_265 = tpu.vector_load %arg14[%get3A_263, %get3A_264] {strides = array<i32>} : memref<32x16xf32, #tpu.memory_space<vmem>>, vector<16xf32>,
      %mul3A_266 = arith.mulf %mul3A_261, %get3A_265 : vector<16xf32>
      %add3A_267 = arith.addf %add3A_251, %mul3A_266 : vector<16xf32>
      %broadcast_in_dim3A_268 = arith.constant 10 : i32
      %broadcast_in_dim3A_269 = vector.broadcast %broadcast_in_dim3A_268 : i32 to vector<16xi32>
      %mul3A_270 = arith.constant 16 : i32
      %mul3A_271 = arith.muli %scan3A_105, %mul3A_270 : i32
      %get3A_272 = arith.constant 10 : i32
      %get3A_273 = arith.index_cast %get3A_272 : i32 to index
      %get3A_274 = arith.index_cast %mul3A_271 : i32 to index
      %get3A_275 = tpu.vector_load %arg12[%get3A_273, %get3A_274] {strides = array<i32>} : memref<32x512xf32, #tpu.memory_space<vmem>>, vector<16xf32>,
      %gather3A_276 = tpu.vector_load_idx %arg13[%add3A_109, %broadcast_in_dim3A_269] : memref<512x32xf32, #tpu.memory_space<vmem>>[vector<16xi32>, vector<16xi32>], vector<16xf32>,
      %mul3A_277 = arith.mulf %get3A_275, %gather3A_276 : vector<16xf32>
      %get3A_278 = arith.constant 10 : i32
      %get3A_279 = arith.index_cast %get3A_278 : i32 to index
      %get3A_280 = arith.constant 0 : index
      %get3A_281 = tpu.vector_load %arg14[%get3A_279, %get3A_280] {strides = array<i32>} : memref<32x16xf32, #tpu.memory_space<vmem>>, vector<16xf32>,
      %mul3A_282 = arith.mulf %mul3A_277, %get3A_281 : vector<16xf32>
      %add3A_283 = arith.addf %add3A_267, %mul3A_282 : vector<16xf32>
      %broadcast_in_dim3A_284 = arith.constant 11 : i32
      %broadcast_in_dim3A_285 = vector.broadcast %broadcast_in_dim3A_284 : i32 to vector<16xi32>
      %mul3A_286 = arith.constant 16 : i32
      %mul3A_287 = arith.muli %scan3A_105, %mul3A_286 : i32
      %get3A_288 = arith.constant 11 : i32
      %get3A_289 = arith.index_cast %get3A_288 : i32 to index
      %get3A_290 = arith.index_cast %mul3A_287 : i32 to index
      %get3A_291 = tpu.vector_load %arg12[%get3A_289, %get3A_290] {strides = array<i32>} : memref<32x512xf32, #tpu.memory_space<vmem>>, vector<16xf32>,
      %gather3A_292 = tpu.vector_load_idx %arg13[%add3A_109, %broadcast_in_dim3A_285] : memref<512x32xf32, #tpu.memory_space<vmem>>[vector<16xi32>, vector<16xi32>], vector<16xf32>,
      %mul3A_293 = arith.mulf %get3A_291, %gather3A_292 : vector<16xf32>
      %get3A_294 = arith.constant 11 : i32
      %get3A_295 = arith.index_cast %get3A_294 : i32 to index
      %get3A_296 = arith.constant 0 : index
      %get3A_297 = tpu.vector_load %arg14[%get3A_295, %get3A_296] {strides = array<i32>} : memref<32x16xf32, #tpu.memory_space<vmem>>, vector<16xf32>,
      %mul3A_298 = arith.mulf %mul3A_293, %get3A_297 : vector<16xf32>
      %add3A_299 = arith.addf %add3A_283, %mul3A_298 : vector<16xf32>
      %broadcast_in_dim3A_300 = arith.constant 12 : i32
      %broadcast_in_dim3A_301 = vector.broadcast %broadcast_in_dim3A_300 : i32 to vector<16xi32>
      %mul3A_302 = arith.constant 16 : i32
      %mul3A_303 = arith.muli %scan3A_105, %mul3A_302 : i32
      %get3A_304 = arith.constant 12 : i32
      %get3A_305 = arith.index_cast %get3A_304 : i32 to index
      %get3A_306 = arith.index_cast %mul3A_303 : i32 to index
      %get3A_307 = tpu.vector_load %arg12[%get3A_305, %get3A_306] {strides = array<i32>} : memref<32x512xf32, #tpu.memory_space<vmem>>, vector<16xf32>,
      %gather3A_308 = tpu.vector_load_idx %arg13[%add3A_109, %broadcast_in_dim3A_301] : memref<512x32xf32, #tpu.memory_space<vmem>>[vector<16xi32>, vector<16xi32>], vector<16xf32>,
      %mul3A_309 = arith.mulf %get3A_307, %gather3A_308 : vector<16xf32>
      %get3A_310 = arith.constant 12 : i32
      %get3A_311 = arith.index_cast %get3A_310 : i32 to index
      %get3A_312 = arith.constant 0 : index
      %get3A_313 = tpu.vector_load %arg14[%get3A_311, %get3A_312] {strides = array<i32>} : memref<32x16xf32, #tpu.memory_space<vmem>>, vector<16xf32>,
      %mul3A_314 = arith.mulf %mul3A_309, %get3A_313 : vector<16xf32>
      %add3A_315 = arith.addf %add3A_299, %mul3A_314 : vector<16xf32>
      %broadcast_in_dim3A_316 = arith.constant 13 : i32
      %broadcast_in_dim3A_317 = vector.broadcast %broadcast_in_dim3A_316 : i32 to vector<16xi32>
      %mul3A_318 = arith.constant 16 : i32
      %mul3A_319 = arith.muli %scan3A_105, %mul3A_318 : i32
      %get3A_320 = arith.constant 13 : i32
      %get3A_321 = arith.index_cast %get3A_320 : i32 to index
      %get3A_322 = arith.index_cast %mul3A_319 : i32 to index
      %get3A_323 = tpu.vector_load %arg12[%get3A_321, %get3A_322] {strides = array<i32>} : memref<32x512xf32, #tpu.memory_space<vmem>>, vector<16xf32>,
      %gather3A_324 = tpu.vector_load_idx %arg13[%add3A_109, %broadcast_in_dim3A_317] : memref<512x32xf32, #tpu.memory_space<vmem>>[vector<16xi32>, vector<16xi32>], vector<16xf32>,
      %mul3A_325 = arith.mulf %get3A_323, %gather3A_324 : vector<16xf32>
      %get3A_326 = arith.constant 13 : i32
      %get3A_327 = arith.index_cast %get3A_326 : i32 to index
      %get3A_328 = arith.constant 0 : index
      %get3A_329 = tpu.vector_load %arg14[%get3A_327, %get3A_328] {strides = array<i32>} : memref<32x16xf32, #tpu.memory_space<vmem>>, vector<16xf32>,
      %mul3A_330 = arith.mulf %mul3A_325, %get3A_329 : vector<16xf32>
      %add3A_331 = arith.addf %add3A_315, %mul3A_330 : vector<16xf32>
      %broadcast_in_dim3A_332 = arith.constant 14 : i32
      %broadcast_in_dim3A_333 = vector.broadcast %broadcast_in_dim3A_332 : i32 to vector<16xi32>
      %mul3A_334 = arith.constant 16 : i32
      %mul3A_335 = arith.muli %scan3A_105, %mul3A_334 : i32
      %get3A_336 = arith.constant 14 : i32
      %get3A_337 = arith.index_cast %get3A_336 : i32 to index
      %get3A_338 = arith.index_cast %mul3A_335 : i32 to index
      %get3A_339 = tpu.vector_load %arg12[%get3A_337, %get3A_338] {strides = array<i32>} : memref<32x512xf32, #tpu.memory_space<vmem>>, vector<16xf32>,
      %gather3A_340 = tpu.vector_load_idx %arg13[%add3A_109, %broadcast_in_dim3A_333] : memref<512x32xf32, #tpu.memory_space<vmem>>[vector<16xi32>, vector<16xi32>], vector<16xf32>,
      %mul3A_341 = arith.mulf %get3A_339, %gather3A_340 : vector<16xf32>
      %get3A_342 = arith.constant 14 : i32
      %get3A_343 = arith.index_cast %get3A_342 : i32 to index
      %get3A_344 = arith.constant 0 : index
      %get3A_345 = tpu.vector_load %arg14[%get3A_343, %get3A_344] {strides = array<i32>} : memref<32x16xf32, #tpu.memory_space<vmem>>, vector<16xf32>,
      %mul3A_346 = arith.mulf %mul3A_341, %get3A_345 : vector<16xf32>
      %add3A_347 = arith.addf %add3A_331, %mul3A_346 : vector<16xf32>
      %broadcast_in_dim3A_348 = arith.constant 15 : i32
      %broadcast_in_dim3A_349 = vector.broadcast %broadcast_in_dim3A_348 : i32 to vector<16xi32>
      %mul3A_350 = arith.constant 16 : i32
      %mul3A_351 = arith.muli %scan3A_105, %mul3A_350 : i32
      %get3A_352 = arith.constant 15 : i32
      %get3A_353 = arith.index_cast %get3A_352 : i32 to index
      %get3A_354 = arith.index_cast %mul3A_351 : i32 to index
      %get3A_355 = tpu.vector_load %arg12[%get3A_353, %get3A_354] {strides = array<i32>} : memref<32x512xf32, #tpu.memory_space<vmem>>, vector<16xf32>,
      %gather3A_356 = tpu.vector_load_idx %arg13[%add3A_109, %broadcast_in_dim3A_349] : memref<512x32xf32, #tpu.memory_space<vmem>>[vector<16xi32>, vector<16xi32>], vector<16xf32>,
      %mul3A_357 = arith.mulf %get3A_355, %gather3A_356 : vector<16xf32>
      %get3A_358 = arith.constant 15 : i32
      %get3A_359 = arith.index_cast %get3A_358 : i32 to index
      %get3A_360 = arith.constant 0 : index
      %get3A_361 = tpu.vector_load %arg14[%get3A_359, %get3A_360] {strides = array<i32>} : memref<32x16xf32, #tpu.memory_space<vmem>>, vector<16xf32>,
      %mul3A_362 = arith.mulf %mul3A_357, %get3A_361 : vector<16xf32>
      %add3A_363 = arith.addf %add3A_347, %mul3A_362 : vector<16xf32>
      %broadcast_in_dim3A_364 = arith.constant 16 : i32
      %broadcast_in_dim3A_365 = vector.broadcast %broadcast_in_dim3A_364 : i32 to vector<16xi32>
      %mul3A_366 = arith.constant 16 : i32
      %mul3A_367 = arith.muli %scan3A_105, %mul3A_366 : i32
      %get3A_368 = arith.constant 16 : i32
      %get3A_369 = arith.index_cast %get3A_368 : i32 to index
      %get3A_370 = arith.index_cast %mul3A_367 : i32 to index
      %get3A_371 = tpu.vector_load %arg12[%get3A_369, %get3A_370] {strides = array<i32>} : memref<32x512xf32, #tpu.memory_space<vmem>>, vector<16xf32>,
      %gather3A_372 = tpu.vector_load_idx %arg13[%add3A_109, %broadcast_in_dim3A_365] : memref<512x32xf32, #tpu.memory_space<vmem>>[vector<16xi32>, vector<16xi32>], vector<16xf32>,
      %mul3A_373 = arith.mulf %get3A_371, %gather3A_372 : vector<16xf32>
      %get3A_374 = arith.constant 16 : i32
      %get3A_375 = arith.index_cast %get3A_374 : i32 to index
      %get3A_376 = arith.constant 0 : index
      %get3A_377 = tpu.vector_load %arg14[%get3A_375, %get3A_376] {strides = array<i32>} : memref<32x16xf32, #tpu.memory_space<vmem>>, vector<16xf32>,
      %mul3A_378 = arith.mulf %mul3A_373, %get3A_377 : vector<16xf32>
      %add3A_379 = arith.addf %add3A_363, %mul3A_378 : vector<16xf32>
      %broadcast_in_dim3A_380 = arith.constant 17 : i32
      %broadcast_in_dim3A_381 = vector.broadcast %broadcast_in_dim3A_380 : i32 to vector<16xi32>
      %mul3A_382 = arith.constant 16 : i32
      %mul3A_383 = arith.muli %scan3A_105, %mul3A_382 : i32
      %get3A_384 = arith.constant 17 : i32
      %get3A_385 = arith.index_cast %get3A_384 : i32 to index
      %get3A_386 = arith.index_cast %mul3A_383 : i32 to index
      %get3A_387 = tpu.vector_load %arg12[%get3A_385, %get3A_386] {strides = array<i32>} : memref<32x512xf32, #tpu.memory_space<vmem>>, vector<16xf32>,
      %gather3A_388 = tpu.vector_load_idx %arg13[%add3A_109, %broadcast_in_dim3A_381] : memref<512x32xf32, #tpu.memory_space<vmem>>[vector<16xi32>, vector<16xi32>], vector<16xf32>,
      %mul3A_389 = arith.mulf %get3A_387, %gather3A_388 : vector<16xf32>
      %get3A_390 = arith.constant 17 : i32
      %get3A_391 = arith.index_cast %get3A_390 : i32 to index
      %get3A_392 = arith.constant 0 : index
      %get3A_393 = tpu.vector_load %arg14[%get3A_391, %get3A_392] {strides = array<i32>} : memref<32x16xf32, #tpu.memory_space<vmem>>, vector<16xf32>,
      %mul3A_394 = arith.mulf %mul3A_389, %get3A_393 : vector<16xf32>
      %add3A_395 = arith.addf %add3A_379, %mul3A_394 : vector<16xf32>
      %broadcast_in_dim3A_396 = arith.constant 18 : i32
      %broadcast_in_dim3A_397 = vector.broadcast %broadcast_in_dim3A_396 : i32 to vector<16xi32>
      %mul3A_398 = arith.constant 16 : i32
      %mul3A_399 = arith.muli %scan3A_105, %mul3A_398 : i32
      %get3A_400 = arith.constant 18 : i32
      %get3A_401 = arith.index_cast %get3A_400 : i32 to index
      %get3A_402 = arith.index_cast %mul3A_399 : i32 to index
      %get3A_403 = tpu.vector_load %arg12[%get3A_401, %get3A_402] {strides = array<i32>} : memref<32x512xf32, #tpu.memory_space<vmem>>, vector<16xf32>,
      %gather3A_404 = tpu.vector_load_idx %arg13[%add3A_109, %broadcast_in_dim3A_397] : memref<512x32xf32, #tpu.memory_space<vmem>>[vector<16xi32>, vector<16xi32>], vector<16xf32>,
      %mul3A_405 = arith.mulf %get3A_403, %gather3A_404 : vector<16xf32>
      %get3A_406 = arith.constant 18 : i32
      %get3A_407 = arith.index_cast %get3A_406 : i32 to index
      %get3A_408 = arith.constant 0 : index
      %get3A_409 = tpu.vector_load %arg14[%get3A_407, %get3A_408] {strides = array<i32>} : memref<32x16xf32, #tpu.memory_space<vmem>>, vector<16xf32>,
      %mul3A_410 = arith.mulf %mul3A_405, %get3A_409 : vector<16xf32>
      %add3A_411 = arith.addf %add3A_395, %mul3A_410 : vector<16xf32>
      %broadcast_in_dim3A_412 = arith.constant 19 : i32
      %broadcast_in_dim3A_413 = vector.broadcast %broadcast_in_dim3A_412 : i32 to vector<16xi32>
      %mul3A_414 = arith.constant 16 : i32
      %mul3A_415 = arith.muli %scan3A_105, %mul3A_414 : i32
      %get3A_416 = arith.constant 19 : i32
      %get3A_417 = arith.index_cast %get3A_416 : i32 to index
      %get3A_418 = arith.index_cast %mul3A_415 : i32 to index
      %get3A_419 = tpu.vector_load %arg12[%get3A_417, %get3A_418] {strides = array<i32>} : memref<32x512xf32, #tpu.memory_space<vmem>>, vector<16xf32>,
      %gather3A_420 = tpu.vector_load_idx %arg13[%add3A_109, %broadcast_in_dim3A_413] : memref<512x32xf32, #tpu.memory_space<vmem>>[vector<16xi32>, vector<16xi32>], vector<16xf32>,
      %mul3A_421 = arith.mulf %get3A_419, %gather3A_420 : vector<16xf32>
      %get3A_422 = arith.constant 19 : i32
      %get3A_423 = arith.index_cast %get3A_422 : i32 to index
      %get3A_424 = arith.constant 0 : index
      %get3A_425 = tpu.vector_load %arg14[%get3A_423, %get3A_424] {strides = array<i32>} : memref<32x16xf32, #tpu.memory_space<vmem>>, vector<16xf32>,
      %mul3A_426 = arith.mulf %mul3A_421, %get3A_425 : vector<16xf32>
      %add3A_427 = arith.addf %add3A_411, %mul3A_426 : vector<16xf32>
      %broadcast_in_dim3A_428 = arith.constant 20 : i32
      %broadcast_in_dim3A_429 = vector.broadcast %broadcast_in_dim3A_428 : i32 to vector<16xi32>
      %mul3A_430 = arith.constant 16 : i32
      %mul3A_431 = arith.muli %scan3A_105, %mul3A_430 : i32
      %get3A_432 = arith.constant 20 : i32
      %get3A_433 = arith.index_cast %get3A_432 : i32 to index
      %get3A_434 = arith.index_cast %mul3A_431 : i32 to index
      %get3A_435 = tpu.vector_load %arg12[%get3A_433, %get3A_434] {strides = array<i32>} : memref<32x512xf32, #tpu.memory_space<vmem>>, vector<16xf32>,
      %gather3A_436 = tpu.vector_load_idx %arg13[%add3A_109, %broadcast_in_dim3A_429] : memref<512x32xf32, #tpu.memory_space<vmem>>[vector<16xi32>, vector<16xi32>], vector<16xf32>,
      %mul3A_437 = arith.mulf %get3A_435, %gather3A_436 : vector<16xf32>
      %get3A_438 = arith.constant 20 : i32
      %get3A_439 = arith.index_cast %get3A_438 : i32 to index
      %get3A_440 = arith.constant 0 : index
      %get3A_441 = tpu.vector_load %arg14[%get3A_439, %get3A_440] {strides = array<i32>} : memref<32x16xf32, #tpu.memory_space<vmem>>, vector<16xf32>,
      %mul3A_442 = arith.mulf %mul3A_437, %get3A_441 : vector<16xf32>
      %add3A_443 = arith.addf %add3A_427, %mul3A_442 : vector<16xf32>
      %broadcast_in_dim3A_444 = arith.constant 21 : i32
      %broadcast_in_dim3A_445 = vector.broadcast %broadcast_in_dim3A_444 : i32 to vector<16xi32>
      %mul3A_446 = arith.constant 16 : i32
      %mul3A_447 = arith.muli %scan3A_105, %mul3A_446 : i32
      %get3A_448 = arith.constant 21 : i32
      %get3A_449 = arith.index_cast %get3A_448 : i32 to index
      %get3A_450 = arith.index_cast %mul3A_447 : i32 to index
      %get3A_451 = tpu.vector_load %arg12[%get3A_449, %get3A_450] {strides = array<i32>} : memref<32x512xf32, #tpu.memory_space<vmem>>, vector<16xf32>,
      %gather3A_452 = tpu.vector_load_idx %arg13[%add3A_109, %broadcast_in_dim3A_445] : memref<512x32xf32, #tpu.memory_space<vmem>>[vector<16xi32>, vector<16xi32>], vector<16xf32>,
      %mul3A_453 = arith.mulf %get3A_451, %gather3A_452 : vector<16xf32>
      %get3A_454 = arith.constant 21 : i32
      %get3A_455 = arith.index_cast %get3A_454 : i32 to index
      %get3A_456 = arith.constant 0 : index
      %get3A_457 = tpu.vector_load %arg14[%get3A_455, %get3A_456] {strides = array<i32>} : memref<32x16xf32, #tpu.memory_space<vmem>>, vector<16xf32>,
      %mul3A_458 = arith.mulf %mul3A_453, %get3A_457 : vector<16xf32>
      %add3A_459 = arith.addf %add3A_443, %mul3A_458 : vector<16xf32>
      %broadcast_in_dim3A_460 = arith.constant 22 : i32
      %broadcast_in_dim3A_461 = vector.broadcast %broadcast_in_dim3A_460 : i32 to vector<16xi32>
      %mul3A_462 = arith.constant 16 : i32
      %mul3A_463 = arith.muli %scan3A_105, %mul3A_462 : i32
      %get3A_464 = arith.constant 22 : i32
      %get3A_465 = arith.index_cast %get3A_464 : i32 to index
      %get3A_466 = arith.index_cast %mul3A_463 : i32 to index
      %get3A_467 = tpu.vector_load %arg12[%get3A_465, %get3A_466] {strides = array<i32>} : memref<32x512xf32, #tpu.memory_space<vmem>>, vector<16xf32>,
      %gather3A_468 = tpu.vector_load_idx %arg13[%add3A_109, %broadcast_in_dim3A_461] : memref<512x32xf32, #tpu.memory_space<vmem>>[vector<16xi32>, vector<16xi32>], vector<16xf32>,
      %mul3A_469 = arith.mulf %get3A_467, %gather3A_468 : vector<16xf32>
      %get3A_470 = arith.constant 22 : i32
      %get3A_471 = arith.index_cast %get3A_470 : i32 to index
      %get3A_472 = arith.constant 0 : index
      %get3A_473 = tpu.vector_load %arg14[%get3A_471, %get3A_472] {strides = array<i32>} : memref<32x16xf32, #tpu.memory_space<vmem>>, vector<16xf32>,
      %mul3A_474 = arith.mulf %mul3A_469, %get3A_473 : vector<16xf32>
      %add3A_475 = arith.addf %add3A_459, %mul3A_474 : vector<16xf32>
      %broadcast_in_dim3A_476 = arith.constant 23 : i32
      %broadcast_in_dim3A_477 = vector.broadcast %broadcast_in_dim3A_476 : i32 to vector<16xi32>
      %mul3A_478 = arith.constant 16 : i32
      %mul3A_479 = arith.muli %scan3A_105, %mul3A_478 : i32
      %get3A_480 = arith.constant 23 : i32
      %get3A_481 = arith.index_cast %get3A_480 : i32 to index
      %get3A_482 = arith.index_cast %mul3A_479 : i32 to index
      %get3A_483 = tpu.vector_load %arg12[%get3A_481, %get3A_482] {strides = array<i32>} : memref<32x512xf32, #tpu.memory_space<vmem>>, vector<16xf32>,
      %gather3A_484 = tpu.vector_load_idx %arg13[%add3A_109, %broadcast_in_dim3A_477] : memref<512x32xf32, #tpu.memory_space<vmem>>[vector<16xi32>, vector<16xi32>], vector<16xf32>,
      %mul3A_485 = arith.mulf %get3A_483, %gather3A_484 : vector<16xf32>
      %get3A_486 = arith.constant 23 : i32
      %get3A_487 = arith.index_cast %get3A_486 : i32 to index
      %get3A_488 = arith.constant 0 : index
      %get3A_489 = tpu.vector_load %arg14[%get3A_487, %get3A_488] {strides = array<i32>} : memref<32x16xf32, #tpu.memory_space<vmem>>, vector<16xf32>,
      %mul3A_490 = arith.mulf %mul3A_485, %get3A_489 : vector<16xf32>
      %add3A_491 = arith.addf %add3A_475, %mul3A_490 : vector<16xf32>
      %broadcast_in_dim3A_492 = arith.constant 24 : i32
      %broadcast_in_dim3A_493 = vector.broadcast %broadcast_in_dim3A_492 : i32 to vector<16xi32>
      %mul3A_494 = arith.constant 16 : i32
      %mul3A_495 = arith.muli %scan3A_105, %mul3A_494 : i32
      %get3A_496 = arith.constant 24 : i32
      %get3A_497 = arith.index_cast %get3A_496 : i32 to index
      %get3A_498 = arith.index_cast %mul3A_495 : i32 to index
      %get3A_499 = tpu.vector_load %arg12[%get3A_497, %get3A_498] {strides = array<i32>} : memref<32x512xf32, #tpu.memory_space<vmem>>, vector<16xf32>,
      %gather3A_500 = tpu.vector_load_idx %arg13[%add3A_109, %broadcast_in_dim3A_493] : memref<512x32xf32, #tpu.memory_space<vmem>>[vector<16xi32>, vector<16xi32>], vector<16xf32>,
      %mul3A_501 = arith.mulf %get3A_499, %gather3A_500 : vector<16xf32>
      %get3A_502 = arith.constant 24 : i32
      %get3A_503 = arith.index_cast %get3A_502 : i32 to index
      %get3A_504 = arith.constant 0 : index
      %get3A_505 = tpu.vector_load %arg14[%get3A_503, %get3A_504] {strides = array<i32>} : memref<32x16xf32, #tpu.memory_space<vmem>>, vector<16xf32>,
      %mul3A_506 = arith.mulf %mul3A_501, %get3A_505 : vector<16xf32>
      %add3A_507 = arith.addf %add3A_491, %mul3A_506 : vector<16xf32>
      %broadcast_in_dim3A_508 = arith.constant 25 : i32
      %broadcast_in_dim3A_509 = vector.broadcast %broadcast_in_dim3A_508 : i32 to vector<16xi32>
      %mul3A_510 = arith.constant 16 : i32
      %mul3A_511 = arith.muli %scan3A_105, %mul3A_510 : i32
      %get3A_512 = arith.constant 25 : i32
      %get3A_513 = arith.index_cast %get3A_512 : i32 to index
      %get3A_514 = arith.index_cast %mul3A_511 : i32 to index
      %get3A_515 = tpu.vector_load %arg12[%get3A_513, %get3A_514] {strides = array<i32>} : memref<32x512xf32, #tpu.memory_space<vmem>>, vector<16xf32>,
      %gather3A_516 = tpu.vector_load_idx %arg13[%add3A_109, %broadcast_in_dim3A_509] : memref<512x32xf32, #tpu.memory_space<vmem>>[vector<16xi32>, vector<16xi32>], vector<16xf32>,
      %mul3A_517 = arith.mulf %get3A_515, %gather3A_516 : vector<16xf32>
      %get3A_518 = arith.constant 25 : i32
      %get3A_519 = arith.index_cast %get3A_518 : i32 to index
      %get3A_520 = arith.constant 0 : index
      %get3A_521 = tpu.vector_load %arg14[%get3A_519, %get3A_520] {strides = array<i32>} : memref<32x16xf32, #tpu.memory_space<vmem>>, vector<16xf32>,
      %mul3A_522 = arith.mulf %mul3A_517, %get3A_521 : vector<16xf32>
      %add3A_523 = arith.addf %add3A_507, %mul3A_522 : vector<16xf32>
      %broadcast_in_dim3A_524 = arith.constant 26 : i32
      %broadcast_in_dim3A_525 = vector.broadcast %broadcast_in_dim3A_524 : i32 to vector<16xi32>
      %mul3A_526 = arith.constant 16 : i32
      %mul3A_527 = arith.muli %scan3A_105, %mul3A_526 : i32
      %get3A_528 = arith.constant 26 : i32
      %get3A_529 = arith.index_cast %get3A_528 : i32 to index
      %get3A_530 = arith.index_cast %mul3A_527 : i32 to index
      %get3A_531 = tpu.vector_load %arg12[%get3A_529, %get3A_530] {strides = array<i32>} : memref<32x512xf32, #tpu.memory_space<vmem>>, vector<16xf32>,
      %gather3A_532 = tpu.vector_load_idx %arg13[%add3A_109, %broadcast_in_dim3A_525] : memref<512x32xf32, #tpu.memory_space<vmem>>[vector<16xi32>, vector<16xi32>], vector<16xf32>,
      %mul3A_533 = arith.mulf %get3A_531, %gather3A_532 : vector<16xf32>
      %get3A_534 = arith.constant 26 : i32
      %get3A_535 = arith.index_cast %get3A_534 : i32 to index
      %get3A_536 = arith.constant 0 : index
      %get3A_537 = tpu.vector_load %arg14[%get3A_535, %get3A_536] {strides = array<i32>} : memref<32x16xf32, #tpu.memory_space<vmem>>, vector<16xf32>,
      %mul3A_538 = arith.mulf %mul3A_533, %get3A_537 : vector<16xf32>
      %add3A_539 = arith.addf %add3A_523, %mul3A_538 : vector<16xf32>
      %broadcast_in_dim3A_540 = arith.constant 27 : i32
      %broadcast_in_dim3A_541 = vector.broadcast %broadcast_in_dim3A_540 : i32 to vector<16xi32>
      %mul3A_542 = arith.constant 16 : i32
      %mul3A_543 = arith.muli %scan3A_105, %mul3A_542 : i32
      %get3A_544 = arith.constant 27 : i32
      %get3A_545 = arith.index_cast %get3A_544 : i32 to index
      %get3A_546 = arith.index_cast %mul3A_543 : i32 to index
      %get3A_547 = tpu.vector_load %arg12[%get3A_545, %get3A_546] {strides = array<i32>} : memref<32x512xf32, #tpu.memory_space<vmem>>, vector<16xf32>,
      %gather3A_548 = tpu.vector_load_idx %arg13[%add3A_109, %broadcast_in_dim3A_541] : memref<512x32xf32, #tpu.memory_space<vmem>>[vector<16xi32>, vector<16xi32>], vector<16xf32>,
      %mul3A_549 = arith.mulf %get3A_547, %gather3A_548 : vector<16xf32>
      %get3A_550 = arith.constant 27 : i32
      %get3A_551 = arith.index_cast %get3A_550 : i32 to index
      %get3A_552 = arith.constant 0 : index
      %get3A_553 = tpu.vector_load %arg14[%get3A_551, %get3A_552] {strides = array<i32>} : memref<32x16xf32, #tpu.memory_space<vmem>>, vector<16xf32>,
      %mul3A_554 = arith.mulf %mul3A_549, %get3A_553 : vector<16xf32>
      %add3A_555 = arith.addf %add3A_539, %mul3A_554 : vector<16xf32>
      %broadcast_in_dim3A_556 = arith.constant 28 : i32
      %broadcast_in_dim3A_557 = vector.broadcast %broadcast_in_dim3A_556 : i32 to vector<16xi32>
      %mul3A_558 = arith.constant 16 : i32
      %mul3A_559 = arith.muli %scan3A_105, %mul3A_558 : i32
      %get3A_560 = arith.constant 28 : i32
      %get3A_561 = arith.index_cast %get3A_560 : i32 to index
      %get3A_562 = arith.index_cast %mul3A_559 : i32 to index
      %get3A_563 = tpu.vector_load %arg12[%get3A_561, %get3A_562] {strides = array<i32>} : memref<32x512xf32, #tpu.memory_space<vmem>>, vector<16xf32>,
      %gather3A_564 = tpu.vector_load_idx %arg13[%add3A_109, %broadcast_in_dim3A_557] : memref<512x32xf32, #tpu.memory_space<vmem>>[vector<16xi32>, vector<16xi32>], vector<16xf32>,
      %mul3A_565 = arith.mulf %get3A_563, %gather3A_564 : vector<16xf32>
      %get3A_566 = arith.constant 28 : i32
      %get3A_567 = arith.index_cast %get3A_566 : i32 to index
      %get3A_568 = arith.constant 0 : index
      %get3A_569 = tpu.vector_load %arg14[%get3A_567, %get3A_568] {strides = array<i32>} : memref<32x16xf32, #tpu.memory_space<vmem>>, vector<16xf32>,
      %mul3A_570 = arith.mulf %mul3A_565, %get3A_569 : vector<16xf32>
      %add3A_571 = arith.addf %add3A_555, %mul3A_570 : vector<16xf32>
      %broadcast_in_dim3A_572 = arith.constant 29 : i32
      %broadcast_in_dim3A_573 = vector.broadcast %broadcast_in_dim3A_572 : i32 to vector<16xi32>
      %mul3A_574 = arith.constant 16 : i32
      %mul3A_575 = arith.muli %scan3A_105, %mul3A_574 : i32
      %get3A_576 = arith.constant 29 : i32
      %get3A_577 = arith.index_cast %get3A_576 : i32 to index
      %get3A_578 = arith.index_cast %mul3A_575 : i32 to index
      %get3A_579 = tpu.vector_load %arg12[%get3A_577, %get3A_578] {strides = array<i32>} : memref<32x512xf32, #tpu.memory_space<vmem>>, vector<16xf32>,
      %gather3A_580 = tpu.vector_load_idx %arg13[%add3A_109, %broadcast_in_dim3A_573] : memref<512x32xf32, #tpu.memory_space<vmem>>[vector<16xi32>, vector<16xi32>], vector<16xf32>,
      %mul3A_581 = arith.mulf %get3A_579, %gather3A_580 : vector<16xf32>
      %get3A_582 = arith.constant 29 : i32
      %get3A_583 = arith.index_cast %get3A_582 : i32 to index
      %get3A_584 = arith.constant 0 : index
      %get3A_585 = tpu.vector_load %arg14[%get3A_583, %get3A_584] {strides = array<i32>} : memref<32x16xf32, #tpu.memory_space<vmem>>, vector<16xf32>,
      %mul3A_586 = arith.mulf %mul3A_581, %get3A_585 : vector<16xf32>
      %add3A_587 = arith.addf %add3A_571, %mul3A_586 : vector<16xf32>
      %broadcast_in_dim3A_588 = arith.constant 30 : i32
      %broadcast_in_dim3A_589 = vector.broadcast %broadcast_in_dim3A_588 : i32 to vector<16xi32>
      %mul3A_590 = arith.constant 16 : i32
      %mul3A_591 = arith.muli %scan3A_105, %mul3A_590 : i32
      %get3A_592 = arith.constant 30 : i32
      %get3A_593 = arith.index_cast %get3A_592 : i32 to index
      %get3A_594 = arith.index_cast %mul3A_591 : i32 to index
      %get3A_595 = tpu.vector_load %arg12[%get3A_593, %get3A_594] {strides = array<i32>} : memref<32x512xf32, #tpu.memory_space<vmem>>, vector<16xf32>,
      %gather3A_596 = tpu.vector_load_idx %arg13[%add3A_109, %broadcast_in_dim3A_589] : memref<512x32xf32, #tpu.memory_space<vmem>>[vector<16xi32>, vector<16xi32>], vector<16xf32>,
      %mul3A_597 = arith.mulf %get3A_595, %gather3A_596 : vector<16xf32>
      %get3A_598 = arith.constant 30 : i32
      %get3A_599 = arith.index_cast %get3A_598 : i32 to index
      %get3A_600 = arith.constant 0 : index
      %get3A_601 = tpu.vector_load %arg14[%get3A_599, %get3A_600] {strides = array<i32>} : memref<32x16xf32, #tpu.memory_space<vmem>>, vector<16xf32>,
      %mul3A_602 = arith.mulf %mul3A_597, %get3A_601 : vector<16xf32>
      %add3A_603 = arith.addf %add3A_587, %mul3A_602 : vector<16xf32>
      %broadcast_in_dim3A_604 = arith.constant 31 : i32
      %broadcast_in_dim3A_605 = vector.broadcast %broadcast_in_dim3A_604 : i32 to vector<16xi32>
      %mul3A_606 = arith.constant 16 : i32
      %mul3A_607 = arith.muli %scan3A_105, %mul3A_606 : i32
      %get3A_608 = arith.constant 31 : i32
      %get3A_609 = arith.index_cast %get3A_608 : i32 to index
      %get3A_610 = arith.index_cast %mul3A_607 : i32 to index
      %get3A_611 = tpu.vector_load %arg12[%get3A_609, %get3A_610] {strides = array<i32>} : memref<32x512xf32, #tpu.memory_space<vmem>>, vector<16xf32>,
      %gather3A_612 = tpu.vector_load_idx %arg13[%add3A_109, %broadcast_in_dim3A_605] : memref<512x32xf32, #tpu.memory_space<vmem>>[vector<16xi32>, vector<16xi32>], vector<16xf32>,
      %mul3A_613 = arith.mulf %get3A_611, %gather3A_612 : vector<16xf32>
      %get3A_614 = arith.constant 31 : i32
      %get3A_615 = arith.index_cast %get3A_614 : i32 to index
      %get3A_616 = arith.constant 0 : index
      %get3A_617 = tpu.vector_load %arg14[%get3A_615, %get3A_616] {strides = array<i32>} : memref<32x16xf32, #tpu.memory_space<vmem>>, vector<16xf32>,
      %mul3A_618 = arith.mulf %mul3A_613, %get3A_617 : vector<16xf32>
      %add3A_619 = arith.addf %add3A_603, %mul3A_618 : vector<16xf32>
      %neg3A = arith.constant 0.000000e+00 : f32
      %neg3A_620 = vector.broadcast %neg3A : f32 to vector<16xf32>
      %neg3A_621 = arith.subf %neg3A_620, %add3A_619 : vector<16xf32>
      %exp3A = math.exp %neg3A_621 : vector<16xf32>
      %add3A_622 = arith.constant 1.000000e+00 : f32
      %add3A_623 = vector.broadcast %add3A_622 : f32 to vector<16xf32>
      %add3A_624 = arith.addf %add3A_623, %exp3A : vector<16xf32>
      %div3A = arith.constant 4.000000e+00 : f32
      %div3A_625 = vector.broadcast %div3A : f32 to vector<16xf32>
      %div3A_626 = arith.divf %div3A_625, %add3A_624 : vector<16xf32>
      %add3A_627 = arith.constant 1.000000e+00 : f32
      %add3A_628 = vector.broadcast %add3A_627 : f32 to vector<16xf32>
      %add3A_629 = arith.addf %div3A_626, %add3A_628 : vector<16xf32>
      tpu.vector_store_idx %arg16[%add3A_109], %add3A_629 : memref<512xf32, #tpu.memory_space<vmem>>[vector<16xi32>], vector<16xf32>,
    }
    %scan3A_104 = arith.constant 32 : i32
    "tpu.region"() ({
      %run_scoped3A = tpu.sem_alloc : memref<!tpu.dma_semaphore, #tpu.memory_space<semaphore_mem>>
      %dma_start3A_105 = tpu.memref_slice %arg8[%mul3A_2] : memref<16384xf32, #tpu.memory_space<hbm>> -> memref<512xf32, #tpu.memory_space<hbm>>
      %dma_start3A_106 = tpu.memref_slice %arg8[%mul3A_2] : memref<16384xf32, #tpu.memory_space<hbm>> -> memref<512xf32, #tpu.memory_space<hbm>>
      tpu.enqueue_dma source(%arg16 : memref<512xf32, #tpu.memory_space<vmem>>) target(%dma_start3A_106 : memref<512xf32, #tpu.memory_space<hbm>>) target_semaphore(%run_scoped3A : memref<!tpu.dma_semaphore, #tpu.memory_space<semaphore_mem>>)
      %dma_wait3A_107 = tpu.memref_slice %arg8[%mul3A_2] : memref<16384xf32, #tpu.memory_space<hbm>> -> memref<512xf32, #tpu.memory_space<hbm>>
      %dma_wait3A_108 = tpu.memref_slice %arg8[%mul3A_2] : memref<16384xf32, #tpu.memory_space<hbm>> -> memref<512xf32, #tpu.memory_space<hbm>>
      tpu.wait_dma2 semaphore(%run_scoped3A : memref<!tpu.dma_semaphore, #tpu.memory_space<semaphore_mem>>) src(%arg16 : memref<512xf32, #tpu.memory_space<vmem>>) dst(%dma_wait3A_108 : memref<512xf32, #tpu.memory_space<hbm>>)
      tpu.yield
    }) : () -> ()
    return
  }
}

#map = affine_map<(d0, d1) -> (0, 0)>
#map1 = affine_map<(d0, d1) -> (0)>
module attributes {stable_mosaic.version = 14 : i64} {
  func.func @_detile_body(%arg0: i32, %arg1: i32, %arg2: memref<32x1000000xf32, #tpu.memory_space<hbm>>, %arg3: memref<32000000xf32, #tpu.memory_space<hbm>>, %arg4: memref<24576xf32, #tpu.memory_space<vmem>>, %arg5: memref<24576xf32, #tpu.memory_space<vmem>>, %arg6: memref<24576xf32, #tpu.memory_space<vmem>>, %arg7: memref<24576xf32, #tpu.memory_space<vmem>>, %arg8: memref<64xf32, #tpu.memory_space<vmem>>, %arg9: memref<!tpu.dma_semaphore, #tpu.memory_space<semaphore_mem>>, %arg10: memref<!tpu.dma_semaphore, #tpu.memory_space<semaphore_mem>>, %arg11: memref<!tpu.dma_semaphore, #tpu.memory_space<semaphore_mem>>, %arg12: memref<!tpu.dma_semaphore, #tpu.memory_space<semaphore_mem>>, %arg13: memref<!tpu.dma_semaphore, #tpu.memory_space<semaphore_mem>>, %arg14: memref<!tpu.dma_semaphore, #tpu.memory_space<semaphore_mem>>, %arg15: memref<!tpu.dma_semaphore, #tpu.memory_space<semaphore_mem>>, %arg16: memref<!tpu.dma_semaphore, #tpu.memory_space<semaphore_mem>>) attributes {dimension_semantics = [#tpu.dimension_semantics<core_parallel>, #tpu.dimension_semantics<subcore_parallel>], iteration_bounds = array<i64: 2, 16>, scalar_prefetch = 0 : i64, scratch_operands = 13 : i64, tpu.core_type = #tpu.core_type<sc_vector_subcore>, window_params = [{transform_indices = #map}, {transform_indices = #map1}]} {
    %mul3A = arith.constant 2 : i32
    %mul3A_0 = arith.muli %arg1, %mul3A : i32
    %add3A = arith.addi %mul3A_0, %arg0 : i32
    %mul3A_1 = arith.constant 1000000 : i32
    %mul3A_2 = arith.muli %add3A, %mul3A_1 : i32
    %dma_start3A = arith.constant 0 : i32
    %dma_start3A_3 = tpu.memref_slice %arg2[%add3A, %dma_start3A] : memref<32x1000000xf32, #tpu.memory_space<hbm>> -> memref<1x24576xf32, #tpu.memory_space<hbm>>
    %dma_start3A_4 = tpu.memref_squeeze %dma_start3A_3 : memref<1x24576xf32, #tpu.memory_space<hbm>> -> memref<24576xf32, #tpu.memory_space<hbm>>
    %dma_start3A_5 = arith.constant 0 : i32
    %dma_start3A_6 = tpu.memref_slice %arg2[%add3A, %dma_start3A_5] : memref<32x1000000xf32, #tpu.memory_space<hbm>> -> memref<1x24576xf32, #tpu.memory_space<hbm>>
    %dma_start3A_7 = tpu.memref_squeeze %dma_start3A_6 : memref<1x24576xf32, #tpu.memory_space<hbm>> -> memref<24576xf32, #tpu.memory_space<hbm>>
    tpu.enqueue_dma source(%dma_start3A_7 : memref<24576xf32, #tpu.memory_space<hbm>>) target(%arg4 : memref<24576xf32, #tpu.memory_space<vmem>>) target_semaphore(%arg9 : memref<!tpu.dma_semaphore, #tpu.memory_space<semaphore_mem>>)
    %dma_start3A_8 = arith.constant 24576 : i32
    %dma_start3A_9 = tpu.memref_slice %arg2[%add3A, %dma_start3A_8] : memref<32x1000000xf32, #tpu.memory_space<hbm>> -> memref<1x24576xf32, #tpu.memory_space<hbm>>
    %dma_start3A_10 = tpu.memref_squeeze %dma_start3A_9 : memref<1x24576xf32, #tpu.memory_space<hbm>> -> memref<24576xf32, #tpu.memory_space<hbm>>
    %dma_start3A_11 = arith.constant 24576 : i32
    %dma_start3A_12 = tpu.memref_slice %arg2[%add3A, %dma_start3A_11] : memref<32x1000000xf32, #tpu.memory_space<hbm>> -> memref<1x24576xf32, #tpu.memory_space<hbm>>
    %dma_start3A_13 = tpu.memref_squeeze %dma_start3A_12 : memref<1x24576xf32, #tpu.memory_space<hbm>> -> memref<24576xf32, #tpu.memory_space<hbm>>
    tpu.enqueue_dma source(%dma_start3A_13 : memref<24576xf32, #tpu.memory_space<hbm>>) target(%arg5 : memref<24576xf32, #tpu.memory_space<vmem>>) target_semaphore(%arg10 : memref<!tpu.dma_semaphore, #tpu.memory_space<semaphore_mem>>)
    %dma_start3A_14 = arith.constant 49152 : i32
    %dma_start3A_15 = tpu.memref_slice %arg2[%add3A, %dma_start3A_14] : memref<32x1000000xf32, #tpu.memory_space<hbm>> -> memref<1x24576xf32, #tpu.memory_space<hbm>>
    %dma_start3A_16 = tpu.memref_squeeze %dma_start3A_15 : memref<1x24576xf32, #tpu.memory_space<hbm>> -> memref<24576xf32, #tpu.memory_space<hbm>>
    %dma_start3A_17 = arith.constant 49152 : i32
    %dma_start3A_18 = tpu.memref_slice %arg2[%add3A, %dma_start3A_17] : memref<32x1000000xf32, #tpu.memory_space<hbm>> -> memref<1x24576xf32, #tpu.memory_space<hbm>>
    %dma_start3A_19 = tpu.memref_squeeze %dma_start3A_18 : memref<1x24576xf32, #tpu.memory_space<hbm>> -> memref<24576xf32, #tpu.memory_space<hbm>>
    tpu.enqueue_dma source(%dma_start3A_19 : memref<24576xf32, #tpu.memory_space<hbm>>) target(%arg6 : memref<24576xf32, #tpu.memory_space<vmem>>) target_semaphore(%arg11 : memref<!tpu.dma_semaphore, #tpu.memory_space<semaphore_mem>>)
    %dma_start3A_20 = arith.constant 73728 : i32
    %dma_start3A_21 = tpu.memref_slice %arg2[%add3A, %dma_start3A_20] : memref<32x1000000xf32, #tpu.memory_space<hbm>> -> memref<1x24576xf32, #tpu.memory_space<hbm>>
    %dma_start3A_22 = tpu.memref_squeeze %dma_start3A_21 : memref<1x24576xf32, #tpu.memory_space<hbm>> -> memref<24576xf32, #tpu.memory_space<hbm>>
    %dma_start3A_23 = arith.constant 73728 : i32
    %dma_start3A_24 = tpu.memref_slice %arg2[%add3A, %dma_start3A_23] : memref<32x1000000xf32, #tpu.memory_space<hbm>> -> memref<1x24576xf32, #tpu.memory_space<hbm>>
    %dma_start3A_25 = tpu.memref_squeeze %dma_start3A_24 : memref<1x24576xf32, #tpu.memory_space<hbm>> -> memref<24576xf32, #tpu.memory_space<hbm>>
    tpu.enqueue_dma source(%dma_start3A_25 : memref<24576xf32, #tpu.memory_space<hbm>>) target(%arg7 : memref<24576xf32, #tpu.memory_space<vmem>>) target_semaphore(%arg12 : memref<!tpu.dma_semaphore, #tpu.memory_space<semaphore_mem>>)
    %dma_wait3A = arith.constant 0 : i32
    %dma_wait3A_26 = tpu.memref_slice %arg2[%add3A, %dma_wait3A] : memref<32x1000000xf32, #tpu.memory_space<hbm>> -> memref<1x24576xf32, #tpu.memory_space<hbm>>
    %dma_wait3A_27 = tpu.memref_squeeze %dma_wait3A_26 : memref<1x24576xf32, #tpu.memory_space<hbm>> -> memref<24576xf32, #tpu.memory_space<hbm>>
    %dma_wait3A_28 = arith.constant 0 : i32
    %dma_wait3A_29 = tpu.memref_slice %arg2[%add3A, %dma_wait3A_28] : memref<32x1000000xf32, #tpu.memory_space<hbm>> -> memref<1x24576xf32, #tpu.memory_space<hbm>>
    %dma_wait3A_30 = tpu.memref_squeeze %dma_wait3A_29 : memref<1x24576xf32, #tpu.memory_space<hbm>> -> memref<24576xf32, #tpu.memory_space<hbm>>
    tpu.wait_dma2 semaphore(%arg9 : memref<!tpu.dma_semaphore, #tpu.memory_space<semaphore_mem>>) src(%dma_wait3A_30 : memref<24576xf32, #tpu.memory_space<hbm>>) dst(%arg4 : memref<24576xf32, #tpu.memory_space<vmem>>)
    %add3A_31 = arith.constant 0 : i32
    %add3A_32 = arith.addi %mul3A_2, %add3A_31 : i32
    %dma_start3A_33 = tpu.memref_slice %arg3[%add3A_32] : memref<32000000xf32, #tpu.memory_space<hbm>> -> memref<24576xf32, #tpu.memory_space<hbm>>
    %dma_start3A_34 = tpu.memref_slice %arg3[%add3A_32] : memref<32000000xf32, #tpu.memory_space<hbm>> -> memref<24576xf32, #tpu.memory_space<hbm>>
    tpu.enqueue_dma source(%arg4 : memref<24576xf32, #tpu.memory_space<vmem>>) target(%dma_start3A_34 : memref<24576xf32, #tpu.memory_space<hbm>>) target_semaphore(%arg13 : memref<!tpu.dma_semaphore, #tpu.memory_space<semaphore_mem>>)
    %dma_wait3A_35 = tpu.memref_slice %arg3[%add3A_32] : memref<32000000xf32, #tpu.memory_space<hbm>> -> memref<24576xf32, #tpu.memory_space<hbm>>
    %dma_wait3A_36 = tpu.memref_slice %arg3[%add3A_32] : memref<32000000xf32, #tpu.memory_space<hbm>> -> memref<24576xf32, #tpu.memory_space<hbm>>
    tpu.wait_dma2 semaphore(%arg13 : memref<!tpu.dma_semaphore, #tpu.memory_space<semaphore_mem>>) src(%arg4 : memref<24576xf32, #tpu.memory_space<vmem>>) dst(%dma_wait3A_36 : memref<24576xf32, #tpu.memory_space<hbm>>)
    %dma_start3A_37 = arith.constant 98304 : i32
    %dma_start3A_38 = tpu.memref_slice %arg2[%add3A, %dma_start3A_37] : memref<32x1000000xf32, #tpu.memory_space<hbm>> -> memref<1x24576xf32, #tpu.memory_space<hbm>>
    %dma_start3A_39 = tpu.memref_squeeze %dma_start3A_38 : memref<1x24576xf32, #tpu.memory_space<hbm>> -> memref<24576xf32, #tpu.memory_space<hbm>>
    %dma_start3A_40 = arith.constant 98304 : i32
    %dma_start3A_41 = tpu.memref_slice %arg2[%add3A, %dma_start3A_40] : memref<32x1000000xf32, #tpu.memory_space<hbm>> -> memref<1x24576xf32, #tpu.memory_space<hbm>>
    %dma_start3A_42 = tpu.memref_squeeze %dma_start3A_41 : memref<1x24576xf32, #tpu.memory_space<hbm>> -> memref<24576xf32, #tpu.memory_space<hbm>>
    tpu.enqueue_dma source(%dma_start3A_42 : memref<24576xf32, #tpu.memory_space<hbm>>) target(%arg4 : memref<24576xf32, #tpu.memory_space<vmem>>) target_semaphore(%arg9 : memref<!tpu.dma_semaphore, #tpu.memory_space<semaphore_mem>>)
    %dma_wait3A_43 = arith.constant 24576 : i32
    %dma_wait3A_44 = tpu.memref_slice %arg2[%add3A, %dma_wait3A_43] : memref<32x1000000xf32, #tpu.memory_space<hbm>> -> memref<1x24576xf32, #tpu.memory_space<hbm>>
    %dma_wait3A_45 = tpu.memref_squeeze %dma_wait3A_44 : memref<1x24576xf32, #tpu.memory_space<hbm>> -> memref<24576xf32, #tpu.memory_space<hbm>>
    %dma_wait3A_46 = arith.constant 24576 : i32
    %dma_wait3A_47 = tpu.memref_slice %arg2[%add3A, %dma_wait3A_46] : memref<32x1000000xf32, #tpu.memory_space<hbm>> -> memref<1x24576xf32, #tpu.memory_space<hbm>>
    %dma_wait3A_48 = tpu.memref_squeeze %dma_wait3A_47 : memref<1x24576xf32, #tpu.memory_space<hbm>> -> memref<24576xf32, #tpu.memory_space<hbm>>
    tpu.wait_dma2 semaphore(%arg10 : memref<!tpu.dma_semaphore, #tpu.memory_space<semaphore_mem>>) src(%dma_wait3A_48 : memref<24576xf32, #tpu.memory_space<hbm>>) dst(%arg5 : memref<24576xf32, #tpu.memory_space<vmem>>)
    %add3A_49 = arith.constant 24576 : i32
    %add3A_50 = arith.addi %mul3A_2, %add3A_49 : i32
    %dma_start3A_51 = tpu.memref_slice %arg3[%add3A_50] : memref<32000000xf32, #tpu.memory_space<hbm>> -> memref<24576xf32, #tpu.memory_space<hbm>>
    %dma_start3A_52 = tpu.memref_slice %arg3[%add3A_50] : memref<32000000xf32, #tpu.memory_space<hbm>> -> memref<24576xf32, #tpu.memory_space<hbm>>
    tpu.enqueue_dma source(%arg5 : memref<24576xf32, #tpu.memory_space<vmem>>) target(%dma_start3A_52 : memref<24576xf32, #tpu.memory_space<hbm>>) target_semaphore(%arg14 : memref<!tpu.dma_semaphore, #tpu.memory_space<semaphore_mem>>)
    %dma_wait3A_53 = tpu.memref_slice %arg3[%add3A_50] : memref<32000000xf32, #tpu.memory_space<hbm>> -> memref<24576xf32, #tpu.memory_space<hbm>>
    %dma_wait3A_54 = tpu.memref_slice %arg3[%add3A_50] : memref<32000000xf32, #tpu.memory_space<hbm>> -> memref<24576xf32, #tpu.memory_space<hbm>>
    tpu.wait_dma2 semaphore(%arg14 : memref<!tpu.dma_semaphore, #tpu.memory_space<semaphore_mem>>) src(%arg5 : memref<24576xf32, #tpu.memory_space<vmem>>) dst(%dma_wait3A_54 : memref<24576xf32, #tpu.memory_space<hbm>>)
    %dma_start3A_55 = arith.constant 122880 : i32
    %dma_start3A_56 = tpu.memref_slice %arg2[%add3A, %dma_start3A_55] : memref<32x1000000xf32, #tpu.memory_space<hbm>> -> memref<1x24576xf32, #tpu.memory_space<hbm>>
    %dma_start3A_57 = tpu.memref_squeeze %dma_start3A_56 : memref<1x24576xf32, #tpu.memory_space<hbm>> -> memref<24576xf32, #tpu.memory_space<hbm>>
    %dma_start3A_58 = arith.constant 122880 : i32
    %dma_start3A_59 = tpu.memref_slice %arg2[%add3A, %dma_start3A_58] : memref<32x1000000xf32, #tpu.memory_space<hbm>> -> memref<1x24576xf32, #tpu.memory_space<hbm>>
    %dma_start3A_60 = tpu.memref_squeeze %dma_start3A_59 : memref<1x24576xf32, #tpu.memory_space<hbm>> -> memref<24576xf32, #tpu.memory_space<hbm>>
    tpu.enqueue_dma source(%dma_start3A_60 : memref<24576xf32, #tpu.memory_space<hbm>>) target(%arg5 : memref<24576xf32, #tpu.memory_space<vmem>>) target_semaphore(%arg10 : memref<!tpu.dma_semaphore, #tpu.memory_space<semaphore_mem>>)
    %dma_wait3A_61 = arith.constant 49152 : i32
    %dma_wait3A_62 = tpu.memref_slice %arg2[%add3A, %dma_wait3A_61] : memref<32x1000000xf32, #tpu.memory_space<hbm>> -> memref<1x24576xf32, #tpu.memory_space<hbm>>
    %dma_wait3A_63 = tpu.memref_squeeze %dma_wait3A_62 : memref<1x24576xf32, #tpu.memory_space<hbm>> -> memref<24576xf32, #tpu.memory_space<hbm>>
    %dma_wait3A_64 = arith.constant 49152 : i32
    %dma_wait3A_65 = tpu.memref_slice %arg2[%add3A, %dma_wait3A_64] : memref<32x1000000xf32, #tpu.memory_space<hbm>> -> memref<1x24576xf32, #tpu.memory_space<hbm>>
    %dma_wait3A_66 = tpu.memref_squeeze %dma_wait3A_65 : memref<1x24576xf32, #tpu.memory_space<hbm>> -> memref<24576xf32, #tpu.memory_space<hbm>>
    tpu.wait_dma2 semaphore(%arg11 : memref<!tpu.dma_semaphore, #tpu.memory_space<semaphore_mem>>) src(%dma_wait3A_66 : memref<24576xf32, #tpu.memory_space<hbm>>) dst(%arg6 : memref<24576xf32, #tpu.memory_space<vmem>>)
    %add3A_67 = arith.constant 49152 : i32
    %add3A_68 = arith.addi %mul3A_2, %add3A_67 : i32
    %dma_start3A_69 = tpu.memref_slice %arg3[%add3A_68] : memref<32000000xf32, #tpu.memory_space<hbm>> -> memref<24576xf32, #tpu.memory_space<hbm>>
    %dma_start3A_70 = tpu.memref_slice %arg3[%add3A_68] : memref<32000000xf32, #tpu.memory_space<hbm>> -> memref<24576xf32, #tpu.memory_space<hbm>>
    tpu.enqueue_dma source(%arg6 : memref<24576xf32, #tpu.memory_space<vmem>>) target(%dma_start3A_70 : memref<24576xf32, #tpu.memory_space<hbm>>) target_semaphore(%arg15 : memref<!tpu.dma_semaphore, #tpu.memory_space<semaphore_mem>>)
    %dma_wait3A_71 = tpu.memref_slice %arg3[%add3A_68] : memref<32000000xf32, #tpu.memory_space<hbm>> -> memref<24576xf32, #tpu.memory_space<hbm>>
    %dma_wait3A_72 = tpu.memref_slice %arg3[%add3A_68] : memref<32000000xf32, #tpu.memory_space<hbm>> -> memref<24576xf32, #tpu.memory_space<hbm>>
    tpu.wait_dma2 semaphore(%arg15 : memref<!tpu.dma_semaphore, #tpu.memory_space<semaphore_mem>>) src(%arg6 : memref<24576xf32, #tpu.memory_space<vmem>>) dst(%dma_wait3A_72 : memref<24576xf32, #tpu.memory_space<hbm>>)
    %dma_start3A_73 = arith.constant 147456 : i32
    %dma_start3A_74 = tpu.memref_slice %arg2[%add3A, %dma_start3A_73] : memref<32x1000000xf32, #tpu.memory_space<hbm>> -> memref<1x24576xf32, #tpu.memory_space<hbm>>
    %dma_start3A_75 = tpu.memref_squeeze %dma_start3A_74 : memref<1x24576xf32, #tpu.memory_space<hbm>> -> memref<24576xf32, #tpu.memory_space<hbm>>
    %dma_start3A_76 = arith.constant 147456 : i32
    %dma_start3A_77 = tpu.memref_slice %arg2[%add3A, %dma_start3A_76] : memref<32x1000000xf32, #tpu.memory_space<hbm>> -> memref<1x24576xf32, #tpu.memory_space<hbm>>
    %dma_start3A_78 = tpu.memref_squeeze %dma_start3A_77 : memref<1x24576xf32, #tpu.memory_space<hbm>> -> memref<24576xf32, #tpu.memory_space<hbm>>
    tpu.enqueue_dma source(%dma_start3A_78 : memref<24576xf32, #tpu.memory_space<hbm>>) target(%arg6 : memref<24576xf32, #tpu.memory_space<vmem>>) target_semaphore(%arg11 : memref<!tpu.dma_semaphore, #tpu.memory_space<semaphore_mem>>)
    %dma_wait3A_79 = arith.constant 73728 : i32
    %dma_wait3A_80 = tpu.memref_slice %arg2[%add3A, %dma_wait3A_79] : memref<32x1000000xf32, #tpu.memory_space<hbm>> -> memref<1x24576xf32, #tpu.memory_space<hbm>>
    %dma_wait3A_81 = tpu.memref_squeeze %dma_wait3A_80 : memref<1x24576xf32, #tpu.memory_space<hbm>> -> memref<24576xf32, #tpu.memory_space<hbm>>
    %dma_wait3A_82 = arith.constant 73728 : i32
    %dma_wait3A_83 = tpu.memref_slice %arg2[%add3A, %dma_wait3A_82] : memref<32x1000000xf32, #tpu.memory_space<hbm>> -> memref<1x24576xf32, #tpu.memory_space<hbm>>
    %dma_wait3A_84 = tpu.memref_squeeze %dma_wait3A_83 : memref<1x24576xf32, #tpu.memory_space<hbm>> -> memref<24576xf32, #tpu.memory_space<hbm>>
    tpu.wait_dma2 semaphore(%arg12 : memref<!tpu.dma_semaphore, #tpu.memory_space<semaphore_mem>>) src(%dma_wait3A_84 : memref<24576xf32, #tpu.memory_space<hbm>>) dst(%arg7 : memref<24576xf32, #tpu.memory_space<vmem>>)
    %add3A_85 = arith.constant 73728 : i32
    %add3A_86 = arith.addi %mul3A_2, %add3A_85 : i32
    %dma_start3A_87 = tpu.memref_slice %arg3[%add3A_86] : memref<32000000xf32, #tpu.memory_space<hbm>> -> memref<24576xf32, #tpu.memory_space<hbm>>
    %dma_start3A_88 = tpu.memref_slice %arg3[%add3A_86] : memref<32000000xf32, #tpu.memory_space<hbm>> -> memref<24576xf32, #tpu.memory_space<hbm>>
    tpu.enqueue_dma source(%arg7 : memref<24576xf32, #tpu.memory_space<vmem>>) target(%dma_start3A_88 : memref<24576xf32, #tpu.memory_space<hbm>>) target_semaphore(%arg16 : memref<!tpu.dma_semaphore, #tpu.memory_space<semaphore_mem>>)
    %dma_wait3A_89 = tpu.memref_slice %arg3[%add3A_86] : memref<32000000xf32, #tpu.memory_space<hbm>> -> memref<24576xf32, #tpu.memory_space<hbm>>
    %dma_wait3A_90 = tpu.memref_slice %arg3[%add3A_86] : memref<32000000xf32, #tpu.memory_space<hbm>> -> memref<24576xf32, #tpu.memory_space<hbm>>
    tpu.wait_dma2 semaphore(%arg16 : memref<!tpu.dma_semaphore, #tpu.memory_space<semaphore_mem>>) src(%arg7 : memref<24576xf32, #tpu.memory_space<vmem>>) dst(%dma_wait3A_90 : memref<24576xf32, #tpu.memory_space<hbm>>)
    %dma_start3A_91 = arith.constant 172032 : i32
    %dma_start3A_92 = tpu.memref_slice %arg2[%add3A, %dma_start3A_91] : memref<32x1000000xf32, #tpu.memory_space<hbm>> -> memref<1x24576xf32, #tpu.memory_space<hbm>>
    %dma_start3A_93 = tpu.memref_squeeze %dma_start3A_92 : memref<1x24576xf32, #tpu.memory_space<hbm>> -> memref<24576xf32, #tpu.memory_space<hbm>>
    %dma_start3A_94 = arith.constant 172032 : i32
    %dma_start3A_95 = tpu.memref_slice %arg2[%add3A, %dma_start3A_94] : memref<32x1000000xf32, #tpu.memory_space<hbm>> -> memref<1x24576xf32, #tpu.memory_space<hbm>>
    %dma_start3A_96 = tpu.memref_squeeze %dma_start3A_95 : memref<1x24576xf32, #tpu.memory_space<hbm>> -> memref<24576xf32, #tpu.memory_space<hbm>>
    tpu.enqueue_dma source(%dma_start3A_96 : memref<24576xf32, #tpu.memory_space<hbm>>) target(%arg7 : memref<24576xf32, #tpu.memory_space<vmem>>) target_semaphore(%arg12 : memref<!tpu.dma_semaphore, #tpu.memory_space<semaphore_mem>>)
    %dma_wait3A_97 = arith.constant 98304 : i32
    %dma_wait3A_98 = tpu.memref_slice %arg2[%add3A, %dma_wait3A_97] : memref<32x1000000xf32, #tpu.memory_space<hbm>> -> memref<1x24576xf32, #tpu.memory_space<hbm>>
    %dma_wait3A_99 = tpu.memref_squeeze %dma_wait3A_98 : memref<1x24576xf32, #tpu.memory_space<hbm>> -> memref<24576xf32, #tpu.memory_space<hbm>>
    %dma_wait3A_100 = arith.constant 98304 : i32
    %dma_wait3A_101 = tpu.memref_slice %arg2[%add3A, %dma_wait3A_100] : memref<32x1000000xf32, #tpu.memory_space<hbm>> -> memref<1x24576xf32, #tpu.memory_space<hbm>>
    %dma_wait3A_102 = tpu.memref_squeeze %dma_wait3A_101 : memref<1x24576xf32, #tpu.memory_space<hbm>> -> memref<24576xf32, #tpu.memory_space<hbm>>
    tpu.wait_dma2 semaphore(%arg9 : memref<!tpu.dma_semaphore, #tpu.memory_space<semaphore_mem>>) src(%dma_wait3A_102 : memref<24576xf32, #tpu.memory_space<hbm>>) dst(%arg4 : memref<24576xf32, #tpu.memory_space<vmem>>)
    %add3A_103 = arith.constant 98304 : i32
    %add3A_104 = arith.addi %mul3A_2, %add3A_103 : i32
    %dma_start3A_105 = tpu.memref_slice %arg3[%add3A_104] : memref<32000000xf32, #tpu.memory_space<hbm>> -> memref<24576xf32, #tpu.memory_space<hbm>>
    %dma_start3A_106 = tpu.memref_slice %arg3[%add3A_104] : memref<32000000xf32, #tpu.memory_space<hbm>> -> memref<24576xf32, #tpu.memory_space<hbm>>
    tpu.enqueue_dma source(%arg4 : memref<24576xf32, #tpu.memory_space<vmem>>) target(%dma_start3A_106 : memref<24576xf32, #tpu.memory_space<hbm>>) target_semaphore(%arg13 : memref<!tpu.dma_semaphore, #tpu.memory_space<semaphore_mem>>)
    %dma_wait3A_107 = tpu.memref_slice %arg3[%add3A_104] : memref<32000000xf32, #tpu.memory_space<hbm>> -> memref<24576xf32, #tpu.memory_space<hbm>>
    %dma_wait3A_108 = tpu.memref_slice %arg3[%add3A_104] : memref<32000000xf32, #tpu.memory_space<hbm>> -> memref<24576xf32, #tpu.memory_space<hbm>>
    tpu.wait_dma2 semaphore(%arg13 : memref<!tpu.dma_semaphore, #tpu.memory_space<semaphore_mem>>) src(%arg4 : memref<24576xf32, #tpu.memory_space<vmem>>) dst(%dma_wait3A_108 : memref<24576xf32, #tpu.memory_space<hbm>>)
    %dma_start3A_109 = arith.constant 196608 : i32
    %dma_start3A_110 = tpu.memref_slice %arg2[%add3A, %dma_start3A_109] : memref<32x1000000xf32, #tpu.memory_space<hbm>> -> memref<1x24576xf32, #tpu.memory_space<hbm>>
    %dma_start3A_111 = tpu.memref_squeeze %dma_start3A_110 : memref<1x24576xf32, #tpu.memory_space<hbm>> -> memref<24576xf32, #tpu.memory_space<hbm>>
    %dma_start3A_112 = arith.constant 196608 : i32
    %dma_start3A_113 = tpu.memref_slice %arg2[%add3A, %dma_start3A_112] : memref<32x1000000xf32, #tpu.memory_space<hbm>> -> memref<1x24576xf32, #tpu.memory_space<hbm>>
    %dma_start3A_114 = tpu.memref_squeeze %dma_start3A_113 : memref<1x24576xf32, #tpu.memory_space<hbm>> -> memref<24576xf32, #tpu.memory_space<hbm>>
    tpu.enqueue_dma source(%dma_start3A_114 : memref<24576xf32, #tpu.memory_space<hbm>>) target(%arg4 : memref<24576xf32, #tpu.memory_space<vmem>>) target_semaphore(%arg9 : memref<!tpu.dma_semaphore, #tpu.memory_space<semaphore_mem>>)
    %dma_wait3A_115 = arith.constant 122880 : i32
    %dma_wait3A_116 = tpu.memref_slice %arg2[%add3A, %dma_wait3A_115] : memref<32x1000000xf32, #tpu.memory_space<hbm>> -> memref<1x24576xf32, #tpu.memory_space<hbm>>
    %dma_wait3A_117 = tpu.memref_squeeze %dma_wait3A_116 : memref<1x24576xf32, #tpu.memory_space<hbm>> -> memref<24576xf32, #tpu.memory_space<hbm>>
    %dma_wait3A_118 = arith.constant 122880 : i32
    %dma_wait3A_119 = tpu.memref_slice %arg2[%add3A, %dma_wait3A_118] : memref<32x1000000xf32, #tpu.memory_space<hbm>> -> memref<1x24576xf32, #tpu.memory_space<hbm>>
    %dma_wait3A_120 = tpu.memref_squeeze %dma_wait3A_119 : memref<1x24576xf32, #tpu.memory_space<hbm>> -> memref<24576xf32, #tpu.memory_space<hbm>>
    tpu.wait_dma2 semaphore(%arg10 : memref<!tpu.dma_semaphore, #tpu.memory_space<semaphore_mem>>) src(%dma_wait3A_120 : memref<24576xf32, #tpu.memory_space<hbm>>) dst(%arg5 : memref<24576xf32, #tpu.memory_space<vmem>>)
    %add3A_121 = arith.constant 122880 : i32
    %add3A_122 = arith.addi %mul3A_2, %add3A_121 : i32
    %dma_start3A_123 = tpu.memref_slice %arg3[%add3A_122] : memref<32000000xf32, #tpu.memory_space<hbm>> -> memref<24576xf32, #tpu.memory_space<hbm>>
    %dma_start3A_124 = tpu.memref_slice %arg3[%add3A_122] : memref<32000000xf32, #tpu.memory_space<hbm>> -> memref<24576xf32, #tpu.memory_space<hbm>>
    tpu.enqueue_dma source(%arg5 : memref<24576xf32, #tpu.memory_space<vmem>>) target(%dma_start3A_124 : memref<24576xf32, #tpu.memory_space<hbm>>) target_semaphore(%arg14 : memref<!tpu.dma_semaphore, #tpu.memory_space<semaphore_mem>>)
    %dma_wait3A_125 = tpu.memref_slice %arg3[%add3A_122] : memref<32000000xf32, #tpu.memory_space<hbm>> -> memref<24576xf32, #tpu.memory_space<hbm>>
    %dma_wait3A_126 = tpu.memref_slice %arg3[%add3A_122] : memref<32000000xf32, #tpu.memory_space<hbm>> -> memref<24576xf32, #tpu.memory_space<hbm>>
    tpu.wait_dma2 semaphore(%arg14 : memref<!tpu.dma_semaphore, #tpu.memory_space<semaphore_mem>>) src(%arg5 : memref<24576xf32, #tpu.memory_space<vmem>>) dst(%dma_wait3A_126 : memref<24576xf32, #tpu.memory_space<hbm>>)
    %dma_start3A_127 = arith.constant 221184 : i32
    %dma_start3A_128 = tpu.memref_slice %arg2[%add3A, %dma_start3A_127] : memref<32x1000000xf32, #tpu.memory_space<hbm>> -> memref<1x24576xf32, #tpu.memory_space<hbm>>
    %dma_start3A_129 = tpu.memref_squeeze %dma_start3A_128 : memref<1x24576xf32, #tpu.memory_space<hbm>> -> memref<24576xf32, #tpu.memory_space<hbm>>
    %dma_start3A_130 = arith.constant 221184 : i32
    %dma_start3A_131 = tpu.memref_slice %arg2[%add3A, %dma_start3A_130] : memref<32x1000000xf32, #tpu.memory_space<hbm>> -> memref<1x24576xf32, #tpu.memory_space<hbm>>
    %dma_start3A_132 = tpu.memref_squeeze %dma_start3A_131 : memref<1x24576xf32, #tpu.memory_space<hbm>> -> memref<24576xf32, #tpu.memory_space<hbm>>
    tpu.enqueue_dma source(%dma_start3A_132 : memref<24576xf32, #tpu.memory_space<hbm>>) target(%arg5 : memref<24576xf32, #tpu.memory_space<vmem>>) target_semaphore(%arg10 : memref<!tpu.dma_semaphore, #tpu.memory_space<semaphore_mem>>)
    %dma_wait3A_133 = arith.constant 147456 : i32
    %dma_wait3A_134 = tpu.memref_slice %arg2[%add3A, %dma_wait3A_133] : memref<32x1000000xf32, #tpu.memory_space<hbm>> -> memref<1x24576xf32, #tpu.memory_space<hbm>>
    %dma_wait3A_135 = tpu.memref_squeeze %dma_wait3A_134 : memref<1x24576xf32, #tpu.memory_space<hbm>> -> memref<24576xf32, #tpu.memory_space<hbm>>
    %dma_wait3A_136 = arith.constant 147456 : i32
    %dma_wait3A_137 = tpu.memref_slice %arg2[%add3A, %dma_wait3A_136] : memref<32x1000000xf32, #tpu.memory_space<hbm>> -> memref<1x24576xf32, #tpu.memory_space<hbm>>
    %dma_wait3A_138 = tpu.memref_squeeze %dma_wait3A_137 : memref<1x24576xf32, #tpu.memory_space<hbm>> -> memref<24576xf32, #tpu.memory_space<hbm>>
    tpu.wait_dma2 semaphore(%arg11 : memref<!tpu.dma_semaphore, #tpu.memory_space<semaphore_mem>>) src(%dma_wait3A_138 : memref<24576xf32, #tpu.memory_space<hbm>>) dst(%arg6 : memref<24576xf32, #tpu.memory_space<vmem>>)
    %add3A_139 = arith.constant 147456 : i32
    %add3A_140 = arith.addi %mul3A_2, %add3A_139 : i32
    %dma_start3A_141 = tpu.memref_slice %arg3[%add3A_140] : memref<32000000xf32, #tpu.memory_space<hbm>> -> memref<24576xf32, #tpu.memory_space<hbm>>
    %dma_start3A_142 = tpu.memref_slice %arg3[%add3A_140] : memref<32000000xf32, #tpu.memory_space<hbm>> -> memref<24576xf32, #tpu.memory_space<hbm>>
    tpu.enqueue_dma source(%arg6 : memref<24576xf32, #tpu.memory_space<vmem>>) target(%dma_start3A_142 : memref<24576xf32, #tpu.memory_space<hbm>>) target_semaphore(%arg15 : memref<!tpu.dma_semaphore, #tpu.memory_space<semaphore_mem>>)
    %dma_wait3A_143 = tpu.memref_slice %arg3[%add3A_140] : memref<32000000xf32, #tpu.memory_space<hbm>> -> memref<24576xf32, #tpu.memory_space<hbm>>
    %dma_wait3A_144 = tpu.memref_slice %arg3[%add3A_140] : memref<32000000xf32, #tpu.memory_space<hbm>> -> memref<24576xf32, #tpu.memory_space<hbm>>
    tpu.wait_dma2 semaphore(%arg15 : memref<!tpu.dma_semaphore, #tpu.memory_space<semaphore_mem>>) src(%arg6 : memref<24576xf32, #tpu.memory_space<vmem>>) dst(%dma_wait3A_144 : memref<24576xf32, #tpu.memory_space<hbm>>)
    %dma_start3A_145 = arith.constant 245760 : i32
    %dma_start3A_146 = tpu.memref_slice %arg2[%add3A, %dma_start3A_145] : memref<32x1000000xf32, #tpu.memory_space<hbm>> -> memref<1x24576xf32, #tpu.memory_space<hbm>>
    %dma_start3A_147 = tpu.memref_squeeze %dma_start3A_146 : memref<1x24576xf32, #tpu.memory_space<hbm>> -> memref<24576xf32, #tpu.memory_space<hbm>>
    %dma_start3A_148 = arith.constant 245760 : i32
    %dma_start3A_149 = tpu.memref_slice %arg2[%add3A, %dma_start3A_148] : memref<32x1000000xf32, #tpu.memory_space<hbm>> -> memref<1x24576xf32, #tpu.memory_space<hbm>>
    %dma_start3A_150 = tpu.memref_squeeze %dma_start3A_149 : memref<1x24576xf32, #tpu.memory_space<hbm>> -> memref<24576xf32, #tpu.memory_space<hbm>>
    tpu.enqueue_dma source(%dma_start3A_150 : memref<24576xf32, #tpu.memory_space<hbm>>) target(%arg6 : memref<24576xf32, #tpu.memory_space<vmem>>) target_semaphore(%arg11 : memref<!tpu.dma_semaphore, #tpu.memory_space<semaphore_mem>>)
    %dma_wait3A_151 = arith.constant 172032 : i32
    %dma_wait3A_152 = tpu.memref_slice %arg2[%add3A, %dma_wait3A_151] : memref<32x1000000xf32, #tpu.memory_space<hbm>> -> memref<1x24576xf32, #tpu.memory_space<hbm>>
    %dma_wait3A_153 = tpu.memref_squeeze %dma_wait3A_152 : memref<1x24576xf32, #tpu.memory_space<hbm>> -> memref<24576xf32, #tpu.memory_space<hbm>>
    %dma_wait3A_154 = arith.constant 172032 : i32
    %dma_wait3A_155 = tpu.memref_slice %arg2[%add3A, %dma_wait3A_154] : memref<32x1000000xf32, #tpu.memory_space<hbm>> -> memref<1x24576xf32, #tpu.memory_space<hbm>>
    %dma_wait3A_156 = tpu.memref_squeeze %dma_wait3A_155 : memref<1x24576xf32, #tpu.memory_space<hbm>> -> memref<24576xf32, #tpu.memory_space<hbm>>
    tpu.wait_dma2 semaphore(%arg12 : memref<!tpu.dma_semaphore, #tpu.memory_space<semaphore_mem>>) src(%dma_wait3A_156 : memref<24576xf32, #tpu.memory_space<hbm>>) dst(%arg7 : memref<24576xf32, #tpu.memory_space<vmem>>)
    %add3A_157 = arith.constant 172032 : i32
    %add3A_158 = arith.addi %mul3A_2, %add3A_157 : i32
    %dma_start3A_159 = tpu.memref_slice %arg3[%add3A_158] : memref<32000000xf32, #tpu.memory_space<hbm>> -> memref<24576xf32, #tpu.memory_space<hbm>>
    %dma_start3A_160 = tpu.memref_slice %arg3[%add3A_158] : memref<32000000xf32, #tpu.memory_space<hbm>> -> memref<24576xf32, #tpu.memory_space<hbm>>
    tpu.enqueue_dma source(%arg7 : memref<24576xf32, #tpu.memory_space<vmem>>) target(%dma_start3A_160 : memref<24576xf32, #tpu.memory_space<hbm>>) target_semaphore(%arg16 : memref<!tpu.dma_semaphore, #tpu.memory_space<semaphore_mem>>)
    %dma_wait3A_161 = tpu.memref_slice %arg3[%add3A_158] : memref<32000000xf32, #tpu.memory_space<hbm>> -> memref<24576xf32, #tpu.memory_space<hbm>>
    %dma_wait3A_162 = tpu.memref_slice %arg3[%add3A_158] : memref<32000000xf32, #tpu.memory_space<hbm>> -> memref<24576xf32, #tpu.memory_space<hbm>>
    tpu.wait_dma2 semaphore(%arg16 : memref<!tpu.dma_semaphore, #tpu.memory_space<semaphore_mem>>) src(%arg7 : memref<24576xf32, #tpu.memory_space<vmem>>) dst(%dma_wait3A_162 : memref<24576xf32, #tpu.memory_space<hbm>>)
    %dma_start3A_163 = arith.constant 270336 : i32
    %dma_start3A_164 = tpu.memref_slice %arg2[%add3A, %dma_start3A_163] : memref<32x1000000xf32, #tpu.memory_space<hbm>> -> memref<1x24576xf32, #tpu.memory_space<hbm>>
    %dma_start3A_165 = tpu.memref_squeeze %dma_start3A_164 : memref<1x24576xf32, #tpu.memory_space<hbm>> -> memref<24576xf32, #tpu.memory_space<hbm>>
    %dma_start3A_166 = arith.constant 270336 : i32
    %dma_start3A_167 = tpu.memref_slice %arg2[%add3A, %dma_start3A_166] : memref<32x1000000xf32, #tpu.memory_space<hbm>> -> memref<1x24576xf32, #tpu.memory_space<hbm>>
    %dma_start3A_168 = tpu.memref_squeeze %dma_start3A_167 : memref<1x24576xf32, #tpu.memory_space<hbm>> -> memref<24576xf32, #tpu.memory_space<hbm>>
    tpu.enqueue_dma source(%dma_start3A_168 : memref<24576xf32, #tpu.memory_space<hbm>>) target(%arg7 : memref<24576xf32, #tpu.memory_space<vmem>>) target_semaphore(%arg12 : memref<!tpu.dma_semaphore, #tpu.memory_space<semaphore_mem>>)
    %dma_wait3A_169 = arith.constant 196608 : i32
    %dma_wait3A_170 = tpu.memref_slice %arg2[%add3A, %dma_wait3A_169] : memref<32x1000000xf32, #tpu.memory_space<hbm>> -> memref<1x24576xf32, #tpu.memory_space<hbm>>
    %dma_wait3A_171 = tpu.memref_squeeze %dma_wait3A_170 : memref<1x24576xf32, #tpu.memory_space<hbm>> -> memref<24576xf32, #tpu.memory_space<hbm>>
    %dma_wait3A_172 = arith.constant 196608 : i32
    %dma_wait3A_173 = tpu.memref_slice %arg2[%add3A, %dma_wait3A_172] : memref<32x1000000xf32, #tpu.memory_space<hbm>> -> memref<1x24576xf32, #tpu.memory_space<hbm>>
    %dma_wait3A_174 = tpu.memref_squeeze %dma_wait3A_173 : memref<1x24576xf32, #tpu.memory_space<hbm>> -> memref<24576xf32, #tpu.memory_space<hbm>>
    tpu.wait_dma2 semaphore(%arg9 : memref<!tpu.dma_semaphore, #tpu.memory_space<semaphore_mem>>) src(%dma_wait3A_174 : memref<24576xf32, #tpu.memory_space<hbm>>) dst(%arg4 : memref<24576xf32, #tpu.memory_space<vmem>>)
    %add3A_175 = arith.constant 196608 : i32
    %add3A_176 = arith.addi %mul3A_2, %add3A_175 : i32
    %dma_start3A_177 = tpu.memref_slice %arg3[%add3A_176] : memref<32000000xf32, #tpu.memory_space<hbm>> -> memref<24576xf32, #tpu.memory_space<hbm>>
    %dma_start3A_178 = tpu.memref_slice %arg3[%add3A_176] : memref<32000000xf32, #tpu.memory_space<hbm>> -> memref<24576xf32, #tpu.memory_space<hbm>>
    tpu.enqueue_dma source(%arg4 : memref<24576xf32, #tpu.memory_space<vmem>>) target(%dma_start3A_178 : memref<24576xf32, #tpu.memory_space<hbm>>) target_semaphore(%arg13 : memref<!tpu.dma_semaphore, #tpu.memory_space<semaphore_mem>>)
    %dma_wait3A_179 = tpu.memref_slice %arg3[%add3A_176] : memref<32000000xf32, #tpu.memory_space<hbm>> -> memref<24576xf32, #tpu.memory_space<hbm>>
    %dma_wait3A_180 = tpu.memref_slice %arg3[%add3A_176] : memref<32000000xf32, #tpu.memory_space<hbm>> -> memref<24576xf32, #tpu.memory_space<hbm>>
    tpu.wait_dma2 semaphore(%arg13 : memref<!tpu.dma_semaphore, #tpu.memory_space<semaphore_mem>>) src(%arg4 : memref<24576xf32, #tpu.memory_space<vmem>>) dst(%dma_wait3A_180 : memref<24576xf32, #tpu.memory_space<hbm>>)
    %dma_start3A_181 = arith.constant 294912 : i32
    %dma_start3A_182 = tpu.memref_slice %arg2[%add3A, %dma_start3A_181] : memref<32x1000000xf32, #tpu.memory_space<hbm>> -> memref<1x24576xf32, #tpu.memory_space<hbm>>
    %dma_start3A_183 = tpu.memref_squeeze %dma_start3A_182 : memref<1x24576xf32, #tpu.memory_space<hbm>> -> memref<24576xf32, #tpu.memory_space<hbm>>
    %dma_start3A_184 = arith.constant 294912 : i32
    %dma_start3A_185 = tpu.memref_slice %arg2[%add3A, %dma_start3A_184] : memref<32x1000000xf32, #tpu.memory_space<hbm>> -> memref<1x24576xf32, #tpu.memory_space<hbm>>
    %dma_start3A_186 = tpu.memref_squeeze %dma_start3A_185 : memref<1x24576xf32, #tpu.memory_space<hbm>> -> memref<24576xf32, #tpu.memory_space<hbm>>
    tpu.enqueue_dma source(%dma_start3A_186 : memref<24576xf32, #tpu.memory_space<hbm>>) target(%arg4 : memref<24576xf32, #tpu.memory_space<vmem>>) target_semaphore(%arg9 : memref<!tpu.dma_semaphore, #tpu.memory_space<semaphore_mem>>)
    %dma_wait3A_187 = arith.constant 221184 : i32
    %dma_wait3A_188 = tpu.memref_slice %arg2[%add3A, %dma_wait3A_187] : memref<32x1000000xf32, #tpu.memory_space<hbm>> -> memref<1x24576xf32, #tpu.memory_space<hbm>>
    %dma_wait3A_189 = tpu.memref_squeeze %dma_wait3A_188 : memref<1x24576xf32, #tpu.memory_space<hbm>> -> memref<24576xf32, #tpu.memory_space<hbm>>
    %dma_wait3A_190 = arith.constant 221184 : i32
    %dma_wait3A_191 = tpu.memref_slice %arg2[%add3A, %dma_wait3A_190] : memref<32x1000000xf32, #tpu.memory_space<hbm>> -> memref<1x24576xf32, #tpu.memory_space<hbm>>
    %dma_wait3A_192 = tpu.memref_squeeze %dma_wait3A_191 : memref<1x24576xf32, #tpu.memory_space<hbm>> -> memref<24576xf32, #tpu.memory_space<hbm>>
    tpu.wait_dma2 semaphore(%arg10 : memref<!tpu.dma_semaphore, #tpu.memory_space<semaphore_mem>>) src(%dma_wait3A_192 : memref<24576xf32, #tpu.memory_space<hbm>>) dst(%arg5 : memref<24576xf32, #tpu.memory_space<vmem>>)
    %add3A_193 = arith.constant 221184 : i32
    %add3A_194 = arith.addi %mul3A_2, %add3A_193 : i32
    %dma_start3A_195 = tpu.memref_slice %arg3[%add3A_194] : memref<32000000xf32, #tpu.memory_space<hbm>> -> memref<24576xf32, #tpu.memory_space<hbm>>
    %dma_start3A_196 = tpu.memref_slice %arg3[%add3A_194] : memref<32000000xf32, #tpu.memory_space<hbm>> -> memref<24576xf32, #tpu.memory_space<hbm>>
    tpu.enqueue_dma source(%arg5 : memref<24576xf32, #tpu.memory_space<vmem>>) target(%dma_start3A_196 : memref<24576xf32, #tpu.memory_space<hbm>>) target_semaphore(%arg14 : memref<!tpu.dma_semaphore, #tpu.memory_space<semaphore_mem>>)
    %dma_wait3A_197 = tpu.memref_slice %arg3[%add3A_194] : memref<32000000xf32, #tpu.memory_space<hbm>> -> memref<24576xf32, #tpu.memory_space<hbm>>
    %dma_wait3A_198 = tpu.memref_slice %arg3[%add3A_194] : memref<32000000xf32, #tpu.memory_space<hbm>> -> memref<24576xf32, #tpu.memory_space<hbm>>
    tpu.wait_dma2 semaphore(%arg14 : memref<!tpu.dma_semaphore, #tpu.memory_space<semaphore_mem>>) src(%arg5 : memref<24576xf32, #tpu.memory_space<vmem>>) dst(%dma_wait3A_198 : memref<24576xf32, #tpu.memory_space<hbm>>)
    %dma_start3A_199 = arith.constant 319488 : i32
    %dma_start3A_200 = tpu.memref_slice %arg2[%add3A, %dma_start3A_199] : memref<32x1000000xf32, #tpu.memory_space<hbm>> -> memref<1x24576xf32, #tpu.memory_space<hbm>>
    %dma_start3A_201 = tpu.memref_squeeze %dma_start3A_200 : memref<1x24576xf32, #tpu.memory_space<hbm>> -> memref<24576xf32, #tpu.memory_space<hbm>>
    %dma_start3A_202 = arith.constant 319488 : i32
    %dma_start3A_203 = tpu.memref_slice %arg2[%add3A, %dma_start3A_202] : memref<32x1000000xf32, #tpu.memory_space<hbm>> -> memref<1x24576xf32, #tpu.memory_space<hbm>>
    %dma_start3A_204 = tpu.memref_squeeze %dma_start3A_203 : memref<1x24576xf32, #tpu.memory_space<hbm>> -> memref<24576xf32, #tpu.memory_space<hbm>>
    tpu.enqueue_dma source(%dma_start3A_204 : memref<24576xf32, #tpu.memory_space<hbm>>) target(%arg5 : memref<24576xf32, #tpu.memory_space<vmem>>) target_semaphore(%arg10 : memref<!tpu.dma_semaphore, #tpu.memory_space<semaphore_mem>>)
    %dma_wait3A_205 = arith.constant 245760 : i32
    %dma_wait3A_206 = tpu.memref_slice %arg2[%add3A, %dma_wait3A_205] : memref<32x1000000xf32, #tpu.memory_space<hbm>> -> memref<1x24576xf32, #tpu.memory_space<hbm>>
    %dma_wait3A_207 = tpu.memref_squeeze %dma_wait3A_206 : memref<1x24576xf32, #tpu.memory_space<hbm>> -> memref<24576xf32, #tpu.memory_space<hbm>>
    %dma_wait3A_208 = arith.constant 245760 : i32
    %dma_wait3A_209 = tpu.memref_slice %arg2[%add3A, %dma_wait3A_208] : memref<32x1000000xf32, #tpu.memory_space<hbm>> -> memref<1x24576xf32, #tpu.memory_space<hbm>>
    %dma_wait3A_210 = tpu.memref_squeeze %dma_wait3A_209 : memref<1x24576xf32, #tpu.memory_space<hbm>> -> memref<24576xf32, #tpu.memory_space<hbm>>
    tpu.wait_dma2 semaphore(%arg11 : memref<!tpu.dma_semaphore, #tpu.memory_space<semaphore_mem>>) src(%dma_wait3A_210 : memref<24576xf32, #tpu.memory_space<hbm>>) dst(%arg6 : memref<24576xf32, #tpu.memory_space<vmem>>)
    %add3A_211 = arith.constant 245760 : i32
    %add3A_212 = arith.addi %mul3A_2, %add3A_211 : i32
    %dma_start3A_213 = tpu.memref_slice %arg3[%add3A_212] : memref<32000000xf32, #tpu.memory_space<hbm>> -> memref<24576xf32, #tpu.memory_space<hbm>>
    %dma_start3A_214 = tpu.memref_slice %arg3[%add3A_212] : memref<32000000xf32, #tpu.memory_space<hbm>> -> memref<24576xf32, #tpu.memory_space<hbm>>
    tpu.enqueue_dma source(%arg6 : memref<24576xf32, #tpu.memory_space<vmem>>) target(%dma_start3A_214 : memref<24576xf32, #tpu.memory_space<hbm>>) target_semaphore(%arg15 : memref<!tpu.dma_semaphore, #tpu.memory_space<semaphore_mem>>)
    %dma_wait3A_215 = tpu.memref_slice %arg3[%add3A_212] : memref<32000000xf32, #tpu.memory_space<hbm>> -> memref<24576xf32, #tpu.memory_space<hbm>>
    %dma_wait3A_216 = tpu.memref_slice %arg3[%add3A_212] : memref<32000000xf32, #tpu.memory_space<hbm>> -> memref<24576xf32, #tpu.memory_space<hbm>>
    tpu.wait_dma2 semaphore(%arg15 : memref<!tpu.dma_semaphore, #tpu.memory_space<semaphore_mem>>) src(%arg6 : memref<24576xf32, #tpu.memory_space<vmem>>) dst(%dma_wait3A_216 : memref<24576xf32, #tpu.memory_space<hbm>>)
    %dma_start3A_217 = arith.constant 344064 : i32
    %dma_start3A_218 = tpu.memref_slice %arg2[%add3A, %dma_start3A_217] : memref<32x1000000xf32, #tpu.memory_space<hbm>> -> memref<1x24576xf32, #tpu.memory_space<hbm>>
    %dma_start3A_219 = tpu.memref_squeeze %dma_start3A_218 : memref<1x24576xf32, #tpu.memory_space<hbm>> -> memref<24576xf32, #tpu.memory_space<hbm>>
    %dma_start3A_220 = arith.constant 344064 : i32
    %dma_start3A_221 = tpu.memref_slice %arg2[%add3A, %dma_start3A_220] : memref<32x1000000xf32, #tpu.memory_space<hbm>> -> memref<1x24576xf32, #tpu.memory_space<hbm>>
    %dma_start3A_222 = tpu.memref_squeeze %dma_start3A_221 : memref<1x24576xf32, #tpu.memory_space<hbm>> -> memref<24576xf32, #tpu.memory_space<hbm>>
    tpu.enqueue_dma source(%dma_start3A_222 : memref<24576xf32, #tpu.memory_space<hbm>>) target(%arg6 : memref<24576xf32, #tpu.memory_space<vmem>>) target_semaphore(%arg11 : memref<!tpu.dma_semaphore, #tpu.memory_space<semaphore_mem>>)
    %dma_wait3A_223 = arith.constant 270336 : i32
    %dma_wait3A_224 = tpu.memref_slice %arg2[%add3A, %dma_wait3A_223] : memref<32x1000000xf32, #tpu.memory_space<hbm>> -> memref<1x24576xf32, #tpu.memory_space<hbm>>
    %dma_wait3A_225 = tpu.memref_squeeze %dma_wait3A_224 : memref<1x24576xf32, #tpu.memory_space<hbm>> -> memref<24576xf32, #tpu.memory_space<hbm>>
    %dma_wait3A_226 = arith.constant 270336 : i32
    %dma_wait3A_227 = tpu.memref_slice %arg2[%add3A, %dma_wait3A_226] : memref<32x1000000xf32, #tpu.memory_space<hbm>> -> memref<1x24576xf32, #tpu.memory_space<hbm>>
    %dma_wait3A_228 = tpu.memref_squeeze %dma_wait3A_227 : memref<1x24576xf32, #tpu.memory_space<hbm>> -> memref<24576xf32, #tpu.memory_space<hbm>>
    tpu.wait_dma2 semaphore(%arg12 : memref<!tpu.dma_semaphore, #tpu.memory_space<semaphore_mem>>) src(%dma_wait3A_228 : memref<24576xf32, #tpu.memory_space<hbm>>) dst(%arg7 : memref<24576xf32, #tpu.memory_space<vmem>>)
    %add3A_229 = arith.constant 270336 : i32
    %add3A_230 = arith.addi %mul3A_2, %add3A_229 : i32
    %dma_start3A_231 = tpu.memref_slice %arg3[%add3A_230] : memref<32000000xf32, #tpu.memory_space<hbm>> -> memref<24576xf32, #tpu.memory_space<hbm>>
    %dma_start3A_232 = tpu.memref_slice %arg3[%add3A_230] : memref<32000000xf32, #tpu.memory_space<hbm>> -> memref<24576xf32, #tpu.memory_space<hbm>>
    tpu.enqueue_dma source(%arg7 : memref<24576xf32, #tpu.memory_space<vmem>>) target(%dma_start3A_232 : memref<24576xf32, #tpu.memory_space<hbm>>) target_semaphore(%arg16 : memref<!tpu.dma_semaphore, #tpu.memory_space<semaphore_mem>>)
    %dma_wait3A_233 = tpu.memref_slice %arg3[%add3A_230] : memref<32000000xf32, #tpu.memory_space<hbm>> -> memref<24576xf32, #tpu.memory_space<hbm>>
    %dma_wait3A_234 = tpu.memref_slice %arg3[%add3A_230] : memref<32000000xf32, #tpu.memory_space<hbm>> -> memref<24576xf32, #tpu.memory_space<hbm>>
    tpu.wait_dma2 semaphore(%arg16 : memref<!tpu.dma_semaphore, #tpu.memory_space<semaphore_mem>>) src(%arg7 : memref<24576xf32, #tpu.memory_space<vmem>>) dst(%dma_wait3A_234 : memref<24576xf32, #tpu.memory_space<hbm>>)
    %dma_start3A_235 = arith.constant 368640 : i32
    %dma_start3A_236 = tpu.memref_slice %arg2[%add3A, %dma_start3A_235] : memref<32x1000000xf32, #tpu.memory_space<hbm>> -> memref<1x24576xf32, #tpu.memory_space<hbm>>
    %dma_start3A_237 = tpu.memref_squeeze %dma_start3A_236 : memref<1x24576xf32, #tpu.memory_space<hbm>> -> memref<24576xf32, #tpu.memory_space<hbm>>
    %dma_start3A_238 = arith.constant 368640 : i32
    %dma_start3A_239 = tpu.memref_slice %arg2[%add3A, %dma_start3A_238] : memref<32x1000000xf32, #tpu.memory_space<hbm>> -> memref<1x24576xf32, #tpu.memory_space<hbm>>
    %dma_start3A_240 = tpu.memref_squeeze %dma_start3A_239 : memref<1x24576xf32, #tpu.memory_space<hbm>> -> memref<24576xf32, #tpu.memory_space<hbm>>
    tpu.enqueue_dma source(%dma_start3A_240 : memref<24576xf32, #tpu.memory_space<hbm>>) target(%arg7 : memref<24576xf32, #tpu.memory_space<vmem>>) target_semaphore(%arg12 : memref<!tpu.dma_semaphore, #tpu.memory_space<semaphore_mem>>)
    %dma_wait3A_241 = arith.constant 294912 : i32
    %dma_wait3A_242 = tpu.memref_slice %arg2[%add3A, %dma_wait3A_241] : memref<32x1000000xf32, #tpu.memory_space<hbm>> -> memref<1x24576xf32, #tpu.memory_space<hbm>>
    %dma_wait3A_243 = tpu.memref_squeeze %dma_wait3A_242 : memref<1x24576xf32, #tpu.memory_space<hbm>> -> memref<24576xf32, #tpu.memory_space<hbm>>
    %dma_wait3A_244 = arith.constant 294912 : i32
    %dma_wait3A_245 = tpu.memref_slice %arg2[%add3A, %dma_wait3A_244] : memref<32x1000000xf32, #tpu.memory_space<hbm>> -> memref<1x24576xf32, #tpu.memory_space<hbm>>
    %dma_wait3A_246 = tpu.memref_squeeze %dma_wait3A_245 : memref<1x24576xf32, #tpu.memory_space<hbm>> -> memref<24576xf32, #tpu.memory_space<hbm>>
    tpu.wait_dma2 semaphore(%arg9 : memref<!tpu.dma_semaphore, #tpu.memory_space<semaphore_mem>>) src(%dma_wait3A_246 : memref<24576xf32, #tpu.memory_space<hbm>>) dst(%arg4 : memref<24576xf32, #tpu.memory_space<vmem>>)
    %add3A_247 = arith.constant 294912 : i32
    %add3A_248 = arith.addi %mul3A_2, %add3A_247 : i32
    %dma_start3A_249 = tpu.memref_slice %arg3[%add3A_248] : memref<32000000xf32, #tpu.memory_space<hbm>> -> memref<24576xf32, #tpu.memory_space<hbm>>
    %dma_start3A_250 = tpu.memref_slice %arg3[%add3A_248] : memref<32000000xf32, #tpu.memory_space<hbm>> -> memref<24576xf32, #tpu.memory_space<hbm>>
    tpu.enqueue_dma source(%arg4 : memref<24576xf32, #tpu.memory_space<vmem>>) target(%dma_start3A_250 : memref<24576xf32, #tpu.memory_space<hbm>>) target_semaphore(%arg13 : memref<!tpu.dma_semaphore, #tpu.memory_space<semaphore_mem>>)
    %dma_wait3A_251 = tpu.memref_slice %arg3[%add3A_248] : memref<32000000xf32, #tpu.memory_space<hbm>> -> memref<24576xf32, #tpu.memory_space<hbm>>
    %dma_wait3A_252 = tpu.memref_slice %arg3[%add3A_248] : memref<32000000xf32, #tpu.memory_space<hbm>> -> memref<24576xf32, #tpu.memory_space<hbm>>
    tpu.wait_dma2 semaphore(%arg13 : memref<!tpu.dma_semaphore, #tpu.memory_space<semaphore_mem>>) src(%arg4 : memref<24576xf32, #tpu.memory_space<vmem>>) dst(%dma_wait3A_252 : memref<24576xf32, #tpu.memory_space<hbm>>)
    %dma_start3A_253 = arith.constant 393216 : i32
    %dma_start3A_254 = tpu.memref_slice %arg2[%add3A, %dma_start3A_253] : memref<32x1000000xf32, #tpu.memory_space<hbm>> -> memref<1x24576xf32, #tpu.memory_space<hbm>>
    %dma_start3A_255 = tpu.memref_squeeze %dma_start3A_254 : memref<1x24576xf32, #tpu.memory_space<hbm>> -> memref<24576xf32, #tpu.memory_space<hbm>>
    %dma_start3A_256 = arith.constant 393216 : i32
    %dma_start3A_257 = tpu.memref_slice %arg2[%add3A, %dma_start3A_256] : memref<32x1000000xf32, #tpu.memory_space<hbm>> -> memref<1x24576xf32, #tpu.memory_space<hbm>>
    %dma_start3A_258 = tpu.memref_squeeze %dma_start3A_257 : memref<1x24576xf32, #tpu.memory_space<hbm>> -> memref<24576xf32, #tpu.memory_space<hbm>>
    tpu.enqueue_dma source(%dma_start3A_258 : memref<24576xf32, #tpu.memory_space<hbm>>) target(%arg4 : memref<24576xf32, #tpu.memory_space<vmem>>) target_semaphore(%arg9 : memref<!tpu.dma_semaphore, #tpu.memory_space<semaphore_mem>>)
    %dma_wait3A_259 = arith.constant 319488 : i32
    %dma_wait3A_260 = tpu.memref_slice %arg2[%add3A, %dma_wait3A_259] : memref<32x1000000xf32, #tpu.memory_space<hbm>> -> memref<1x24576xf32, #tpu.memory_space<hbm>>
    %dma_wait3A_261 = tpu.memref_squeeze %dma_wait3A_260 : memref<1x24576xf32, #tpu.memory_space<hbm>> -> memref<24576xf32, #tpu.memory_space<hbm>>
    %dma_wait3A_262 = arith.constant 319488 : i32
    %dma_wait3A_263 = tpu.memref_slice %arg2[%add3A, %dma_wait3A_262] : memref<32x1000000xf32, #tpu.memory_space<hbm>> -> memref<1x24576xf32, #tpu.memory_space<hbm>>
    %dma_wait3A_264 = tpu.memref_squeeze %dma_wait3A_263 : memref<1x24576xf32, #tpu.memory_space<hbm>> -> memref<24576xf32, #tpu.memory_space<hbm>>
    tpu.wait_dma2 semaphore(%arg10 : memref<!tpu.dma_semaphore, #tpu.memory_space<semaphore_mem>>) src(%dma_wait3A_264 : memref<24576xf32, #tpu.memory_space<hbm>>) dst(%arg5 : memref<24576xf32, #tpu.memory_space<vmem>>)
    %add3A_265 = arith.constant 319488 : i32
    %add3A_266 = arith.addi %mul3A_2, %add3A_265 : i32
    %dma_start3A_267 = tpu.memref_slice %arg3[%add3A_266] : memref<32000000xf32, #tpu.memory_space<hbm>> -> memref<24576xf32, #tpu.memory_space<hbm>>
    %dma_start3A_268 = tpu.memref_slice %arg3[%add3A_266] : memref<32000000xf32, #tpu.memory_space<hbm>> -> memref<24576xf32, #tpu.memory_space<hbm>>
    tpu.enqueue_dma source(%arg5 : memref<24576xf32, #tpu.memory_space<vmem>>) target(%dma_start3A_268 : memref<24576xf32, #tpu.memory_space<hbm>>) target_semaphore(%arg14 : memref<!tpu.dma_semaphore, #tpu.memory_space<semaphore_mem>>)
    %dma_wait3A_269 = tpu.memref_slice %arg3[%add3A_266] : memref<32000000xf32, #tpu.memory_space<hbm>> -> memref<24576xf32, #tpu.memory_space<hbm>>
    %dma_wait3A_270 = tpu.memref_slice %arg3[%add3A_266] : memref<32000000xf32, #tpu.memory_space<hbm>> -> memref<24576xf32, #tpu.memory_space<hbm>>
    tpu.wait_dma2 semaphore(%arg14 : memref<!tpu.dma_semaphore, #tpu.memory_space<semaphore_mem>>) src(%arg5 : memref<24576xf32, #tpu.memory_space<vmem>>) dst(%dma_wait3A_270 : memref<24576xf32, #tpu.memory_space<hbm>>)
    %dma_start3A_271 = arith.constant 417792 : i32
    %dma_start3A_272 = tpu.memref_slice %arg2[%add3A, %dma_start3A_271] : memref<32x1000000xf32, #tpu.memory_space<hbm>> -> memref<1x24576xf32, #tpu.memory_space<hbm>>
    %dma_start3A_273 = tpu.memref_squeeze %dma_start3A_272 : memref<1x24576xf32, #tpu.memory_space<hbm>> -> memref<24576xf32, #tpu.memory_space<hbm>>
    %dma_start3A_274 = arith.constant 417792 : i32
    %dma_start3A_275 = tpu.memref_slice %arg2[%add3A, %dma_start3A_274] : memref<32x1000000xf32, #tpu.memory_space<hbm>> -> memref<1x24576xf32, #tpu.memory_space<hbm>>
    %dma_start3A_276 = tpu.memref_squeeze %dma_start3A_275 : memref<1x24576xf32, #tpu.memory_space<hbm>> -> memref<24576xf32, #tpu.memory_space<hbm>>
    tpu.enqueue_dma source(%dma_start3A_276 : memref<24576xf32, #tpu.memory_space<hbm>>) target(%arg5 : memref<24576xf32, #tpu.memory_space<vmem>>) target_semaphore(%arg10 : memref<!tpu.dma_semaphore, #tpu.memory_space<semaphore_mem>>)
    %dma_wait3A_277 = arith.constant 344064 : i32
    %dma_wait3A_278 = tpu.memref_slice %arg2[%add3A, %dma_wait3A_277] : memref<32x1000000xf32, #tpu.memory_space<hbm>> -> memref<1x24576xf32, #tpu.memory_space<hbm>>
    %dma_wait3A_279 = tpu.memref_squeeze %dma_wait3A_278 : memref<1x24576xf32, #tpu.memory_space<hbm>> -> memref<24576xf32, #tpu.memory_space<hbm>>
    %dma_wait3A_280 = arith.constant 344064 : i32
    %dma_wait3A_281 = tpu.memref_slice %arg2[%add3A, %dma_wait3A_280] : memref<32x1000000xf32, #tpu.memory_space<hbm>> -> memref<1x24576xf32, #tpu.memory_space<hbm>>
    %dma_wait3A_282 = tpu.memref_squeeze %dma_wait3A_281 : memref<1x24576xf32, #tpu.memory_space<hbm>> -> memref<24576xf32, #tpu.memory_space<hbm>>
    tpu.wait_dma2 semaphore(%arg11 : memref<!tpu.dma_semaphore, #tpu.memory_space<semaphore_mem>>) src(%dma_wait3A_282 : memref<24576xf32, #tpu.memory_space<hbm>>) dst(%arg6 : memref<24576xf32, #tpu.memory_space<vmem>>)
    %add3A_283 = arith.constant 344064 : i32
    %add3A_284 = arith.addi %mul3A_2, %add3A_283 : i32
    %dma_start3A_285 = tpu.memref_slice %arg3[%add3A_284] : memref<32000000xf32, #tpu.memory_space<hbm>> -> memref<24576xf32, #tpu.memory_space<hbm>>
    %dma_start3A_286 = tpu.memref_slice %arg3[%add3A_284] : memref<32000000xf32, #tpu.memory_space<hbm>> -> memref<24576xf32, #tpu.memory_space<hbm>>
    tpu.enqueue_dma source(%arg6 : memref<24576xf32, #tpu.memory_space<vmem>>) target(%dma_start3A_286 : memref<24576xf32, #tpu.memory_space<hbm>>) target_semaphore(%arg15 : memref<!tpu.dma_semaphore, #tpu.memory_space<semaphore_mem>>)
    %dma_wait3A_287 = tpu.memref_slice %arg3[%add3A_284] : memref<32000000xf32, #tpu.memory_space<hbm>> -> memref<24576xf32, #tpu.memory_space<hbm>>
    %dma_wait3A_288 = tpu.memref_slice %arg3[%add3A_284] : memref<32000000xf32, #tpu.memory_space<hbm>> -> memref<24576xf32, #tpu.memory_space<hbm>>
    tpu.wait_dma2 semaphore(%arg15 : memref<!tpu.dma_semaphore, #tpu.memory_space<semaphore_mem>>) src(%arg6 : memref<24576xf32, #tpu.memory_space<vmem>>) dst(%dma_wait3A_288 : memref<24576xf32, #tpu.memory_space<hbm>>)
    %dma_start3A_289 = arith.constant 442368 : i32
    %dma_start3A_290 = tpu.memref_slice %arg2[%add3A, %dma_start3A_289] : memref<32x1000000xf32, #tpu.memory_space<hbm>> -> memref<1x24576xf32, #tpu.memory_space<hbm>>
    %dma_start3A_291 = tpu.memref_squeeze %dma_start3A_290 : memref<1x24576xf32, #tpu.memory_space<hbm>> -> memref<24576xf32, #tpu.memory_space<hbm>>
    %dma_start3A_292 = arith.constant 442368 : i32
    %dma_start3A_293 = tpu.memref_slice %arg2[%add3A, %dma_start3A_292] : memref<32x1000000xf32, #tpu.memory_space<hbm>> -> memref<1x24576xf32, #tpu.memory_space<hbm>>
    %dma_start3A_294 = tpu.memref_squeeze %dma_start3A_293 : memref<1x24576xf32, #tpu.memory_space<hbm>> -> memref<24576xf32, #tpu.memory_space<hbm>>
    tpu.enqueue_dma source(%dma_start3A_294 : memref<24576xf32, #tpu.memory_space<hbm>>) target(%arg6 : memref<24576xf32, #tpu.memory_space<vmem>>) target_semaphore(%arg11 : memref<!tpu.dma_semaphore, #tpu.memory_space<semaphore_mem>>)
    %dma_wait3A_295 = arith.constant 368640 : i32
    %dma_wait3A_296 = tpu.memref_slice %arg2[%add3A, %dma_wait3A_295] : memref<32x1000000xf32, #tpu.memory_space<hbm>> -> memref<1x24576xf32, #tpu.memory_space<hbm>>
    %dma_wait3A_297 = tpu.memref_squeeze %dma_wait3A_296 : memref<1x24576xf32, #tpu.memory_space<hbm>> -> memref<24576xf32, #tpu.memory_space<hbm>>
    %dma_wait3A_298 = arith.constant 368640 : i32
    %dma_wait3A_299 = tpu.memref_slice %arg2[%add3A, %dma_wait3A_298] : memref<32x1000000xf32, #tpu.memory_space<hbm>> -> memref<1x24576xf32, #tpu.memory_space<hbm>>
    %dma_wait3A_300 = tpu.memref_squeeze %dma_wait3A_299 : memref<1x24576xf32, #tpu.memory_space<hbm>> -> memref<24576xf32, #tpu.memory_space<hbm>>
    tpu.wait_dma2 semaphore(%arg12 : memref<!tpu.dma_semaphore, #tpu.memory_space<semaphore_mem>>) src(%dma_wait3A_300 : memref<24576xf32, #tpu.memory_space<hbm>>) dst(%arg7 : memref<24576xf32, #tpu.memory_space<vmem>>)
    %add3A_301 = arith.constant 368640 : i32
    %add3A_302 = arith.addi %mul3A_2, %add3A_301 : i32
    %dma_start3A_303 = tpu.memref_slice %arg3[%add3A_302] : memref<32000000xf32, #tpu.memory_space<hbm>> -> memref<24576xf32, #tpu.memory_space<hbm>>
    %dma_start3A_304 = tpu.memref_slice %arg3[%add3A_302] : memref<32000000xf32, #tpu.memory_space<hbm>> -> memref<24576xf32, #tpu.memory_space<hbm>>
    tpu.enqueue_dma source(%arg7 : memref<24576xf32, #tpu.memory_space<vmem>>) target(%dma_start3A_304 : memref<24576xf32, #tpu.memory_space<hbm>>) target_semaphore(%arg16 : memref<!tpu.dma_semaphore, #tpu.memory_space<semaphore_mem>>)
    %dma_wait3A_305 = tpu.memref_slice %arg3[%add3A_302] : memref<32000000xf32, #tpu.memory_space<hbm>> -> memref<24576xf32, #tpu.memory_space<hbm>>
    %dma_wait3A_306 = tpu.memref_slice %arg3[%add3A_302] : memref<32000000xf32, #tpu.memory_space<hbm>> -> memref<24576xf32, #tpu.memory_space<hbm>>
    tpu.wait_dma2 semaphore(%arg16 : memref<!tpu.dma_semaphore, #tpu.memory_space<semaphore_mem>>) src(%arg7 : memref<24576xf32, #tpu.memory_space<vmem>>) dst(%dma_wait3A_306 : memref<24576xf32, #tpu.memory_space<hbm>>)
    %dma_start3A_307 = arith.constant 466944 : i32
    %dma_start3A_308 = tpu.memref_slice %arg2[%add3A, %dma_start3A_307] : memref<32x1000000xf32, #tpu.memory_space<hbm>> -> memref<1x24576xf32, #tpu.memory_space<hbm>>
    %dma_start3A_309 = tpu.memref_squeeze %dma_start3A_308 : memref<1x24576xf32, #tpu.memory_space<hbm>> -> memref<24576xf32, #tpu.memory_space<hbm>>
    %dma_start3A_310 = arith.constant 466944 : i32
    %dma_start3A_311 = tpu.memref_slice %arg2[%add3A, %dma_start3A_310] : memref<32x1000000xf32, #tpu.memory_space<hbm>> -> memref<1x24576xf32, #tpu.memory_space<hbm>>
    %dma_start3A_312 = tpu.memref_squeeze %dma_start3A_311 : memref<1x24576xf32, #tpu.memory_space<hbm>> -> memref<24576xf32, #tpu.memory_space<hbm>>
    tpu.enqueue_dma source(%dma_start3A_312 : memref<24576xf32, #tpu.memory_space<hbm>>) target(%arg7 : memref<24576xf32, #tpu.memory_space<vmem>>) target_semaphore(%arg12 : memref<!tpu.dma_semaphore, #tpu.memory_space<semaphore_mem>>)
    %dma_wait3A_313 = arith.constant 393216 : i32
    %dma_wait3A_314 = tpu.memref_slice %arg2[%add3A, %dma_wait3A_313] : memref<32x1000000xf32, #tpu.memory_space<hbm>> -> memref<1x24576xf32, #tpu.memory_space<hbm>>
    %dma_wait3A_315 = tpu.memref_squeeze %dma_wait3A_314 : memref<1x24576xf32, #tpu.memory_space<hbm>> -> memref<24576xf32, #tpu.memory_space<hbm>>
    %dma_wait3A_316 = arith.constant 393216 : i32
    %dma_wait3A_317 = tpu.memref_slice %arg2[%add3A, %dma_wait3A_316] : memref<32x1000000xf32, #tpu.memory_space<hbm>> -> memref<1x24576xf32, #tpu.memory_space<hbm>>
    %dma_wait3A_318 = tpu.memref_squeeze %dma_wait3A_317 : memref<1x24576xf32, #tpu.memory_space<hbm>> -> memref<24576xf32, #tpu.memory_space<hbm>>
    tpu.wait_dma2 semaphore(%arg9 : memref<!tpu.dma_semaphore, #tpu.memory_space<semaphore_mem>>) src(%dma_wait3A_318 : memref<24576xf32, #tpu.memory_space<hbm>>) dst(%arg4 : memref<24576xf32, #tpu.memory_space<vmem>>)
    %add3A_319 = arith.constant 393216 : i32
    %add3A_320 = arith.addi %mul3A_2, %add3A_319 : i32
    %dma_start3A_321 = tpu.memref_slice %arg3[%add3A_320] : memref<32000000xf32, #tpu.memory_space<hbm>> -> memref<24576xf32, #tpu.memory_space<hbm>>
    %dma_start3A_322 = tpu.memref_slice %arg3[%add3A_320] : memref<32000000xf32, #tpu.memory_space<hbm>> -> memref<24576xf32, #tpu.memory_space<hbm>>
    tpu.enqueue_dma source(%arg4 : memref<24576xf32, #tpu.memory_space<vmem>>) target(%dma_start3A_322 : memref<24576xf32, #tpu.memory_space<hbm>>) target_semaphore(%arg13 : memref<!tpu.dma_semaphore, #tpu.memory_space<semaphore_mem>>)
    %dma_wait3A_323 = tpu.memref_slice %arg3[%add3A_320] : memref<32000000xf32, #tpu.memory_space<hbm>> -> memref<24576xf32, #tpu.memory_space<hbm>>
    %dma_wait3A_324 = tpu.memref_slice %arg3[%add3A_320] : memref<32000000xf32, #tpu.memory_space<hbm>> -> memref<24576xf32, #tpu.memory_space<hbm>>
    tpu.wait_dma2 semaphore(%arg13 : memref<!tpu.dma_semaphore, #tpu.memory_space<semaphore_mem>>) src(%arg4 : memref<24576xf32, #tpu.memory_space<vmem>>) dst(%dma_wait3A_324 : memref<24576xf32, #tpu.memory_space<hbm>>)
    %dma_start3A_325 = arith.constant 491520 : i32
    %dma_start3A_326 = tpu.memref_slice %arg2[%add3A, %dma_start3A_325] : memref<32x1000000xf32, #tpu.memory_space<hbm>> -> memref<1x24576xf32, #tpu.memory_space<hbm>>
    %dma_start3A_327 = tpu.memref_squeeze %dma_start3A_326 : memref<1x24576xf32, #tpu.memory_space<hbm>> -> memref<24576xf32, #tpu.memory_space<hbm>>
    %dma_start3A_328 = arith.constant 491520 : i32
    %dma_start3A_329 = tpu.memref_slice %arg2[%add3A, %dma_start3A_328] : memref<32x1000000xf32, #tpu.memory_space<hbm>> -> memref<1x24576xf32, #tpu.memory_space<hbm>>
    %dma_start3A_330 = tpu.memref_squeeze %dma_start3A_329 : memref<1x24576xf32, #tpu.memory_space<hbm>> -> memref<24576xf32, #tpu.memory_space<hbm>>
    tpu.enqueue_dma source(%dma_start3A_330 : memref<24576xf32, #tpu.memory_space<hbm>>) target(%arg4 : memref<24576xf32, #tpu.memory_space<vmem>>) target_semaphore(%arg9 : memref<!tpu.dma_semaphore, #tpu.memory_space<semaphore_mem>>)
    %dma_wait3A_331 = arith.constant 417792 : i32
    %dma_wait3A_332 = tpu.memref_slice %arg2[%add3A, %dma_wait3A_331] : memref<32x1000000xf32, #tpu.memory_space<hbm>> -> memref<1x24576xf32, #tpu.memory_space<hbm>>
    %dma_wait3A_333 = tpu.memref_squeeze %dma_wait3A_332 : memref<1x24576xf32, #tpu.memory_space<hbm>> -> memref<24576xf32, #tpu.memory_space<hbm>>
    %dma_wait3A_334 = arith.constant 417792 : i32
    %dma_wait3A_335 = tpu.memref_slice %arg2[%add3A, %dma_wait3A_334] : memref<32x1000000xf32, #tpu.memory_space<hbm>> -> memref<1x24576xf32, #tpu.memory_space<hbm>>
    %dma_wait3A_336 = tpu.memref_squeeze %dma_wait3A_335 : memref<1x24576xf32, #tpu.memory_space<hbm>> -> memref<24576xf32, #tpu.memory_space<hbm>>
    tpu.wait_dma2 semaphore(%arg10 : memref<!tpu.dma_semaphore, #tpu.memory_space<semaphore_mem>>) src(%dma_wait3A_336 : memref<24576xf32, #tpu.memory_space<hbm>>) dst(%arg5 : memref<24576xf32, #tpu.memory_space<vmem>>)
    %add3A_337 = arith.constant 417792 : i32
    %add3A_338 = arith.addi %mul3A_2, %add3A_337 : i32
    %dma_start3A_339 = tpu.memref_slice %arg3[%add3A_338] : memref<32000000xf32, #tpu.memory_space<hbm>> -> memref<24576xf32, #tpu.memory_space<hbm>>
    %dma_start3A_340 = tpu.memref_slice %arg3[%add3A_338] : memref<32000000xf32, #tpu.memory_space<hbm>> -> memref<24576xf32, #tpu.memory_space<hbm>>
    tpu.enqueue_dma source(%arg5 : memref<24576xf32, #tpu.memory_space<vmem>>) target(%dma_start3A_340 : memref<24576xf32, #tpu.memory_space<hbm>>) target_semaphore(%arg14 : memref<!tpu.dma_semaphore, #tpu.memory_space<semaphore_mem>>)
    %dma_wait3A_341 = tpu.memref_slice %arg3[%add3A_338] : memref<32000000xf32, #tpu.memory_space<hbm>> -> memref<24576xf32, #tpu.memory_space<hbm>>
    %dma_wait3A_342 = tpu.memref_slice %arg3[%add3A_338] : memref<32000000xf32, #tpu.memory_space<hbm>> -> memref<24576xf32, #tpu.memory_space<hbm>>
    tpu.wait_dma2 semaphore(%arg14 : memref<!tpu.dma_semaphore, #tpu.memory_space<semaphore_mem>>) src(%arg5 : memref<24576xf32, #tpu.memory_space<vmem>>) dst(%dma_wait3A_342 : memref<24576xf32, #tpu.memory_space<hbm>>)
    %dma_start3A_343 = arith.constant 516096 : i32
    %dma_start3A_344 = tpu.memref_slice %arg2[%add3A, %dma_start3A_343] : memref<32x1000000xf32, #tpu.memory_space<hbm>> -> memref<1x24576xf32, #tpu.memory_space<hbm>>
    %dma_start3A_345 = tpu.memref_squeeze %dma_start3A_344 : memref<1x24576xf32, #tpu.memory_space<hbm>> -> memref<24576xf32, #tpu.memory_space<hbm>>
    %dma_start3A_346 = arith.constant 516096 : i32
    %dma_start3A_347 = tpu.memref_slice %arg2[%add3A, %dma_start3A_346] : memref<32x1000000xf32, #tpu.memory_space<hbm>> -> memref<1x24576xf32, #tpu.memory_space<hbm>>
    %dma_start3A_348 = tpu.memref_squeeze %dma_start3A_347 : memref<1x24576xf32, #tpu.memory_space<hbm>> -> memref<24576xf32, #tpu.memory_space<hbm>>
    tpu.enqueue_dma source(%dma_start3A_348 : memref<24576xf32, #tpu.memory_space<hbm>>) target(%arg5 : memref<24576xf32, #tpu.memory_space<vmem>>) target_semaphore(%arg10 : memref<!tpu.dma_semaphore, #tpu.memory_space<semaphore_mem>>)
    %dma_wait3A_349 = arith.constant 442368 : i32
    %dma_wait3A_350 = tpu.memref_slice %arg2[%add3A, %dma_wait3A_349] : memref<32x1000000xf32, #tpu.memory_space<hbm>> -> memref<1x24576xf32, #tpu.memory_space<hbm>>
    %dma_wait3A_351 = tpu.memref_squeeze %dma_wait3A_350 : memref<1x24576xf32, #tpu.memory_space<hbm>> -> memref<24576xf32, #tpu.memory_space<hbm>>
    %dma_wait3A_352 = arith.constant 442368 : i32
    %dma_wait3A_353 = tpu.memref_slice %arg2[%add3A, %dma_wait3A_352] : memref<32x1000000xf32, #tpu.memory_space<hbm>> -> memref<1x24576xf32, #tpu.memory_space<hbm>>
    %dma_wait3A_354 = tpu.memref_squeeze %dma_wait3A_353 : memref<1x24576xf32, #tpu.memory_space<hbm>> -> memref<24576xf32, #tpu.memory_space<hbm>>
    tpu.wait_dma2 semaphore(%arg11 : memref<!tpu.dma_semaphore, #tpu.memory_space<semaphore_mem>>) src(%dma_wait3A_354 : memref<24576xf32, #tpu.memory_space<hbm>>) dst(%arg6 : memref<24576xf32, #tpu.memory_space<vmem>>)
    %add3A_355 = arith.constant 442368 : i32
    %add3A_356 = arith.addi %mul3A_2, %add3A_355 : i32
    %dma_start3A_357 = tpu.memref_slice %arg3[%add3A_356] : memref<32000000xf32, #tpu.memory_space<hbm>> -> memref<24576xf32, #tpu.memory_space<hbm>>
    %dma_start3A_358 = tpu.memref_slice %arg3[%add3A_356] : memref<32000000xf32, #tpu.memory_space<hbm>> -> memref<24576xf32, #tpu.memory_space<hbm>>
    tpu.enqueue_dma source(%arg6 : memref<24576xf32, #tpu.memory_space<vmem>>) target(%dma_start3A_358 : memref<24576xf32, #tpu.memory_space<hbm>>) target_semaphore(%arg15 : memref<!tpu.dma_semaphore, #tpu.memory_space<semaphore_mem>>)
    %dma_wait3A_359 = tpu.memref_slice %arg3[%add3A_356] : memref<32000000xf32, #tpu.memory_space<hbm>> -> memref<24576xf32, #tpu.memory_space<hbm>>
    %dma_wait3A_360 = tpu.memref_slice %arg3[%add3A_356] : memref<32000000xf32, #tpu.memory_space<hbm>> -> memref<24576xf32, #tpu.memory_space<hbm>>
    tpu.wait_dma2 semaphore(%arg15 : memref<!tpu.dma_semaphore, #tpu.memory_space<semaphore_mem>>) src(%arg6 : memref<24576xf32, #tpu.memory_space<vmem>>) dst(%dma_wait3A_360 : memref<24576xf32, #tpu.memory_space<hbm>>)
    %dma_start3A_361 = arith.constant 540672 : i32
    %dma_start3A_362 = tpu.memref_slice %arg2[%add3A, %dma_start3A_361] : memref<32x1000000xf32, #tpu.memory_space<hbm>> -> memref<1x24576xf32, #tpu.memory_space<hbm>>
    %dma_start3A_363 = tpu.memref_squeeze %dma_start3A_362 : memref<1x24576xf32, #tpu.memory_space<hbm>> -> memref<24576xf32, #tpu.memory_space<hbm>>
    %dma_start3A_364 = arith.constant 540672 : i32
    %dma_start3A_365 = tpu.memref_slice %arg2[%add3A, %dma_start3A_364] : memref<32x1000000xf32, #tpu.memory_space<hbm>> -> memref<1x24576xf32, #tpu.memory_space<hbm>>
    %dma_start3A_366 = tpu.memref_squeeze %dma_start3A_365 : memref<1x24576xf32, #tpu.memory_space<hbm>> -> memref<24576xf32, #tpu.memory_space<hbm>>
    tpu.enqueue_dma source(%dma_start3A_366 : memref<24576xf32, #tpu.memory_space<hbm>>) target(%arg6 : memref<24576xf32, #tpu.memory_space<vmem>>) target_semaphore(%arg11 : memref<!tpu.dma_semaphore, #tpu.memory_space<semaphore_mem>>)
    %dma_wait3A_367 = arith.constant 466944 : i32
    %dma_wait3A_368 = tpu.memref_slice %arg2[%add3A, %dma_wait3A_367] : memref<32x1000000xf32, #tpu.memory_space<hbm>> -> memref<1x24576xf32, #tpu.memory_space<hbm>>
    %dma_wait3A_369 = tpu.memref_squeeze %dma_wait3A_368 : memref<1x24576xf32, #tpu.memory_space<hbm>> -> memref<24576xf32, #tpu.memory_space<hbm>>
    %dma_wait3A_370 = arith.constant 466944 : i32
    %dma_wait3A_371 = tpu.memref_slice %arg2[%add3A, %dma_wait3A_370] : memref<32x1000000xf32, #tpu.memory_space<hbm>> -> memref<1x24576xf32, #tpu.memory_space<hbm>>
    %dma_wait3A_372 = tpu.memref_squeeze %dma_wait3A_371 : memref<1x24576xf32, #tpu.memory_space<hbm>> -> memref<24576xf32, #tpu.memory_space<hbm>>
    tpu.wait_dma2 semaphore(%arg12 : memref<!tpu.dma_semaphore, #tpu.memory_space<semaphore_mem>>) src(%dma_wait3A_372 : memref<24576xf32, #tpu.memory_space<hbm>>) dst(%arg7 : memref<24576xf32, #tpu.memory_space<vmem>>)
    %add3A_373 = arith.constant 466944 : i32
    %add3A_374 = arith.addi %mul3A_2, %add3A_373 : i32
    %dma_start3A_375 = tpu.memref_slice %arg3[%add3A_374] : memref<32000000xf32, #tpu.memory_space<hbm>> -> memref<24576xf32, #tpu.memory_space<hbm>>
    %dma_start3A_376 = tpu.memref_slice %arg3[%add3A_374] : memref<32000000xf32, #tpu.memory_space<hbm>> -> memref<24576xf32, #tpu.memory_space<hbm>>
    tpu.enqueue_dma source(%arg7 : memref<24576xf32, #tpu.memory_space<vmem>>) target(%dma_start3A_376 : memref<24576xf32, #tpu.memory_space<hbm>>) target_semaphore(%arg16 : memref<!tpu.dma_semaphore, #tpu.memory_space<semaphore_mem>>)
    %dma_wait3A_377 = tpu.memref_slice %arg3[%add3A_374] : memref<32000000xf32, #tpu.memory_space<hbm>> -> memref<24576xf32, #tpu.memory_space<hbm>>
    %dma_wait3A_378 = tpu.memref_slice %arg3[%add3A_374] : memref<32000000xf32, #tpu.memory_space<hbm>> -> memref<24576xf32, #tpu.memory_space<hbm>>
    tpu.wait_dma2 semaphore(%arg16 : memref<!tpu.dma_semaphore, #tpu.memory_space<semaphore_mem>>) src(%arg7 : memref<24576xf32, #tpu.memory_space<vmem>>) dst(%dma_wait3A_378 : memref<24576xf32, #tpu.memory_space<hbm>>)
    %dma_start3A_379 = arith.constant 565248 : i32
    %dma_start3A_380 = tpu.memref_slice %arg2[%add3A, %dma_start3A_379] : memref<32x1000000xf32, #tpu.memory_space<hbm>> -> memref<1x24576xf32, #tpu.memory_space<hbm>>
    %dma_start3A_381 = tpu.memref_squeeze %dma_start3A_380 : memref<1x24576xf32, #tpu.memory_space<hbm>> -> memref<24576xf32, #tpu.memory_space<hbm>>
    %dma_start3A_382 = arith.constant 565248 : i32
    %dma_start3A_383 = tpu.memref_slice %arg2[%add3A, %dma_start3A_382] : memref<32x1000000xf32, #tpu.memory_space<hbm>> -> memref<1x24576xf32, #tpu.memory_space<hbm>>
    %dma_start3A_384 = tpu.memref_squeeze %dma_start3A_383 : memref<1x24576xf32, #tpu.memory_space<hbm>> -> memref<24576xf32, #tpu.memory_space<hbm>>
    tpu.enqueue_dma source(%dma_start3A_384 : memref<24576xf32, #tpu.memory_space<hbm>>) target(%arg7 : memref<24576xf32, #tpu.memory_space<vmem>>) target_semaphore(%arg12 : memref<!tpu.dma_semaphore, #tpu.memory_space<semaphore_mem>>)
    %dma_wait3A_385 = arith.constant 491520 : i32
    %dma_wait3A_386 = tpu.memref_slice %arg2[%add3A, %dma_wait3A_385] : memref<32x1000000xf32, #tpu.memory_space<hbm>> -> memref<1x24576xf32, #tpu.memory_space<hbm>>
    %dma_wait3A_387 = tpu.memref_squeeze %dma_wait3A_386 : memref<1x24576xf32, #tpu.memory_space<hbm>> -> memref<24576xf32, #tpu.memory_space<hbm>>
    %dma_wait3A_388 = arith.constant 491520 : i32
    %dma_wait3A_389 = tpu.memref_slice %arg2[%add3A, %dma_wait3A_388] : memref<32x1000000xf32, #tpu.memory_space<hbm>> -> memref<1x24576xf32, #tpu.memory_space<hbm>>
    %dma_wait3A_390 = tpu.memref_squeeze %dma_wait3A_389 : memref<1x24576xf32, #tpu.memory_space<hbm>> -> memref<24576xf32, #tpu.memory_space<hbm>>
    tpu.wait_dma2 semaphore(%arg9 : memref<!tpu.dma_semaphore, #tpu.memory_space<semaphore_mem>>) src(%dma_wait3A_390 : memref<24576xf32, #tpu.memory_space<hbm>>) dst(%arg4 : memref<24576xf32, #tpu.memory_space<vmem>>)
    %add3A_391 = arith.constant 491520 : i32
    %add3A_392 = arith.addi %mul3A_2, %add3A_391 : i32
    %dma_start3A_393 = tpu.memref_slice %arg3[%add3A_392] : memref<32000000xf32, #tpu.memory_space<hbm>> -> memref<24576xf32, #tpu.memory_space<hbm>>
    %dma_start3A_394 = tpu.memref_slice %arg3[%add3A_392] : memref<32000000xf32, #tpu.memory_space<hbm>> -> memref<24576xf32, #tpu.memory_space<hbm>>
    tpu.enqueue_dma source(%arg4 : memref<24576xf32, #tpu.memory_space<vmem>>) target(%dma_start3A_394 : memref<24576xf32, #tpu.memory_space<hbm>>) target_semaphore(%arg13 : memref<!tpu.dma_semaphore, #tpu.memory_space<semaphore_mem>>)
    %dma_wait3A_395 = tpu.memref_slice %arg3[%add3A_392] : memref<32000000xf32, #tpu.memory_space<hbm>> -> memref<24576xf32, #tpu.memory_space<hbm>>
    %dma_wait3A_396 = tpu.memref_slice %arg3[%add3A_392] : memref<32000000xf32, #tpu.memory_space<hbm>> -> memref<24576xf32, #tpu.memory_space<hbm>>
    tpu.wait_dma2 semaphore(%arg13 : memref<!tpu.dma_semaphore, #tpu.memory_space<semaphore_mem>>) src(%arg4 : memref<24576xf32, #tpu.memory_space<vmem>>) dst(%dma_wait3A_396 : memref<24576xf32, #tpu.memory_space<hbm>>)
    %dma_start3A_397 = arith.constant 589824 : i32
    %dma_start3A_398 = tpu.memref_slice %arg2[%add3A, %dma_start3A_397] : memref<32x1000000xf32, #tpu.memory_space<hbm>> -> memref<1x24576xf32, #tpu.memory_space<hbm>>
    %dma_start3A_399 = tpu.memref_squeeze %dma_start3A_398 : memref<1x24576xf32, #tpu.memory_space<hbm>> -> memref<24576xf32, #tpu.memory_space<hbm>>
    %dma_start3A_400 = arith.constant 589824 : i32
    %dma_start3A_401 = tpu.memref_slice %arg2[%add3A, %dma_start3A_400] : memref<32x1000000xf32, #tpu.memory_space<hbm>> -> memref<1x24576xf32, #tpu.memory_space<hbm>>
    %dma_start3A_402 = tpu.memref_squeeze %dma_start3A_401 : memref<1x24576xf32, #tpu.memory_space<hbm>> -> memref<24576xf32, #tpu.memory_space<hbm>>
    tpu.enqueue_dma source(%dma_start3A_402 : memref<24576xf32, #tpu.memory_space<hbm>>) target(%arg4 : memref<24576xf32, #tpu.memory_space<vmem>>) target_semaphore(%arg9 : memref<!tpu.dma_semaphore, #tpu.memory_space<semaphore_mem>>)
    %dma_wait3A_403 = arith.constant 516096 : i32
    %dma_wait3A_404 = tpu.memref_slice %arg2[%add3A, %dma_wait3A_403] : memref<32x1000000xf32, #tpu.memory_space<hbm>> -> memref<1x24576xf32, #tpu.memory_space<hbm>>
    %dma_wait3A_405 = tpu.memref_squeeze %dma_wait3A_404 : memref<1x24576xf32, #tpu.memory_space<hbm>> -> memref<24576xf32, #tpu.memory_space<hbm>>
    %dma_wait3A_406 = arith.constant 516096 : i32
    %dma_wait3A_407 = tpu.memref_slice %arg2[%add3A, %dma_wait3A_406] : memref<32x1000000xf32, #tpu.memory_space<hbm>> -> memref<1x24576xf32, #tpu.memory_space<hbm>>
    %dma_wait3A_408 = tpu.memref_squeeze %dma_wait3A_407 : memref<1x24576xf32, #tpu.memory_space<hbm>> -> memref<24576xf32, #tpu.memory_space<hbm>>
    tpu.wait_dma2 semaphore(%arg10 : memref<!tpu.dma_semaphore, #tpu.memory_space<semaphore_mem>>) src(%dma_wait3A_408 : memref<24576xf32, #tpu.memory_space<hbm>>) dst(%arg5 : memref<24576xf32, #tpu.memory_space<vmem>>)
    %add3A_409 = arith.constant 516096 : i32
    %add3A_410 = arith.addi %mul3A_2, %add3A_409 : i32
    %dma_start3A_411 = tpu.memref_slice %arg3[%add3A_410] : memref<32000000xf32, #tpu.memory_space<hbm>> -> memref<24576xf32, #tpu.memory_space<hbm>>
    %dma_start3A_412 = tpu.memref_slice %arg3[%add3A_410] : memref<32000000xf32, #tpu.memory_space<hbm>> -> memref<24576xf32, #tpu.memory_space<hbm>>
    tpu.enqueue_dma source(%arg5 : memref<24576xf32, #tpu.memory_space<vmem>>) target(%dma_start3A_412 : memref<24576xf32, #tpu.memory_space<hbm>>) target_semaphore(%arg14 : memref<!tpu.dma_semaphore, #tpu.memory_space<semaphore_mem>>)
    %dma_wait3A_413 = tpu.memref_slice %arg3[%add3A_410] : memref<32000000xf32, #tpu.memory_space<hbm>> -> memref<24576xf32, #tpu.memory_space<hbm>>
    %dma_wait3A_414 = tpu.memref_slice %arg3[%add3A_410] : memref<32000000xf32, #tpu.memory_space<hbm>> -> memref<24576xf32, #tpu.memory_space<hbm>>
    tpu.wait_dma2 semaphore(%arg14 : memref<!tpu.dma_semaphore, #tpu.memory_space<semaphore_mem>>) src(%arg5 : memref<24576xf32, #tpu.memory_space<vmem>>) dst(%dma_wait3A_414 : memref<24576xf32, #tpu.memory_space<hbm>>)
    %dma_start3A_415 = arith.constant 614400 : i32
    %dma_start3A_416 = tpu.memref_slice %arg2[%add3A, %dma_start3A_415] : memref<32x1000000xf32, #tpu.memory_space<hbm>> -> memref<1x24576xf32, #tpu.memory_space<hbm>>
    %dma_start3A_417 = tpu.memref_squeeze %dma_start3A_416 : memref<1x24576xf32, #tpu.memory_space<hbm>> -> memref<24576xf32, #tpu.memory_space<hbm>>
    %dma_start3A_418 = arith.constant 614400 : i32
    %dma_start3A_419 = tpu.memref_slice %arg2[%add3A, %dma_start3A_418] : memref<32x1000000xf32, #tpu.memory_space<hbm>> -> memref<1x24576xf32, #tpu.memory_space<hbm>>
    %dma_start3A_420 = tpu.memref_squeeze %dma_start3A_419 : memref<1x24576xf32, #tpu.memory_space<hbm>> -> memref<24576xf32, #tpu.memory_space<hbm>>
    tpu.enqueue_dma source(%dma_start3A_420 : memref<24576xf32, #tpu.memory_space<hbm>>) target(%arg5 : memref<24576xf32, #tpu.memory_space<vmem>>) target_semaphore(%arg10 : memref<!tpu.dma_semaphore, #tpu.memory_space<semaphore_mem>>)
    %dma_wait3A_421 = arith.constant 540672 : i32
    %dma_wait3A_422 = tpu.memref_slice %arg2[%add3A, %dma_wait3A_421] : memref<32x1000000xf32, #tpu.memory_space<hbm>> -> memref<1x24576xf32, #tpu.memory_space<hbm>>
    %dma_wait3A_423 = tpu.memref_squeeze %dma_wait3A_422 : memref<1x24576xf32, #tpu.memory_space<hbm>> -> memref<24576xf32, #tpu.memory_space<hbm>>
    %dma_wait3A_424 = arith.constant 540672 : i32
    %dma_wait3A_425 = tpu.memref_slice %arg2[%add3A, %dma_wait3A_424] : memref<32x1000000xf32, #tpu.memory_space<hbm>> -> memref<1x24576xf32, #tpu.memory_space<hbm>>
    %dma_wait3A_426 = tpu.memref_squeeze %dma_wait3A_425 : memref<1x24576xf32, #tpu.memory_space<hbm>> -> memref<24576xf32, #tpu.memory_space<hbm>>
    tpu.wait_dma2 semaphore(%arg11 : memref<!tpu.dma_semaphore, #tpu.memory_space<semaphore_mem>>) src(%dma_wait3A_426 : memref<24576xf32, #tpu.memory_space<hbm>>) dst(%arg6 : memref<24576xf32, #tpu.memory_space<vmem>>)
    %add3A_427 = arith.constant 540672 : i32
    %add3A_428 = arith.addi %mul3A_2, %add3A_427 : i32
    %dma_start3A_429 = tpu.memref_slice %arg3[%add3A_428] : memref<32000000xf32, #tpu.memory_space<hbm>> -> memref<24576xf32, #tpu.memory_space<hbm>>
    %dma_start3A_430 = tpu.memref_slice %arg3[%add3A_428] : memref<32000000xf32, #tpu.memory_space<hbm>> -> memref<24576xf32, #tpu.memory_space<hbm>>
    tpu.enqueue_dma source(%arg6 : memref<24576xf32, #tpu.memory_space<vmem>>) target(%dma_start3A_430 : memref<24576xf32, #tpu.memory_space<hbm>>) target_semaphore(%arg15 : memref<!tpu.dma_semaphore, #tpu.memory_space<semaphore_mem>>)
    %dma_wait3A_431 = tpu.memref_slice %arg3[%add3A_428] : memref<32000000xf32, #tpu.memory_space<hbm>> -> memref<24576xf32, #tpu.memory_space<hbm>>
    %dma_wait3A_432 = tpu.memref_slice %arg3[%add3A_428] : memref<32000000xf32, #tpu.memory_space<hbm>> -> memref<24576xf32, #tpu.memory_space<hbm>>
    tpu.wait_dma2 semaphore(%arg15 : memref<!tpu.dma_semaphore, #tpu.memory_space<semaphore_mem>>) src(%arg6 : memref<24576xf32, #tpu.memory_space<vmem>>) dst(%dma_wait3A_432 : memref<24576xf32, #tpu.memory_space<hbm>>)
    %dma_start3A_433 = arith.constant 638976 : i32
    %dma_start3A_434 = tpu.memref_slice %arg2[%add3A, %dma_start3A_433] : memref<32x1000000xf32, #tpu.memory_space<hbm>> -> memref<1x24576xf32, #tpu.memory_space<hbm>>
    %dma_start3A_435 = tpu.memref_squeeze %dma_start3A_434 : memref<1x24576xf32, #tpu.memory_space<hbm>> -> memref<24576xf32, #tpu.memory_space<hbm>>
    %dma_start3A_436 = arith.constant 638976 : i32
    %dma_start3A_437 = tpu.memref_slice %arg2[%add3A, %dma_start3A_436] : memref<32x1000000xf32, #tpu.memory_space<hbm>> -> memref<1x24576xf32, #tpu.memory_space<hbm>>
    %dma_start3A_438 = tpu.memref_squeeze %dma_start3A_437 : memref<1x24576xf32, #tpu.memory_space<hbm>> -> memref<24576xf32, #tpu.memory_space<hbm>>
    tpu.enqueue_dma source(%dma_start3A_438 : memref<24576xf32, #tpu.memory_space<hbm>>) target(%arg6 : memref<24576xf32, #tpu.memory_space<vmem>>) target_semaphore(%arg11 : memref<!tpu.dma_semaphore, #tpu.memory_space<semaphore_mem>>)
    %dma_wait3A_439 = arith.constant 565248 : i32
    %dma_wait3A_440 = tpu.memref_slice %arg2[%add3A, %dma_wait3A_439] : memref<32x1000000xf32, #tpu.memory_space<hbm>> -> memref<1x24576xf32, #tpu.memory_space<hbm>>
    %dma_wait3A_441 = tpu.memref_squeeze %dma_wait3A_440 : memref<1x24576xf32, #tpu.memory_space<hbm>> -> memref<24576xf32, #tpu.memory_space<hbm>>
    %dma_wait3A_442 = arith.constant 565248 : i32
    %dma_wait3A_443 = tpu.memref_slice %arg2[%add3A, %dma_wait3A_442] : memref<32x1000000xf32, #tpu.memory_space<hbm>> -> memref<1x24576xf32, #tpu.memory_space<hbm>>
    %dma_wait3A_444 = tpu.memref_squeeze %dma_wait3A_443 : memref<1x24576xf32, #tpu.memory_space<hbm>> -> memref<24576xf32, #tpu.memory_space<hbm>>
    tpu.wait_dma2 semaphore(%arg12 : memref<!tpu.dma_semaphore, #tpu.memory_space<semaphore_mem>>) src(%dma_wait3A_444 : memref<24576xf32, #tpu.memory_space<hbm>>) dst(%arg7 : memref<24576xf32, #tpu.memory_space<vmem>>)
    %add3A_445 = arith.constant 565248 : i32
    %add3A_446 = arith.addi %mul3A_2, %add3A_445 : i32
    %dma_start3A_447 = tpu.memref_slice %arg3[%add3A_446] : memref<32000000xf32, #tpu.memory_space<hbm>> -> memref<24576xf32, #tpu.memory_space<hbm>>
    %dma_start3A_448 = tpu.memref_slice %arg3[%add3A_446] : memref<32000000xf32, #tpu.memory_space<hbm>> -> memref<24576xf32, #tpu.memory_space<hbm>>
    tpu.enqueue_dma source(%arg7 : memref<24576xf32, #tpu.memory_space<vmem>>) target(%dma_start3A_448 : memref<24576xf32, #tpu.memory_space<hbm>>) target_semaphore(%arg16 : memref<!tpu.dma_semaphore, #tpu.memory_space<semaphore_mem>>)
    %dma_wait3A_449 = tpu.memref_slice %arg3[%add3A_446] : memref<32000000xf32, #tpu.memory_space<hbm>> -> memref<24576xf32, #tpu.memory_space<hbm>>
    %dma_wait3A_450 = tpu.memref_slice %arg3[%add3A_446] : memref<32000000xf32, #tpu.memory_space<hbm>> -> memref<24576xf32, #tpu.memory_space<hbm>>
    tpu.wait_dma2 semaphore(%arg16 : memref<!tpu.dma_semaphore, #tpu.memory_space<semaphore_mem>>) src(%arg7 : memref<24576xf32, #tpu.memory_space<vmem>>) dst(%dma_wait3A_450 : memref<24576xf32, #tpu.memory_space<hbm>>)
    %dma_start3A_451 = arith.constant 663552 : i32
    %dma_start3A_452 = tpu.memref_slice %arg2[%add3A, %dma_start3A_451] : memref<32x1000000xf32, #tpu.memory_space<hbm>> -> memref<1x24576xf32, #tpu.memory_space<hbm>>
    %dma_start3A_453 = tpu.memref_squeeze %dma_start3A_452 : memref<1x24576xf32, #tpu.memory_space<hbm>> -> memref<24576xf32, #tpu.memory_space<hbm>>
    %dma_start3A_454 = arith.constant 663552 : i32
    %dma_start3A_455 = tpu.memref_slice %arg2[%add3A, %dma_start3A_454] : memref<32x1000000xf32, #tpu.memory_space<hbm>> -> memref<1x24576xf32, #tpu.memory_space<hbm>>
    %dma_start3A_456 = tpu.memref_squeeze %dma_start3A_455 : memref<1x24576xf32, #tpu.memory_space<hbm>> -> memref<24576xf32, #tpu.memory_space<hbm>>
    tpu.enqueue_dma source(%dma_start3A_456 : memref<24576xf32, #tpu.memory_space<hbm>>) target(%arg7 : memref<24576xf32, #tpu.memory_space<vmem>>) target_semaphore(%arg12 : memref<!tpu.dma_semaphore, #tpu.memory_space<semaphore_mem>>)
    %dma_wait3A_457 = arith.constant 589824 : i32
    %dma_wait3A_458 = tpu.memref_slice %arg2[%add3A, %dma_wait3A_457] : memref<32x1000000xf32, #tpu.memory_space<hbm>> -> memref<1x24576xf32, #tpu.memory_space<hbm>>
    %dma_wait3A_459 = tpu.memref_squeeze %dma_wait3A_458 : memref<1x24576xf32, #tpu.memory_space<hbm>> -> memref<24576xf32, #tpu.memory_space<hbm>>
    %dma_wait3A_460 = arith.constant 589824 : i32
    %dma_wait3A_461 = tpu.memref_slice %arg2[%add3A, %dma_wait3A_460] : memref<32x1000000xf32, #tpu.memory_space<hbm>> -> memref<1x24576xf32, #tpu.memory_space<hbm>>
    %dma_wait3A_462 = tpu.memref_squeeze %dma_wait3A_461 : memref<1x24576xf32, #tpu.memory_space<hbm>> -> memref<24576xf32, #tpu.memory_space<hbm>>
    tpu.wait_dma2 semaphore(%arg9 : memref<!tpu.dma_semaphore, #tpu.memory_space<semaphore_mem>>) src(%dma_wait3A_462 : memref<24576xf32, #tpu.memory_space<hbm>>) dst(%arg4 : memref<24576xf32, #tpu.memory_space<vmem>>)
    %add3A_463 = arith.constant 589824 : i32
    %add3A_464 = arith.addi %mul3A_2, %add3A_463 : i32
    %dma_start3A_465 = tpu.memref_slice %arg3[%add3A_464] : memref<32000000xf32, #tpu.memory_space<hbm>> -> memref<24576xf32, #tpu.memory_space<hbm>>
    %dma_start3A_466 = tpu.memref_slice %arg3[%add3A_464] : memref<32000000xf32, #tpu.memory_space<hbm>> -> memref<24576xf32, #tpu.memory_space<hbm>>
    tpu.enqueue_dma source(%arg4 : memref<24576xf32, #tpu.memory_space<vmem>>) target(%dma_start3A_466 : memref<24576xf32, #tpu.memory_space<hbm>>) target_semaphore(%arg13 : memref<!tpu.dma_semaphore, #tpu.memory_space<semaphore_mem>>)
    %dma_wait3A_467 = tpu.memref_slice %arg3[%add3A_464] : memref<32000000xf32, #tpu.memory_space<hbm>> -> memref<24576xf32, #tpu.memory_space<hbm>>
    %dma_wait3A_468 = tpu.memref_slice %arg3[%add3A_464] : memref<32000000xf32, #tpu.memory_space<hbm>> -> memref<24576xf32, #tpu.memory_space<hbm>>
    tpu.wait_dma2 semaphore(%arg13 : memref<!tpu.dma_semaphore, #tpu.memory_space<semaphore_mem>>) src(%arg4 : memref<24576xf32, #tpu.memory_space<vmem>>) dst(%dma_wait3A_468 : memref<24576xf32, #tpu.memory_space<hbm>>)
    %dma_start3A_469 = arith.constant 688128 : i32
    %dma_start3A_470 = tpu.memref_slice %arg2[%add3A, %dma_start3A_469] : memref<32x1000000xf32, #tpu.memory_space<hbm>> -> memref<1x24576xf32, #tpu.memory_space<hbm>>
    %dma_start3A_471 = tpu.memref_squeeze %dma_start3A_470 : memref<1x24576xf32, #tpu.memory_space<hbm>> -> memref<24576xf32, #tpu.memory_space<hbm>>
    %dma_start3A_472 = arith.constant 688128 : i32
    %dma_start3A_473 = tpu.memref_slice %arg2[%add3A, %dma_start3A_472] : memref<32x1000000xf32, #tpu.memory_space<hbm>> -> memref<1x24576xf32, #tpu.memory_space<hbm>>
    %dma_start3A_474 = tpu.memref_squeeze %dma_start3A_473 : memref<1x24576xf32, #tpu.memory_space<hbm>> -> memref<24576xf32, #tpu.memory_space<hbm>>
    tpu.enqueue_dma source(%dma_start3A_474 : memref<24576xf32, #tpu.memory_space<hbm>>) target(%arg4 : memref<24576xf32, #tpu.memory_space<vmem>>) target_semaphore(%arg9 : memref<!tpu.dma_semaphore, #tpu.memory_space<semaphore_mem>>)
    %dma_wait3A_475 = arith.constant 614400 : i32
    %dma_wait3A_476 = tpu.memref_slice %arg2[%add3A, %dma_wait3A_475] : memref<32x1000000xf32, #tpu.memory_space<hbm>> -> memref<1x24576xf32, #tpu.memory_space<hbm>>
    %dma_wait3A_477 = tpu.memref_squeeze %dma_wait3A_476 : memref<1x24576xf32, #tpu.memory_space<hbm>> -> memref<24576xf32, #tpu.memory_space<hbm>>
    %dma_wait3A_478 = arith.constant 614400 : i32
    %dma_wait3A_479 = tpu.memref_slice %arg2[%add3A, %dma_wait3A_478] : memref<32x1000000xf32, #tpu.memory_space<hbm>> -> memref<1x24576xf32, #tpu.memory_space<hbm>>
    %dma_wait3A_480 = tpu.memref_squeeze %dma_wait3A_479 : memref<1x24576xf32, #tpu.memory_space<hbm>> -> memref<24576xf32, #tpu.memory_space<hbm>>
    tpu.wait_dma2 semaphore(%arg10 : memref<!tpu.dma_semaphore, #tpu.memory_space<semaphore_mem>>) src(%dma_wait3A_480 : memref<24576xf32, #tpu.memory_space<hbm>>) dst(%arg5 : memref<24576xf32, #tpu.memory_space<vmem>>)
    %add3A_481 = arith.constant 614400 : i32
    %add3A_482 = arith.addi %mul3A_2, %add3A_481 : i32
    %dma_start3A_483 = tpu.memref_slice %arg3[%add3A_482] : memref<32000000xf32, #tpu.memory_space<hbm>> -> memref<24576xf32, #tpu.memory_space<hbm>>
    %dma_start3A_484 = tpu.memref_slice %arg3[%add3A_482] : memref<32000000xf32, #tpu.memory_space<hbm>> -> memref<24576xf32, #tpu.memory_space<hbm>>
    tpu.enqueue_dma source(%arg5 : memref<24576xf32, #tpu.memory_space<vmem>>) target(%dma_start3A_484 : memref<24576xf32, #tpu.memory_space<hbm>>) target_semaphore(%arg14 : memref<!tpu.dma_semaphore, #tpu.memory_space<semaphore_mem>>)
    %dma_wait3A_485 = tpu.memref_slice %arg3[%add3A_482] : memref<32000000xf32, #tpu.memory_space<hbm>> -> memref<24576xf32, #tpu.memory_space<hbm>>
    %dma_wait3A_486 = tpu.memref_slice %arg3[%add3A_482] : memref<32000000xf32, #tpu.memory_space<hbm>> -> memref<24576xf32, #tpu.memory_space<hbm>>
    tpu.wait_dma2 semaphore(%arg14 : memref<!tpu.dma_semaphore, #tpu.memory_space<semaphore_mem>>) src(%arg5 : memref<24576xf32, #tpu.memory_space<vmem>>) dst(%dma_wait3A_486 : memref<24576xf32, #tpu.memory_space<hbm>>)
    %dma_start3A_487 = arith.constant 712704 : i32
    %dma_start3A_488 = tpu.memref_slice %arg2[%add3A, %dma_start3A_487] : memref<32x1000000xf32, #tpu.memory_space<hbm>> -> memref<1x24576xf32, #tpu.memory_space<hbm>>
    %dma_start3A_489 = tpu.memref_squeeze %dma_start3A_488 : memref<1x24576xf32, #tpu.memory_space<hbm>> -> memref<24576xf32, #tpu.memory_space<hbm>>
    %dma_start3A_490 = arith.constant 712704 : i32
    %dma_start3A_491 = tpu.memref_slice %arg2[%add3A, %dma_start3A_490] : memref<32x1000000xf32, #tpu.memory_space<hbm>> -> memref<1x24576xf32, #tpu.memory_space<hbm>>
    %dma_start3A_492 = tpu.memref_squeeze %dma_start3A_491 : memref<1x24576xf32, #tpu.memory_space<hbm>> -> memref<24576xf32, #tpu.memory_space<hbm>>
    tpu.enqueue_dma source(%dma_start3A_492 : memref<24576xf32, #tpu.memory_space<hbm>>) target(%arg5 : memref<24576xf32, #tpu.memory_space<vmem>>) target_semaphore(%arg10 : memref<!tpu.dma_semaphore, #tpu.memory_space<semaphore_mem>>)
    %dma_wait3A_493 = arith.constant 638976 : i32
    %dma_wait3A_494 = tpu.memref_slice %arg2[%add3A, %dma_wait3A_493] : memref<32x1000000xf32, #tpu.memory_space<hbm>> -> memref<1x24576xf32, #tpu.memory_space<hbm>>
    %dma_wait3A_495 = tpu.memref_squeeze %dma_wait3A_494 : memref<1x24576xf32, #tpu.memory_space<hbm>> -> memref<24576xf32, #tpu.memory_space<hbm>>
    %dma_wait3A_496 = arith.constant 638976 : i32
    %dma_wait3A_497 = tpu.memref_slice %arg2[%add3A, %dma_wait3A_496] : memref<32x1000000xf32, #tpu.memory_space<hbm>> -> memref<1x24576xf32, #tpu.memory_space<hbm>>
    %dma_wait3A_498 = tpu.memref_squeeze %dma_wait3A_497 : memref<1x24576xf32, #tpu.memory_space<hbm>> -> memref<24576xf32, #tpu.memory_space<hbm>>
    tpu.wait_dma2 semaphore(%arg11 : memref<!tpu.dma_semaphore, #tpu.memory_space<semaphore_mem>>) src(%dma_wait3A_498 : memref<24576xf32, #tpu.memory_space<hbm>>) dst(%arg6 : memref<24576xf32, #tpu.memory_space<vmem>>)
    %add3A_499 = arith.constant 638976 : i32
    %add3A_500 = arith.addi %mul3A_2, %add3A_499 : i32
    %dma_start3A_501 = tpu.memref_slice %arg3[%add3A_500] : memref<32000000xf32, #tpu.memory_space<hbm>> -> memref<24576xf32, #tpu.memory_space<hbm>>
    %dma_start3A_502 = tpu.memref_slice %arg3[%add3A_500] : memref<32000000xf32, #tpu.memory_space<hbm>> -> memref<24576xf32, #tpu.memory_space<hbm>>
    tpu.enqueue_dma source(%arg6 : memref<24576xf32, #tpu.memory_space<vmem>>) target(%dma_start3A_502 : memref<24576xf32, #tpu.memory_space<hbm>>) target_semaphore(%arg15 : memref<!tpu.dma_semaphore, #tpu.memory_space<semaphore_mem>>)
    %dma_wait3A_503 = tpu.memref_slice %arg3[%add3A_500] : memref<32000000xf32, #tpu.memory_space<hbm>> -> memref<24576xf32, #tpu.memory_space<hbm>>
    %dma_wait3A_504 = tpu.memref_slice %arg3[%add3A_500] : memref<32000000xf32, #tpu.memory_space<hbm>> -> memref<24576xf32, #tpu.memory_space<hbm>>
    tpu.wait_dma2 semaphore(%arg15 : memref<!tpu.dma_semaphore, #tpu.memory_space<semaphore_mem>>) src(%arg6 : memref<24576xf32, #tpu.memory_space<vmem>>) dst(%dma_wait3A_504 : memref<24576xf32, #tpu.memory_space<hbm>>)
    %dma_start3A_505 = arith.constant 737280 : i32
    %dma_start3A_506 = tpu.memref_slice %arg2[%add3A, %dma_start3A_505] : memref<32x1000000xf32, #tpu.memory_space<hbm>> -> memref<1x24576xf32, #tpu.memory_space<hbm>>
    %dma_start3A_507 = tpu.memref_squeeze %dma_start3A_506 : memref<1x24576xf32, #tpu.memory_space<hbm>> -> memref<24576xf32, #tpu.memory_space<hbm>>
    %dma_start3A_508 = arith.constant 737280 : i32
    %dma_start3A_509 = tpu.memref_slice %arg2[%add3A, %dma_start3A_508] : memref<32x1000000xf32, #tpu.memory_space<hbm>> -> memref<1x24576xf32, #tpu.memory_space<hbm>>
    %dma_start3A_510 = tpu.memref_squeeze %dma_start3A_509 : memref<1x24576xf32, #tpu.memory_space<hbm>> -> memref<24576xf32, #tpu.memory_space<hbm>>
    tpu.enqueue_dma source(%dma_start3A_510 : memref<24576xf32, #tpu.memory_space<hbm>>) target(%arg6 : memref<24576xf32, #tpu.memory_space<vmem>>) target_semaphore(%arg11 : memref<!tpu.dma_semaphore, #tpu.memory_space<semaphore_mem>>)
    %dma_wait3A_511 = arith.constant 663552 : i32
    %dma_wait3A_512 = tpu.memref_slice %arg2[%add3A, %dma_wait3A_511] : memref<32x1000000xf32, #tpu.memory_space<hbm>> -> memref<1x24576xf32, #tpu.memory_space<hbm>>
    %dma_wait3A_513 = tpu.memref_squeeze %dma_wait3A_512 : memref<1x24576xf32, #tpu.memory_space<hbm>> -> memref<24576xf32, #tpu.memory_space<hbm>>
    %dma_wait3A_514 = arith.constant 663552 : i32
    %dma_wait3A_515 = tpu.memref_slice %arg2[%add3A, %dma_wait3A_514] : memref<32x1000000xf32, #tpu.memory_space<hbm>> -> memref<1x24576xf32, #tpu.memory_space<hbm>>
    %dma_wait3A_516 = tpu.memref_squeeze %dma_wait3A_515 : memref<1x24576xf32, #tpu.memory_space<hbm>> -> memref<24576xf32, #tpu.memory_space<hbm>>
    tpu.wait_dma2 semaphore(%arg12 : memref<!tpu.dma_semaphore, #tpu.memory_space<semaphore_mem>>) src(%dma_wait3A_516 : memref<24576xf32, #tpu.memory_space<hbm>>) dst(%arg7 : memref<24576xf32, #tpu.memory_space<vmem>>)
    %add3A_517 = arith.constant 663552 : i32
    %add3A_518 = arith.addi %mul3A_2, %add3A_517 : i32
    %dma_start3A_519 = tpu.memref_slice %arg3[%add3A_518] : memref<32000000xf32, #tpu.memory_space<hbm>> -> memref<24576xf32, #tpu.memory_space<hbm>>
    %dma_start3A_520 = tpu.memref_slice %arg3[%add3A_518] : memref<32000000xf32, #tpu.memory_space<hbm>> -> memref<24576xf32, #tpu.memory_space<hbm>>
    tpu.enqueue_dma source(%arg7 : memref<24576xf32, #tpu.memory_space<vmem>>) target(%dma_start3A_520 : memref<24576xf32, #tpu.memory_space<hbm>>) target_semaphore(%arg16 : memref<!tpu.dma_semaphore, #tpu.memory_space<semaphore_mem>>)
    %dma_wait3A_521 = tpu.memref_slice %arg3[%add3A_518] : memref<32000000xf32, #tpu.memory_space<hbm>> -> memref<24576xf32, #tpu.memory_space<hbm>>
    %dma_wait3A_522 = tpu.memref_slice %arg3[%add3A_518] : memref<32000000xf32, #tpu.memory_space<hbm>> -> memref<24576xf32, #tpu.memory_space<hbm>>
    tpu.wait_dma2 semaphore(%arg16 : memref<!tpu.dma_semaphore, #tpu.memory_space<semaphore_mem>>) src(%arg7 : memref<24576xf32, #tpu.memory_space<vmem>>) dst(%dma_wait3A_522 : memref<24576xf32, #tpu.memory_space<hbm>>)
    %dma_start3A_523 = arith.constant 761856 : i32
    %dma_start3A_524 = tpu.memref_slice %arg2[%add3A, %dma_start3A_523] : memref<32x1000000xf32, #tpu.memory_space<hbm>> -> memref<1x24576xf32, #tpu.memory_space<hbm>>
    %dma_start3A_525 = tpu.memref_squeeze %dma_start3A_524 : memref<1x24576xf32, #tpu.memory_space<hbm>> -> memref<24576xf32, #tpu.memory_space<hbm>>
    %dma_start3A_526 = arith.constant 761856 : i32
    %dma_start3A_527 = tpu.memref_slice %arg2[%add3A, %dma_start3A_526] : memref<32x1000000xf32, #tpu.memory_space<hbm>> -> memref<1x24576xf32, #tpu.memory_space<hbm>>
    %dma_start3A_528 = tpu.memref_squeeze %dma_start3A_527 : memref<1x24576xf32, #tpu.memory_space<hbm>> -> memref<24576xf32, #tpu.memory_space<hbm>>
    tpu.enqueue_dma source(%dma_start3A_528 : memref<24576xf32, #tpu.memory_space<hbm>>) target(%arg7 : memref<24576xf32, #tpu.memory_space<vmem>>) target_semaphore(%arg12 : memref<!tpu.dma_semaphore, #tpu.memory_space<semaphore_mem>>)
    %dma_wait3A_529 = arith.constant 688128 : i32
    %dma_wait3A_530 = tpu.memref_slice %arg2[%add3A, %dma_wait3A_529] : memref<32x1000000xf32, #tpu.memory_space<hbm>> -> memref<1x24576xf32, #tpu.memory_space<hbm>>
    %dma_wait3A_531 = tpu.memref_squeeze %dma_wait3A_530 : memref<1x24576xf32, #tpu.memory_space<hbm>> -> memref<24576xf32, #tpu.memory_space<hbm>>
    %dma_wait3A_532 = arith.constant 688128 : i32
    %dma_wait3A_533 = tpu.memref_slice %arg2[%add3A, %dma_wait3A_532] : memref<32x1000000xf32, #tpu.memory_space<hbm>> -> memref<1x24576xf32, #tpu.memory_space<hbm>>
    %dma_wait3A_534 = tpu.memref_squeeze %dma_wait3A_533 : memref<1x24576xf32, #tpu.memory_space<hbm>> -> memref<24576xf32, #tpu.memory_space<hbm>>
    tpu.wait_dma2 semaphore(%arg9 : memref<!tpu.dma_semaphore, #tpu.memory_space<semaphore_mem>>) src(%dma_wait3A_534 : memref<24576xf32, #tpu.memory_space<hbm>>) dst(%arg4 : memref<24576xf32, #tpu.memory_space<vmem>>)
    %add3A_535 = arith.constant 688128 : i32
    %add3A_536 = arith.addi %mul3A_2, %add3A_535 : i32
    %dma_start3A_537 = tpu.memref_slice %arg3[%add3A_536] : memref<32000000xf32, #tpu.memory_space<hbm>> -> memref<24576xf32, #tpu.memory_space<hbm>>
    %dma_start3A_538 = tpu.memref_slice %arg3[%add3A_536] : memref<32000000xf32, #tpu.memory_space<hbm>> -> memref<24576xf32, #tpu.memory_space<hbm>>
    tpu.enqueue_dma source(%arg4 : memref<24576xf32, #tpu.memory_space<vmem>>) target(%dma_start3A_538 : memref<24576xf32, #tpu.memory_space<hbm>>) target_semaphore(%arg13 : memref<!tpu.dma_semaphore, #tpu.memory_space<semaphore_mem>>)
    %dma_wait3A_539 = tpu.memref_slice %arg3[%add3A_536] : memref<32000000xf32, #tpu.memory_space<hbm>> -> memref<24576xf32, #tpu.memory_space<hbm>>
    %dma_wait3A_540 = tpu.memref_slice %arg3[%add3A_536] : memref<32000000xf32, #tpu.memory_space<hbm>> -> memref<24576xf32, #tpu.memory_space<hbm>>
    tpu.wait_dma2 semaphore(%arg13 : memref<!tpu.dma_semaphore, #tpu.memory_space<semaphore_mem>>) src(%arg4 : memref<24576xf32, #tpu.memory_space<vmem>>) dst(%dma_wait3A_540 : memref<24576xf32, #tpu.memory_space<hbm>>)
    %dma_start3A_541 = arith.constant 786432 : i32
    %dma_start3A_542 = tpu.memref_slice %arg2[%add3A, %dma_start3A_541] : memref<32x1000000xf32, #tpu.memory_space<hbm>> -> memref<1x24576xf32, #tpu.memory_space<hbm>>
    %dma_start3A_543 = tpu.memref_squeeze %dma_start3A_542 : memref<1x24576xf32, #tpu.memory_space<hbm>> -> memref<24576xf32, #tpu.memory_space<hbm>>
    %dma_start3A_544 = arith.constant 786432 : i32
    %dma_start3A_545 = tpu.memref_slice %arg2[%add3A, %dma_start3A_544] : memref<32x1000000xf32, #tpu.memory_space<hbm>> -> memref<1x24576xf32, #tpu.memory_space<hbm>>
    %dma_start3A_546 = tpu.memref_squeeze %dma_start3A_545 : memref<1x24576xf32, #tpu.memory_space<hbm>> -> memref<24576xf32, #tpu.memory_space<hbm>>
    tpu.enqueue_dma source(%dma_start3A_546 : memref<24576xf32, #tpu.memory_space<hbm>>) target(%arg4 : memref<24576xf32, #tpu.memory_space<vmem>>) target_semaphore(%arg9 : memref<!tpu.dma_semaphore, #tpu.memory_space<semaphore_mem>>)
    %dma_wait3A_547 = arith.constant 712704 : i32
    %dma_wait3A_548 = tpu.memref_slice %arg2[%add3A, %dma_wait3A_547] : memref<32x1000000xf32, #tpu.memory_space<hbm>> -> memref<1x24576xf32, #tpu.memory_space<hbm>>
    %dma_wait3A_549 = tpu.memref_squeeze %dma_wait3A_548 : memref<1x24576xf32, #tpu.memory_space<hbm>> -> memref<24576xf32, #tpu.memory_space<hbm>>
    %dma_wait3A_550 = arith.constant 712704 : i32
    %dma_wait3A_551 = tpu.memref_slice %arg2[%add3A, %dma_wait3A_550] : memref<32x1000000xf32, #tpu.memory_space<hbm>> -> memref<1x24576xf32, #tpu.memory_space<hbm>>
    %dma_wait3A_552 = tpu.memref_squeeze %dma_wait3A_551 : memref<1x24576xf32, #tpu.memory_space<hbm>> -> memref<24576xf32, #tpu.memory_space<hbm>>
    tpu.wait_dma2 semaphore(%arg10 : memref<!tpu.dma_semaphore, #tpu.memory_space<semaphore_mem>>) src(%dma_wait3A_552 : memref<24576xf32, #tpu.memory_space<hbm>>) dst(%arg5 : memref<24576xf32, #tpu.memory_space<vmem>>)
    %add3A_553 = arith.constant 712704 : i32
    %add3A_554 = arith.addi %mul3A_2, %add3A_553 : i32
    %dma_start3A_555 = tpu.memref_slice %arg3[%add3A_554] : memref<32000000xf32, #tpu.memory_space<hbm>> -> memref<24576xf32, #tpu.memory_space<hbm>>
    %dma_start3A_556 = tpu.memref_slice %arg3[%add3A_554] : memref<32000000xf32, #tpu.memory_space<hbm>> -> memref<24576xf32, #tpu.memory_space<hbm>>
    tpu.enqueue_dma source(%arg5 : memref<24576xf32, #tpu.memory_space<vmem>>) target(%dma_start3A_556 : memref<24576xf32, #tpu.memory_space<hbm>>) target_semaphore(%arg14 : memref<!tpu.dma_semaphore, #tpu.memory_space<semaphore_mem>>)
    %dma_wait3A_557 = tpu.memref_slice %arg3[%add3A_554] : memref<32000000xf32, #tpu.memory_space<hbm>> -> memref<24576xf32, #tpu.memory_space<hbm>>
    %dma_wait3A_558 = tpu.memref_slice %arg3[%add3A_554] : memref<32000000xf32, #tpu.memory_space<hbm>> -> memref<24576xf32, #tpu.memory_space<hbm>>
    tpu.wait_dma2 semaphore(%arg14 : memref<!tpu.dma_semaphore, #tpu.memory_space<semaphore_mem>>) src(%arg5 : memref<24576xf32, #tpu.memory_space<vmem>>) dst(%dma_wait3A_558 : memref<24576xf32, #tpu.memory_space<hbm>>)
    %dma_start3A_559 = arith.constant 811008 : i32
    %dma_start3A_560 = tpu.memref_slice %arg2[%add3A, %dma_start3A_559] : memref<32x1000000xf32, #tpu.memory_space<hbm>> -> memref<1x24576xf32, #tpu.memory_space<hbm>>
    %dma_start3A_561 = tpu.memref_squeeze %dma_start3A_560 : memref<1x24576xf32, #tpu.memory_space<hbm>> -> memref<24576xf32, #tpu.memory_space<hbm>>
    %dma_start3A_562 = arith.constant 811008 : i32
    %dma_start3A_563 = tpu.memref_slice %arg2[%add3A, %dma_start3A_562] : memref<32x1000000xf32, #tpu.memory_space<hbm>> -> memref<1x24576xf32, #tpu.memory_space<hbm>>
    %dma_start3A_564 = tpu.memref_squeeze %dma_start3A_563 : memref<1x24576xf32, #tpu.memory_space<hbm>> -> memref<24576xf32, #tpu.memory_space<hbm>>
    tpu.enqueue_dma source(%dma_start3A_564 : memref<24576xf32, #tpu.memory_space<hbm>>) target(%arg5 : memref<24576xf32, #tpu.memory_space<vmem>>) target_semaphore(%arg10 : memref<!tpu.dma_semaphore, #tpu.memory_space<semaphore_mem>>)
    %dma_wait3A_565 = arith.constant 737280 : i32
    %dma_wait3A_566 = tpu.memref_slice %arg2[%add3A, %dma_wait3A_565] : memref<32x1000000xf32, #tpu.memory_space<hbm>> -> memref<1x24576xf32, #tpu.memory_space<hbm>>
    %dma_wait3A_567 = tpu.memref_squeeze %dma_wait3A_566 : memref<1x24576xf32, #tpu.memory_space<hbm>> -> memref<24576xf32, #tpu.memory_space<hbm>>
    %dma_wait3A_568 = arith.constant 737280 : i32
    %dma_wait3A_569 = tpu.memref_slice %arg2[%add3A, %dma_wait3A_568] : memref<32x1000000xf32, #tpu.memory_space<hbm>> -> memref<1x24576xf32, #tpu.memory_space<hbm>>
    %dma_wait3A_570 = tpu.memref_squeeze %dma_wait3A_569 : memref<1x24576xf32, #tpu.memory_space<hbm>> -> memref<24576xf32, #tpu.memory_space<hbm>>
    tpu.wait_dma2 semaphore(%arg11 : memref<!tpu.dma_semaphore, #tpu.memory_space<semaphore_mem>>) src(%dma_wait3A_570 : memref<24576xf32, #tpu.memory_space<hbm>>) dst(%arg6 : memref<24576xf32, #tpu.memory_space<vmem>>)
    %add3A_571 = arith.constant 737280 : i32
    %add3A_572 = arith.addi %mul3A_2, %add3A_571 : i32
    %dma_start3A_573 = tpu.memref_slice %arg3[%add3A_572] : memref<32000000xf32, #tpu.memory_space<hbm>> -> memref<24576xf32, #tpu.memory_space<hbm>>
    %dma_start3A_574 = tpu.memref_slice %arg3[%add3A_572] : memref<32000000xf32, #tpu.memory_space<hbm>> -> memref<24576xf32, #tpu.memory_space<hbm>>
    tpu.enqueue_dma source(%arg6 : memref<24576xf32, #tpu.memory_space<vmem>>) target(%dma_start3A_574 : memref<24576xf32, #tpu.memory_space<hbm>>) target_semaphore(%arg15 : memref<!tpu.dma_semaphore, #tpu.memory_space<semaphore_mem>>)
    %dma_wait3A_575 = tpu.memref_slice %arg3[%add3A_572] : memref<32000000xf32, #tpu.memory_space<hbm>> -> memref<24576xf32, #tpu.memory_space<hbm>>
    %dma_wait3A_576 = tpu.memref_slice %arg3[%add3A_572] : memref<32000000xf32, #tpu.memory_space<hbm>> -> memref<24576xf32, #tpu.memory_space<hbm>>
    tpu.wait_dma2 semaphore(%arg15 : memref<!tpu.dma_semaphore, #tpu.memory_space<semaphore_mem>>) src(%arg6 : memref<24576xf32, #tpu.memory_space<vmem>>) dst(%dma_wait3A_576 : memref<24576xf32, #tpu.memory_space<hbm>>)
    %dma_start3A_577 = arith.constant 835584 : i32
    %dma_start3A_578 = tpu.memref_slice %arg2[%add3A, %dma_start3A_577] : memref<32x1000000xf32, #tpu.memory_space<hbm>> -> memref<1x24576xf32, #tpu.memory_space<hbm>>
    %dma_start3A_579 = tpu.memref_squeeze %dma_start3A_578 : memref<1x24576xf32, #tpu.memory_space<hbm>> -> memref<24576xf32, #tpu.memory_space<hbm>>
    %dma_start3A_580 = arith.constant 835584 : i32
    %dma_start3A_581 = tpu.memref_slice %arg2[%add3A, %dma_start3A_580] : memref<32x1000000xf32, #tpu.memory_space<hbm>> -> memref<1x24576xf32, #tpu.memory_space<hbm>>
    %dma_start3A_582 = tpu.memref_squeeze %dma_start3A_581 : memref<1x24576xf32, #tpu.memory_space<hbm>> -> memref<24576xf32, #tpu.memory_space<hbm>>
    tpu.enqueue_dma source(%dma_start3A_582 : memref<24576xf32, #tpu.memory_space<hbm>>) target(%arg6 : memref<24576xf32, #tpu.memory_space<vmem>>) target_semaphore(%arg11 : memref<!tpu.dma_semaphore, #tpu.memory_space<semaphore_mem>>)
    %dma_wait3A_583 = arith.constant 761856 : i32
    %dma_wait3A_584 = tpu.memref_slice %arg2[%add3A, %dma_wait3A_583] : memref<32x1000000xf32, #tpu.memory_space<hbm>> -> memref<1x24576xf32, #tpu.memory_space<hbm>>
    %dma_wait3A_585 = tpu.memref_squeeze %dma_wait3A_584 : memref<1x24576xf32, #tpu.memory_space<hbm>> -> memref<24576xf32, #tpu.memory_space<hbm>>
    %dma_wait3A_586 = arith.constant 761856 : i32
    %dma_wait3A_587 = tpu.memref_slice %arg2[%add3A, %dma_wait3A_586] : memref<32x1000000xf32, #tpu.memory_space<hbm>> -> memref<1x24576xf32, #tpu.memory_space<hbm>>
    %dma_wait3A_588 = tpu.memref_squeeze %dma_wait3A_587 : memref<1x24576xf32, #tpu.memory_space<hbm>> -> memref<24576xf32, #tpu.memory_space<hbm>>
    tpu.wait_dma2 semaphore(%arg12 : memref<!tpu.dma_semaphore, #tpu.memory_space<semaphore_mem>>) src(%dma_wait3A_588 : memref<24576xf32, #tpu.memory_space<hbm>>) dst(%arg7 : memref<24576xf32, #tpu.memory_space<vmem>>)
    %add3A_589 = arith.constant 761856 : i32
    %add3A_590 = arith.addi %mul3A_2, %add3A_589 : i32
    %dma_start3A_591 = tpu.memref_slice %arg3[%add3A_590] : memref<32000000xf32, #tpu.memory_space<hbm>> -> memref<24576xf32, #tpu.memory_space<hbm>>
    %dma_start3A_592 = tpu.memref_slice %arg3[%add3A_590] : memref<32000000xf32, #tpu.memory_space<hbm>> -> memref<24576xf32, #tpu.memory_space<hbm>>
    tpu.enqueue_dma source(%arg7 : memref<24576xf32, #tpu.memory_space<vmem>>) target(%dma_start3A_592 : memref<24576xf32, #tpu.memory_space<hbm>>) target_semaphore(%arg16 : memref<!tpu.dma_semaphore, #tpu.memory_space<semaphore_mem>>)
    %dma_wait3A_593 = tpu.memref_slice %arg3[%add3A_590] : memref<32000000xf32, #tpu.memory_space<hbm>> -> memref<24576xf32, #tpu.memory_space<hbm>>
    %dma_wait3A_594 = tpu.memref_slice %arg3[%add3A_590] : memref<32000000xf32, #tpu.memory_space<hbm>> -> memref<24576xf32, #tpu.memory_space<hbm>>
    tpu.wait_dma2 semaphore(%arg16 : memref<!tpu.dma_semaphore, #tpu.memory_space<semaphore_mem>>) src(%arg7 : memref<24576xf32, #tpu.memory_space<vmem>>) dst(%dma_wait3A_594 : memref<24576xf32, #tpu.memory_space<hbm>>)
    %dma_start3A_595 = arith.constant 860160 : i32
    %dma_start3A_596 = tpu.memref_slice %arg2[%add3A, %dma_start3A_595] : memref<32x1000000xf32, #tpu.memory_space<hbm>> -> memref<1x24576xf32, #tpu.memory_space<hbm>>
    %dma_start3A_597 = tpu.memref_squeeze %dma_start3A_596 : memref<1x24576xf32, #tpu.memory_space<hbm>> -> memref<24576xf32, #tpu.memory_space<hbm>>
    %dma_start3A_598 = arith.constant 860160 : i32
    %dma_start3A_599 = tpu.memref_slice %arg2[%add3A, %dma_start3A_598] : memref<32x1000000xf32, #tpu.memory_space<hbm>> -> memref<1x24576xf32, #tpu.memory_space<hbm>>
    %dma_start3A_600 = tpu.memref_squeeze %dma_start3A_599 : memref<1x24576xf32, #tpu.memory_space<hbm>> -> memref<24576xf32, #tpu.memory_space<hbm>>
    tpu.enqueue_dma source(%dma_start3A_600 : memref<24576xf32, #tpu.memory_space<hbm>>) target(%arg7 : memref<24576xf32, #tpu.memory_space<vmem>>) target_semaphore(%arg12 : memref<!tpu.dma_semaphore, #tpu.memory_space<semaphore_mem>>)
    %dma_wait3A_601 = arith.constant 786432 : i32
    %dma_wait3A_602 = tpu.memref_slice %arg2[%add3A, %dma_wait3A_601] : memref<32x1000000xf32, #tpu.memory_space<hbm>> -> memref<1x24576xf32, #tpu.memory_space<hbm>>
    %dma_wait3A_603 = tpu.memref_squeeze %dma_wait3A_602 : memref<1x24576xf32, #tpu.memory_space<hbm>> -> memref<24576xf32, #tpu.memory_space<hbm>>
    %dma_wait3A_604 = arith.constant 786432 : i32
    %dma_wait3A_605 = tpu.memref_slice %arg2[%add3A, %dma_wait3A_604] : memref<32x1000000xf32, #tpu.memory_space<hbm>> -> memref<1x24576xf32, #tpu.memory_space<hbm>>
    %dma_wait3A_606 = tpu.memref_squeeze %dma_wait3A_605 : memref<1x24576xf32, #tpu.memory_space<hbm>> -> memref<24576xf32, #tpu.memory_space<hbm>>
    tpu.wait_dma2 semaphore(%arg9 : memref<!tpu.dma_semaphore, #tpu.memory_space<semaphore_mem>>) src(%dma_wait3A_606 : memref<24576xf32, #tpu.memory_space<hbm>>) dst(%arg4 : memref<24576xf32, #tpu.memory_space<vmem>>)
    %add3A_607 = arith.constant 786432 : i32
    %add3A_608 = arith.addi %mul3A_2, %add3A_607 : i32
    %dma_start3A_609 = tpu.memref_slice %arg3[%add3A_608] : memref<32000000xf32, #tpu.memory_space<hbm>> -> memref<24576xf32, #tpu.memory_space<hbm>>
    %dma_start3A_610 = tpu.memref_slice %arg3[%add3A_608] : memref<32000000xf32, #tpu.memory_space<hbm>> -> memref<24576xf32, #tpu.memory_space<hbm>>
    tpu.enqueue_dma source(%arg4 : memref<24576xf32, #tpu.memory_space<vmem>>) target(%dma_start3A_610 : memref<24576xf32, #tpu.memory_space<hbm>>) target_semaphore(%arg13 : memref<!tpu.dma_semaphore, #tpu.memory_space<semaphore_mem>>)
    %dma_wait3A_611 = tpu.memref_slice %arg3[%add3A_608] : memref<32000000xf32, #tpu.memory_space<hbm>> -> memref<24576xf32, #tpu.memory_space<hbm>>
    %dma_wait3A_612 = tpu.memref_slice %arg3[%add3A_608] : memref<32000000xf32, #tpu.memory_space<hbm>> -> memref<24576xf32, #tpu.memory_space<hbm>>
    tpu.wait_dma2 semaphore(%arg13 : memref<!tpu.dma_semaphore, #tpu.memory_space<semaphore_mem>>) src(%arg4 : memref<24576xf32, #tpu.memory_space<vmem>>) dst(%dma_wait3A_612 : memref<24576xf32, #tpu.memory_space<hbm>>)
    %dma_start3A_613 = arith.constant 884736 : i32
    %dma_start3A_614 = tpu.memref_slice %arg2[%add3A, %dma_start3A_613] : memref<32x1000000xf32, #tpu.memory_space<hbm>> -> memref<1x24576xf32, #tpu.memory_space<hbm>>
    %dma_start3A_615 = tpu.memref_squeeze %dma_start3A_614 : memref<1x24576xf32, #tpu.memory_space<hbm>> -> memref<24576xf32, #tpu.memory_space<hbm>>
    %dma_start3A_616 = arith.constant 884736 : i32
    %dma_start3A_617 = tpu.memref_slice %arg2[%add3A, %dma_start3A_616] : memref<32x1000000xf32, #tpu.memory_space<hbm>> -> memref<1x24576xf32, #tpu.memory_space<hbm>>
    %dma_start3A_618 = tpu.memref_squeeze %dma_start3A_617 : memref<1x24576xf32, #tpu.memory_space<hbm>> -> memref<24576xf32, #tpu.memory_space<hbm>>
    tpu.enqueue_dma source(%dma_start3A_618 : memref<24576xf32, #tpu.memory_space<hbm>>) target(%arg4 : memref<24576xf32, #tpu.memory_space<vmem>>) target_semaphore(%arg9 : memref<!tpu.dma_semaphore, #tpu.memory_space<semaphore_mem>>)
    %dma_wait3A_619 = arith.constant 811008 : i32
    %dma_wait3A_620 = tpu.memref_slice %arg2[%add3A, %dma_wait3A_619] : memref<32x1000000xf32, #tpu.memory_space<hbm>> -> memref<1x24576xf32, #tpu.memory_space<hbm>>
    %dma_wait3A_621 = tpu.memref_squeeze %dma_wait3A_620 : memref<1x24576xf32, #tpu.memory_space<hbm>> -> memref<24576xf32, #tpu.memory_space<hbm>>
    %dma_wait3A_622 = arith.constant 811008 : i32
    %dma_wait3A_623 = tpu.memref_slice %arg2[%add3A, %dma_wait3A_622] : memref<32x1000000xf32, #tpu.memory_space<hbm>> -> memref<1x24576xf32, #tpu.memory_space<hbm>>
    %dma_wait3A_624 = tpu.memref_squeeze %dma_wait3A_623 : memref<1x24576xf32, #tpu.memory_space<hbm>> -> memref<24576xf32, #tpu.memory_space<hbm>>
    tpu.wait_dma2 semaphore(%arg10 : memref<!tpu.dma_semaphore, #tpu.memory_space<semaphore_mem>>) src(%dma_wait3A_624 : memref<24576xf32, #tpu.memory_space<hbm>>) dst(%arg5 : memref<24576xf32, #tpu.memory_space<vmem>>)
    %add3A_625 = arith.constant 811008 : i32
    %add3A_626 = arith.addi %mul3A_2, %add3A_625 : i32
    %dma_start3A_627 = tpu.memref_slice %arg3[%add3A_626] : memref<32000000xf32, #tpu.memory_space<hbm>> -> memref<24576xf32, #tpu.memory_space<hbm>>
    %dma_start3A_628 = tpu.memref_slice %arg3[%add3A_626] : memref<32000000xf32, #tpu.memory_space<hbm>> -> memref<24576xf32, #tpu.memory_space<hbm>>
    tpu.enqueue_dma source(%arg5 : memref<24576xf32, #tpu.memory_space<vmem>>) target(%dma_start3A_628 : memref<24576xf32, #tpu.memory_space<hbm>>) target_semaphore(%arg14 : memref<!tpu.dma_semaphore, #tpu.memory_space<semaphore_mem>>)
    %dma_wait3A_629 = tpu.memref_slice %arg3[%add3A_626] : memref<32000000xf32, #tpu.memory_space<hbm>> -> memref<24576xf32, #tpu.memory_space<hbm>>
    %dma_wait3A_630 = tpu.memref_slice %arg3[%add3A_626] : memref<32000000xf32, #tpu.memory_space<hbm>> -> memref<24576xf32, #tpu.memory_space<hbm>>
    tpu.wait_dma2 semaphore(%arg14 : memref<!tpu.dma_semaphore, #tpu.memory_space<semaphore_mem>>) src(%arg5 : memref<24576xf32, #tpu.memory_space<vmem>>) dst(%dma_wait3A_630 : memref<24576xf32, #tpu.memory_space<hbm>>)
    %dma_start3A_631 = arith.constant 909312 : i32
    %dma_start3A_632 = tpu.memref_slice %arg2[%add3A, %dma_start3A_631] : memref<32x1000000xf32, #tpu.memory_space<hbm>> -> memref<1x24576xf32, #tpu.memory_space<hbm>>
    %dma_start3A_633 = tpu.memref_squeeze %dma_start3A_632 : memref<1x24576xf32, #tpu.memory_space<hbm>> -> memref<24576xf32, #tpu.memory_space<hbm>>
    %dma_start3A_634 = arith.constant 909312 : i32
    %dma_start3A_635 = tpu.memref_slice %arg2[%add3A, %dma_start3A_634] : memref<32x1000000xf32, #tpu.memory_space<hbm>> -> memref<1x24576xf32, #tpu.memory_space<hbm>>
    %dma_start3A_636 = tpu.memref_squeeze %dma_start3A_635 : memref<1x24576xf32, #tpu.memory_space<hbm>> -> memref<24576xf32, #tpu.memory_space<hbm>>
    tpu.enqueue_dma source(%dma_start3A_636 : memref<24576xf32, #tpu.memory_space<hbm>>) target(%arg5 : memref<24576xf32, #tpu.memory_space<vmem>>) target_semaphore(%arg10 : memref<!tpu.dma_semaphore, #tpu.memory_space<semaphore_mem>>)
    %dma_wait3A_637 = arith.constant 835584 : i32
    %dma_wait3A_638 = tpu.memref_slice %arg2[%add3A, %dma_wait3A_637] : memref<32x1000000xf32, #tpu.memory_space<hbm>> -> memref<1x24576xf32, #tpu.memory_space<hbm>>
    %dma_wait3A_639 = tpu.memref_squeeze %dma_wait3A_638 : memref<1x24576xf32, #tpu.memory_space<hbm>> -> memref<24576xf32, #tpu.memory_space<hbm>>
    %dma_wait3A_640 = arith.constant 835584 : i32
    %dma_wait3A_641 = tpu.memref_slice %arg2[%add3A, %dma_wait3A_640] : memref<32x1000000xf32, #tpu.memory_space<hbm>> -> memref<1x24576xf32, #tpu.memory_space<hbm>>
    %dma_wait3A_642 = tpu.memref_squeeze %dma_wait3A_641 : memref<1x24576xf32, #tpu.memory_space<hbm>> -> memref<24576xf32, #tpu.memory_space<hbm>>
    tpu.wait_dma2 semaphore(%arg11 : memref<!tpu.dma_semaphore, #tpu.memory_space<semaphore_mem>>) src(%dma_wait3A_642 : memref<24576xf32, #tpu.memory_space<hbm>>) dst(%arg6 : memref<24576xf32, #tpu.memory_space<vmem>>)
    %add3A_643 = arith.constant 835584 : i32
    %add3A_644 = arith.addi %mul3A_2, %add3A_643 : i32
    %dma_start3A_645 = tpu.memref_slice %arg3[%add3A_644] : memref<32000000xf32, #tpu.memory_space<hbm>> -> memref<24576xf32, #tpu.memory_space<hbm>>
    %dma_start3A_646 = tpu.memref_slice %arg3[%add3A_644] : memref<32000000xf32, #tpu.memory_space<hbm>> -> memref<24576xf32, #tpu.memory_space<hbm>>
    tpu.enqueue_dma source(%arg6 : memref<24576xf32, #tpu.memory_space<vmem>>) target(%dma_start3A_646 : memref<24576xf32, #tpu.memory_space<hbm>>) target_semaphore(%arg15 : memref<!tpu.dma_semaphore, #tpu.memory_space<semaphore_mem>>)
    %dma_wait3A_647 = tpu.memref_slice %arg3[%add3A_644] : memref<32000000xf32, #tpu.memory_space<hbm>> -> memref<24576xf32, #tpu.memory_space<hbm>>
    %dma_wait3A_648 = tpu.memref_slice %arg3[%add3A_644] : memref<32000000xf32, #tpu.memory_space<hbm>> -> memref<24576xf32, #tpu.memory_space<hbm>>
    tpu.wait_dma2 semaphore(%arg15 : memref<!tpu.dma_semaphore, #tpu.memory_space<semaphore_mem>>) src(%arg6 : memref<24576xf32, #tpu.memory_space<vmem>>) dst(%dma_wait3A_648 : memref<24576xf32, #tpu.memory_space<hbm>>)
    %dma_start3A_649 = arith.constant 933888 : i32
    %dma_start3A_650 = tpu.memref_slice %arg2[%add3A, %dma_start3A_649] : memref<32x1000000xf32, #tpu.memory_space<hbm>> -> memref<1x24576xf32, #tpu.memory_space<hbm>>
    %dma_start3A_651 = tpu.memref_squeeze %dma_start3A_650 : memref<1x24576xf32, #tpu.memory_space<hbm>> -> memref<24576xf32, #tpu.memory_space<hbm>>
    %dma_start3A_652 = arith.constant 933888 : i32
    %dma_start3A_653 = tpu.memref_slice %arg2[%add3A, %dma_start3A_652] : memref<32x1000000xf32, #tpu.memory_space<hbm>> -> memref<1x24576xf32, #tpu.memory_space<hbm>>
    %dma_start3A_654 = tpu.memref_squeeze %dma_start3A_653 : memref<1x24576xf32, #tpu.memory_space<hbm>> -> memref<24576xf32, #tpu.memory_space<hbm>>
    tpu.enqueue_dma source(%dma_start3A_654 : memref<24576xf32, #tpu.memory_space<hbm>>) target(%arg6 : memref<24576xf32, #tpu.memory_space<vmem>>) target_semaphore(%arg11 : memref<!tpu.dma_semaphore, #tpu.memory_space<semaphore_mem>>)
    %dma_wait3A_655 = arith.constant 860160 : i32
    %dma_wait3A_656 = tpu.memref_slice %arg2[%add3A, %dma_wait3A_655] : memref<32x1000000xf32, #tpu.memory_space<hbm>> -> memref<1x24576xf32, #tpu.memory_space<hbm>>
    %dma_wait3A_657 = tpu.memref_squeeze %dma_wait3A_656 : memref<1x24576xf32, #tpu.memory_space<hbm>> -> memref<24576xf32, #tpu.memory_space<hbm>>
    %dma_wait3A_658 = arith.constant 860160 : i32
    %dma_wait3A_659 = tpu.memref_slice %arg2[%add3A, %dma_wait3A_658] : memref<32x1000000xf32, #tpu.memory_space<hbm>> -> memref<1x24576xf32, #tpu.memory_space<hbm>>
    %dma_wait3A_660 = tpu.memref_squeeze %dma_wait3A_659 : memref<1x24576xf32, #tpu.memory_space<hbm>> -> memref<24576xf32, #tpu.memory_space<hbm>>
    tpu.wait_dma2 semaphore(%arg12 : memref<!tpu.dma_semaphore, #tpu.memory_space<semaphore_mem>>) src(%dma_wait3A_660 : memref<24576xf32, #tpu.memory_space<hbm>>) dst(%arg7 : memref<24576xf32, #tpu.memory_space<vmem>>)
    %add3A_661 = arith.constant 860160 : i32
    %add3A_662 = arith.addi %mul3A_2, %add3A_661 : i32
    %dma_start3A_663 = tpu.memref_slice %arg3[%add3A_662] : memref<32000000xf32, #tpu.memory_space<hbm>> -> memref<24576xf32, #tpu.memory_space<hbm>>
    %dma_start3A_664 = tpu.memref_slice %arg3[%add3A_662] : memref<32000000xf32, #tpu.memory_space<hbm>> -> memref<24576xf32, #tpu.memory_space<hbm>>
    tpu.enqueue_dma source(%arg7 : memref<24576xf32, #tpu.memory_space<vmem>>) target(%dma_start3A_664 : memref<24576xf32, #tpu.memory_space<hbm>>) target_semaphore(%arg16 : memref<!tpu.dma_semaphore, #tpu.memory_space<semaphore_mem>>)
    %dma_wait3A_665 = tpu.memref_slice %arg3[%add3A_662] : memref<32000000xf32, #tpu.memory_space<hbm>> -> memref<24576xf32, #tpu.memory_space<hbm>>
    %dma_wait3A_666 = tpu.memref_slice %arg3[%add3A_662] : memref<32000000xf32, #tpu.memory_space<hbm>> -> memref<24576xf32, #tpu.memory_space<hbm>>
    tpu.wait_dma2 semaphore(%arg16 : memref<!tpu.dma_semaphore, #tpu.memory_space<semaphore_mem>>) src(%arg7 : memref<24576xf32, #tpu.memory_space<vmem>>) dst(%dma_wait3A_666 : memref<24576xf32, #tpu.memory_space<hbm>>)
    %dma_start3A_667 = arith.constant 958464 : i32
    %dma_start3A_668 = tpu.memref_slice %arg2[%add3A, %dma_start3A_667] : memref<32x1000000xf32, #tpu.memory_space<hbm>> -> memref<1x24576xf32, #tpu.memory_space<hbm>>
    %dma_start3A_669 = tpu.memref_squeeze %dma_start3A_668 : memref<1x24576xf32, #tpu.memory_space<hbm>> -> memref<24576xf32, #tpu.memory_space<hbm>>
    %dma_start3A_670 = arith.constant 958464 : i32
    %dma_start3A_671 = tpu.memref_slice %arg2[%add3A, %dma_start3A_670] : memref<32x1000000xf32, #tpu.memory_space<hbm>> -> memref<1x24576xf32, #tpu.memory_space<hbm>>
    %dma_start3A_672 = tpu.memref_squeeze %dma_start3A_671 : memref<1x24576xf32, #tpu.memory_space<hbm>> -> memref<24576xf32, #tpu.memory_space<hbm>>
    tpu.enqueue_dma source(%dma_start3A_672 : memref<24576xf32, #tpu.memory_space<hbm>>) target(%arg7 : memref<24576xf32, #tpu.memory_space<vmem>>) target_semaphore(%arg12 : memref<!tpu.dma_semaphore, #tpu.memory_space<semaphore_mem>>)
    %dma_wait3A_673 = arith.constant 884736 : i32
    %dma_wait3A_674 = tpu.memref_slice %arg2[%add3A, %dma_wait3A_673] : memref<32x1000000xf32, #tpu.memory_space<hbm>> -> memref<1x24576xf32, #tpu.memory_space<hbm>>
    %dma_wait3A_675 = tpu.memref_squeeze %dma_wait3A_674 : memref<1x24576xf32, #tpu.memory_space<hbm>> -> memref<24576xf32, #tpu.memory_space<hbm>>
    %dma_wait3A_676 = arith.constant 884736 : i32
    %dma_wait3A_677 = tpu.memref_slice %arg2[%add3A, %dma_wait3A_676] : memref<32x1000000xf32, #tpu.memory_space<hbm>> -> memref<1x24576xf32, #tpu.memory_space<hbm>>
    %dma_wait3A_678 = tpu.memref_squeeze %dma_wait3A_677 : memref<1x24576xf32, #tpu.memory_space<hbm>> -> memref<24576xf32, #tpu.memory_space<hbm>>
    tpu.wait_dma2 semaphore(%arg9 : memref<!tpu.dma_semaphore, #tpu.memory_space<semaphore_mem>>) src(%dma_wait3A_678 : memref<24576xf32, #tpu.memory_space<hbm>>) dst(%arg4 : memref<24576xf32, #tpu.memory_space<vmem>>)
    %add3A_679 = arith.constant 884736 : i32
    %add3A_680 = arith.addi %mul3A_2, %add3A_679 : i32
    %dma_start3A_681 = tpu.memref_slice %arg3[%add3A_680] : memref<32000000xf32, #tpu.memory_space<hbm>> -> memref<24576xf32, #tpu.memory_space<hbm>>
    %dma_start3A_682 = tpu.memref_slice %arg3[%add3A_680] : memref<32000000xf32, #tpu.memory_space<hbm>> -> memref<24576xf32, #tpu.memory_space<hbm>>
    tpu.enqueue_dma source(%arg4 : memref<24576xf32, #tpu.memory_space<vmem>>) target(%dma_start3A_682 : memref<24576xf32, #tpu.memory_space<hbm>>) target_semaphore(%arg13 : memref<!tpu.dma_semaphore, #tpu.memory_space<semaphore_mem>>)
    %dma_wait3A_683 = tpu.memref_slice %arg3[%add3A_680] : memref<32000000xf32, #tpu.memory_space<hbm>> -> memref<24576xf32, #tpu.memory_space<hbm>>
    %dma_wait3A_684 = tpu.memref_slice %arg3[%add3A_680] : memref<32000000xf32, #tpu.memory_space<hbm>> -> memref<24576xf32, #tpu.memory_space<hbm>>
    tpu.wait_dma2 semaphore(%arg13 : memref<!tpu.dma_semaphore, #tpu.memory_space<semaphore_mem>>) src(%arg4 : memref<24576xf32, #tpu.memory_space<vmem>>) dst(%dma_wait3A_684 : memref<24576xf32, #tpu.memory_space<hbm>>)
    %dma_wait3A_685 = arith.constant 909312 : i32
    %dma_wait3A_686 = tpu.memref_slice %arg2[%add3A, %dma_wait3A_685] : memref<32x1000000xf32, #tpu.memory_space<hbm>> -> memref<1x24576xf32, #tpu.memory_space<hbm>>
    %dma_wait3A_687 = tpu.memref_squeeze %dma_wait3A_686 : memref<1x24576xf32, #tpu.memory_space<hbm>> -> memref<24576xf32, #tpu.memory_space<hbm>>
    %dma_wait3A_688 = arith.constant 909312 : i32
    %dma_wait3A_689 = tpu.memref_slice %arg2[%add3A, %dma_wait3A_688] : memref<32x1000000xf32, #tpu.memory_space<hbm>> -> memref<1x24576xf32, #tpu.memory_space<hbm>>
    %dma_wait3A_690 = tpu.memref_squeeze %dma_wait3A_689 : memref<1x24576xf32, #tpu.memory_space<hbm>> -> memref<24576xf32, #tpu.memory_space<hbm>>
    tpu.wait_dma2 semaphore(%arg10 : memref<!tpu.dma_semaphore, #tpu.memory_space<semaphore_mem>>) src(%dma_wait3A_690 : memref<24576xf32, #tpu.memory_space<hbm>>) dst(%arg5 : memref<24576xf32, #tpu.memory_space<vmem>>)
    %add3A_691 = arith.constant 909312 : i32
    %add3A_692 = arith.addi %mul3A_2, %add3A_691 : i32
    %dma_start3A_693 = tpu.memref_slice %arg3[%add3A_692] : memref<32000000xf32, #tpu.memory_space<hbm>> -> memref<24576xf32, #tpu.memory_space<hbm>>
    %dma_start3A_694 = tpu.memref_slice %arg3[%add3A_692] : memref<32000000xf32, #tpu.memory_space<hbm>> -> memref<24576xf32, #tpu.memory_space<hbm>>
    tpu.enqueue_dma source(%arg5 : memref<24576xf32, #tpu.memory_space<vmem>>) target(%dma_start3A_694 : memref<24576xf32, #tpu.memory_space<hbm>>) target_semaphore(%arg14 : memref<!tpu.dma_semaphore, #tpu.memory_space<semaphore_mem>>)
    %dma_wait3A_695 = tpu.memref_slice %arg3[%add3A_692] : memref<32000000xf32, #tpu.memory_space<hbm>> -> memref<24576xf32, #tpu.memory_space<hbm>>
    %dma_wait3A_696 = tpu.memref_slice %arg3[%add3A_692] : memref<32000000xf32, #tpu.memory_space<hbm>> -> memref<24576xf32, #tpu.memory_space<hbm>>
    tpu.wait_dma2 semaphore(%arg14 : memref<!tpu.dma_semaphore, #tpu.memory_space<semaphore_mem>>) src(%arg5 : memref<24576xf32, #tpu.memory_space<vmem>>) dst(%dma_wait3A_696 : memref<24576xf32, #tpu.memory_space<hbm>>)
    %dma_wait3A_697 = arith.constant 933888 : i32
    %dma_wait3A_698 = tpu.memref_slice %arg2[%add3A, %dma_wait3A_697] : memref<32x1000000xf32, #tpu.memory_space<hbm>> -> memref<1x24576xf32, #tpu.memory_space<hbm>>
    %dma_wait3A_699 = tpu.memref_squeeze %dma_wait3A_698 : memref<1x24576xf32, #tpu.memory_space<hbm>> -> memref<24576xf32, #tpu.memory_space<hbm>>
    %dma_wait3A_700 = arith.constant 933888 : i32
    %dma_wait3A_701 = tpu.memref_slice %arg2[%add3A, %dma_wait3A_700] : memref<32x1000000xf32, #tpu.memory_space<hbm>> -> memref<1x24576xf32, #tpu.memory_space<hbm>>
    %dma_wait3A_702 = tpu.memref_squeeze %dma_wait3A_701 : memref<1x24576xf32, #tpu.memory_space<hbm>> -> memref<24576xf32, #tpu.memory_space<hbm>>
    tpu.wait_dma2 semaphore(%arg11 : memref<!tpu.dma_semaphore, #tpu.memory_space<semaphore_mem>>) src(%dma_wait3A_702 : memref<24576xf32, #tpu.memory_space<hbm>>) dst(%arg6 : memref<24576xf32, #tpu.memory_space<vmem>>)
    %add3A_703 = arith.constant 933888 : i32
    %add3A_704 = arith.addi %mul3A_2, %add3A_703 : i32
    %dma_start3A_705 = tpu.memref_slice %arg3[%add3A_704] : memref<32000000xf32, #tpu.memory_space<hbm>> -> memref<24576xf32, #tpu.memory_space<hbm>>
    %dma_start3A_706 = tpu.memref_slice %arg3[%add3A_704] : memref<32000000xf32, #tpu.memory_space<hbm>> -> memref<24576xf32, #tpu.memory_space<hbm>>
    tpu.enqueue_dma source(%arg6 : memref<24576xf32, #tpu.memory_space<vmem>>) target(%dma_start3A_706 : memref<24576xf32, #tpu.memory_space<hbm>>) target_semaphore(%arg15 : memref<!tpu.dma_semaphore, #tpu.memory_space<semaphore_mem>>)
    %dma_wait3A_707 = tpu.memref_slice %arg3[%add3A_704] : memref<32000000xf32, #tpu.memory_space<hbm>> -> memref<24576xf32, #tpu.memory_space<hbm>>
    %dma_wait3A_708 = tpu.memref_slice %arg3[%add3A_704] : memref<32000000xf32, #tpu.memory_space<hbm>> -> memref<24576xf32, #tpu.memory_space<hbm>>
    tpu.wait_dma2 semaphore(%arg15 : memref<!tpu.dma_semaphore, #tpu.memory_space<semaphore_mem>>) src(%arg6 : memref<24576xf32, #tpu.memory_space<vmem>>) dst(%dma_wait3A_708 : memref<24576xf32, #tpu.memory_space<hbm>>)
    %dma_wait3A_709 = arith.constant 958464 : i32
    %dma_wait3A_710 = tpu.memref_slice %arg2[%add3A, %dma_wait3A_709] : memref<32x1000000xf32, #tpu.memory_space<hbm>> -> memref<1x24576xf32, #tpu.memory_space<hbm>>
    %dma_wait3A_711 = tpu.memref_squeeze %dma_wait3A_710 : memref<1x24576xf32, #tpu.memory_space<hbm>> -> memref<24576xf32, #tpu.memory_space<hbm>>
    %dma_wait3A_712 = arith.constant 958464 : i32
    %dma_wait3A_713 = tpu.memref_slice %arg2[%add3A, %dma_wait3A_712] : memref<32x1000000xf32, #tpu.memory_space<hbm>> -> memref<1x24576xf32, #tpu.memory_space<hbm>>
    %dma_wait3A_714 = tpu.memref_squeeze %dma_wait3A_713 : memref<1x24576xf32, #tpu.memory_space<hbm>> -> memref<24576xf32, #tpu.memory_space<hbm>>
    tpu.wait_dma2 semaphore(%arg12 : memref<!tpu.dma_semaphore, #tpu.memory_space<semaphore_mem>>) src(%dma_wait3A_714 : memref<24576xf32, #tpu.memory_space<hbm>>) dst(%arg7 : memref<24576xf32, #tpu.memory_space<vmem>>)
    %add3A_715 = arith.constant 958464 : i32
    %add3A_716 = arith.addi %mul3A_2, %add3A_715 : i32
    %dma_start3A_717 = tpu.memref_slice %arg3[%add3A_716] : memref<32000000xf32, #tpu.memory_space<hbm>> -> memref<24576xf32, #tpu.memory_space<hbm>>
    %dma_start3A_718 = tpu.memref_slice %arg3[%add3A_716] : memref<32000000xf32, #tpu.memory_space<hbm>> -> memref<24576xf32, #tpu.memory_space<hbm>>
    tpu.enqueue_dma source(%arg7 : memref<24576xf32, #tpu.memory_space<vmem>>) target(%dma_start3A_718 : memref<24576xf32, #tpu.memory_space<hbm>>) target_semaphore(%arg16 : memref<!tpu.dma_semaphore, #tpu.memory_space<semaphore_mem>>)
    %dma_wait3A_719 = tpu.memref_slice %arg3[%add3A_716] : memref<32000000xf32, #tpu.memory_space<hbm>> -> memref<24576xf32, #tpu.memory_space<hbm>>
    %dma_wait3A_720 = tpu.memref_slice %arg3[%add3A_716] : memref<32000000xf32, #tpu.memory_space<hbm>> -> memref<24576xf32, #tpu.memory_space<hbm>>
    tpu.wait_dma2 semaphore(%arg16 : memref<!tpu.dma_semaphore, #tpu.memory_space<semaphore_mem>>) src(%arg7 : memref<24576xf32, #tpu.memory_space<vmem>>) dst(%dma_wait3A_720 : memref<24576xf32, #tpu.memory_space<hbm>>)
    "tpu.region"() ({
      %run_scoped3A = tpu.sem_alloc : memref<!tpu.dma_semaphore, #tpu.memory_space<semaphore_mem>>
      %dma_start3A_727 = arith.constant 0 : i32
      %dma_start3A_728 = tpu.memref_slice %arg4[%dma_start3A_727] : memref<24576xf32, #tpu.memory_space<vmem>> -> memref<16896xf32, #tpu.memory_space<vmem>>
      %dma_start3A_729 = arith.constant 983040 : i32
      %dma_start3A_730 = tpu.memref_slice %arg2[%add3A, %dma_start3A_729] : memref<32x1000000xf32, #tpu.memory_space<hbm>> -> memref<1x16896xf32, #tpu.memory_space<hbm>>
      %dma_start3A_731 = tpu.memref_squeeze %dma_start3A_730 : memref<1x16896xf32, #tpu.memory_space<hbm>> -> memref<16896xf32, #tpu.memory_space<hbm>>
      %dma_start3A_732 = arith.constant 0 : i32
      %dma_start3A_733 = tpu.memref_slice %arg4[%dma_start3A_732] : memref<24576xf32, #tpu.memory_space<vmem>> -> memref<16896xf32, #tpu.memory_space<vmem>>
      %dma_start3A_734 = arith.constant 983040 : i32
      %dma_start3A_735 = tpu.memref_slice %arg2[%add3A, %dma_start3A_734] : memref<32x1000000xf32, #tpu.memory_space<hbm>> -> memref<1x16896xf32, #tpu.memory_space<hbm>>
      %dma_start3A_736 = tpu.memref_squeeze %dma_start3A_735 : memref<1x16896xf32, #tpu.memory_space<hbm>> -> memref<16896xf32, #tpu.memory_space<hbm>>
      tpu.enqueue_dma source(%dma_start3A_736 : memref<16896xf32, #tpu.memory_space<hbm>>) target(%dma_start3A_733 : memref<16896xf32, #tpu.memory_space<vmem>>) target_semaphore(%run_scoped3A : memref<!tpu.dma_semaphore, #tpu.memory_space<semaphore_mem>>)
      %dma_wait3A_737 = arith.constant 0 : i32
      %dma_wait3A_738 = tpu.memref_slice %arg4[%dma_wait3A_737] : memref<24576xf32, #tpu.memory_space<vmem>> -> memref<16896xf32, #tpu.memory_space<vmem>>
      %dma_wait3A_739 = arith.constant 983040 : i32
      %dma_wait3A_740 = tpu.memref_slice %arg2[%add3A, %dma_wait3A_739] : memref<32x1000000xf32, #tpu.memory_space<hbm>> -> memref<1x16896xf32, #tpu.memory_space<hbm>>
      %dma_wait3A_741 = tpu.memref_squeeze %dma_wait3A_740 : memref<1x16896xf32, #tpu.memory_space<hbm>> -> memref<16896xf32, #tpu.memory_space<hbm>>
      %dma_wait3A_742 = arith.constant 0 : i32
      %dma_wait3A_743 = tpu.memref_slice %arg4[%dma_wait3A_742] : memref<24576xf32, #tpu.memory_space<vmem>> -> memref<16896xf32, #tpu.memory_space<vmem>>
      %dma_wait3A_744 = arith.constant 983040 : i32
      %dma_wait3A_745 = tpu.memref_slice %arg2[%add3A, %dma_wait3A_744] : memref<32x1000000xf32, #tpu.memory_space<hbm>> -> memref<1x16896xf32, #tpu.memory_space<hbm>>
      %dma_wait3A_746 = tpu.memref_squeeze %dma_wait3A_745 : memref<1x16896xf32, #tpu.memory_space<hbm>> -> memref<16896xf32, #tpu.memory_space<hbm>>
      tpu.wait_dma2 semaphore(%run_scoped3A : memref<!tpu.dma_semaphore, #tpu.memory_space<semaphore_mem>>) src(%dma_wait3A_746 : memref<16896xf32, #tpu.memory_space<hbm>>) dst(%dma_wait3A_743 : memref<16896xf32, #tpu.memory_space<vmem>>)
      tpu.yield
    }) : () -> ()
    %add3A_721 = arith.constant 983040 : i32
    %add3A_722 = arith.addi %mul3A_2, %add3A_721 : i32
    "tpu.region"() ({
      %run_scoped3A = tpu.sem_alloc : memref<!tpu.dma_semaphore, #tpu.memory_space<semaphore_mem>>
      %dma_start3A_727 = arith.constant 0 : i32
      %dma_start3A_728 = tpu.memref_slice %arg4[%dma_start3A_727] : memref<24576xf32, #tpu.memory_space<vmem>> -> memref<16896xf32, #tpu.memory_space<vmem>>
      %dma_start3A_729 = tpu.memref_slice %arg3[%add3A_722] : memref<32000000xf32, #tpu.memory_space<hbm>> -> memref<16896xf32, #tpu.memory_space<hbm>>
      %dma_start3A_730 = tpu.memref_slice %arg3[%add3A_722] : memref<32000000xf32, #tpu.memory_space<hbm>> -> memref<16896xf32, #tpu.memory_space<hbm>>
      %dma_start3A_731 = arith.constant 0 : i32
      %dma_start3A_732 = tpu.memref_slice %arg4[%dma_start3A_731] : memref<24576xf32, #tpu.memory_space<vmem>> -> memref<16896xf32, #tpu.memory_space<vmem>>
      tpu.enqueue_dma source(%dma_start3A_732 : memref<16896xf32, #tpu.memory_space<vmem>>) target(%dma_start3A_730 : memref<16896xf32, #tpu.memory_space<hbm>>) target_semaphore(%run_scoped3A : memref<!tpu.dma_semaphore, #tpu.memory_space<semaphore_mem>>)
      %dma_wait3A_733 = arith.constant 0 : i32
      %dma_wait3A_734 = tpu.memref_slice %arg4[%dma_wait3A_733] : memref<24576xf32, #tpu.memory_space<vmem>> -> memref<16896xf32, #tpu.memory_space<vmem>>
      %dma_wait3A_735 = tpu.memref_slice %arg3[%add3A_722] : memref<32000000xf32, #tpu.memory_space<hbm>> -> memref<16896xf32, #tpu.memory_space<hbm>>
      %dma_wait3A_736 = tpu.memref_slice %arg3[%add3A_722] : memref<32000000xf32, #tpu.memory_space<hbm>> -> memref<16896xf32, #tpu.memory_space<hbm>>
      %dma_wait3A_737 = arith.constant 0 : i32
      %dma_wait3A_738 = tpu.memref_slice %arg4[%dma_wait3A_737] : memref<24576xf32, #tpu.memory_space<vmem>> -> memref<16896xf32, #tpu.memory_space<vmem>>
      tpu.wait_dma2 semaphore(%run_scoped3A : memref<!tpu.dma_semaphore, #tpu.memory_space<semaphore_mem>>) src(%dma_wait3A_738 : memref<16896xf32, #tpu.memory_space<vmem>>) dst(%dma_wait3A_736 : memref<16896xf32, #tpu.memory_space<hbm>>)
      tpu.yield
    }) : () -> ()
    "tpu.region"() ({
      %run_scoped3A = tpu.sem_alloc : memref<!tpu.dma_semaphore, #tpu.memory_space<semaphore_mem>>
      %dma_start3A_727 = arith.constant 999936 : i32
      %dma_start3A_728 = tpu.memref_slice %arg2[%add3A, %dma_start3A_727] : memref<32x1000000xf32, #tpu.memory_space<hbm>> -> memref<1x64xf32, #tpu.memory_space<hbm>>
      %dma_start3A_729 = tpu.memref_squeeze %dma_start3A_728 : memref<1x64xf32, #tpu.memory_space<hbm>> -> memref<64xf32, #tpu.memory_space<hbm>>
      %dma_start3A_730 = arith.constant 999936 : i32
      %dma_start3A_731 = tpu.memref_slice %arg2[%add3A, %dma_start3A_730] : memref<32x1000000xf32, #tpu.memory_space<hbm>> -> memref<1x64xf32, #tpu.memory_space<hbm>>
      %dma_start3A_732 = tpu.memref_squeeze %dma_start3A_731 : memref<1x64xf32, #tpu.memory_space<hbm>> -> memref<64xf32, #tpu.memory_space<hbm>>
      tpu.enqueue_dma source(%dma_start3A_732 : memref<64xf32, #tpu.memory_space<hbm>>) target(%arg8 : memref<64xf32, #tpu.memory_space<vmem>>) target_semaphore(%run_scoped3A : memref<!tpu.dma_semaphore, #tpu.memory_space<semaphore_mem>>)
      %dma_wait3A_733 = arith.constant 999936 : i32
      %dma_wait3A_734 = tpu.memref_slice %arg2[%add3A, %dma_wait3A_733] : memref<32x1000000xf32, #tpu.memory_space<hbm>> -> memref<1x64xf32, #tpu.memory_space<hbm>>
      %dma_wait3A_735 = tpu.memref_squeeze %dma_wait3A_734 : memref<1x64xf32, #tpu.memory_space<hbm>> -> memref<64xf32, #tpu.memory_space<hbm>>
      %dma_wait3A_736 = arith.constant 999936 : i32
      %dma_wait3A_737 = tpu.memref_slice %arg2[%add3A, %dma_wait3A_736] : memref<32x1000000xf32, #tpu.memory_space<hbm>> -> memref<1x64xf32, #tpu.memory_space<hbm>>
      %dma_wait3A_738 = tpu.memref_squeeze %dma_wait3A_737 : memref<1x64xf32, #tpu.memory_space<hbm>> -> memref<64xf32, #tpu.memory_space<hbm>>
      tpu.wait_dma2 semaphore(%run_scoped3A : memref<!tpu.dma_semaphore, #tpu.memory_space<semaphore_mem>>) src(%dma_wait3A_738 : memref<64xf32, #tpu.memory_space<hbm>>) dst(%arg8 : memref<64xf32, #tpu.memory_space<vmem>>)
      tpu.yield
    }) : () -> ()
    %add3A_723 = arith.constant 983040 : i32
    %add3A_724 = arith.addi %mul3A_2, %add3A_723 : i32
    %add3A_725 = arith.constant 16896 : i32
    %add3A_726 = arith.addi %add3A_724, %add3A_725 : i32
    "tpu.region"() ({
      %run_scoped3A = tpu.sem_alloc : memref<!tpu.dma_semaphore, #tpu.memory_space<semaphore_mem>>
      %dma_start3A_727 = tpu.memref_slice %arg3[%add3A_726] : memref<32000000xf32, #tpu.memory_space<hbm>> -> memref<64xf32, #tpu.memory_space<hbm>>
      %dma_start3A_728 = tpu.memref_slice %arg3[%add3A_726] : memref<32000000xf32, #tpu.memory_space<hbm>> -> memref<64xf32, #tpu.memory_space<hbm>>
      tpu.enqueue_dma source(%arg8 : memref<64xf32, #tpu.memory_space<vmem>>) target(%dma_start3A_728 : memref<64xf32, #tpu.memory_space<hbm>>) target_semaphore(%run_scoped3A : memref<!tpu.dma_semaphore, #tpu.memory_space<semaphore_mem>>)
      %dma_wait3A_729 = tpu.memref_slice %arg3[%add3A_726] : memref<32000000xf32, #tpu.memory_space<hbm>> -> memref<64xf32, #tpu.memory_space<hbm>>
      %dma_wait3A_730 = tpu.memref_slice %arg3[%add3A_726] : memref<32000000xf32, #tpu.memory_space<hbm>> -> memref<64xf32, #tpu.memory_space<hbm>>
      tpu.wait_dma2 semaphore(%run_scoped3A : memref<!tpu.dma_semaphore, #tpu.memory_space<semaphore_mem>>) src(%arg8 : memref<64xf32, #tpu.memory_space<vmem>>) dst(%dma_wait3A_730 : memref<64xf32, #tpu.memory_space<hbm>>)
      tpu.yield
    }) : () -> ()
    return
  }
}

</mosaic_0001>

<sc_bundles>
// kernel: kernel.4.cloned.1.call-start
scs
__scs_entry_jumppad:
0x0: {  	(pc) =	sbr.rel $0x88, $3  }
0x1: {  	(tag) =	ssettag $0x0;
	lr =	simm.s32 $0x1  }
0x2: {  	[smem:$0x3F9B] =	sst lr;
	_ =	strace $0xD0000000  }
0x3: {  	_ = 	snop  }
0x4: {  	_ = 	snop  }
0x5: {  	_ = 	snop  }
0x6: {  	_ = 	snop  }
0x7: {  	_ = 	snop  }
__scs_overlays_trampoline_lowered:
0x8: {  	[smem:$0x3FAA] =	sst s0  }
0x9: {  	[smem:$0x3FAB] =	sst s1  }
0xa: {  	[smem:$0x3FAC] =	sst s2  }
0xb: {  	[smem:$0x3FAD] =	sst s3  }
0xc: {  	[smem:$0x3FAE] =	sst s4  }
0xd: {  	[smem:$0x3FAF] =	sst s5  }
0xe: {  	[smem:$0x3FB0] =	sst s6  }
0xf: {  	[smem:$0x3FB1] =	sst s7  }
0x10: {  	[smem:$0x3FB2] =	sst s8  }
0x11: {  	[smem:$0x3FB3] =	sst s9;
	s0 =	simm.s32 @!p0 $0x0  }
0x12: {  	s1 =	sld [smem:$0x3F99];
	s0 =	simm.s32 @p0 $0x1  }
0x13: {  	[smem:$0x3FB4] =	sst s0;
	s0 =	simm.s32 @!p1 $0x0  }
0x14: {  	s2 =	sld [smem:$0x3F98];
	s0 =	simm.s32 @p1 $0x1  }
0x15: {  	[smem:$0x3FB5] =	sst s0;
	s0 =	simm.s32 @!p2 $0x0  }
0x16: {  	s3 =	sld [smem:$0x3FDB];
	s0 =	simm.s32 @p2 $0x1  }
0x17: {  	s4 =	simm.s32 $0x1BF5;
	[smem:$0x3FB7] =	sst s0  }
0x18: {  	s0 =	sld [smem:$0x3F9A];
	_ =	swait.ge [sflag:s4], $0x0  }
0x19: {  	s7 =	sld [smem:$0x3F9B]  }
0x1a: {  	s8 =	sadd.s32 $0xFFFFE003, lr  }
0x1b: {  	s9 =	sadd.s32 $0xFFFFFEF7, lr;
	s5 =	simm.s32 $0xFFFFFFFF;
	p2 =	slt.u32 s8, $0xFFFFF086  }
0x1c: {  	p1 =	slt.u32 s9, $0xF7A;
	s5 =	simm.s32 @!p2 $0x0  }
0x1d: {  	s5 =	simm.s32 @p1 $0x1;
	p0 =	seq.s32 s7, s2  }
0x1e: {  	s7 =	smul.u32 @!p0 $0xF7A, s2;
	p2 =	seq.s32 @!p0 s5, $0x0  }
0x1f: {  	s9 =	smul.u32 $0xF7A, s1;
	s8 =	simm.s32 @!p0 $0x1BF5;
	p2 =	por !p2, p0  }
0x20: {  	[sflag:s8] =	ssyncset.s32 @!p0 $0xFFFFF086;
	s6 =	sadd.s32 @!p0 s3, s7;
	s7 =	simm.s32 @!p0 $0x108  }
0x21: {  	s3 =	sadd.s32 s3, s9;
	s6 =	sadd.s32 @!p0 $0x88, s6;
	s7 =	simm.s32 @p2 $0x1082  }
0x22: {  	[simem:s7], [sflag:s8] =	dma.local @!p0 [hbm:s6], $0xF7A  }
0x23: {  	s9 =	sor.u32 $0xD0000000, s2;
	s6 =	simm.s32 $0x108;
	_ =	swait.ge @!p0 [sflag:s8], $0x0  }
0x24: {  	s3 =	sadd.s32 $0x88, s3;
	s6 =	simm.s32 @!p1 $0x1082;
	[sflag:s4] =	ssyncset.s32 $0xFFFFF086  }
0x25: {  	[simem:s6], [sflag:s4] =	dma.local [hbm:s3], $0xF7A  }
0x26: {  	[smem:$0x3F9B] =	sst s1;
	(tag) =	ssettag s2;
	_ =	strace s9  }
0x27: {  	s1 =	sld [smem:$0x3FAB]  }
0x28: {  	s2 =	sld [smem:$0x3FAC]  }
0x29: {  	s4 =	sld [smem:$0x3FAE]  }
0x2a: {  	p0 =	seq.s32 s5, $0x0;
	s5 =	sld [smem:$0x3FAF]  }
0x2b: {  	s6 =	sld [smem:$0x3FB0]  }
0x2c: {  	s7 =	sld [smem:$0x3FB1]  }
0x2d: {  	s3 =	simm.s32 $0x108;
	s8 =	sld [smem:$0x3FB2]  }
0x2e: {  	s3 =	simm.s32 @!p0 $0x1082;
	s9 =	sld [smem:$0x3FB3]  }
0x2f: {  	lr =	sadd.s32 s0, s3;
	s0 =	sld [smem:$0x3FAA]  }
0x30: {  	s3 =	sld [smem:$0x3FAD]  }
0x31: {  	[smem:$0x3FB6] =	sst s10  }
0x32: {  	s10 =	sld [smem:$0x3FB4];
	_ =	sdelay $0x3  }
0x33: {  	p0 =	seq.s32 s10, $0x1;
	s10 =	sld [smem:$0x3FB6];
	_ =	sdelay $0x3  }
0x34: {  	[smem:$0x3FB6] =	sst s10  }
0x35: {  	s10 =	sld [smem:$0x3FB5];
	_ =	sdelay $0x3  }
0x36: {  	p1 =	seq.s32 s10, $0x1;
	s10 =	sld [smem:$0x3FB6];
	_ =	sdelay $0x3  }
0x37: {  	[smem:$0x3FB6] =	sst s10  }
0x38: {  	s10 =	sld [smem:$0x3FB7]  }
0x39: {  	_ = 	snop;
	(pc) =	sbr.ind lr, $3  }
0x3a: {  	_ = 	snop  }
0x3b: {  	_ = 	snop  }
0x3c: {  	p2 =	seq.s32 s10, $0x1;
	s10 =	sld [smem:$0x3FB6]  }
0x3d: {  	_ =	shalt  }
0x3e: {  	_ =	shalt  }
0x3f: {  	_ =	shalt  }
0x40: {  	_ =	shalt  }
0x41: {  	_ =	shalt  }
0x42: {  	_ =	shalt  }
0x43: {  	_ =	shalt  }
0x44: {  	_ =	shalt  }
0x45: {  	_ =	shalt  }
0x46: {  	_ =	shalt  }
0x47: {  	_ =	shalt  }
0x48: {  	_ =	shalt  }
0x49: {  	_ =	shalt  }
0x4a: {  	_ =	shalt  }
0x4b: {  	_ =	shalt  }
0x4c: {  	_ =	shalt  }
0x4d: {  	_ =	shalt  }
0x4e: {  	_ =	shalt  }
0x4f: {  	_ =	shalt  }
0x50: {  	_ =	shalt  }
0x51: {  	_ =	shalt  }
0x52: {  	_ =	shalt  }
0x53: {  	_ =	shalt  }
0x54: {  	_ =	shalt  }
0x55: {  	_ =	shalt  }
0x56: {  	_ =	shalt  }
0x57: {  	_ =	shalt  }
0x58: {  	_ =	shalt  }
0x59: {  	_ =	shalt  }
0x5a: {  	_ =	shalt  }
0x5b: {  	_ =	shalt  }
0x5c: {  	_ =	shalt  }
0x5d: {  	_ =	shalt  }
0x5e: {  	_ =	shalt  }
0x5f: {  	_ =	shalt  }
0x60: {  	_ =	shalt  }
0x61: {  	_ =	shalt  }
0x62: {  	_ =	shalt  }
0x63: {  	_ =	shalt  }
0x64: {  	_ =	shalt  }
0x65: {  	_ =	shalt  }
0x66: {  	_ =	shalt  }
0x67: {  	_ =	shalt  }
0x68: {  	_ =	shalt  }
0x69: {  	_ =	shalt  }
0x6a: {  	_ =	shalt  }
0x6b: {  	_ =	shalt  }
0x6c: {  	_ =	shalt  }
0x6d: {  	_ =	shalt  }
0x6e: {  	_ =	shalt  }
0x6f: {  	_ =	shalt  }
0x70: {  	_ =	shalt  }
0x71: {  	_ =	shalt  }
0x72: {  	_ =	shalt  }
0x73: {  	_ =	shalt  }
0x74: {  	_ =	shalt  }
0x75: {  	_ =	shalt  }
0x76: {  	_ =	shalt  }
0x77: {  	_ =	shalt  }
0x78: {  	_ =	shalt  }
0x79: {  	_ =	shalt  }
0x7a: {  	_ =	shalt  }
0x7b: {  	_ =	shalt  }
0x7c: {  	_ =	shalt  }
0x7d: {  	_ =	shalt  }
0x7e: {  	_ =	shalt  }
0x7f: {  	_ =	shalt  }
0x80: {  	_ =	shalt  }
0x81: {  	_ =	shalt  }
0x82: {  	_ =	shalt  }
0x83: {  	_ =	shalt  }
0x84: {  	_ =	shalt  }
0x85: {  	_ =	shalt  }
0x86: {  	_ =	shalt  }
0x87: {  	_ =	shalt  }
.Lfunc_end0:
.L_simem_size_0:
called_computation_lowered:
.L_overlay_start_0:
0x88: {  	s2 =	sld [smem:$0x3FD9]  }
0x89: {  	s3 =	sld [smem:$0x3FFE];
	_ =	sdelay $0x1  }
0x8a: {  	s1 =	srdreg.scid  }
0x8b: {  	s0 =	sand.u32 $0x1, s1  }
0x8c: {  	s17 =	sshll.u32 s0, $0xA;
	s2 =	sadd.s32 s3, s2  }
0x8d: {  	s2 =	sadd.s32 s2, s17  }
0x8e: {  	[smem:$0x3FC2] =	sst s2  }
0x8f: {  	_ = 	snop  }
0x90: {  	s2 =	sld [smem:$0x3FC7];
	(tm) =	ssettm $0x1  }
0x91: {  	s18 =	sld [smem:$0x3FFB];
	_ =	sdelay $0x3  }
0x92: {  	_ =	strace s18  }
0x93: {  	s3 =	sld [smem:$0x3FFC];
	_ =	sdelay $0x3  }
0x94: {  	_ =	strace s3  }
0x95: {  	s3 =	sld [smem:$0x3FFD];
	_ =	sdelay $0x3  }
0x96: {  	_ =	strace s3  }
0x97: {  	_ =	strace $0x8FFFFFFF  }
0x98: {  	s19 =	sld [smem:$0x3FDB];
	_ =	sdelay $0x1  }
0x99: {  	s4 =	simm.s32 $_scs_section_size  }
0x9a: {  	s5 =	simm.s32 $_size__tile_overlayer_lowered;
	s6 =	simm.s32 $_tile_overlayer_lowered  }
0x9b: {  	s22 =	simm.s32 $0x1BFF;
	s21 =	sshll.u32 s6, $0x1;
	s3 =	sadd.s32 s4, s19  }
0x9c: {  	s7 =	simm.s32 $0x0;
	s20 =	sshll.u32 s5, $0x1;
	s5 =	sadd.s32 s21, s3  }
0x9d: {  	[timem:s7], [sflag:s22] =	dma.local [hbm:s5], s20  }
0x9e: {  	_ =	swait.ge [sflag:s22], s20  }
0x9f: {  	s4 =	ssub.s32 $0x0, s20;
	[sflag:s22] =	ssyncset.done $0x0  }
0xa0: {  	[sflag:s22] =	ssyncadd.s32 s4;
	_ =	sdelay $0x1  }
0xa1: {  	s23 =	simm.s32 $0x1B8B  }
0xa2: {  	_ =	swait.ge [sflag:s23], $0x1  }
0xa3: {  	[sflag:s23] =	ssyncset.done $0x0  }
0xa4: {  	s25 =	simm.s32 $0x1B8E;
	s24 =	sld [smem:$0x3FFE];
	[sflag:s23] =	ssyncadd.s32 $0xFFFFFFFF  }
0xa5: {  	s26 =	simm.s32 $execute0_lowered;
	[smem:$0x3FD2] =	sst s25  }
0xa6: {  	s5 =	sshll.u32 s26, $0x1;
	_ =	strace $0x80000046;
	[dreg:$0x1] =	wrdreg $0xFFFFFFFF  }
0xa7: {  	s28 =	simm.s32 $_size_execute0_lowered;
	s3 =	sadd.s32 s3, s5;
	[dreg:$0x0] =	wrdreg $0x0  }
0xa8: {  	s5 =	sshll.u32 s28, $0x1;
	[dreg:$0x2] =	wrdreg s3  }
0xa9: {  	[dreg:$0x3] =	wrdreg s5  }
0xaa: {  	[dreg:$0x4] =	wrdreg $0xC0  }
0xab: {  	_ =	task [dreg:s7], $0x5FFFF  }
0xac: {  	[dreg:$0x1] =	wrdreg $0xFFFFFFFF  }
0xad: {  	[dreg:$0x0] =	wrdreg $0x60  }
0xae: {  	[dreg:$0x2] =	wrdreg s2  }
0xaf: {  	[dreg:$0x3] =	wrdreg s24  }
0xb0: {  	[dreg:$0x4] =	wrdreg $0x9  }
0xb1: {  	_ =	task.clear_ibuf [dreg:s7], $0x5FFFF;
	_ =	strace $0x90000046  }
0xb2: {  	s29 =	simm.s32 $0x9;
	_ =	strace $0x80000048  }
0xb3: {  	_ =	swait.ge [sflag:s29], $0x1  }
0xb4: {  	[sflag:s29] =	ssyncadd.s32 $0xFFFFFFFF  }
0xb5: {  	_ =	strace $0x90000048  }
0xb6: {  	_ =	sfence  }
0xb7: {  	s30 =	sld [smem:$0x0];
	_ =	sdelay $0x2  }
0xb8: {  	s31 =	sshll.u32 s1, $0xD;
	s1 =	sshrl.u32 s1, $0x2  }
0xb9: {  	s3 =	sand.u32 $0x4000, s31;
	s1 =	sadd.s32 s1, s30  }
0xba: {  	s0 =	sor.u32 s3, s0;
	s1 =	sshll.u32 s1, $0x11  }
0xbb: {  	s0 =	sor.u32 s1, s0  }
0xbc: {  	s0 =	sadd.s32 $0x8F2B, s0  }
0xbd: {  	[sflag:s0] =	ssyncadd.remote.s32 $0x1  }
0xbe: {  	_ =	sfence.sel $0xFFFF  }
0xbf: {  	[dreg:$0x0] =	wrdreg $0xFFFFFFFF;
	(pc) =	sbr.abs _section_cstart, $3  }
0xc0: {  	[dreg:$0x1] =	wrdreg $0xFFFFFFFF  }
0xc1: {  	_ =	task.clear_ibuf [dreg:s7], $0x2FFFF;
	_ =	strace $0x9FFFFFFF  }
0xc2: {  	(tm) =	ssettm $0x7FFFFFFF  }
0xc3: {  	_ =	shalt  }
tec
execute0_lowered:
.L_overlay_start_1:
0x0: {  	(tag) =	ssettag $0x1  }
0x1: {  	s0 =	srdreg.scid;
	s6 =	stileid.u32  }
0x2: {  	s0 =	sand.u32 $0x1, s0;
	s2 =	sshll.u32 s6, $0x1;
	s6 =	sshrl.u32 s6, $0x2  }
0x3: {  	s4 =	sor.u32 s0, s2;
	s6 =	smul.u32 $0x7A1400, s6  }
0x4: {  	s1 =	rddreg [dreg:$0x0];
	s5 =	smul.u32 $0xF4240, s4;
	s4 =	sshll.u32 s4, $0x7  }
0x5: {  	s3 =	rddreg [dreg:$0x1];
	s2 =	simm.s32 $0x0;
	s4 =	sand.u32 $0x380, s4  }
0x6: {  	s0 =	ssub.s32 $0x2, s0;
	[smem:$0x7FF] =	sst s2;
	s4 =	sor.u32 s6, s4  }
0x7: {  	s10 =	sshrl.u32 s0, $0x1;
	s5 =	sshrl.u32 s5, $0x3;
	s6 =	sshrl.u32 s4, $0x3  }
0x8: {  	_ =	strace $0x80000047;
	s3 =	sadd.s32 s5, s3;
	s11 =	sadd.s32 s1, s6  }
0x9: {  	s9 =	ssub.s32 s0, s10;
	s20 =	sadd.s32 $0xC00, s3;
	[dreg:$0x3] =	wrdreg s11  }
0xa: {  	s12 =	sadd.s32 $0x30000, s4;
	s23 =	sadd.s32 $0x1800, s3;
	[dreg:$0x7] =	wrdreg s20  }
0xb: {  	s14 =	sadd.s32 $0x60000, s4;
	s26 =	sadd.s32 $0x2400, s3;
	[dreg:$0x9] =	wrdreg s23  }
0xc: {  	s13 =	sshrl.u32 s12, $0x3;
	s7 =	sadd.s32 $0x3000, s3;
	[dreg:$0xb] =	wrdreg s26  }
0xd: {  	s5 =	sshrl.u32 s14, $0x3;
	s14 =	sadd.s32 $0x4800, s3;
	[dreg:$0xd] =	wrdreg s7  }
0xe: {  	s15 =	sadd.s32 $0x90000, s4;
	s0 =	sadd.s32 s1, s13;
	[dreg:$0x11] =	wrdreg s14  }
0xf: {  	s17 =	sshrl.u32 s15, $0x3;
	s16 =	sadd.s32 s1, s5;
	[dreg:$0x4] =	wrdreg s0  }
0x10: {  	s18 =	sadd.s32 s1, s17;
	[dreg:$0x5] =	wrdreg s16  }
0x11: {  	s11 =	sadd.s32 $0x3C00, s3;
	[dreg:$0x6] =	wrdreg s18  }
0x12: {  	s17 =	sadd.s32 $0x5400, s3;
	[dreg:$0xf] =	wrdreg s11  }
0x13: {  	s31 =	simm.s32 $0x1;
	s20 =	sadd.s32 $0x6000, s3;
	[dreg:$0x13] =	wrdreg s17  }
0x14: {  	s30 =	simm.s32 $0x5;
	s23 =	sadd.s32 $0x6C00, s3;
	[dreg:$0x15] =	wrdreg s20  }
0x15: {  	s29 =	simm.s32 $0x2;
	s26 =	sadd.s32 $0x7800, s3;
	[dreg:$0x17] =	wrdreg s23  }
0x16: {  	s19 =	sadd.s32 $0xC0000, s4;
	s7 =	sadd.s32 $0x8400, s3;
	[dreg:$0x19] =	wrdreg s26  }
0x17: {  	s5 =	sshrl.u32 s19, $0x3;
	s14 =	sadd.s32 $0x9C00, s3;
	[dreg:$0x1b] =	wrdreg s7  }
0x18: {  	p0 =	por $0x0, $0x0;
	s21 =	sadd.s32 s1, s5;
	[dreg:$0x1f] =	wrdreg s14  }
0x19: {  	s28 =	simm.s32 $0x3;
	s11 =	sadd.s32 $0x9000, s3;
	[dreg:$0x8] =	wrdreg s21  }
0x1a: {  	s22 =	sadd.s32 $0xF0000, s4;
	s17 =	sadd.s32 $0xA800, s3;
	[dreg:$0x1d] =	wrdreg s11  }
0x1b: {  	s25 =	sadd.s32 $0x120000, s4;
	s20 =	sadd.s32 $0xB400, s3;
	[smem:$0x7D5] =	sst s17  }
0x1c: {  	s10 =	sadd.s32 $0x180000, s4;
	s23 =	sadd.s32 $0xC000, s3;
	[smem:$0x7D7] =	sst s20  }
0x1d: {  	s6 =	sadd.s32 $0x150000, s4;
	s26 =	sadd.s32 $0xCC00, s3;
	[smem:$0x7D9] =	sst s23  }
0x1e: {  	s13 =	sadd.s32 $0x1B0000, s4;
	s7 =	sadd.s32 $0xD800, s3;
	[smem:$0x7DB] =	sst s26  }
0x1f: {  	s5 =	sshrl.u32 s22, $0x3;
	s14 =	sadd.s32 $0xF000, s3;
	[smem:$0x7DD] =	sst s7  }
0x20: {  	s19 =	sadd.s32 $0x210000, s4;
	s24 =	sadd.s32 s1, s5;
	[smem:$0x7E1] =	sst s14  }
0x21: {  	s16 =	sadd.s32 $0x1E0000, s4;
	s11 =	sadd.s32 $0xE400, s3;
	[dreg:$0xa] =	wrdreg s24  }
0x22: {  	s22 =	sadd.s32 $0x240000, s4;
	s17 =	sadd.s32 $0xFC00, s3;
	[smem:$0x7DF] =	sst s11  }
0x23: {  	s5 =	sshrl.u32 s25, $0x3;
	s20 =	sadd.s32 $0x10800, s3;
	[smem:$0x7E3] =	sst s17  }
0x24: {  	s25 =	sadd.s32 $0x270000, s4;
	s23 =	sadd.s32 $0x11400, s3;
	[smem:$0x7E5] =	sst s20  }
0x25: {  	s26 =	sadd.s32 $0x12000, s3;
	s7 =	sadd.s32 $0x540000, s4;
	[smem:$0x7E7] =	sst s23  }
0x26: {  	s14 =	sadd.s32 $0x5A0000, s4;
	s5 =	sadd.s32 s1, s5;
	[smem:$0x7E9] =	sst s26  }
0x27: {  	s11 =	sadd.s32 $0x570000, s4;
	s17 =	sadd.s32 $0x5D0000, s4;
	s20 =	sadd.s32 $0x600000, s4  }
0x28: {  	s23 =	sadd.s32 $0x630000, s4;
	[dreg:$0xc] =	wrdreg s5;
	s5 =	sshrl.u32 s6, $0x3  }
0x29: {  	s26 =	sadd.s32 $0x660000, s4;
	s6 =	sadd.s32 $0x2A0000, s4;
	s8 =	sadd.s32 s1, s5  }
0x2a: {  	s5 =	sshrl.u32 s10, $0x3;
	s10 =	sadd.s32 $0x2D0000, s4;
	[dreg:$0xe] =	wrdreg s8  }
0x2b: {  	s12 =	sadd.s32 s1, s5;
	s5 =	sshrl.u32 s13, $0x3;
	s13 =	sadd.s32 $0x300000, s4  }
0x2c: {  	[dreg:$0x10] =	wrdreg s12;
	s15 =	sadd.s32 s1, s5;
	s5 =	sshrl.u32 s16, $0x3  }
0x2d: {  	s16 =	sadd.s32 $0x330000, s4;
	[dreg:$0x12] =	wrdreg s15;
	s18 =	sadd.s32 s1, s5  }
0x2e: {  	s5 =	sshrl.u32 s19, $0x3;
	s19 =	sadd.s32 $0x360000, s4;
	[dreg:$0x14] =	wrdreg s18  }
0x2f: {  	s21 =	sadd.s32 s1, s5;
	s5 =	sshrl.u32 s22, $0x3;
	s22 =	sadd.s32 $0x390000, s4  }
0x30: {  	[dreg:$0x16] =	wrdreg s21;
	s24 =	sadd.s32 s1, s5;
	s5 =	sshrl.u32 s25, $0x3  }
0x31: {  	s25 =	sadd.s32 $0x3C0000, s4;
	[dreg:$0x18] =	wrdreg s24;
	s5 =	sadd.s32 s1, s5  }
0x32: {  	[dreg:$0x1a] =	wrdreg s5;
	s5 =	sshrl.u32 s6, $0x3;
	s6 =	sadd.s32 $0x3F0000, s4  }
0x33: {  	s8 =	sadd.s32 s1, s5;
	s5 =	sshrl.u32 s10, $0x3;
	s10 =	sadd.s32 $0x420000, s4  }
0x34: {  	[dreg:$0x1c] =	wrdreg s8;
	s12 =	sadd.s32 s1, s5;
	s5 =	sshrl.u32 s13, $0x3  }
0x35: {  	s13 =	sadd.s32 $0x450000, s4;
	s15 =	sadd.s32 s1, s5;
	s5 =	sshrl.u32 s16, $0x3  }
0x36: {  	[dreg:$0x1e] =	wrdreg s12;
	s18 =	sadd.s32 s1, s5;
	s5 =	sshrl.u32 s19, $0x3  }
0x37: {  	[smem:$0x7D4] =	sst s15;
	s21 =	sadd.s32 s1, s5;
	s5 =	sshrl.u32 s22, $0x3  }
0x38: {  	[smem:$0x7D6] =	sst s18;
	s24 =	sadd.s32 s1, s5;
	s5 =	sshrl.u32 s25, $0x3  }
0x39: {  	s16 =	sadd.s32 $0x480000, s4;
	[smem:$0x7D8] =	sst s21;
	s5 =	sadd.s32 s1, s5  }
0x3a: {  	s19 =	sadd.s32 $0x4B0000, s4;
	[smem:$0x7DC] =	sst s5;
	s5 =	sshrl.u32 s6, $0x3  }
0x3b: {  	[smem:$0x7DA] =	sst s24;
	s8 =	sadd.s32 s1, s5;
	s5 =	sshrl.u32 s10, $0x3  }
0x3c: {  	s22 =	sadd.s32 $0x4E0000, s4;
	[smem:$0x7DE] =	sst s8;
	s12 =	sadd.s32 s1, s5  }
0x3d: {  	s5 =	sshrl.u32 s13, $0x3;
	s8 =	sadd.s32 $0x12C00, s3;
	[smem:$0x7E0] =	sst s12  }
0x3e: {  	s25 =	sadd.s32 $0x510000, s4;
	s15 =	sadd.s32 s1, s5;
	[smem:$0x7EB] =	sst s8  }
0x3f: {  	s5 =	sshrl.u32 s16, $0x3;
	s12 =	sadd.s32 $0x13800, s3;
	[smem:$0x7E2] =	sst s15  }
0x40: {  	s8 =	sadd.s32 $0x690000, s4;
	s18 =	sadd.s32 s1, s5;
	[smem:$0x7ED] =	sst s12  }
0x41: {  	s5 =	sshrl.u32 s19, $0x3;
	s15 =	sadd.s32 $0x14400, s3;
	[smem:$0x7E4] =	sst s18  }
0x42: {  	s12 =	sadd.s32 $0x6C0000, s4;
	s21 =	sadd.s32 s1, s5;
	[smem:$0x7EF] =	sst s15  }
0x43: {  	s5 =	sshrl.u32 s22, $0x3;
	s18 =	sadd.s32 $0x15000, s3;
	[smem:$0x7E6] =	sst s21  }
0x44: {  	s15 =	sadd.s32 $0x6F0000, s4;
	s24 =	sadd.s32 s1, s5;
	[smem:$0x7F1] =	sst s18  }
0x45: {  	s5 =	sshrl.u32 s25, $0x3;
	s21 =	sadd.s32 $0x15C00, s3;
	[smem:$0x7E8] =	sst s24  }
0x46: {  	s18 =	sadd.s32 $0x750000, s4;
	s6 =	sadd.s32 s1, s5;
	[smem:$0x7F3] =	sst s21  }
0x47: {  	s5 =	sshrl.u32 s7, $0x3;
	s24 =	sadd.s32 $0x16800, s3;
	[smem:$0x7EA] =	sst s6  }
0x48: {  	s10 =	sadd.s32 s1, s5;
	s5 =	sshrl.u32 s11, $0x3;
	[smem:$0x7F5] =	sst s24  }
0x49: {  	s6 =	sadd.s32 $0x17400, s3;
	s24 =	smax.u32 s9, $0x1;
	s9 =	simm.s32 $0x80  }
0x4a: {  	[smem:$0x7EC] =	sst s10;
	s13 =	sadd.s32 s1, s5;
	s5 =	sshrl.u32 s14, $0x3  }
0x4b: {  	[smem:$0x7F7] =	sst s6;
	s10 =	sadd.s32 $0x18000, s3;
	p1 =	sne.s32 s24, $0x1  }
0x4c: {  	[smem:$0x7EE] =	sst s13;
	s16 =	sadd.s32 s1, s5;
	s5 =	sshrl.u32 s17, $0x3  }
0x4d: {  	[smem:$0x7F9] =	sst s10;
	s13 =	sadd.s32 $0x18C00, s3;
	s17 =	sadd.s32 $0x720000, s4  }
0x4e: {  	s10 =	simm.s32 $0x400;
	[smem:$0x7F0] =	sst s16;
	s19 =	sadd.s32 s1, s5  }
0x4f: {  	s5 =	sshrl.u32 s20, $0x3;
	[smem:$0x7FB] =	sst s13;
	s16 =	sadd.s32 $0x19800, s3  }
0x50: {  	s0 =	sshrl.u32 s17, $0x3;
	s20 =	sshrl.u32 s18, $0x3;
	s13 =	sadd.s32 $0x1C800, s3  }
0x51: {  	s18 =	simm.s32 $0x8;
	[smem:$0x7F2] =	sst s19;
	s22 =	sadd.s32 s1, s5  }
0x52: {  	s5 =	sshrl.u32 s23, $0x3;
	[smem:$0x7FD] =	sst s16;
	s23 =	sadd.s32 $0x1A400, s3  }
0x53: {  	s21 =	sadd.s32 s1, s0;
	s19 =	sadd.s32 $0x1B000, s3;
	s17 =	sadd.s32 s1, s20  }
0x54: {  	s16 =	simm.s32 $0xC000;
	s20 =	simm.s32 $0x4;
	[smem:$0x7F4] =	sst s22  }
0x55: {  	s25 =	sadd.s32 s1, s5;
	s5 =	sshrl.u32 s26, $0x3;
	s22 =	sadd.s32 $0x780000, s4  }
0x56: {  	s4 =	sadd.s32 $0x7A1000, s4;
	s26 =	simm.s32 $0x6;
	[smem:$0x7F6] =	sst s25  }
0x57: {  	s7 =	sadd.s32 s1, s5;
	s5 =	sshrl.u32 s8, $0x3;
	s8 =	sadd.s32 $0x1D400, s3  }
0x58: {  	s0 =	sshrl.u32 s22, $0x3;
	s4 =	sshrl.u32 s4, $0x3;
	s22 =	simm.s32 $0x6000  }
0x59: {  	[smem:$0x7F8] =	sst s7;
	s11 =	sadd.s32 s1, s5;
	s5 =	sshrl.u32 s12, $0x3  }
0x5a: {  	s7 =	sadd.s32 $0x1E000, s3;
	s6 =	sadd.s32 s1, s0;
	s4 =	sadd.s32 s1, s4  }
.Ltmp0:
0x5b: {  	s12 =	simm.s32 $0x18000;
	s0 =	rddreg [dreg:$0x3];
	(pc) =	sbr.rel @!p1 .LBB2_3-.Ltmp0, $4  }
0x5c: {  	[smem:$0x7FA] =	sst s11;
	s14 =	sadd.s32 s1, s5;
	s5 =	sshrl.u32 s15, $0x3  }
0x5d: {  	s15 =	sadd.s32 $0x1BC00, s3;
	s11 =	simm.s32 $0x9;
	[smem:$0x7FC] =	sst s14  }
0x5e: {  	s25 =	sadd.s32 s1, s5;
	s5 =	sadd.s32 $0x1EC00, s3;
	s3 =	sadd.s32 $0x1F440, s3  }
0x5f: {  	s14 =	simm.s32 $0x12000;
	s1 =	sadd.s32 $0xFFFFFFFF, s24;
	s24 =	simm.s32 $0x7  }
0x60: {  	[smem:$0x7D3] =	sst s1  }
0x61: {  	[tilespmem:s2], [sflag:$0x1] =	stream.strided.gather [hbm4b:s0+s9], $0x6000, s10, s9, $0x38;
	[tilespmem:$0x18080] =	vst v63  }
0x62: {  	s1 =	rddreg [dreg:$0x4]  }
0x63: {  	[tilespmem:s22], [sflag:$0x2] =	stream.strided.gather [hbm4b:s1+s9], $0x6000, s10, s9, $0x38;
	[tilespmem:$0x18080] =	vst v63  }
0x64: {  	s0 =	rddreg [dreg:$0x5]  }
0x65: {  	[tilespmem:s16], [sflag:$0x3] =	stream.strided.gather [hbm4b:s0+s9], $0x6000, s10, s9, $0x38;
	[tilespmem:$0x18080] =	vst v63  }
0x66: {  	s1 =	rddreg [dreg:$0x6]  }
0x67: {  	[tilespmem:s14], [sflag:$0x4] =	stream.strided.gather [hbm4b:s1+s9], $0x6000, s10, s9, $0x38;
	[tilespmem:$0x18080] =	vst v63  }
0x68: {  	_ =	swait.ge [sflag:s31], $0x6000  }
0x69: {  	[sflag:s31] =	ssyncset.done $0x0  }
0x6a: {  	s1 =	rddreg [dreg:$0x7];
	[sflag:s31] =	ssyncadd.s32 $0xFFFFA000  }
0x6b: {  	[hbm4b:s1+s2] =	stream.linear.scatter [tilespmem:s2], [sflag:$0x5], $0x6000, $0x38;
	[tilespmem:$0x18080] =	vst v63  }
0x6c: {  	_ =	swait.ge [sflag:s30], $0x6000  }
0x6d: {  	[sflag:s30] =	ssyncset.done $0x0  }
0x6e: {  	s1 =	rddreg [dreg:$0x8];
	[sflag:s30] =	ssyncadd.s32 $0xFFFFA000  }
0x6f: {  	[tilespmem:s2], [sflag:$0x1] =	stream.strided.gather [hbm4b:s1+s9], $0x6000, s10, s9, $0x38;
	[tilespmem:$0x18080] =	vst v63  }
0x70: {  	_ =	swait.ge [sflag:s29], $0x6000  }
0x71: {  	[sflag:s29] =	ssyncset.done $0x0  }
0x72: {  	s1 =	rddreg [dreg:$0x9];
	[sflag:s29] =	ssyncadd.s32 $0xFFFFA000  }
0x73: {  	[hbm4b:s1+s2] =	stream.linear.scatter [tilespmem:s22], [sflag:$0x6], $0x6000, $0x38;
	[tilespmem:$0x18080] =	vst v63  }
0x74: {  	_ =	swait.ge [sflag:s26], $0x6000  }
0x75: {  	[sflag:s26] =	ssyncset.done $0x0  }
0x76: {  	s1 =	rddreg [dreg:$0xa];
	[sflag:s26] =	ssyncadd.s32 $0xFFFFA000  }
0x77: {  	[tilespmem:s22], [sflag:$0x2] =	stream.strided.gather [hbm4b:s1+s9], $0x6000, s10, s9, $0x38;
	[tilespmem:$0x18080] =	vst v63  }
0x78: {  	_ =	swait.ge [sflag:s28], $0x6000  }
0x79: {  	[sflag:s28] =	ssyncset.done $0x0  }
0x7a: {  	s1 =	rddreg [dreg:$0xb];
	[sflag:s28] =	ssyncadd.s32 $0xFFFFA000  }
0x7b: {  	[hbm4b:s1+s2] =	stream.linear.scatter [tilespmem:s16], [sflag:$0x7], $0x6000, $0x38;
	[tilespmem:$0x18080] =	vst v63  }
0x7c: {  	_ =	swait.ge [sflag:s24], $0x6000  }
0x7d: {  	[sflag:s24] =	ssyncset.done $0x0  }
0x7e: {  	s1 =	rddreg [dreg:$0xc];
	[sflag:s24] =	ssyncadd.s32 $0xFFFFA000  }
0x7f: {  	[tilespmem:s16], [sflag:$0x3] =	stream.strided.gather [hbm4b:s1+s9], $0x6000, s10, s9, $0x38;
	[tilespmem:$0x18080] =	vst v63  }
0x80: {  	_ =	swait.ge [sflag:s20], $0x6000  }
0x81: {  	[sflag:s20] =	ssyncset.done $0x0  }
0x82: {  	s1 =	rddreg [dreg:$0xd];
	[sflag:s20] =	ssyncadd.s32 $0xFFFFA000  }
0x83: {  	[hbm4b:s1+s2] =	stream.linear.scatter [tilespmem:s14], [sflag:$0x8], $0x6000, $0x38;
	[tilespmem:$0x18080] =	vst v63  }
0x84: {  	_ =	swait.ge [sflag:s18], $0x6000  }
0x85: {  	[sflag:s18] =	ssyncset.done $0x0  }
0x86: {  	s1 =	rddreg [dreg:$0xe];
	[sflag:s18] =	ssyncadd.s32 $0xFFFFA000  }
0x87: {  	[tilespmem:s14], [sflag:$0x4] =	stream.strided.gather [hbm4b:s1+s9], $0x6000, s10, s9, $0x38;
	[tilespmem:$0x18080] =	vst v63  }
0x88: {  	_ =	swait.ge [sflag:s31], $0x6000  }
0x89: {  	[sflag:s31] =	ssyncset.done $0x0  }
0x8a: {  	s1 =	rddreg [dreg:$0xf];
	[sflag:s31] =	ssyncadd.s32 $0xFFFFA000  }
0x8b: {  	[hbm4b:s1+s2] =	stream.linear.scatter [tilespmem:s2], [sflag:$0x5], $0x6000, $0x38;
	[tilespmem:$0x18080] =	vst v63  }
0x8c: {  	_ =	swait.ge [sflag:s30], $0x6000  }
0x8d: {  	[sflag:s30] =	ssyncset.done $0x0  }
0x8e: {  	s1 =	rddreg [dreg:$0x10];
	[sflag:s30] =	ssyncadd.s32 $0xFFFFA000  }
0x8f: {  	[tilespmem:s2], [sflag:$0x1] =	stream.strided.gather [hbm4b:s1+s9], $0x6000, s10, s9, $0x38;
	[tilespmem:$0x18080] =	vst v63  }
0x90: {  	_ =	swait.ge [sflag:s29], $0x6000  }
0x91: {  	[sflag:s29] =	ssyncset.done $0x0  }
0x92: {  	s1 =	rddreg [dreg:$0x11];
	[sflag:s29] =	ssyncadd.s32 $0xFFFFA000  }
0x93: {  	[hbm4b:s1+s2] =	stream.linear.scatter [tilespmem:s22], [sflag:$0x6], $0x6000, $0x38;
	[tilespmem:$0x18080] =	vst v63  }
0x94: {  	_ =	swait.ge [sflag:s26], $0x6000  }
0x95: {  	[sflag:s26] =	ssyncset.done $0x0  }
0x96: {  	s1 =	rddreg [dreg:$0x12];
	[sflag:s26] =	ssyncadd.s32 $0xFFFFA000  }
0x97: {  	[tilespmem:s22], [sflag:$0x2] =	stream.strided.gather [hbm4b:s1+s9], $0x6000, s10, s9, $0x38;
	[tilespmem:$0x18080] =	vst v63  }
0x98: {  	_ =	swait.ge [sflag:s28], $0x6000  }
0x99: {  	[sflag:s28] =	ssyncset.done $0x0  }
0x9a: {  	s1 =	rddreg [dreg:$0x13];
	[sflag:s28] =	ssyncadd.s32 $0xFFFFA000  }
0x9b: {  	[hbm4b:s1+s2] =	stream.linear.scatter [tilespmem:s16], [sflag:$0x7], $0x6000, $0x38;
	[tilespmem:$0x18080] =	vst v63  }
0x9c: {  	_ =	swait.ge [sflag:s24], $0x6000  }
0x9d: {  	[sflag:s24] =	ssyncset.done $0x0  }
0x9e: {  	s1 =	rddreg [dreg:$0x14];
	[sflag:s24] =	ssyncadd.s32 $0xFFFFA000  }
0x9f: {  	[tilespmem:s16], [sflag:$0x3] =	stream.strided.gather [hbm4b:s1+s9], $0x6000, s10, s9, $0x38;
	[tilespmem:$0x18080] =	vst v63  }
0xa0: {  	_ =	swait.ge [sflag:s20], $0x6000  }
0xa1: {  	[sflag:s20] =	ssyncset.done $0x0  }
0xa2: {  	s1 =	rddreg [dreg:$0x15];
	[sflag:s20] =	ssyncadd.s32 $0xFFFFA000  }
0xa3: {  	[hbm4b:s1+s2] =	stream.linear.scatter [tilespmem:s14], [sflag:$0x8], $0x6000, $0x38;
	[tilespmem:$0x18080] =	vst v63  }
0xa4: {  	_ =	swait.ge [sflag:s18], $0x6000  }
0xa5: {  	[sflag:s18] =	ssyncset.done $0x0  }
0xa6: {  	s1 =	rddreg [dreg:$0x16];
	[sflag:s18] =	ssyncadd.s32 $0xFFFFA000  }
0xa7: {  	[tilespmem:s14], [sflag:$0x4] =	stream.strided.gather [hbm4b:s1+s9], $0x6000, s10, s9, $0x38;
	[tilespmem:$0x18080] =	vst v63  }
0xa8: {  	_ =	swait.ge [sflag:s31], $0x6000  }
0xa9: {  	[sflag:s31] =	ssyncset.done $0x0  }
0xaa: {  	s1 =	rddreg [dreg:$0x17];
	[sflag:s31] =	ssyncadd.s32 $0xFFFFA000  }
0xab: {  	[hbm4b:s1+s2] =	stream.linear.scatter [tilespmem:s2], [sflag:$0x5], $0x6000, $0x38;
	[tilespmem:$0x18080] =	vst v63  }
0xac: {  	_ =	swait.ge [sflag:s30], $0x6000  }
0xad: {  	[sflag:s30] =	ssyncset.done $0x0  }
0xae: {  	s1 =	rddreg [dreg:$0x18];
	[sflag:s30] =	ssyncadd.s32 $0xFFFFA000  }
0xaf: {  	[tilespmem:s2], [sflag:$0x1] =	stream.strided.gather [hbm4b:s1+s9], $0x6000, s10, s9, $0x38;
	[tilespmem:$0x18080] =	vst v63  }
0xb0: {  	_ =	swait.ge [sflag:s29], $0x6000  }
0xb1: {  	[sflag:s29] =	ssyncset.done $0x0  }
0xb2: {  	s1 =	rddreg [dreg:$0x19];
	[sflag:s29] =	ssyncadd.s32 $0xFFFFA000  }
0xb3: {  	[hbm4b:s1+s2] =	stream.linear.scatter [tilespmem:s22], [sflag:$0x6], $0x6000, $0x38;
	[tilespmem:$0x18080] =	vst v63  }
0xb4: {  	_ =	swait.ge [sflag:s26], $0x6000  }
0xb5: {  	[sflag:s26] =	ssyncset.done $0x0  }
0xb6: {  	s1 =	rddreg [dreg:$0x1a];
	[sflag:s26] =	ssyncadd.s32 $0xFFFFA000  }
0xb7: {  	[tilespmem:s22], [sflag:$0x2] =	stream.strided.gather [hbm4b:s1+s9], $0x6000, s10, s9, $0x38;
	[tilespmem:$0x18080] =	vst v63  }
0xb8: {  	_ =	swait.ge [sflag:s28], $0x6000  }
0xb9: {  	[sflag:s28] =	ssyncset.done $0x0  }
0xba: {  	s1 =	rddreg [dreg:$0x1b];
	[sflag:s28] =	ssyncadd.s32 $0xFFFFA000  }
0xbb: {  	[hbm4b:s1+s2] =	stream.linear.scatter [tilespmem:s16], [sflag:$0x7], $0x6000, $0x38;
	[tilespmem:$0x18080] =	vst v63  }
0xbc: {  	_ =	swait.ge [sflag:s24], $0x6000  }
0xbd: {  	[sflag:s24] =	ssyncset.done $0x0  }
0xbe: {  	s1 =	rddreg [dreg:$0x1c];
	[sflag:s24] =	ssyncadd.s32 $0xFFFFA000  }
0xbf: {  	[tilespmem:s16], [sflag:$0x3] =	stream.strided.gather [hbm4b:s1+s9], $0x6000, s10, s9, $0x38;
	[tilespmem:$0x18080] =	vst v63  }
0xc0: {  	_ =	swait.ge [sflag:s20], $0x6000  }
0xc1: {  	[sflag:s20] =	ssyncset.done $0x0  }
0xc2: {  	s1 =	rddreg [dreg:$0x1d];
	[sflag:s20] =	ssyncadd.s32 $0xFFFFA000  }
0xc3: {  	[hbm4b:s1+s2] =	stream.linear.scatter [tilespmem:s14], [sflag:$0x8], $0x6000, $0x38;
	[tilespmem:$0x18080] =	vst v63  }
0xc4: {  	_ =	swait.ge [sflag:s18], $0x6000  }
0xc5: {  	[sflag:s18] =	ssyncset.done $0x0  }
0xc6: {  	s1 =	rddreg [dreg:$0x1e];
	[sflag:s18] =	ssyncadd.s32 $0xFFFFA000  }
0xc7: {  	[tilespmem:s14], [sflag:$0x4] =	stream.strided.gather [hbm4b:s1+s9], $0x6000, s10, s9, $0x38;
	[tilespmem:$0x18080] =	vst v63  }
0xc8: {  	_ =	swait.ge [sflag:s31], $0x6000  }
0xc9: {  	[sflag:s31] =	ssyncset.done $0x0  }
0xca: {  	s1 =	rddreg [dreg:$0x1f];
	[sflag:s31] =	ssyncadd.s32 $0xFFFFA000  }
0xcb: {  	[hbm4b:s1+s2] =	stream.linear.scatter [tilespmem:s2], [sflag:$0x5], $0x6000, $0x38;
	[tilespmem:$0x18080] =	vst v63  }
0xcc: {  	_ =	swait.ge [sflag:s30], $0x6000  }
0xcd: {  	s1 =	sld [smem:$0x7D4]  }
0xce: {  	[sflag:s30] =	ssyncset.done $0x0  }
0xcf: {  	[sflag:s30] =	ssyncadd.s32 $0xFFFFA000  }
0xd0: {  	[tilespmem:s2], [sflag:$0x1] =	stream.strided.gather [hbm4b:s1+s9], $0x6000, s10, s9, $0x38;
	[tilespmem:$0x18080] =	vst v63  }
0xd1: {  	_ =	swait.ge [sflag:s29], $0x6000  }
0xd2: {  	s1 =	sld [smem:$0x7D5]  }
0xd3: {  	[sflag:s29] =	ssyncset.done $0x0  }
0xd4: {  	[sflag:s29] =	ssyncadd.s32 $0xFFFFA000  }
0xd5: {  	[hbm4b:s1+s2] =	stream.linear.scatter [tilespmem:s22], [sflag:$0x6], $0x6000, $0x38;
	[tilespmem:$0x18080] =	vst v63  }
0xd6: {  	_ =	swait.ge [sflag:s26], $0x6000  }
0xd7: {  	s1 =	sld [smem:$0x7D6]  }
0xd8: {  	[sflag:s26] =	ssyncset.done $0x0  }
0xd9: {  	[sflag:s26] =	ssyncadd.s32 $0xFFFFA000  }
0xda: {  	[tilespmem:s22], [sflag:$0x2] =	stream.strided.gather [hbm4b:s1+s9], $0x6000, s10, s9, $0x38;
	[tilespmem:$0x18080] =	vst v63  }
0xdb: {  	_ =	swait.ge [sflag:s28], $0x6000  }
0xdc: {  	s1 =	sld [smem:$0x7D7]  }
0xdd: {  	[sflag:s28] =	ssyncset.done $0x0  }
0xde: {  	[sflag:s28] =	ssyncadd.s32 $0xFFFFA000  }
0xdf: {  	[hbm4b:s1+s2] =	stream.linear.scatter [tilespmem:s16], [sflag:$0x7], $0x6000, $0x38;
	[tilespmem:$0x18080] =	vst v63  }
0xe0: {  	_ =	swait.ge [sflag:s24], $0x6000  }
0xe1: {  	s1 =	sld [smem:$0x7D8]  }
0xe2: {  	[sflag:s24] =	ssyncset.done $0x0  }
0xe3: {  	[sflag:s24] =	ssyncadd.s32 $0xFFFFA000  }
0xe4: {  	[tilespmem:s16], [sflag:$0x3] =	stream.strided.gather [hbm4b:s1+s9], $0x6000, s10, s9, $0x38;
	[tilespmem:$0x18080] =	vst v63  }
0xe5: {  	_ =	swait.ge [sflag:s20], $0x6000  }
0xe6: {  	s1 =	sld [smem:$0x7D9]  }
0xe7: {  	[sflag:s20] =	ssyncset.done $0x0  }
0xe8: {  	[sflag:s20] =	ssyncadd.s32 $0xFFFFA000  }
0xe9: {  	[hbm4b:s1+s2] =	stream.linear.scatter [tilespmem:s14], [sflag:$0x8], $0x6000, $0x38;
	[tilespmem:$0x18080] =	vst v63  }
0xea: {  	_ =	swait.ge [sflag:s18], $0x6000  }
0xeb: {  	s1 =	sld [smem:$0x7DA]  }
0xec: {  	[sflag:s18] =	ssyncset.done $0x0  }
0xed: {  	[sflag:s18] =	ssyncadd.s32 $0xFFFFA000  }
0xee: {  	[tilespmem:s14], [sflag:$0x4] =	stream.strided.gather [hbm4b:s1+s9], $0x6000, s10, s9, $0x38;
	[tilespmem:$0x18080] =	vst v63  }
0xef: {  	_ =	swait.ge [sflag:s31], $0x6000  }
0xf0: {  	s1 =	sld [smem:$0x7DB]  }
0xf1: {  	[sflag:s31] =	ssyncset.done $0x0  }
0xf2: {  	[sflag:s31] =	ssyncadd.s32 $0xFFFFA000  }
0xf3: {  	[hbm4b:s1+s2] =	stream.linear.scatter [tilespmem:s2], [sflag:$0x5], $0x6000, $0x38;
	[tilespmem:$0x18080] =	vst v63  }
0xf4: {  	_ =	swait.ge [sflag:s30], $0x6000  }
0xf5: {  	s1 =	sld [smem:$0x7DC]  }
0xf6: {  	[sflag:s30] =	ssyncset.done $0x0  }
0xf7: {  	[sflag:s30] =	ssyncadd.s32 $0xFFFFA000  }
0xf8: {  	[tilespmem:s2], [sflag:$0x1] =	stream.strided.gather [hbm4b:s1+s9], $0x6000, s10, s9, $0x38;
	[tilespmem:$0x18080] =	vst v63  }
0xf9: {  	_ =	swait.ge [sflag:s29], $0x6000  }
0xfa: {  	s1 =	sld [smem:$0x7DD]  }
0xfb: {  	[sflag:s29] =	ssyncset.done $0x0  }
0xfc: {  	[sflag:s29] =	ssyncadd.s32 $0xFFFFA000  }
0xfd: {  	[hbm4b:s1+s2] =	stream.linear.scatter [tilespmem:s22], [sflag:$0x6], $0x6000, $0x38;
	[tilespmem:$0x18080] =	vst v63  }
0xfe: {  	_ =	swait.ge [sflag:s26], $0x6000  }
0xff: {  	s1 =	sld [smem:$0x7DE]  }
0x100: {  	[sflag:s26] =	ssyncset.done $0x0  }
0x101: {  	[sflag:s26] =	ssyncadd.s32 $0xFFFFA000  }
0x102: {  	[tilespmem:s22], [sflag:$0x2] =	stream.strided.gather [hbm4b:s1+s9], $0x6000, s10, s9, $0x38;
	[tilespmem:$0x18080] =	vst v63  }
0x103: {  	_ =	swait.ge [sflag:s28], $0x6000  }
0x104: {  	s1 =	sld [smem:$0x7DF]  }
0x105: {  	[sflag:s28] =	ssyncset.done $0x0  }
0x106: {  	[sflag:s28] =	ssyncadd.s32 $0xFFFFA000  }
0x107: {  	[hbm4b:s1+s2] =	stream.linear.scatter [tilespmem:s16], [sflag:$0x7], $0x6000, $0x38;
	[tilespmem:$0x18080] =	vst v63  }
0x108: {  	_ =	swait.ge [sflag:s24], $0x6000  }
0x109: {  	s1 =	sld [smem:$0x7E0]  }
0x10a: {  	[sflag:s24] =	ssyncset.done $0x0  }
0x10b: {  	[sflag:s24] =	ssyncadd.s32 $0xFFFFA000  }
0x10c: {  	[tilespmem:s16], [sflag:$0x3] =	stream.strided.gather [hbm4b:s1+s9], $0x6000, s10, s9, $0x38;
	[tilespmem:$0x18080] =	vst v63  }
0x10d: {  	_ =	swait.ge [sflag:s20], $0x6000  }
0x10e: {  	s1 =	sld [smem:$0x7E1]  }
0x10f: {  	[sflag:s20] =	ssyncset.done $0x0  }
0x110: {  	[sflag:s20] =	ssyncadd.s32 $0xFFFFA000  }
0x111: {  	[hbm4b:s1+s2] =	stream.linear.scatter [tilespmem:s14], [sflag:$0x8], $0x6000, $0x38;
	[tilespmem:$0x18080] =	vst v63  }
0x112: {  	_ =	swait.ge [sflag:s18], $0x6000  }
0x113: {  	s1 =	sld [smem:$0x7E2]  }
0x114: {  	[sflag:s18] =	ssyncset.done $0x0  }
0x115: {  	[sflag:s18] =	ssyncadd.s32 $0xFFFFA000  }
0x116: {  	[tilespmem:s14], [sflag:$0x4] =	stream.strided.gather [hbm4b:s1+s9], $0x6000, s10, s9, $0x38;
	[tilespmem:$0x18080] =	vst v63  }
0x117: {  	_ =	swait.ge [sflag:s31], $0x6000  }
0x118: {  	s1 =	sld [smem:$0x7E3]  }
0x119: {  	[sflag:s31] =	ssyncset.done $0x0  }
0x11a: {  	[sflag:s31] =	ssyncadd.s32 $0xFFFFA000  }
0x11b: {  	[hbm4b:s1+s2] =	stream.linear.scatter [tilespmem:s2], [sflag:$0x5], $0x6000, $0x38;
	[tilespmem:$0x18080] =	vst v63  }
0x11c: {  	_ =	swait.ge [sflag:s30], $0x6000  }
0x11d: {  	s1 =	sld [smem:$0x7E4]  }
0x11e: {  	[sflag:s30] =	ssyncset.done $0x0  }
0x11f: {  	[sflag:s30] =	ssyncadd.s32 $0xFFFFA000  }
0x120: {  	[tilespmem:s2], [sflag:$0x1] =	stream.strided.gather [hbm4b:s1+s9], $0x6000, s10, s9, $0x38;
	[tilespmem:$0x18080] =	vst v63  }
0x121: {  	_ =	swait.ge [sflag:s29], $0x6000  }
0x122: {  	s1 =	sld [smem:$0x7E5]  }
0x123: {  	[sflag:s29] =	ssyncset.done $0x0  }
0x124: {  	[sflag:s29] =	ssyncadd.s32 $0xFFFFA000  }
0x125: {  	[hbm4b:s1+s2] =	stream.linear.scatter [tilespmem:s22], [sflag:$0x6], $0x6000, $0x38;
	[tilespmem:$0x18080] =	vst v63  }
0x126: {  	_ =	swait.ge [sflag:s26], $0x6000  }
0x127: {  	s1 =	sld [smem:$0x7E6]  }
0x128: {  	[sflag:s26] =	ssyncset.done $0x0  }
0x129: {  	[sflag:s26] =	ssyncadd.s32 $0xFFFFA000  }
0x12a: {  	[tilespmem:s22], [sflag:$0x2] =	stream.strided.gather [hbm4b:s1+s9], $0x6000, s10, s9, $0x38;
	[tilespmem:$0x18080] =	vst v63  }
0x12b: {  	_ =	swait.ge [sflag:s28], $0x6000  }
0x12c: {  	s1 =	sld [smem:$0x7E7]  }
0x12d: {  	[sflag:s28] =	ssyncset.done $0x0  }
0x12e: {  	[sflag:s28] =	ssyncadd.s32 $0xFFFFA000  }
0x12f: {  	[hbm4b:s1+s2] =	stream.linear.scatter [tilespmem:s16], [sflag:$0x7], $0x6000, $0x38;
	[tilespmem:$0x18080] =	vst v63  }
0x130: {  	_ =	swait.ge [sflag:s24], $0x6000  }
0x131: {  	s1 =	sld [smem:$0x7E8]  }
0x132: {  	[sflag:s24] =	ssyncset.done $0x0  }
0x133: {  	[sflag:s24] =	ssyncadd.s32 $0xFFFFA000  }
0x134: {  	[tilespmem:s16], [sflag:$0x3] =	stream.strided.gather [hbm4b:s1+s9], $0x6000, s10, s9, $0x38;
	[tilespmem:$0x18080] =	vst v63  }
0x135: {  	_ =	swait.ge [sflag:s20], $0x6000  }
0x136: {  	s1 =	sld [smem:$0x7E9]  }
0x137: {  	[sflag:s20] =	ssyncset.done $0x0  }
0x138: {  	[sflag:s20] =	ssyncadd.s32 $0xFFFFA000  }
0x139: {  	[hbm4b:s1+s2] =	stream.linear.scatter [tilespmem:s14], [sflag:$0x8], $0x6000, $0x38;
	[tilespmem:$0x18080] =	vst v63  }
0x13a: {  	_ =	swait.ge [sflag:s18], $0x6000  }
0x13b: {  	s1 =	sld [smem:$0x7EA]  }
0x13c: {  	[sflag:s18] =	ssyncset.done $0x0  }
0x13d: {  	[sflag:s18] =	ssyncadd.s32 $0xFFFFA000  }
0x13e: {  	[tilespmem:s14], [sflag:$0x4] =	stream.strided.gather [hbm4b:s1+s9], $0x6000, s10, s9, $0x38;
	[tilespmem:$0x18080] =	vst v63  }
0x13f: {  	_ =	swait.ge [sflag:s31], $0x6000  }
0x140: {  	s1 =	sld [smem:$0x7EB]  }
0x141: {  	[sflag:s31] =	ssyncset.done $0x0  }
0x142: {  	[sflag:s31] =	ssyncadd.s32 $0xFFFFA000  }
0x143: {  	[hbm4b:s1+s2] =	stream.linear.scatter [tilespmem:s2], [sflag:$0x5], $0x6000, $0x38;
	[tilespmem:$0x18080] =	vst v63  }
0x144: {  	_ =	swait.ge [sflag:s30], $0x6000  }
0x145: {  	s1 =	sld [smem:$0x7EC]  }
0x146: {  	[sflag:s30] =	ssyncset.done $0x0  }
0x147: {  	[sflag:s30] =	ssyncadd.s32 $0xFFFFA000  }
0x148: {  	[tilespmem:s2], [sflag:$0x1] =	stream.strided.gather [hbm4b:s1+s9], $0x6000, s10, s9, $0x38;
	[tilespmem:$0x18080] =	vst v63  }
0x149: {  	_ =	swait.ge [sflag:s29], $0x6000  }
0x14a: {  	s1 =	sld [smem:$0x7ED]  }
0x14b: {  	[sflag:s29] =	ssyncset.done $0x0  }
0x14c: {  	[sflag:s29] =	ssyncadd.s32 $0xFFFFA000  }
0x14d: {  	[hbm4b:s1+s2] =	stream.linear.scatter [tilespmem:s22], [sflag:$0x6], $0x6000, $0x38;
	[tilespmem:$0x18080] =	vst v63  }
0x14e: {  	_ =	swait.ge [sflag:s26], $0x6000  }
0x14f: {  	s1 =	sld [smem:$0x7EE]  }
0x150: {  	[sflag:s26] =	ssyncset.done $0x0  }
0x151: {  	[sflag:s26] =	ssyncadd.s32 $0xFFFFA000  }
0x152: {  	[tilespmem:s22], [sflag:$0x2] =	stream.strided.gather [hbm4b:s1+s9], $0x6000, s10, s9, $0x38;
	[tilespmem:$0x18080] =	vst v63  }
0x153: {  	_ =	swait.ge [sflag:s28], $0x6000  }
0x154: {  	s1 =	sld [smem:$0x7EF]  }
0x155: {  	[sflag:s28] =	ssyncset.done $0x0  }
0x156: {  	[sflag:s28] =	ssyncadd.s32 $0xFFFFA000  }
0x157: {  	[hbm4b:s1+s2] =	stream.linear.scatter [tilespmem:s16], [sflag:$0x7], $0x6000, $0x38;
	[tilespmem:$0x18080] =	vst v63  }
0x158: {  	_ =	swait.ge [sflag:s24], $0x6000  }
0x159: {  	s1 =	sld [smem:$0x7F0]  }
0x15a: {  	[sflag:s24] =	ssyncset.done $0x0  }
0x15b: {  	[sflag:s24] =	ssyncadd.s32 $0xFFFFA000  }
0x15c: {  	[tilespmem:s16], [sflag:$0x3] =	stream.strided.gather [hbm4b:s1+s9], $0x6000, s10, s9, $0x38;
	[tilespmem:$0x18080] =	vst v63  }
0x15d: {  	_ =	swait.ge [sflag:s20], $0x6000  }
0x15e: {  	s1 =	sld [smem:$0x7F1]  }
0x15f: {  	[sflag:s20] =	ssyncset.done $0x0  }
0x160: {  	[sflag:s20] =	ssyncadd.s32 $0xFFFFA000  }
0x161: {  	[hbm4b:s1+s2] =	stream.linear.scatter [tilespmem:s14], [sflag:$0x8], $0x6000, $0x38;
	[tilespmem:$0x18080] =	vst v63  }
0x162: {  	_ =	swait.ge [sflag:s18], $0x6000  }
0x163: {  	s1 =	sld [smem:$0x7F2]  }
0x164: {  	[sflag:s18] =	ssyncset.done $0x0  }
0x165: {  	[sflag:s18] =	ssyncadd.s32 $0xFFFFA000  }
0x166: {  	[tilespmem:s14], [sflag:$0x4] =	stream.strided.gather [hbm4b:s1+s9], $0x6000, s10, s9, $0x38;
	[tilespmem:$0x18080] =	vst v63  }
0x167: {  	_ =	swait.ge [sflag:s31], $0x6000  }
0x168: {  	s1 =	sld [smem:$0x7F3]  }
0x169: {  	[sflag:s31] =	ssyncset.done $0x0  }
0x16a: {  	[sflag:s31] =	ssyncadd.s32 $0xFFFFA000  }
0x16b: {  	[hbm4b:s1+s2] =	stream.linear.scatter [tilespmem:s2], [sflag:$0x5], $0x6000, $0x38;
	[tilespmem:$0x18080] =	vst v63  }
0x16c: {  	_ =	swait.ge [sflag:s30], $0x6000  }
0x16d: {  	s1 =	sld [smem:$0x7F4]  }
0x16e: {  	[sflag:s30] =	ssyncset.done $0x0  }
0x16f: {  	[sflag:s30] =	ssyncadd.s32 $0xFFFFA000  }
0x170: {  	[tilespmem:s2], [sflag:$0x1] =	stream.strided.gather [hbm4b:s1+s9], $0x6000, s10, s9, $0x38;
	[tilespmem:$0x18080] =	vst v63  }
0x171: {  	_ =	swait.ge [sflag:s29], $0x6000  }
0x172: {  	s1 =	sld [smem:$0x7F5]  }
0x173: {  	[sflag:s29] =	ssyncset.done $0x0  }
0x174: {  	[sflag:s29] =	ssyncadd.s32 $0xFFFFA000  }
0x175: {  	[hbm4b:s1+s2] =	stream.linear.scatter [tilespmem:s22], [sflag:$0x6], $0x6000, $0x38;
	[tilespmem:$0x18080] =	vst v63  }
0x176: {  	_ =	swait.ge [sflag:s26], $0x6000  }
0x177: {  	s1 =	sld [smem:$0x7F6]  }
0x178: {  	[sflag:s26] =	ssyncset.done $0x0  }
0x179: {  	[sflag:s26] =	ssyncadd.s32 $0xFFFFA000  }
0x17a: {  	[tilespmem:s22], [sflag:$0x2] =	stream.strided.gather [hbm4b:s1+s9], $0x6000, s10, s9, $0x38;
	[tilespmem:$0x18080] =	vst v63  }
0x17b: {  	_ =	swait.ge [sflag:s28], $0x6000  }
0x17c: {  	s1 =	sld [smem:$0x7F7]  }
0x17d: {  	[sflag:s28] =	ssyncset.done $0x0  }
0x17e: {  	[sflag:s28] =	ssyncadd.s32 $0xFFFFA000  }
0x17f: {  	[hbm4b:s1+s2] =	stream.linear.scatter [tilespmem:s16], [sflag:$0x7], $0x6000, $0x38;
	[tilespmem:$0x18080] =	vst v63  }
0x180: {  	_ =	swait.ge [sflag:s24], $0x6000  }
0x181: {  	s1 =	sld [smem:$0x7F8]  }
0x182: {  	[sflag:s24] =	ssyncset.done $0x0  }
0x183: {  	[sflag:s24] =	ssyncadd.s32 $0xFFFFA000  }
0x184: {  	[tilespmem:s16], [sflag:$0x3] =	stream.strided.gather [hbm4b:s1+s9], $0x6000, s10, s9, $0x38;
	[tilespmem:$0x18080] =	vst v63  }
0x185: {  	_ =	swait.ge [sflag:s20], $0x6000  }
0x186: {  	s1 =	sld [smem:$0x7F9]  }
0x187: {  	[sflag:s20] =	ssyncset.done $0x0  }
0x188: {  	[sflag:s20] =	ssyncadd.s32 $0xFFFFA000  }
0x189: {  	[hbm4b:s1+s2] =	stream.linear.scatter [tilespmem:s14], [sflag:$0x8], $0x6000, $0x38;
	[tilespmem:$0x18080] =	vst v63  }
0x18a: {  	_ =	swait.ge [sflag:s18], $0x6000  }
0x18b: {  	s1 =	sld [smem:$0x7FA]  }
0x18c: {  	[sflag:s18] =	ssyncset.done $0x0  }
0x18d: {  	[sflag:s18] =	ssyncadd.s32 $0xFFFFA000  }
0x18e: {  	[tilespmem:s14], [sflag:$0x4] =	stream.strided.gather [hbm4b:s1+s9], $0x6000, s10, s9, $0x38;
	[tilespmem:$0x18080] =	vst v63  }
0x18f: {  	_ =	swait.ge [sflag:s31], $0x6000  }
0x190: {  	s1 =	sld [smem:$0x7FB]  }
0x191: {  	[sflag:s31] =	ssyncset.done $0x0  }
0x192: {  	[sflag:s31] =	ssyncadd.s32 $0xFFFFA000  }
0x193: {  	[hbm4b:s1+s2] =	stream.linear.scatter [tilespmem:s2], [sflag:$0x5], $0x6000, $0x38;
	[tilespmem:$0x18080] =	vst v63  }
0x194: {  	_ =	swait.ge [sflag:s30], $0x6000  }
0x195: {  	s1 =	sld [smem:$0x7FC]  }
0x196: {  	[sflag:s30] =	ssyncset.done $0x0  }
0x197: {  	[sflag:s30] =	ssyncadd.s32 $0xFFFFA000  }
0x198: {  	[tilespmem:s2], [sflag:$0x1] =	stream.strided.gather [hbm4b:s1+s9], $0x6000, s10, s9, $0x38;
	[tilespmem:$0x18080] =	vst v63  }
0x199: {  	_ =	swait.ge [sflag:s29], $0x6000  }
0x19a: {  	s1 =	sld [smem:$0x7FD]  }
0x19b: {  	[sflag:s29] =	ssyncset.done $0x0  }
0x19c: {  	[sflag:s29] =	ssyncadd.s32 $0xFFFFA000  }
0x19d: {  	[hbm4b:s1+s2] =	stream.linear.scatter [tilespmem:s22], [sflag:$0x6], $0x6000, $0x38;
	[tilespmem:$0x18080] =	vst v63  }
0x19e: {  	_ =	swait.ge [sflag:s26], $0x6000  }
0x19f: {  	[sflag:s26] =	ssyncset.done $0x0  }
0x1a0: {  	[sflag:s26] =	ssyncadd.s32 $0xFFFFA000  }
0x1a1: {  	[tilespmem:s22], [sflag:$0x2] =	stream.strided.gather [hbm4b:s25+s9], $0x6000, s10, s9, $0x38;
	[tilespmem:$0x18080] =	vst v63  }
0x1a2: {  	_ =	swait.ge [sflag:s28], $0x6000  }
0x1a3: {  	[sflag:s28] =	ssyncset.done $0x0  }
0x1a4: {  	[sflag:s28] =	ssyncadd.s32 $0xFFFFA000  }
0x1a5: {  	[hbm4b:s23+s2] =	stream.linear.scatter [tilespmem:s16], [sflag:$0x7], $0x6000, $0x38;
	[tilespmem:$0x18080] =	vst v63  }
0x1a6: {  	_ =	swait.ge [sflag:s24], $0x6000  }
0x1a7: {  	[sflag:s24] =	ssyncset.done $0x0  }
0x1a8: {  	[sflag:s24] =	ssyncadd.s32 $0xFFFFA000  }
0x1a9: {  	[tilespmem:s16], [sflag:$0x3] =	stream.strided.gather [hbm4b:s21+s9], $0x6000, s10, s9, $0x38;
	[tilespmem:$0x18080] =	vst v63  }
0x1aa: {  	_ =	swait.ge [sflag:s20], $0x6000  }
0x1ab: {  	[sflag:s20] =	ssyncset.done $0x0  }
0x1ac: {  	[sflag:s20] =	ssyncadd.s32 $0xFFFFA000  }
0x1ad: {  	[hbm4b:s19+s2] =	stream.linear.scatter [tilespmem:s14], [sflag:$0x8], $0x6000, $0x38;
	[tilespmem:$0x18080] =	vst v63  }
0x1ae: {  	_ =	swait.ge [sflag:s18], $0x6000  }
0x1af: {  	[sflag:s18] =	ssyncset.done $0x0  }
0x1b0: {  	[sflag:s18] =	ssyncadd.s32 $0xFFFFA000  }
0x1b1: {  	[tilespmem:s14], [sflag:$0x4] =	stream.strided.gather [hbm4b:s17+s9], $0x6000, s10, s9, $0x38;
	[tilespmem:$0x18080] =	vst v63  }
0x1b2: {  	_ =	swait.ge [sflag:s31], $0x6000  }
0x1b3: {  	[sflag:s31] =	ssyncset.done $0x0  }
0x1b4: {  	[sflag:s31] =	ssyncadd.s32 $0xFFFFA000  }
0x1b5: {  	[hbm4b:s15+s2] =	stream.linear.scatter [tilespmem:s2], [sflag:$0x5], $0x6000, $0x38;
	[tilespmem:$0x18080] =	vst v63  }
0x1b6: {  	_ =	swait.ge [sflag:s30], $0x6000  }
0x1b7: {  	[sflag:s30] =	ssyncset.done $0x0  }
0x1b8: {  	[sflag:s30] =	ssyncadd.s32 $0xFFFFA000  }
0x1b9: {  	_ =	swait.ge [sflag:s29], $0x6000  }
0x1ba: {  	[sflag:s29] =	ssyncset.done $0x0  }
0x1bb: {  	[sflag:s29] =	ssyncadd.s32 $0xFFFFA000  }
0x1bc: {  	[hbm4b:s13+s2] =	stream.linear.scatter [tilespmem:s22], [sflag:$0x6], $0x6000, $0x38;
	[tilespmem:$0x18080] =	vst v63  }
0x1bd: {  	_ =	swait.ge [sflag:s26], $0x6000  }
0x1be: {  	[sflag:s26] =	ssyncset.done $0x0  }
0x1bf: {  	[sflag:s26] =	ssyncadd.s32 $0xFFFFA000  }
0x1c0: {  	_ =	swait.ge [sflag:s28], $0x6000  }
0x1c1: {  	[sflag:s28] =	ssyncset.done $0x0  }
0x1c2: {  	[sflag:s28] =	ssyncadd.s32 $0xFFFFA000  }
0x1c3: {  	[hbm4b:s8+s2] =	stream.linear.scatter [tilespmem:s16], [sflag:$0x7], $0x6000, $0x38;
	[tilespmem:$0x18080] =	vst v63  }
0x1c4: {  	_ =	swait.ge [sflag:s24], $0x6000  }
0x1c5: {  	[sflag:s24] =	ssyncset.done $0x0  }
0x1c6: {  	[sflag:s24] =	ssyncadd.s32 $0xFFFFA000  }
0x1c7: {  	_ =	swait.ge [sflag:s20], $0x6000  }
0x1c8: {  	[sflag:s20] =	ssyncset.done $0x0  }
0x1c9: {  	[sflag:s20] =	ssyncadd.s32 $0xFFFFA000  }
0x1ca: {  	[hbm4b:s7+s2] =	stream.linear.scatter [tilespmem:s14], [sflag:$0x8], $0x6000, $0x38;
	[tilespmem:$0x18080] =	vst v63  }
0x1cb: {  	_ =	swait.ge [sflag:s18], $0x6000  }
0x1cc: {  	[sflag:s18] =	ssyncset.done $0x0  }
0x1cd: {  	[sflag:s18] =	ssyncadd.s32 $0xFFFFA000  }
0x1ce: {  	[tilespmem:s2], [sflag:$0x9] =	stream.strided.gather [hbm4b:s6+s9], $0x4200, s10, s9, $0x38;
	[tilespmem:$0x18080] =	vst v63  }
0x1cf: {  	_ =	swait.ge [sflag:s11], $0x4200  }
0x1d0: {  	[sflag:s11] =	ssyncset.done $0x0  }
0x1d1: {  	[sflag:s11] =	ssyncadd.s32 $0xFFFFBE00  }
0x1d2: {  	[hbm4b:s5+s2] =	stream.linear.scatter [tilespmem:s2], [sflag:$0x9], $0x4200, $0x38;
	[tilespmem:$0x18080] =	vst v63  }
0x1d3: {  	_ =	swait.ge [sflag:s11], $0x4200  }
0x1d4: {  	[sflag:s11] =	ssyncset.done $0x0  }
0x1d5: {  	[sflag:s11] =	ssyncadd.s32 $0xFFFFBE00  }
0x1d6: {  	[tilespmem:s12], [sflag:$0x9] =	stream.linear.gather [hbm4b:s4+s2], $0x80, $0x38;
	[tilespmem:$0x18080] =	vst v63  }
0x1d7: {  	_ =	swait.ge [sflag:s11], $0x80  }
0x1d8: {  	s1 =	sld [smem:$0x7D3];
	_ =	sdelay $0x2  }
0x1d9: {  	p1 =	sne.s32 s1, $0x1  }
.Ltmp1:
0x1da: {  	[sflag:s11] =	ssyncset.done $0x0;
	(pc) =	sbr.rel @!p1 .LBB2_3-.Ltmp1, $4  }
0x1db: {  	[sflag:s11] =	ssyncadd.s32 $0xFFFFFF80  }
0x1dc: {  	[hbm4b:s3+s2] =	stream.linear.scatter [tilespmem:s12], [sflag:$0x9], $0x40, $0x38;
	[tilespmem:$0x18080] =	vst v63  }
0x1dd: {  	p0 =	por $0x1, $0x1;
	_ =	swait.ge [sflag:s11], $0x40  }
0x1de: {  	s1 =	sadd.s32 $0xFFFFFFFF, s1;
	s0 =	rddreg [dreg:$0x3];
	[sflag:s11] =	ssyncset.done $0x0  }
.LBB2_2:
0x1df: {  	[sflag:s11] =	ssyncadd.s32 $0xFFFFFFC0;
	s12 =	smov.u32 s8  }
0x1e0: {  	s8 =	smov.u32 s7;
	s7 =	smov.u32 s6;
	s6 =	smov.u32 s5  }
0x1e1: {  	[tilespmem:s2], [sflag:$0x1] =	stream.strided.gather [hbm4b:s0+s9], $0x6000, s10, s9, $0x38;
	[tilespmem:$0x18080] =	vst v63  }
0x1e2: {  	s5 =	smov.u32 s4;
	s4 =	smov.u32 s3;
	s3 =	rddreg [dreg:$0x4]  }
0x1e3: {  	[tilespmem:s22], [sflag:$0x2] =	stream.strided.gather [hbm4b:s3+s9], $0x6000, s10, s9, $0x38;
	[tilespmem:$0x18080] =	vst v63  }
0x1e4: {  	s0 =	rddreg [dreg:$0x5]  }
0x1e5: {  	[tilespmem:s16], [sflag:$0x3] =	stream.strided.gather [hbm4b:s0+s9], $0x6000, s10, s9, $0x38;
	[tilespmem:$0x18080] =	vst v63  }
0x1e6: {  	s3 =	rddreg [dreg:$0x6]  }
0x1e7: {  	[tilespmem:s14], [sflag:$0x4] =	stream.strided.gather [hbm4b:s3+s9], $0x6000, s10, s9, $0x38;
	[tilespmem:$0x18080] =	vst v63  }
0x1e8: {  	_ =	swait.ge [sflag:s31], $0x6000  }
0x1e9: {  	[sflag:s31] =	ssyncset.done $0x0  }
0x1ea: {  	s0 =	rddreg [dreg:$0x7];
	[sflag:s31] =	ssyncadd.s32 $0xFFFFA000  }
0x1eb: {  	[hbm4b:s0+s2] =	stream.linear.scatter [tilespmem:s2], [sflag:$0x5], $0x6000, $0x38;
	[tilespmem:$0x18080] =	vst v63  }
0x1ec: {  	_ =	swait.ge [sflag:s30], $0x6000  }
0x1ed: {  	[sflag:s30] =	ssyncset.done $0x0  }
0x1ee: {  	s0 =	rddreg [dreg:$0x8];
	[sflag:s30] =	ssyncadd.s32 $0xFFFFA000  }
0x1ef: {  	[tilespmem:s2], [sflag:$0x1] =	stream.strided.gather [hbm4b:s0+s9], $0x6000, s10, s9, $0x38;
	[tilespmem:$0x18080] =	vst v63  }
0x1f0: {  	_ =	swait.ge [sflag:s29], $0x6000  }
0x1f1: {  	[sflag:s29] =	ssyncset.done $0x0  }
0x1f2: {  	s0 =	rddreg [dreg:$0x9];
	[sflag:s29] =	ssyncadd.s32 $0xFFFFA000  }
0x1f3: {  	[hbm4b:s0+s2] =	stream.linear.scatter [tilespmem:s22], [sflag:$0x6], $0x6000, $0x38;
	[tilespmem:$0x18080] =	vst v63  }
0x1f4: {  	_ =	swait.ge [sflag:s26], $0x6000  }
0x1f5: {  	[sflag:s26] =	ssyncset.done $0x0  }
0x1f6: {  	s0 =	rddreg [dreg:$0xa];
	[sflag:s26] =	ssyncadd.s32 $0xFFFFA000  }
0x1f7: {  	[tilespmem:s22], [sflag:$0x2] =	stream.strided.gather [hbm4b:s0+s9], $0x6000, s10, s9, $0x38;
	[tilespmem:$0x18080] =	vst v63  }
0x1f8: {  	_ =	swait.ge [sflag:s28], $0x6000  }
0x1f9: {  	[sflag:s28] =	ssyncset.done $0x0  }
0x1fa: {  	s0 =	rddreg [dreg:$0xb];
	[sflag:s28] =	ssyncadd.s32 $0xFFFFA000  }
0x1fb: {  	[hbm4b:s0+s2] =	stream.linear.scatter [tilespmem:s16], [sflag:$0x7], $0x6000, $0x38;
	[tilespmem:$0x18080] =	vst v63  }
0x1fc: {  	_ =	swait.ge [sflag:s24], $0x6000  }
0x1fd: {  	[sflag:s24] =	ssyncset.done $0x0  }
0x1fe: {  	s0 =	rddreg [dreg:$0xc];
	[sflag:s24] =	ssyncadd.s32 $0xFFFFA000  }
0x1ff: {  	[tilespmem:s16], [sflag:$0x3] =	stream.strided.gather [hbm4b:s0+s9], $0x6000, s10, s9, $0x38;
	[tilespmem:$0x18080] =	vst v63  }
0x200: {  	_ =	swait.ge [sflag:s20], $0x6000  }
0x201: {  	[sflag:s20] =	ssyncset.done $0x0  }
0x202: {  	s0 =	rddreg [dreg:$0xd];
	[sflag:s20] =	ssyncadd.s32 $0xFFFFA000  }
0x203: {  	[hbm4b:s0+s2] =	stream.linear.scatter [tilespmem:s14], [sflag:$0x8], $0x6000, $0x38;
	[tilespmem:$0x18080] =	vst v63  }
0x204: {  	_ =	swait.ge [sflag:s18], $0x6000  }
0x205: {  	[sflag:s18] =	ssyncset.done $0x0  }
0x206: {  	s0 =	rddreg [dreg:$0xe];
	[sflag:s18] =	ssyncadd.s32 $0xFFFFA000  }
0x207: {  	[tilespmem:s14], [sflag:$0x4] =	stream.strided.gather [hbm4b:s0+s9], $0x6000, s10, s9, $0x38;
	[tilespmem:$0x18080] =	vst v63  }
0x208: {  	_ =	swait.ge [sflag:s31], $0x6000  }
0x209: {  	[sflag:s31] =	ssyncset.done $0x0  }
0x20a: {  	s0 =	rddreg [dreg:$0xf];
	[sflag:s31] =	ssyncadd.s32 $0xFFFFA000  }
0x20b: {  	[hbm4b:s0+s2] =	stream.linear.scatter [tilespmem:s2], [sflag:$0x5], $0x6000, $0x38;
	[tilespmem:$0x18080] =	vst v63  }
0x20c: {  	_ =	swait.ge [sflag:s30], $0x6000  }
0x20d: {  	[sflag:s30] =	ssyncset.done $0x0  }
0x20e: {  	s0 =	rddreg [dreg:$0x10];
	[sflag:s30] =	ssyncadd.s32 $0xFFFFA000  }
0x20f: {  	[tilespmem:s2], [sflag:$0x1] =	stream.strided.gather [hbm4b:s0+s9], $0x6000, s10, s9, $0x38;
	[tilespmem:$0x18080] =	vst v63  }
0x210: {  	_ =	swait.ge [sflag:s29], $0x6000  }
0x211: {  	[sflag:s29] =	ssyncset.done $0x0  }
0x212: {  	s0 =	rddreg [dreg:$0x11];
	[sflag:s29] =	ssyncadd.s32 $0xFFFFA000  }
0x213: {  	[hbm4b:s0+s2] =	stream.linear.scatter [tilespmem:s22], [sflag:$0x6], $0x6000, $0x38;
	[tilespmem:$0x18080] =	vst v63  }
0x214: {  	_ =	swait.ge [sflag:s26], $0x6000  }
0x215: {  	[sflag:s26] =	ssyncset.done $0x0  }
0x216: {  	s0 =	rddreg [dreg:$0x12];
	[sflag:s26] =	ssyncadd.s32 $0xFFFFA000  }
0x217: {  	[tilespmem:s22], [sflag:$0x2] =	stream.strided.gather [hbm4b:s0+s9], $0x6000, s10, s9, $0x38;
	[tilespmem:$0x18080] =	vst v63  }
0x218: {  	_ =	swait.ge [sflag:s28], $0x6000  }
0x219: {  	[sflag:s28] =	ssyncset.done $0x0  }
0x21a: {  	s0 =	rddreg [dreg:$0x13];
	[sflag:s28] =	ssyncadd.s32 $0xFFFFA000  }
0x21b: {  	[hbm4b:s0+s2] =	stream.linear.scatter [tilespmem:s16], [sflag:$0x7], $0x6000, $0x38;
	[tilespmem:$0x18080] =	vst v63  }
0x21c: {  	_ =	swait.ge [sflag:s24], $0x6000  }
0x21d: {  	[sflag:s24] =	ssyncset.done $0x0  }
0x21e: {  	s0 =	rddreg [dreg:$0x14];
	[sflag:s24] =	ssyncadd.s32 $0xFFFFA000  }
0x21f: {  	[tilespmem:s16], [sflag:$0x3] =	stream.strided.gather [hbm4b:s0+s9], $0x6000, s10, s9, $0x38;
	[tilespmem:$0x18080] =	vst v63  }
0x220: {  	_ =	swait.ge [sflag:s20], $0x6000  }
0x221: {  	[sflag:s20] =	ssyncset.done $0x0  }
0x222: {  	s0 =	rddreg [dreg:$0x15];
	[sflag:s20] =	ssyncadd.s32 $0xFFFFA000  }
0x223: {  	[hbm4b:s0+s2] =	stream.linear.scatter [tilespmem:s14], [sflag:$0x8], $0x6000, $0x38;
	[tilespmem:$0x18080] =	vst v63  }
0x224: {  	_ =	swait.ge [sflag:s18], $0x6000  }
0x225: {  	[sflag:s18] =	ssyncset.done $0x0  }
0x226: {  	s0 =	rddreg [dreg:$0x16];
	[sflag:s18] =	ssyncadd.s32 $0xFFFFA000  }
0x227: {  	[tilespmem:s14], [sflag:$0x4] =	stream.strided.gather [hbm4b:s0+s9], $0x6000, s10, s9, $0x38;
	[tilespmem:$0x18080] =	vst v63  }
0x228: {  	_ =	swait.ge [sflag:s31], $0x6000  }
0x229: {  	[sflag:s31] =	ssyncset.done $0x0  }
0x22a: {  	s0 =	rddreg [dreg:$0x17];
	[sflag:s31] =	ssyncadd.s32 $0xFFFFA000  }
0x22b: {  	[hbm4b:s0+s2] =	stream.linear.scatter [tilespmem:s2], [sflag:$0x5], $0x6000, $0x38;
	[tilespmem:$0x18080] =	vst v63  }
0x22c: {  	_ =	swait.ge [sflag:s30], $0x6000  }
0x22d: {  	[sflag:s30] =	ssyncset.done $0x0  }
0x22e: {  	s0 =	rddreg [dreg:$0x18];
	[sflag:s30] =	ssyncadd.s32 $0xFFFFA000  }
0x22f: {  	[tilespmem:s2], [sflag:$0x1] =	stream.strided.gather [hbm4b:s0+s9], $0x6000, s10, s9, $0x38;
	[tilespmem:$0x18080] =	vst v63  }
0x230: {  	_ =	swait.ge [sflag:s29], $0x6000  }
0x231: {  	[sflag:s29] =	ssyncset.done $0x0  }
0x232: {  	s0 =	rddreg [dreg:$0x19];
	[sflag:s29] =	ssyncadd.s32 $0xFFFFA000  }
0x233: {  	[hbm4b:s0+s2] =	stream.linear.scatter [tilespmem:s22], [sflag:$0x6], $0x6000, $0x38;
	[tilespmem:$0x18080] =	vst v63  }
0x234: {  	_ =	swait.ge [sflag:s26], $0x6000  }
0x235: {  	[sflag:s26] =	ssyncset.done $0x0  }
0x236: {  	s0 =	rddreg [dreg:$0x1a];
	[sflag:s26] =	ssyncadd.s32 $0xFFFFA000  }
0x237: {  	[tilespmem:s22], [sflag:$0x2] =	stream.strided.gather [hbm4b:s0+s9], $0x6000, s10, s9, $0x38;
	[tilespmem:$0x18080] =	vst v63  }
0x238: {  	_ =	swait.ge [sflag:s28], $0x6000  }
0x239: {  	[sflag:s28] =	ssyncset.done $0x0  }
0x23a: {  	s0 =	rddreg [dreg:$0x1b];
	[sflag:s28] =	ssyncadd.s32 $0xFFFFA000  }
0x23b: {  	[hbm4b:s0+s2] =	stream.linear.scatter [tilespmem:s16], [sflag:$0x7], $0x6000, $0x38;
	[tilespmem:$0x18080] =	vst v63  }
0x23c: {  	_ =	swait.ge [sflag:s24], $0x6000  }
0x23d: {  	[sflag:s24] =	ssyncset.done $0x0  }
0x23e: {  	s0 =	rddreg [dreg:$0x1c];
	[sflag:s24] =	ssyncadd.s32 $0xFFFFA000  }
0x23f: {  	[tilespmem:s16], [sflag:$0x3] =	stream.strided.gather [hbm4b:s0+s9], $0x6000, s10, s9, $0x38;
	[tilespmem:$0x18080] =	vst v63  }
0x240: {  	_ =	swait.ge [sflag:s20], $0x6000  }
0x241: {  	[sflag:s20] =	ssyncset.done $0x0  }
0x242: {  	s0 =	rddreg [dreg:$0x1d];
	[sflag:s20] =	ssyncadd.s32 $0xFFFFA000  }
0x243: {  	[hbm4b:s0+s2] =	stream.linear.scatter [tilespmem:s14], [sflag:$0x8], $0x6000, $0x38;
	[tilespmem:$0x18080] =	vst v63  }
0x244: {  	_ =	swait.ge [sflag:s18], $0x6000  }
0x245: {  	[sflag:s18] =	ssyncset.done $0x0  }
0x246: {  	s0 =	rddreg [dreg:$0x1e];
	[sflag:s18] =	ssyncadd.s32 $0xFFFFA000  }
0x247: {  	[tilespmem:s14], [sflag:$0x4] =	stream.strided.gather [hbm4b:s0+s9], $0x6000, s10, s9, $0x38;
	[tilespmem:$0x18080] =	vst v63  }
0x248: {  	_ =	swait.ge [sflag:s31], $0x6000  }
0x249: {  	[sflag:s31] =	ssyncset.done $0x0  }
0x24a: {  	s0 =	rddreg [dreg:$0x1f];
	[sflag:s31] =	ssyncadd.s32 $0xFFFFA000  }
0x24b: {  	[hbm4b:s0+s2] =	stream.linear.scatter [tilespmem:s2], [sflag:$0x5], $0x6000, $0x38;
	[tilespmem:$0x18080] =	vst v63  }
0x24c: {  	_ =	swait.ge [sflag:s30], $0x6000  }
0x24d: {  	s0 =	sld [smem:$0x7D4]  }
0x24e: {  	[sflag:s30] =	ssyncset.done $0x0  }
0x24f: {  	[sflag:s30] =	ssyncadd.s32 $0xFFFFA000  }
0x250: {  	[tilespmem:s2], [sflag:$0x1] =	stream.strided.gather [hbm4b:s0+s9], $0x6000, s10, s9, $0x38;
	[tilespmem:$0x18080] =	vst v63  }
0x251: {  	_ =	swait.ge [sflag:s29], $0x6000  }
0x252: {  	s0 =	sld [smem:$0x7D5]  }
0x253: {  	[sflag:s29] =	ssyncset.done $0x0  }
0x254: {  	[sflag:s29] =	ssyncadd.s32 $0xFFFFA000  }
0x255: {  	[hbm4b:s0+s2] =	stream.linear.scatter [tilespmem:s22], [sflag:$0x6], $0x6000, $0x38;
	[tilespmem:$0x18080] =	vst v63  }
0x256: {  	_ =	swait.ge [sflag:s26], $0x6000  }
0x257: {  	s0 =	sld [smem:$0x7D6]  }
0x258: {  	[sflag:s26] =	ssyncset.done $0x0  }
0x259: {  	[sflag:s26] =	ssyncadd.s32 $0xFFFFA000  }
0x25a: {  	[tilespmem:s22], [sflag:$0x2] =	stream.strided.gather [hbm4b:s0+s9], $0x6000, s10, s9, $0x38;
	[tilespmem:$0x18080] =	vst v63  }
0x25b: {  	_ =	swait.ge [sflag:s28], $0x6000  }
0x25c: {  	s0 =	sld [smem:$0x7D7]  }
0x25d: {  	[sflag:s28] =	ssyncset.done $0x0  }
0x25e: {  	[sflag:s28] =	ssyncadd.s32 $0xFFFFA000  }
0x25f: {  	[hbm4b:s0+s2] =	stream.linear.scatter [tilespmem:s16], [sflag:$0x7], $0x6000, $0x38;
	[tilespmem:$0x18080] =	vst v63  }
0x260: {  	_ =	swait.ge [sflag:s24], $0x6000  }
0x261: {  	s0 =	sld [smem:$0x7D8]  }
0x262: {  	[sflag:s24] =	ssyncset.done $0x0  }
0x263: {  	[sflag:s24] =	ssyncadd.s32 $0xFFFFA000  }
0x264: {  	[tilespmem:s16], [sflag:$0x3] =	stream.strided.gather [hbm4b:s0+s9], $0x6000, s10, s9, $0x38;
	[tilespmem:$0x18080] =	vst v63  }
0x265: {  	_ =	swait.ge [sflag:s20], $0x6000  }
0x266: {  	s0 =	sld [smem:$0x7D9]  }
0x267: {  	[sflag:s20] =	ssyncset.done $0x0  }
0x268: {  	[sflag:s20] =	ssyncadd.s32 $0xFFFFA000  }
0x269: {  	[hbm4b:s0+s2] =	stream.linear.scatter [tilespmem:s14], [sflag:$0x8], $0x6000, $0x38;
	[tilespmem:$0x18080] =	vst v63  }
0x26a: {  	_ =	swait.ge [sflag:s18], $0x6000  }
0x26b: {  	s0 =	sld [smem:$0x7DA]  }
0x26c: {  	[sflag:s18] =	ssyncset.done $0x0  }
0x26d: {  	[sflag:s18] =	ssyncadd.s32 $0xFFFFA000  }
0x26e: {  	[tilespmem:s14], [sflag:$0x4] =	stream.strided.gather [hbm4b:s0+s9], $0x6000, s10, s9, $0x38;
	[tilespmem:$0x18080] =	vst v63  }
0x26f: {  	_ =	swait.ge [sflag:s31], $0x6000  }
0x270: {  	s0 =	sld [smem:$0x7DB]  }
0x271: {  	[sflag:s31] =	ssyncset.done $0x0  }
0x272: {  	[sflag:s31] =	ssyncadd.s32 $0xFFFFA000  }
0x273: {  	[hbm4b:s0+s2] =	stream.linear.scatter [tilespmem:s2], [sflag:$0x5], $0x6000, $0x38;
	[tilespmem:$0x18080] =	vst v63  }
0x274: {  	_ =	swait.ge [sflag:s30], $0x6000  }
0x275: {  	s0 =	sld [smem:$0x7DC]  }
0x276: {  	[sflag:s30] =	ssyncset.done $0x0  }
0x277: {  	[sflag:s30] =	ssyncadd.s32 $0xFFFFA000  }
0x278: {  	[tilespmem:s2], [sflag:$0x1] =	stream.strided.gather [hbm4b:s0+s9], $0x6000, s10, s9, $0x38;
	[tilespmem:$0x18080] =	vst v63  }
0x279: {  	_ =	swait.ge [sflag:s29], $0x6000  }
0x27a: {  	s0 =	sld [smem:$0x7DD]  }
0x27b: {  	[sflag:s29] =	ssyncset.done $0x0  }
0x27c: {  	[sflag:s29] =	ssyncadd.s32 $0xFFFFA000  }
0x27d: {  	[hbm4b:s0+s2] =	stream.linear.scatter [tilespmem:s22], [sflag:$0x6], $0x6000, $0x38;
	[tilespmem:$0x18080] =	vst v63  }
0x27e: {  	_ =	swait.ge [sflag:s26], $0x6000  }
0x27f: {  	s0 =	sld [smem:$0x7DE]  }
0x280: {  	[sflag:s26] =	ssyncset.done $0x0  }
0x281: {  	[sflag:s26] =	ssyncadd.s32 $0xFFFFA000  }
0x282: {  	[tilespmem:s22], [sflag:$0x2] =	stream.strided.gather [hbm4b:s0+s9], $0x6000, s10, s9, $0x38;
	[tilespmem:$0x18080] =	vst v63  }
0x283: {  	_ =	swait.ge [sflag:s28], $0x6000  }
0x284: {  	s0 =	sld [smem:$0x7DF]  }
0x285: {  	[sflag:s28] =	ssyncset.done $0x0  }
0x286: {  	[sflag:s28] =	ssyncadd.s32 $0xFFFFA000  }
0x287: {  	[hbm4b:s0+s2] =	stream.linear.scatter [tilespmem:s16], [sflag:$0x7], $0x6000, $0x38;
	[tilespmem:$0x18080] =	vst v63  }
0x288: {  	_ =	swait.ge [sflag:s24], $0x6000  }
0x289: {  	s0 =	sld [smem:$0x7E0]  }
0x28a: {  	[sflag:s24] =	ssyncset.done $0x0  }
0x28b: {  	[sflag:s24] =	ssyncadd.s32 $0xFFFFA000  }
0x28c: {  	[tilespmem:s16], [sflag:$0x3] =	stream.strided.gather [hbm4b:s0+s9], $0x6000, s10, s9, $0x38;
	[tilespmem:$0x18080] =	vst v63  }
0x28d: {  	_ =	swait.ge [sflag:s20], $0x6000  }
0x28e: {  	s0 =	sld [smem:$0x7E1]  }
0x28f: {  	[sflag:s20] =	ssyncset.done $0x0  }
0x290: {  	[sflag:s20] =	ssyncadd.s32 $0xFFFFA000  }
0x291: {  	[hbm4b:s0+s2] =	stream.linear.scatter [tilespmem:s14], [sflag:$0x8], $0x6000, $0x38;
	[tilespmem:$0x18080] =	vst v63  }
0x292: {  	_ =	swait.ge [sflag:s18], $0x6000  }
0x293: {  	s0 =	sld [smem:$0x7E2]  }
0x294: {  	[sflag:s18] =	ssyncset.done $0x0  }
0x295: {  	[sflag:s18] =	ssyncadd.s32 $0xFFFFA000  }
0x296: {  	[tilespmem:s14], [sflag:$0x4] =	stream.strided.gather [hbm4b:s0+s9], $0x6000, s10, s9, $0x38;
	[tilespmem:$0x18080] =	vst v63  }
0x297: {  	_ =	swait.ge [sflag:s31], $0x6000  }
0x298: {  	s0 =	sld [smem:$0x7E3]  }
0x299: {  	[sflag:s31] =	ssyncset.done $0x0  }
0x29a: {  	[sflag:s31] =	ssyncadd.s32 $0xFFFFA000  }
0x29b: {  	[hbm4b:s0+s2] =	stream.linear.scatter [tilespmem:s2], [sflag:$0x5], $0x6000, $0x38;
	[tilespmem:$0x18080] =	vst v63  }
0x29c: {  	_ =	swait.ge [sflag:s30], $0x6000  }
0x29d: {  	s0 =	sld [smem:$0x7E4]  }
0x29e: {  	[sflag:s30] =	ssyncset.done $0x0  }
0x29f: {  	[sflag:s30] =	ssyncadd.s32 $0xFFFFA000  }
0x2a0: {  	[tilespmem:s2], [sflag:$0x1] =	stream.strided.gather [hbm4b:s0+s9], $0x6000, s10, s9, $0x38;
	[tilespmem:$0x18080] =	vst v63  }
0x2a1: {  	_ =	swait.ge [sflag:s29], $0x6000  }
0x2a2: {  	s0 =	sld [smem:$0x7E5]  }
0x2a3: {  	[sflag:s29] =	ssyncset.done $0x0  }
0x2a4: {  	[sflag:s29] =	ssyncadd.s32 $0xFFFFA000  }
0x2a5: {  	[hbm4b:s0+s2] =	stream.linear.scatter [tilespmem:s22], [sflag:$0x6], $0x6000, $0x38;
	[tilespmem:$0x18080] =	vst v63  }
0x2a6: {  	_ =	swait.ge [sflag:s26], $0x6000  }
0x2a7: {  	s0 =	sld [smem:$0x7E6]  }
0x2a8: {  	[sflag:s26] =	ssyncset.done $0x0  }
0x2a9: {  	[sflag:s26] =	ssyncadd.s32 $0xFFFFA000  }
0x2aa: {  	[tilespmem:s22], [sflag:$0x2] =	stream.strided.gather [hbm4b:s0+s9], $0x6000, s10, s9, $0x38;
	[tilespmem:$0x18080] =	vst v63  }
0x2ab: {  	_ =	swait.ge [sflag:s28], $0x6000  }
0x2ac: {  	s0 =	sld [smem:$0x7E7]  }
0x2ad: {  	[sflag:s28] =	ssyncset.done $0x0  }
0x2ae: {  	[sflag:s28] =	ssyncadd.s32 $0xFFFFA000  }
0x2af: {  	[hbm4b:s0+s2] =	stream.linear.scatter [tilespmem:s16], [sflag:$0x7], $0x6000, $0x38;
	[tilespmem:$0x18080] =	vst v63  }
0x2b0: {  	_ =	swait.ge [sflag:s24], $0x6000  }
0x2b1: {  	s0 =	sld [smem:$0x7E8]  }
0x2b2: {  	[sflag:s24] =	ssyncset.done $0x0  }
0x2b3: {  	[sflag:s24] =	ssyncadd.s32 $0xFFFFA000  }
0x2b4: {  	[tilespmem:s16], [sflag:$0x3] =	stream.strided.gather [hbm4b:s0+s9], $0x6000, s10, s9, $0x38;
	[tilespmem:$0x18080] =	vst v63  }
0x2b5: {  	_ =	swait.ge [sflag:s20], $0x6000  }
0x2b6: {  	s0 =	sld [smem:$0x7E9]  }
0x2b7: {  	[sflag:s20] =	ssyncset.done $0x0  }
0x2b8: {  	[sflag:s20] =	ssyncadd.s32 $0xFFFFA000  }
0x2b9: {  	[hbm4b:s0+s2] =	stream.linear.scatter [tilespmem:s14], [sflag:$0x8], $0x6000, $0x38;
	[tilespmem:$0x18080] =	vst v63  }
0x2ba: {  	_ =	swait.ge [sflag:s18], $0x6000  }
0x2bb: {  	s0 =	sld [smem:$0x7EA]  }
0x2bc: {  	[sflag:s18] =	ssyncset.done $0x0  }
0x2bd: {  	[sflag:s18] =	ssyncadd.s32 $0xFFFFA000  }
0x2be: {  	[tilespmem:s14], [sflag:$0x4] =	stream.strided.gather [hbm4b:s0+s9], $0x6000, s10, s9, $0x38;
	[tilespmem:$0x18080] =	vst v63  }
0x2bf: {  	_ =	swait.ge [sflag:s31], $0x6000  }
0x2c0: {  	s0 =	sld [smem:$0x7EB]  }
0x2c1: {  	[sflag:s31] =	ssyncset.done $0x0  }
0x2c2: {  	[sflag:s31] =	ssyncadd.s32 $0xFFFFA000  }
0x2c3: {  	[hbm4b:s0+s2] =	stream.linear.scatter [tilespmem:s2], [sflag:$0x5], $0x6000, $0x38;
	[tilespmem:$0x18080] =	vst v63  }
0x2c4: {  	_ =	swait.ge [sflag:s30], $0x6000  }
0x2c5: {  	s0 =	sld [smem:$0x7EC]  }
0x2c6: {  	[sflag:s30] =	ssyncset.done $0x0  }
0x2c7: {  	[sflag:s30] =	ssyncadd.s32 $0xFFFFA000  }
0x2c8: {  	[tilespmem:s2], [sflag:$0x1] =	stream.strided.gather [hbm4b:s0+s9], $0x6000, s10, s9, $0x38;
	[tilespmem:$0x18080] =	vst v63  }
0x2c9: {  	_ =	swait.ge [sflag:s29], $0x6000  }
0x2ca: {  	s0 =	sld [smem:$0x7ED]  }
0x2cb: {  	[sflag:s29] =	ssyncset.done $0x0  }
0x2cc: {  	[sflag:s29] =	ssyncadd.s32 $0xFFFFA000  }
0x2cd: {  	[hbm4b:s0+s2] =	stream.linear.scatter [tilespmem:s22], [sflag:$0x6], $0x6000, $0x38;
	[tilespmem:$0x18080] =	vst v63  }
0x2ce: {  	_ =	swait.ge [sflag:s26], $0x6000  }
0x2cf: {  	s0 =	sld [smem:$0x7EE]  }
0x2d0: {  	[sflag:s26] =	ssyncset.done $0x0  }
0x2d1: {  	[sflag:s26] =	ssyncadd.s32 $0xFFFFA000  }
0x2d2: {  	[tilespmem:s22], [sflag:$0x2] =	stream.strided.gather [hbm4b:s0+s9], $0x6000, s10, s9, $0x38;
	[tilespmem:$0x18080] =	vst v63  }
0x2d3: {  	_ =	swait.ge [sflag:s28], $0x6000  }
0x2d4: {  	s0 =	sld [smem:$0x7EF]  }
0x2d5: {  	[sflag:s28] =	ssyncset.done $0x0  }
0x2d6: {  	[sflag:s28] =	ssyncadd.s32 $0xFFFFA000  }
0x2d7: {  	[hbm4b:s0+s2] =	stream.linear.scatter [tilespmem:s16], [sflag:$0x7], $0x6000, $0x38;
	[tilespmem:$0x18080] =	vst v63  }
0x2d8: {  	_ =	swait.ge [sflag:s24], $0x6000  }
0x2d9: {  	s0 =	sld [smem:$0x7F0]  }
0x2da: {  	[sflag:s24] =	ssyncset.done $0x0  }
0x2db: {  	[sflag:s24] =	ssyncadd.s32 $0xFFFFA000  }
0x2dc: {  	[tilespmem:s16], [sflag:$0x3] =	stream.strided.gather [hbm4b:s0+s9], $0x6000, s10, s9, $0x38;
	[tilespmem:$0x18080] =	vst v63  }
0x2dd: {  	_ =	swait.ge [sflag:s20], $0x6000  }
0x2de: {  	s0 =	sld [smem:$0x7F1]  }
0x2df: {  	[sflag:s20] =	ssyncset.done $0x0  }
0x2e0: {  	[sflag:s20] =	ssyncadd.s32 $0xFFFFA000  }
0x2e1: {  	[hbm4b:s0+s2] =	stream.linear.scatter [tilespmem:s14], [sflag:$0x8], $0x6000, $0x38;
	[tilespmem:$0x18080] =	vst v63  }
0x2e2: {  	_ =	swait.ge [sflag:s18], $0x6000  }
0x2e3: {  	s0 =	sld [smem:$0x7F2]  }
0x2e4: {  	[sflag:s18] =	ssyncset.done $0x0  }
0x2e5: {  	[sflag:s18] =	ssyncadd.s32 $0xFFFFA000  }
0x2e6: {  	[tilespmem:s14], [sflag:$0x4] =	stream.strided.gather [hbm4b:s0+s9], $0x6000, s10, s9, $0x38;
	[tilespmem:$0x18080] =	vst v63  }
0x2e7: {  	_ =	swait.ge [sflag:s31], $0x6000  }
0x2e8: {  	s0 =	sld [smem:$0x7F3]  }
0x2e9: {  	[sflag:s31] =	ssyncset.done $0x0  }
0x2ea: {  	[sflag:s31] =	ssyncadd.s32 $0xFFFFA000  }
0x2eb: {  	[hbm4b:s0+s2] =	stream.linear.scatter [tilespmem:s2], [sflag:$0x5], $0x6000, $0x38;
	[tilespmem:$0x18080] =	vst v63  }
0x2ec: {  	_ =	swait.ge [sflag:s30], $0x6000  }
0x2ed: {  	s0 =	sld [smem:$0x7F4]  }
0x2ee: {  	[sflag:s30] =	ssyncset.done $0x0  }
0x2ef: {  	[sflag:s30] =	ssyncadd.s32 $0xFFFFA000  }
0x2f0: {  	[tilespmem:s2], [sflag:$0x1] =	stream.strided.gather [hbm4b:s0+s9], $0x6000, s10, s9, $0x38;
	[tilespmem:$0x18080] =	vst v63  }
0x2f1: {  	_ =	swait.ge [sflag:s29], $0x6000  }
0x2f2: {  	s0 =	sld [smem:$0x7F5]  }
0x2f3: {  	[sflag:s29] =	ssyncset.done $0x0  }
0x2f4: {  	[sflag:s29] =	ssyncadd.s32 $0xFFFFA000  }
0x2f5: {  	[hbm4b:s0+s2] =	stream.linear.scatter [tilespmem:s22], [sflag:$0x6], $0x6000, $0x38;
	[tilespmem:$0x18080] =	vst v63  }
0x2f6: {  	_ =	swait.ge [sflag:s26], $0x6000  }
0x2f7: {  	s0 =	sld [smem:$0x7F6]  }
0x2f8: {  	[sflag:s26] =	ssyncset.done $0x0  }
0x2f9: {  	[sflag:s26] =	ssyncadd.s32 $0xFFFFA000  }
0x2fa: {  	[tilespmem:s22], [sflag:$0x2] =	stream.strided.gather [hbm4b:s0+s9], $0x6000, s10, s9, $0x38;
	[tilespmem:$0x18080] =	vst v63  }
0x2fb: {  	_ =	swait.ge [sflag:s28], $0x6000  }
0x2fc: {  	s0 =	sld [smem:$0x7F7]  }
0x2fd: {  	[sflag:s28] =	ssyncset.done $0x0  }
0x2fe: {  	[sflag:s28] =	ssyncadd.s32 $0xFFFFA000  }
0x2ff: {  	[hbm4b:s0+s2] =	stream.linear.scatter [tilespmem:s16], [sflag:$0x7], $0x6000, $0x38;
	[tilespmem:$0x18080] =	vst v63  }
0x300: {  	_ =	swait.ge [sflag:s24], $0x6000  }
0x301: {  	s0 =	sld [smem:$0x7F8]  }
0x302: {  	[sflag:s24] =	ssyncset.done $0x0  }
0x303: {  	[sflag:s24] =	ssyncadd.s32 $0xFFFFA000  }
0x304: {  	[tilespmem:s16], [sflag:$0x3] =	stream.strided.gather [hbm4b:s0+s9], $0x6000, s10, s9, $0x38;
	[tilespmem:$0x18080] =	vst v63  }
0x305: {  	_ =	swait.ge [sflag:s20], $0x6000  }
0x306: {  	s0 =	sld [smem:$0x7F9]  }
0x307: {  	[sflag:s20] =	ssyncset.done $0x0  }
0x308: {  	[sflag:s20] =	ssyncadd.s32 $0xFFFFA000  }
0x309: {  	[hbm4b:s0+s2] =	stream.linear.scatter [tilespmem:s14], [sflag:$0x8], $0x6000, $0x38;
	[tilespmem:$0x18080] =	vst v63  }
0x30a: {  	_ =	swait.ge [sflag:s18], $0x6000  }
0x30b: {  	s0 =	sld [smem:$0x7FA]  }
0x30c: {  	[sflag:s18] =	ssyncset.done $0x0  }
0x30d: {  	[sflag:s18] =	ssyncadd.s32 $0xFFFFA000  }
0x30e: {  	[tilespmem:s14], [sflag:$0x4] =	stream.strided.gather [hbm4b:s0+s9], $0x6000, s10, s9, $0x38;
	[tilespmem:$0x18080] =	vst v63  }
0x30f: {  	_ =	swait.ge [sflag:s31], $0x6000  }
0x310: {  	s0 =	sld [smem:$0x7FB]  }
0x311: {  	[sflag:s31] =	ssyncset.done $0x0  }
0x312: {  	[sflag:s31] =	ssyncadd.s32 $0xFFFFA000  }
0x313: {  	[hbm4b:s0+s2] =	stream.linear.scatter [tilespmem:s2], [sflag:$0x5], $0x6000, $0x38;
	[tilespmem:$0x18080] =	vst v63  }
0x314: {  	_ =	swait.ge [sflag:s30], $0x6000  }
0x315: {  	s0 =	sld [smem:$0x7FC]  }
0x316: {  	[sflag:s30] =	ssyncset.done $0x0  }
0x317: {  	[sflag:s30] =	ssyncadd.s32 $0xFFFFA000  }
0x318: {  	[tilespmem:s2], [sflag:$0x1] =	stream.strided.gather [hbm4b:s0+s9], $0x6000, s10, s9, $0x38;
	[tilespmem:$0x18080] =	vst v63  }
0x319: {  	_ =	swait.ge [sflag:s29], $0x6000  }
0x31a: {  	s0 =	sld [smem:$0x7FD]  }
0x31b: {  	[sflag:s29] =	ssyncset.done $0x0  }
0x31c: {  	[sflag:s29] =	ssyncadd.s32 $0xFFFFA000  }
0x31d: {  	[hbm4b:s0+s2] =	stream.linear.scatter [tilespmem:s22], [sflag:$0x6], $0x6000, $0x38;
	[tilespmem:$0x18080] =	vst v63  }
0x31e: {  	_ =	swait.ge [sflag:s26], $0x6000  }
0x31f: {  	[sflag:s26] =	ssyncset.done $0x0  }
0x320: {  	[sflag:s26] =	ssyncadd.s32 $0xFFFFA000  }
0x321: {  	[tilespmem:s22], [sflag:$0x2] =	stream.strided.gather [hbm4b:s25+s9], $0x6000, s10, s9, $0x38;
	[tilespmem:$0x18080] =	vst v63  }
0x322: {  	_ =	swait.ge [sflag:s28], $0x6000  }
0x323: {  	[sflag:s28] =	ssyncset.done $0x0  }
0x324: {  	[sflag:s28] =	ssyncadd.s32 $0xFFFFA000  }
0x325: {  	[hbm4b:s23+s2] =	stream.linear.scatter [tilespmem:s16], [sflag:$0x7], $0x6000, $0x38;
	[tilespmem:$0x18080] =	vst v63  }
0x326: {  	_ =	swait.ge [sflag:s24], $0x6000  }
0x327: {  	[sflag:s24] =	ssyncset.done $0x0  }
0x328: {  	[sflag:s24] =	ssyncadd.s32 $0xFFFFA000  }
0x329: {  	[tilespmem:s16], [sflag:$0x3] =	stream.strided.gather [hbm4b:s21+s9], $0x6000, s10, s9, $0x38;
	[tilespmem:$0x18080] =	vst v63  }
0x32a: {  	_ =	swait.ge [sflag:s20], $0x6000  }
0x32b: {  	[sflag:s20] =	ssyncset.done $0x0  }
0x32c: {  	[sflag:s20] =	ssyncadd.s32 $0xFFFFA000  }
0x32d: {  	[hbm4b:s19+s2] =	stream.linear.scatter [tilespmem:s14], [sflag:$0x8], $0x6000, $0x38;
	[tilespmem:$0x18080] =	vst v63  }
0x32e: {  	_ =	swait.ge [sflag:s18], $0x6000  }
0x32f: {  	[sflag:s18] =	ssyncset.done $0x0  }
0x330: {  	[sflag:s18] =	ssyncadd.s32 $0xFFFFA000  }
0x331: {  	[tilespmem:s14], [sflag:$0x4] =	stream.strided.gather [hbm4b:s17+s9], $0x6000, s10, s9, $0x38;
	[tilespmem:$0x18080] =	vst v63  }
0x332: {  	_ =	swait.ge [sflag:s31], $0x6000  }
0x333: {  	[sflag:s31] =	ssyncset.done $0x0  }
0x334: {  	[sflag:s31] =	ssyncadd.s32 $0xFFFFA000  }
0x335: {  	[hbm4b:s15+s2] =	stream.linear.scatter [tilespmem:s2], [sflag:$0x5], $0x6000, $0x38;
	[tilespmem:$0x18080] =	vst v63  }
0x336: {  	_ =	swait.ge [sflag:s30], $0x6000  }
0x337: {  	[sflag:s30] =	ssyncset.done $0x0  }
0x338: {  	[sflag:s30] =	ssyncadd.s32 $0xFFFFA000  }
0x339: {  	_ =	swait.ge [sflag:s29], $0x6000  }
0x33a: {  	[sflag:s29] =	ssyncset.done $0x0  }
0x33b: {  	[sflag:s29] =	ssyncadd.s32 $0xFFFFA000  }
0x33c: {  	[hbm4b:s13+s2] =	stream.linear.scatter [tilespmem:s22], [sflag:$0x6], $0x6000, $0x38;
	[tilespmem:$0x18080] =	vst v63  }
0x33d: {  	_ =	swait.ge [sflag:s26], $0x6000  }
0x33e: {  	[sflag:s26] =	ssyncset.done $0x0  }
0x33f: {  	[sflag:s26] =	ssyncadd.s32 $0xFFFFA000  }
0x340: {  	s3 =	smov.u32 s4;
	s4 =	smov.u32 s5;
	_ =	swait.ge [sflag:s28], $0x6000  }
0x341: {  	s5 =	smov.u32 s6;
	s6 =	smov.u32 s7;
	[sflag:s28] =	ssyncset.done $0x0  }
0x342: {  	s7 =	smov.u32 s8;
	s8 =	smov.u32 s12;
	[sflag:s28] =	ssyncadd.s32 $0xFFFFA000  }
0x343: {  	[hbm4b:s8+s2] =	stream.linear.scatter [tilespmem:s16], [sflag:$0x7], $0x6000, $0x38;
	[tilespmem:$0x18080] =	vst v63  }
0x344: {  	_ =	swait.ge [sflag:s24], $0x6000  }
0x345: {  	[sflag:s24] =	ssyncset.done $0x0  }
0x346: {  	[sflag:s24] =	ssyncadd.s32 $0xFFFFA000  }
0x347: {  	_ =	swait.ge [sflag:s20], $0x6000  }
0x348: {  	[sflag:s20] =	ssyncset.done $0x0  }
0x349: {  	[sflag:s20] =	ssyncadd.s32 $0xFFFFA000  }
0x34a: {  	[hbm4b:s7+s2] =	stream.linear.scatter [tilespmem:s14], [sflag:$0x8], $0x6000, $0x38;
	[tilespmem:$0x18080] =	vst v63  }
0x34b: {  	_ =	swait.ge [sflag:s18], $0x6000  }
0x34c: {  	[sflag:s18] =	ssyncset.done $0x0  }
0x34d: {  	[sflag:s18] =	ssyncadd.s32 $0xFFFFA000  }
0x34e: {  	[tilespmem:s2], [sflag:$0x9] =	stream.strided.gather [hbm4b:s6+s9], $0x4200, s10, s9, $0x38;
	[tilespmem:$0x18080] =	vst v63  }
0x34f: {  	_ =	swait.ge [sflag:s11], $0x4200  }
0x350: {  	[sflag:s11] =	ssyncset.done $0x0  }
0x351: {  	[sflag:s11] =	ssyncadd.s32 $0xFFFFBE00  }
0x352: {  	[hbm4b:s5+s2] =	stream.linear.scatter [tilespmem:s2], [sflag:$0x9], $0x4200, $0x38;
	[tilespmem:$0x18080] =	vst v63  }
0x353: {  	_ =	swait.ge [sflag:s11], $0x4200  }
0x354: {  	[sflag:s11] =	ssyncset.done $0x0  }
0x355: {  	s12 =	simm.s32 $0x18000;
	[sflag:s11] =	ssyncadd.s32 $0xFFFFBE00  }
0x356: {  	[tilespmem:s12], [sflag:$0x9] =	stream.linear.gather [hbm4b:s4+s2], $0x80, $0x38;
	[tilespmem:$0x18080] =	vst v63  }
0x357: {  	p1 =	sne.s32 s1, $0x1;
	_ =	swait.ge [sflag:s11], $0x80  }
.Ltmp2:
0x358: {  	[sflag:s11] =	ssyncset.done $0x0;
	(pc) =	sbr.rel @p1 .LBB2_2-.Ltmp2, $4  }
0x359: {  	[sflag:s11] =	ssyncadd.s32 $0xFFFFFF80  }
0x35a: {  	[hbm4b:s3+s2] =	stream.linear.scatter [tilespmem:s12], [sflag:$0x9], $0x40, $0x38;
	[tilespmem:$0x18080] =	vst v63  }
0x35b: {  	_ =	swait.ge [sflag:s11], $0x40  }
0x35c: {  	s1 =	sadd.s32 $0xFFFFFFFF, s1;
	s0 =	rddreg [dreg:$0x3];
	[sflag:s11] =	ssyncset.done $0x0  }
.LBB2_3:
0x35d: {  	[sflag:s11] =	ssyncadd.s32 @p0 $0xFFFFFFC0  }
0x35e: {  	[tilespmem:s2], [sflag:$0x1] =	stream.strided.gather [hbm4b:s0+s9], $0x6000, s10, s9, $0x38;
	[tilespmem:$0x18080] =	vst v63  }
0x35f: {  	s1 =	rddreg [dreg:$0x4]  }
0x360: {  	[tilespmem:s22], [sflag:$0x2] =	stream.strided.gather [hbm4b:s1+s9], $0x6000, s10, s9, $0x38;
	[tilespmem:$0x18080] =	vst v63  }
0x361: {  	s0 =	rddreg [dreg:$0x5]  }
0x362: {  	[tilespmem:s16], [sflag:$0x3] =	stream.strided.gather [hbm4b:s0+s9], $0x6000, s10, s9, $0x38;
	[tilespmem:$0x18080] =	vst v63  }
0x363: {  	s1 =	rddreg [dreg:$0x6]  }
0x364: {  	[tilespmem:s14], [sflag:$0x4] =	stream.strided.gather [hbm4b:s1+s9], $0x6000, s10, s9, $0x38;
	[tilespmem:$0x18080] =	vst v63  }
0x365: {  	_ =	swait.ge [sflag:s31], $0x6000  }
0x366: {  	[sflag:s31] =	ssyncset.done $0x0  }
0x367: {  	s1 =	rddreg [dreg:$0x7];
	[sflag:s31] =	ssyncadd.s32 $0xFFFFA000  }
0x368: {  	[hbm4b:s1+s2] =	stream.linear.scatter [tilespmem:s2], [sflag:$0x5], $0x6000, $0x38;
	[tilespmem:$0x18080] =	vst v63  }
0x369: {  	_ =	swait.ge [sflag:s30], $0x6000  }
0x36a: {  	[sflag:s30] =	ssyncset.done $0x0  }
0x36b: {  	s1 =	rddreg [dreg:$0x8];
	[sflag:s30] =	ssyncadd.s32 $0xFFFFA000  }
0x36c: {  	[tilespmem:s2], [sflag:$0x1] =	stream.strided.gather [hbm4b:s1+s9], $0x6000, s10, s9, $0x38;
	[tilespmem:$0x18080] =	vst v63  }
0x36d: {  	_ =	swait.ge [sflag:s29], $0x6000  }
0x36e: {  	[sflag:s29] =	ssyncset.done $0x0  }
0x36f: {  	s1 =	rddreg [dreg:$0x9];
	[sflag:s29] =	ssyncadd.s32 $0xFFFFA000  }
0x370: {  	[hbm4b:s1+s2] =	stream.linear.scatter [tilespmem:s22], [sflag:$0x6], $0x6000, $0x38;
	[tilespmem:$0x18080] =	vst v63  }
0x371: {  	_ =	swait.ge [sflag:s26], $0x6000  }
0x372: {  	[sflag:s26] =	ssyncset.done $0x0  }
0x373: {  	s1 =	rddreg [dreg:$0xa];
	[sflag:s26] =	ssyncadd.s32 $0xFFFFA000  }
0x374: {  	[tilespmem:s22], [sflag:$0x2] =	stream.strided.gather [hbm4b:s1+s9], $0x6000, s10, s9, $0x38;
	[tilespmem:$0x18080] =	vst v63  }
0x375: {  	_ =	swait.ge [sflag:s28], $0x6000  }
0x376: {  	[sflag:s28] =	ssyncset.done $0x0  }
0x377: {  	s1 =	rddreg [dreg:$0xb];
	[sflag:s28] =	ssyncadd.s32 $0xFFFFA000  }
0x378: {  	[hbm4b:s1+s2] =	stream.linear.scatter [tilespmem:s16], [sflag:$0x7], $0x6000, $0x38;
	[tilespmem:$0x18080] =	vst v63  }
0x379: {  	_ =	swait.ge [sflag:s24], $0x6000  }
0x37a: {  	[sflag:s24] =	ssyncset.done $0x0  }
0x37b: {  	s1 =	rddreg [dreg:$0xc];
	[sflag:s24] =	ssyncadd.s32 $0xFFFFA000  }
0x37c: {  	[tilespmem:s16], [sflag:$0x3] =	stream.strided.gather [hbm4b:s1+s9], $0x6000, s10, s9, $0x38;
	[tilespmem:$0x18080] =	vst v63  }
0x37d: {  	_ =	swait.ge [sflag:s20], $0x6000  }
0x37e: {  	[sflag:s20] =	ssyncset.done $0x0  }
0x37f: {  	s1 =	rddreg [dreg:$0xd];
	[sflag:s20] =	ssyncadd.s32 $0xFFFFA000  }
0x380: {  	[hbm4b:s1+s2] =	stream.linear.scatter [tilespmem:s14], [sflag:$0x8], $0x6000, $0x38;
	[tilespmem:$0x18080] =	vst v63  }
0x381: {  	_ =	swait.ge [sflag:s18], $0x6000  }
0x382: {  	[sflag:s18] =	ssyncset.done $0x0  }
0x383: {  	s1 =	rddreg [dreg:$0xe];
	[sflag:s18] =	ssyncadd.s32 $0xFFFFA000  }
0x384: {  	[tilespmem:s14], [sflag:$0x4] =	stream.strided.gather [hbm4b:s1+s9], $0x6000, s10, s9, $0x38;
	[tilespmem:$0x18080] =	vst v63  }
0x385: {  	_ =	swait.ge [sflag:s31], $0x6000  }
0x386: {  	[sflag:s31] =	ssyncset.done $0x0  }
0x387: {  	s1 =	rddreg [dreg:$0xf];
	[sflag:s31] =	ssyncadd.s32 $0xFFFFA000  }
0x388: {  	[hbm4b:s1+s2] =	stream.linear.scatter [tilespmem:s2], [sflag:$0x5], $0x6000, $0x38;
	[tilespmem:$0x18080] =	vst v63  }
0x389: {  	_ =	swait.ge [sflag:s30], $0x6000  }
0x38a: {  	[sflag:s30] =	ssyncset.done $0x0  }
0x38b: {  	s1 =	rddreg [dreg:$0x10];
	[sflag:s30] =	ssyncadd.s32 $0xFFFFA000  }
0x38c: {  	[tilespmem:s2], [sflag:$0x1] =	stream.strided.gather [hbm4b:s1+s9], $0x6000, s10, s9, $0x38;
	[tilespmem:$0x18080] =	vst v63  }
0x38d: {  	_ =	swait.ge [sflag:s29], $0x6000  }
0x38e: {  	[sflag:s29] =	ssyncset.done $0x0  }
0x38f: {  	s1 =	rddreg [dreg:$0x11];
	[sflag:s29] =	ssyncadd.s32 $0xFFFFA000  }
0x390: {  	[hbm4b:s1+s2] =	stream.linear.scatter [tilespmem:s22], [sflag:$0x6], $0x6000, $0x38;
	[tilespmem:$0x18080] =	vst v63  }
0x391: {  	_ =	swait.ge [sflag:s26], $0x6000  }
0x392: {  	[sflag:s26] =	ssyncset.done $0x0  }
0x393: {  	s1 =	rddreg [dreg:$0x12];
	[sflag:s26] =	ssyncadd.s32 $0xFFFFA000  }
0x394: {  	[tilespmem:s22], [sflag:$0x2] =	stream.strided.gather [hbm4b:s1+s9], $0x6000, s10, s9, $0x38;
	[tilespmem:$0x18080] =	vst v63  }
0x395: {  	_ =	swait.ge [sflag:s28], $0x6000  }
0x396: {  	[sflag:s28] =	ssyncset.done $0x0  }
0x397: {  	s1 =	rddreg [dreg:$0x13];
	[sflag:s28] =	ssyncadd.s32 $0xFFFFA000  }
0x398: {  	[hbm4b:s1+s2] =	stream.linear.scatter [tilespmem:s16], [sflag:$0x7], $0x6000, $0x38;
	[tilespmem:$0x18080] =	vst v63  }
0x399: {  	_ =	swait.ge [sflag:s24], $0x6000  }
0x39a: {  	[sflag:s24] =	ssyncset.done $0x0  }
0x39b: {  	s1 =	rddreg [dreg:$0x14];
	[sflag:s24] =	ssyncadd.s32 $0xFFFFA000  }
0x39c: {  	[tilespmem:s16], [sflag:$0x3] =	stream.strided.gather [hbm4b:s1+s9], $0x6000, s10, s9, $0x38;
	[tilespmem:$0x18080] =	vst v63  }
0x39d: {  	_ =	swait.ge [sflag:s20], $0x6000  }
0x39e: {  	[sflag:s20] =	ssyncset.done $0x0  }
0x39f: {  	s1 =	rddreg [dreg:$0x15];
	[sflag:s20] =	ssyncadd.s32 $0xFFFFA000  }
0x3a0: {  	[hbm4b:s1+s2] =	stream.linear.scatter [tilespmem:s14], [sflag:$0x8], $0x6000, $0x38;
	[tilespmem:$0x18080] =	vst v63  }
0x3a1: {  	_ =	swait.ge [sflag:s18], $0x6000  }
0x3a2: {  	[sflag:s18] =	ssyncset.done $0x0  }
0x3a3: {  	s1 =	rddreg [dreg:$0x16];
	[sflag:s18] =	ssyncadd.s32 $0xFFFFA000  }
0x3a4: {  	[tilespmem:s14], [sflag:$0x4] =	stream.strided.gather [hbm4b:s1+s9], $0x6000, s10, s9, $0x38;
	[tilespmem:$0x18080] =	vst v63  }
0x3a5: {  	_ =	swait.ge [sflag:s31], $0x6000  }
0x3a6: {  	[sflag:s31] =	ssyncset.done $0x0  }
0x3a7: {  	s1 =	rddreg [dreg:$0x17];
	[sflag:s31] =	ssyncadd.s32 $0xFFFFA000  }
0x3a8: {  	[hbm4b:s1+s2] =	stream.linear.scatter [tilespmem:s2], [sflag:$0x5], $0x6000, $0x38;
	[tilespmem:$0x18080] =	vst v63  }
0x3a9: {  	_ =	swait.ge [sflag:s30], $0x6000  }
0x3aa: {  	[sflag:s30] =	ssyncset.done $0x0  }
0x3ab: {  	s1 =	rddreg [dreg:$0x18];
	[sflag:s30] =	ssyncadd.s32 $0xFFFFA000  }
0x3ac: {  	[tilespmem:s2], [sflag:$0x1] =	stream.strided.gather [hbm4b:s1+s9], $0x6000, s10, s9, $0x38;
	[tilespmem:$0x18080] =	vst v63  }
0x3ad: {  	_ =	swait.ge [sflag:s29], $0x6000  }
0x3ae: {  	[sflag:s29] =	ssyncset.done $0x0  }
0x3af: {  	s1 =	rddreg [dreg:$0x19];
	[sflag:s29] =	ssyncadd.s32 $0xFFFFA000  }
0x3b0: {  	[hbm4b:s1+s2] =	stream.linear.scatter [tilespmem:s22], [sflag:$0x6], $0x6000, $0x38;
	[tilespmem:$0x18080] =	vst v63  }
0x3b1: {  	_ =	swait.ge [sflag:s26], $0x6000  }
0x3b2: {  	[sflag:s26] =	ssyncset.done $0x0  }
0x3b3: {  	s1 =	rddreg [dreg:$0x1a];
	[sflag:s26] =	ssyncadd.s32 $0xFFFFA000  }
0x3b4: {  	[tilespmem:s22], [sflag:$0x2] =	stream.strided.gather [hbm4b:s1+s9], $0x6000, s10, s9, $0x38;
	[tilespmem:$0x18080] =	vst v63  }
0x3b5: {  	_ =	swait.ge [sflag:s28], $0x6000  }
0x3b6: {  	[sflag:s28] =	ssyncset.done $0x0  }
0x3b7: {  	s1 =	rddreg [dreg:$0x1b];
	[sflag:s28] =	ssyncadd.s32 $0xFFFFA000  }
0x3b8: {  	[hbm4b:s1+s2] =	stream.linear.scatter [tilespmem:s16], [sflag:$0x7], $0x6000, $0x38;
	[tilespmem:$0x18080] =	vst v63  }
0x3b9: {  	_ =	swait.ge [sflag:s24], $0x6000  }
0x3ba: {  	[sflag:s24] =	ssyncset.done $0x0  }
0x3bb: {  	s1 =	rddreg [dreg:$0x1c];
	[sflag:s24] =	ssyncadd.s32 $0xFFFFA000  }
0x3bc: {  	[tilespmem:s16], [sflag:$0x3] =	stream.strided.gather [hbm4b:s1+s9], $0x6000, s10, s9, $0x38;
	[tilespmem:$0x18080] =	vst v63  }
0x3bd: {  	_ =	swait.ge [sflag:s20], $0x6000  }
0x3be: {  	[sflag:s20] =	ssyncset.done $0x0  }
0x3bf: {  	s1 =	rddreg [dreg:$0x1d];
	[sflag:s20] =	ssyncadd.s32 $0xFFFFA000  }
0x3c0: {  	[hbm4b:s1+s2] =	stream.linear.scatter [tilespmem:s14], [sflag:$0x8], $0x6000, $0x38;
	[tilespmem:$0x18080] =	vst v63  }
0x3c1: {  	_ =	swait.ge [sflag:s18], $0x6000  }
0x3c2: {  	[sflag:s18] =	ssyncset.done $0x0  }
0x3c3: {  	s1 =	rddreg [dreg:$0x1e];
	[sflag:s18] =	ssyncadd.s32 $0xFFFFA000  }
0x3c4: {  	[tilespmem:s14], [sflag:$0x4] =	stream.strided.gather [hbm4b:s1+s9], $0x6000, s10, s9, $0x38;
	[tilespmem:$0x18080] =	vst v63  }
0x3c5: {  	_ =	swait.ge [sflag:s31], $0x6000  }
0x3c6: {  	[sflag:s31] =	ssyncset.done $0x0  }
0x3c7: {  	s1 =	rddreg [dreg:$0x1f];
	[sflag:s31] =	ssyncadd.s32 $0xFFFFA000  }
0x3c8: {  	[hbm4b:s1+s2] =	stream.linear.scatter [tilespmem:s2], [sflag:$0x5], $0x6000, $0x38;
	[tilespmem:$0x18080] =	vst v63  }
0x3c9: {  	_ =	swait.ge [sflag:s30], $0x6000  }
0x3ca: {  	s1 =	sld [smem:$0x7D4]  }
0x3cb: {  	[sflag:s30] =	ssyncset.done $0x0  }
0x3cc: {  	[sflag:s30] =	ssyncadd.s32 $0xFFFFA000  }
0x3cd: {  	[tilespmem:s2], [sflag:$0x1] =	stream.strided.gather [hbm4b:s1+s9], $0x6000, s10, s9, $0x38;
	[tilespmem:$0x18080] =	vst v63  }
0x3ce: {  	_ =	swait.ge [sflag:s29], $0x6000  }
0x3cf: {  	s1 =	sld [smem:$0x7D5]  }
0x3d0: {  	[sflag:s29] =	ssyncset.done $0x0  }
0x3d1: {  	[sflag:s29] =	ssyncadd.s32 $0xFFFFA000  }
0x3d2: {  	[hbm4b:s1+s2] =	stream.linear.scatter [tilespmem:s22], [sflag:$0x6], $0x6000, $0x38;
	[tilespmem:$0x18080] =	vst v63  }
0x3d3: {  	_ =	swait.ge [sflag:s26], $0x6000  }
0x3d4: {  	s1 =	sld [smem:$0x7D6]  }
0x3d5: {  	[sflag:s26] =	ssyncset.done $0x0  }
0x3d6: {  	[sflag:s26] =	ssyncadd.s32 $0xFFFFA000  }
0x3d7: {  	[tilespmem:s22], [sflag:$0x2] =	stream.strided.gather [hbm4b:s1+s9], $0x6000, s10, s9, $0x38;
	[tilespmem:$0x18080] =	vst v63  }
0x3d8: {  	_ =	swait.ge [sflag:s28], $0x6000  }
0x3d9: {  	s1 =	sld [smem:$0x7D7]  }
0x3da: {  	[sflag:s28] =	ssyncset.done $0x0  }
0x3db: {  	[sflag:s28] =	ssyncadd.s32 $0xFFFFA000  }
0x3dc: {  	[hbm4b:s1+s2] =	stream.linear.scatter [tilespmem:s16], [sflag:$0x7], $0x6000, $0x38;
	[tilespmem:$0x18080] =	vst v63  }
0x3dd: {  	_ =	swait.ge [sflag:s24], $0x6000  }
0x3de: {  	s1 =	sld [smem:$0x7D8]  }
0x3df: {  	[sflag:s24] =	ssyncset.done $0x0  }
0x3e0: {  	[sflag:s24] =	ssyncadd.s32 $0xFFFFA000  }
0x3e1: {  	[tilespmem:s16], [sflag:$0x3] =	stream.strided.gather [hbm4b:s1+s9], $0x6000, s10, s9, $0x38;
	[tilespmem:$0x18080] =	vst v63  }
0x3e2: {  	_ =	swait.ge [sflag:s20], $0x6000  }
0x3e3: {  	s1 =	sld [smem:$0x7D9]  }
0x3e4: {  	[sflag:s20] =	ssyncset.done $0x0  }
0x3e5: {  	[sflag:s20] =	ssyncadd.s32 $0xFFFFA000  }
0x3e6: {  	[hbm4b:s1+s2] =	stream.linear.scatter [tilespmem:s14], [sflag:$0x8], $0x6000, $0x38;
	[tilespmem:$0x18080] =	vst v63  }
0x3e7: {  	_ =	swait.ge [sflag:s18], $0x6000  }
0x3e8: {  	s1 =	sld [smem:$0x7DA]  }
0x3e9: {  	[sflag:s18] =	ssyncset.done $0x0  }
0x3ea: {  	[sflag:s18] =	ssyncadd.s32 $0xFFFFA000  }
0x3eb: {  	[tilespmem:s14], [sflag:$0x4] =	stream.strided.gather [hbm4b:s1+s9], $0x6000, s10, s9, $0x38;
	[tilespmem:$0x18080] =	vst v63  }
0x3ec: {  	_ =	swait.ge [sflag:s31], $0x6000  }
0x3ed: {  	s1 =	sld [smem:$0x7DB]  }
0x3ee: {  	[sflag:s31] =	ssyncset.done $0x0  }
0x3ef: {  	[sflag:s31] =	ssyncadd.s32 $0xFFFFA000  }
0x3f0: {  	[hbm4b:s1+s2] =	stream.linear.scatter [tilespmem:s2], [sflag:$0x5], $0x6000, $0x38;
	[tilespmem:$0x18080] =	vst v63  }
0x3f1: {  	_ =	swait.ge [sflag:s30], $0x6000  }
0x3f2: {  	s1 =	sld [smem:$0x7DC]  }
0x3f3: {  	[sflag:s30] =	ssyncset.done $0x0  }
0x3f4: {  	[sflag:s30] =	ssyncadd.s32 $0xFFFFA000  }
0x3f5: {  	[tilespmem:s2], [sflag:$0x1] =	stream.strided.gather [hbm4b:s1+s9], $0x6000, s10, s9, $0x38;
	[tilespmem:$0x18080] =	vst v63  }
0x3f6: {  	_ =	swait.ge [sflag:s29], $0x6000  }
0x3f7: {  	s1 =	sld [smem:$0x7DD]  }
0x3f8: {  	[sflag:s29] =	ssyncset.done $0x0  }
0x3f9: {  	[sflag:s29] =	ssyncadd.s32 $0xFFFFA000  }
0x3fa: {  	[hbm4b:s1+s2] =	stream.linear.scatter [tilespmem:s22], [sflag:$0x6], $0x6000, $0x38;
	[tilespmem:$0x18080] =	vst v63  }
0x3fb: {  	_ =	swait.ge [sflag:s26], $0x6000  }
0x3fc: {  	s1 =	sld [smem:$0x7DE]  }
0x3fd: {  	[sflag:s26] =	ssyncset.done $0x0  }
0x3fe: {  	[sflag:s26] =	ssyncadd.s32 $0xFFFFA000  }
0x3ff: {  	[tilespmem:s22], [sflag:$0x2] =	stream.strided.gather [hbm4b:s1+s9], $0x6000, s10, s9, $0x38;
	[tilespmem:$0x18080] =	vst v63  }
0x400: {  	_ =	swait.ge [sflag:s28], $0x6000  }
0x401: {  	s1 =	sld [smem:$0x7DF]  }
0x402: {  	[sflag:s28] =	ssyncset.done $0x0  }
0x403: {  	[sflag:s28] =	ssyncadd.s32 $0xFFFFA000  }
0x404: {  	[hbm4b:s1+s2] =	stream.linear.scatter [tilespmem:s16], [sflag:$0x7], $0x6000, $0x38;
	[tilespmem:$0x18080] =	vst v63  }
0x405: {  	_ =	swait.ge [sflag:s24], $0x6000  }
0x406: {  	s1 =	sld [smem:$0x7E0]  }
0x407: {  	[sflag:s24] =	ssyncset.done $0x0  }
0x408: {  	[sflag:s24] =	ssyncadd.s32 $0xFFFFA000  }
0x409: {  	[tilespmem:s16], [sflag:$0x3] =	stream.strided.gather [hbm4b:s1+s9], $0x6000, s10, s9, $0x38;
	[tilespmem:$0x18080] =	vst v63  }
0x40a: {  	_ =	swait.ge [sflag:s20], $0x6000  }
0x40b: {  	s1 =	sld [smem:$0x7E1]  }
0x40c: {  	[sflag:s20] =	ssyncset.done $0x0  }
0x40d: {  	[sflag:s20] =	ssyncadd.s32 $0xFFFFA000  }
0x40e: {  	[hbm4b:s1+s2] =	stream.linear.scatter [tilespmem:s14], [sflag:$0x8], $0x6000, $0x38;
	[tilespmem:$0x18080] =	vst v63  }
0x40f: {  	_ =	swait.ge [sflag:s18], $0x6000  }
0x410: {  	s1 =	sld [smem:$0x7E2]  }
0x411: {  	[sflag:s18] =	ssyncset.done $0x0  }
0x412: {  	[sflag:s18] =	ssyncadd.s32 $0xFFFFA000  }
0x413: {  	[tilespmem:s14], [sflag:$0x4] =	stream.strided.gather [hbm4b:s1+s9], $0x6000, s10, s9, $0x38;
	[tilespmem:$0x18080] =	vst v63  }
0x414: {  	_ =	swait.ge [sflag:s31], $0x6000  }
0x415: {  	s1 =	sld [smem:$0x7E3]  }
0x416: {  	[sflag:s31] =	ssyncset.done $0x0  }
0x417: {  	[sflag:s31] =	ssyncadd.s32 $0xFFFFA000  }
0x418: {  	[hbm4b:s1+s2] =	stream.linear.scatter [tilespmem:s2], [sflag:$0x5], $0x6000, $0x38;
	[tilespmem:$0x18080] =	vst v63  }
0x419: {  	_ =	swait.ge [sflag:s30], $0x6000  }
0x41a: {  	s1 =	sld [smem:$0x7E4]  }
0x41b: {  	[sflag:s30] =	ssyncset.done $0x0  }
0x41c: {  	[sflag:s30] =	ssyncadd.s32 $0xFFFFA000  }
0x41d: {  	[tilespmem:s2], [sflag:$0x1] =	stream.strided.gather [hbm4b:s1+s9], $0x6000, s10, s9, $0x38;
	[tilespmem:$0x18080] =	vst v63  }
0x41e: {  	_ =	swait.ge [sflag:s29], $0x6000  }
0x41f: {  	s1 =	sld [smem:$0x7E5]  }
0x420: {  	[sflag:s29] =	ssyncset.done $0x0  }
0x421: {  	[sflag:s29] =	ssyncadd.s32 $0xFFFFA000  }
0x422: {  	[hbm4b:s1+s2] =	stream.linear.scatter [tilespmem:s22], [sflag:$0x6], $0x6000, $0x38;
	[tilespmem:$0x18080] =	vst v63  }
0x423: {  	_ =	swait.ge [sflag:s26], $0x6000  }
0x424: {  	s1 =	sld [smem:$0x7E6]  }
0x425: {  	[sflag:s26] =	ssyncset.done $0x0  }
0x426: {  	[sflag:s26] =	ssyncadd.s32 $0xFFFFA000  }
0x427: {  	[tilespmem:s22], [sflag:$0x2] =	stream.strided.gather [hbm4b:s1+s9], $0x6000, s10, s9, $0x38;
	[tilespmem:$0x18080] =	vst v63  }
0x428: {  	_ =	swait.ge [sflag:s28], $0x6000  }
0x429: {  	s1 =	sld [smem:$0x7E7]  }
0x42a: {  	[sflag:s28] =	ssyncset.done $0x0  }
0x42b: {  	[sflag:s28] =	ssyncadd.s32 $0xFFFFA000  }
0x42c: {  	[hbm4b:s1+s2] =	stream.linear.scatter [tilespmem:s16], [sflag:$0x7], $0x6000, $0x38;
	[tilespmem:$0x18080] =	vst v63  }
0x42d: {  	_ =	swait.ge [sflag:s24], $0x6000  }
0x42e: {  	s1 =	sld [smem:$0x7E8]  }
0x42f: {  	[sflag:s24] =	ssyncset.done $0x0  }
0x430: {  	[sflag:s24] =	ssyncadd.s32 $0xFFFFA000  }
0x431: {  	[tilespmem:s16], [sflag:$0x3] =	stream.strided.gather [hbm4b:s1+s9], $0x6000, s10, s9, $0x38;
	[tilespmem:$0x18080] =	vst v63  }
0x432: {  	_ =	swait.ge [sflag:s20], $0x6000  }
0x433: {  	s1 =	sld [smem:$0x7E9]  }
0x434: {  	[sflag:s20] =	ssyncset.done $0x0  }
0x435: {  	[sflag:s20] =	ssyncadd.s32 $0xFFFFA000  }
0x436: {  	[hbm4b:s1+s2] =	stream.linear.scatter [tilespmem:s14], [sflag:$0x8], $0x6000, $0x38;
	[tilespmem:$0x18080] =	vst v63  }
0x437: {  	_ =	swait.ge [sflag:s18], $0x6000  }
0x438: {  	s1 =	sld [smem:$0x7EA]  }
0x439: {  	[sflag:s18] =	ssyncset.done $0x0  }
0x43a: {  	[sflag:s18] =	ssyncadd.s32 $0xFFFFA000  }
0x43b: {  	[tilespmem:s14], [sflag:$0x4] =	stream.strided.gather [hbm4b:s1+s9], $0x6000, s10, s9, $0x38;
	[tilespmem:$0x18080] =	vst v63  }
0x43c: {  	_ =	swait.ge [sflag:s31], $0x6000  }
0x43d: {  	s1 =	sld [smem:$0x7EB]  }
0x43e: {  	[sflag:s31] =	ssyncset.done $0x0  }
0x43f: {  	[sflag:s31] =	ssyncadd.s32 $0xFFFFA000  }
0x440: {  	[hbm4b:s1+s2] =	stream.linear.scatter [tilespmem:s2], [sflag:$0x5], $0x6000, $0x38;
	[tilespmem:$0x18080] =	vst v63  }
0x441: {  	_ =	swait.ge [sflag:s30], $0x6000  }
0x442: {  	s1 =	sld [smem:$0x7EC]  }
0x443: {  	[sflag:s30] =	ssyncset.done $0x0  }
0x444: {  	[sflag:s30] =	ssyncadd.s32 $0xFFFFA000  }
0x445: {  	[tilespmem:s2], [sflag:$0x1] =	stream.strided.gather [hbm4b:s1+s9], $0x6000, s10, s9, $0x38;
	[tilespmem:$0x18080] =	vst v63  }
0x446: {  	_ =	swait.ge [sflag:s29], $0x6000  }
0x447: {  	s1 =	sld [smem:$0x7ED]  }
0x448: {  	[sflag:s29] =	ssyncset.done $0x0  }
0x449: {  	[sflag:s29] =	ssyncadd.s32 $0xFFFFA000  }
0x44a: {  	[hbm4b:s1+s2] =	stream.linear.scatter [tilespmem:s22], [sflag:$0x6], $0x6000, $0x38;
	[tilespmem:$0x18080] =	vst v63  }
0x44b: {  	_ =	swait.ge [sflag:s26], $0x6000  }
0x44c: {  	s1 =	sld [smem:$0x7EE]  }
0x44d: {  	[sflag:s26] =	ssyncset.done $0x0  }
0x44e: {  	[sflag:s26] =	ssyncadd.s32 $0xFFFFA000  }
0x44f: {  	[tilespmem:s22], [sflag:$0x2] =	stream.strided.gather [hbm4b:s1+s9], $0x6000, s10, s9, $0x38;
	[tilespmem:$0x18080] =	vst v63  }
0x450: {  	_ =	swait.ge [sflag:s28], $0x6000  }
0x451: {  	s1 =	sld [smem:$0x7EF]  }
0x452: {  	[sflag:s28] =	ssyncset.done $0x0  }
0x453: {  	[sflag:s28] =	ssyncadd.s32 $0xFFFFA000  }
0x454: {  	[hbm4b:s1+s2] =	stream.linear.scatter [tilespmem:s16], [sflag:$0x7], $0x6000, $0x38;
	[tilespmem:$0x18080] =	vst v63  }
0x455: {  	_ =	swait.ge [sflag:s24], $0x6000  }
0x456: {  	s1 =	sld [smem:$0x7F0]  }
0x457: {  	[sflag:s24] =	ssyncset.done $0x0  }
0x458: {  	[sflag:s24] =	ssyncadd.s32 $0xFFFFA000  }
0x459: {  	[tilespmem:s16], [sflag:$0x3] =	stream.strided.gather [hbm4b:s1+s9], $0x6000, s10, s9, $0x38;
	[tilespmem:$0x18080] =	vst v63  }
0x45a: {  	_ =	swait.ge [sflag:s20], $0x6000  }
0x45b: {  	s1 =	sld [smem:$0x7F1]  }
0x45c: {  	[sflag:s20] =	ssyncset.done $0x0  }
0x45d: {  	[sflag:s20] =	ssyncadd.s32 $0xFFFFA000  }
0x45e: {  	[hbm4b:s1+s2] =	stream.linear.scatter [tilespmem:s14], [sflag:$0x8], $0x6000, $0x38;
	[tilespmem:$0x18080] =	vst v63  }
0x45f: {  	_ =	swait.ge [sflag:s18], $0x6000  }
0x460: {  	s1 =	sld [smem:$0x7F2]  }
0x461: {  	[sflag:s18] =	ssyncset.done $0x0  }
0x462: {  	[sflag:s18] =	ssyncadd.s32 $0xFFFFA000  }
0x463: {  	[tilespmem:s14], [sflag:$0x4] =	stream.strided.gather [hbm4b:s1+s9], $0x6000, s10, s9, $0x38;
	[tilespmem:$0x18080] =	vst v63  }
0x464: {  	_ =	swait.ge [sflag:s31], $0x6000  }
0x465: {  	s1 =	sld [smem:$0x7F3]  }
0x466: {  	[sflag:s31] =	ssyncset.done $0x0  }
0x467: {  	[sflag:s31] =	ssyncadd.s32 $0xFFFFA000  }
0x468: {  	[hbm4b:s1+s2] =	stream.linear.scatter [tilespmem:s2], [sflag:$0x5], $0x6000, $0x38;
	[tilespmem:$0x18080] =	vst v63  }
0x469: {  	_ =	swait.ge [sflag:s30], $0x6000  }
0x46a: {  	s1 =	sld [smem:$0x7F4]  }
0x46b: {  	[sflag:s30] =	ssyncset.done $0x0  }
0x46c: {  	[sflag:s30] =	ssyncadd.s32 $0xFFFFA000  }
0x46d: {  	[tilespmem:s2], [sflag:$0x1] =	stream.strided.gather [hbm4b:s1+s9], $0x6000, s10, s9, $0x38;
	[tilespmem:$0x18080] =	vst v63  }
0x46e: {  	_ =	swait.ge [sflag:s29], $0x6000  }
0x46f: {  	s1 =	sld [smem:$0x7F5]  }
0x470: {  	[sflag:s29] =	ssyncset.done $0x0  }
0x471: {  	[sflag:s29] =	ssyncadd.s32 $0xFFFFA000  }
0x472: {  	[hbm4b:s1+s2] =	stream.linear.scatter [tilespmem:s22], [sflag:$0x6], $0x6000, $0x38;
	[tilespmem:$0x18080] =	vst v63  }
0x473: {  	_ =	swait.ge [sflag:s26], $0x6000  }
0x474: {  	s1 =	sld [smem:$0x7F6]  }
0x475: {  	[sflag:s26] =	ssyncset.done $0x0  }
0x476: {  	[sflag:s26] =	ssyncadd.s32 $0xFFFFA000  }
0x477: {  	[tilespmem:s22], [sflag:$0x2] =	stream.strided.gather [hbm4b:s1+s9], $0x6000, s10, s9, $0x38;
	[tilespmem:$0x18080] =	vst v63  }
0x478: {  	_ =	swait.ge [sflag:s28], $0x6000  }
0x479: {  	s1 =	sld [smem:$0x7F7]  }
0x47a: {  	[sflag:s28] =	ssyncset.done $0x0  }
0x47b: {  	[sflag:s28] =	ssyncadd.s32 $0xFFFFA000  }
0x47c: {  	[hbm4b:s1+s2] =	stream.linear.scatter [tilespmem:s16], [sflag:$0x7], $0x6000, $0x38;
	[tilespmem:$0x18080] =	vst v63  }
0x47d: {  	_ =	swait.ge [sflag:s24], $0x6000  }
0x47e: {  	s1 =	sld [smem:$0x7F8]  }
0x47f: {  	[sflag:s24] =	ssyncset.done $0x0  }
0x480: {  	[sflag:s24] =	ssyncadd.s32 $0xFFFFA000  }
0x481: {  	[tilespmem:s16], [sflag:$0x3] =	stream.strided.gather [hbm4b:s1+s9], $0x6000, s10, s9, $0x38;
	[tilespmem:$0x18080] =	vst v63  }
0x482: {  	_ =	swait.ge [sflag:s20], $0x6000  }
0x483: {  	s1 =	sld [smem:$0x7F9]  }
0x484: {  	[sflag:s20] =	ssyncset.done $0x0  }
0x485: {  	[sflag:s20] =	ssyncadd.s32 $0xFFFFA000  }
0x486: {  	[hbm4b:s1+s2] =	stream.linear.scatter [tilespmem:s14], [sflag:$0x8], $0x6000, $0x38;
	[tilespmem:$0x18080] =	vst v63  }
0x487: {  	_ =	swait.ge [sflag:s18], $0x6000  }
0x488: {  	s1 =	sld [smem:$0x7FA]  }
0x489: {  	[sflag:s18] =	ssyncset.done $0x0  }
0x48a: {  	[sflag:s18] =	ssyncadd.s32 $0xFFFFA000  }
0x48b: {  	[tilespmem:s14], [sflag:$0x4] =	stream.strided.gather [hbm4b:s1+s9], $0x6000, s10, s9, $0x38;
	[tilespmem:$0x18080] =	vst v63  }
0x48c: {  	_ =	swait.ge [sflag:s31], $0x6000  }
0x48d: {  	s1 =	sld [smem:$0x7FB]  }
0x48e: {  	[sflag:s31] =	ssyncset.done $0x0  }
0x48f: {  	[sflag:s31] =	ssyncadd.s32 $0xFFFFA000  }
0x490: {  	[hbm4b:s1+s2] =	stream.linear.scatter [tilespmem:s2], [sflag:$0x5], $0x6000, $0x38;
	[tilespmem:$0x18080] =	vst v63  }
0x491: {  	_ =	swait.ge [sflag:s30], $0x6000  }
0x492: {  	s1 =	sld [smem:$0x7FC]  }
0x493: {  	[sflag:s30] =	ssyncset.done $0x0  }
0x494: {  	[sflag:s30] =	ssyncadd.s32 $0xFFFFA000  }
0x495: {  	[tilespmem:s2], [sflag:$0x1] =	stream.strided.gather [hbm4b:s1+s9], $0x6000, s10, s9, $0x38;
	[tilespmem:$0x18080] =	vst v63  }
0x496: {  	_ =	swait.ge [sflag:s29], $0x6000  }
0x497: {  	s1 =	sld [smem:$0x7FD]  }
0x498: {  	[sflag:s29] =	ssyncset.done $0x0  }
0x499: {  	[sflag:s29] =	ssyncadd.s32 $0xFFFFA000  }
0x49a: {  	[hbm4b:s1+s2] =	stream.linear.scatter [tilespmem:s22], [sflag:$0x6], $0x6000, $0x38;
	[tilespmem:$0x18080] =	vst v63  }
0x49b: {  	_ =	swait.ge [sflag:s26], $0x6000  }
0x49c: {  	[sflag:s26] =	ssyncset.done $0x0  }
0x49d: {  	[sflag:s26] =	ssyncadd.s32 $0xFFFFA000  }
0x49e: {  	[tilespmem:s22], [sflag:$0x2] =	stream.strided.gather [hbm4b:s25+s9], $0x6000, s10, s9, $0x38;
	[tilespmem:$0x18080] =	vst v63  }
0x49f: {  	_ =	swait.ge [sflag:s28], $0x6000  }
0x4a0: {  	[sflag:s28] =	ssyncset.done $0x0  }
0x4a1: {  	[sflag:s28] =	ssyncadd.s32 $0xFFFFA000  }
0x4a2: {  	[hbm4b:s23+s2] =	stream.linear.scatter [tilespmem:s16], [sflag:$0x7], $0x6000, $0x38;
	[tilespmem:$0x18080] =	vst v63  }
0x4a3: {  	_ =	swait.ge [sflag:s24], $0x6000  }
0x4a4: {  	[sflag:s24] =	ssyncset.done $0x0  }
0x4a5: {  	[sflag:s24] =	ssyncadd.s32 $0xFFFFA000  }
0x4a6: {  	[tilespmem:s16], [sflag:$0x3] =	stream.strided.gather [hbm4b:s21+s9], $0x6000, s10, s9, $0x38;
	[tilespmem:$0x18080] =	vst v63  }
0x4a7: {  	_ =	swait.ge [sflag:s20], $0x6000  }
0x4a8: {  	[sflag:s20] =	ssyncset.done $0x0  }
0x4a9: {  	[sflag:s20] =	ssyncadd.s32 $0xFFFFA000  }
0x4aa: {  	[hbm4b:s19+s2] =	stream.linear.scatter [tilespmem:s14], [sflag:$0x8], $0x6000, $0x38;
	[tilespmem:$0x18080] =	vst v63  }
0x4ab: {  	_ =	swait.ge [sflag:s18], $0x6000  }
0x4ac: {  	[sflag:s18] =	ssyncset.done $0x0  }
0x4ad: {  	[sflag:s18] =	ssyncadd.s32 $0xFFFFA000  }
0x4ae: {  	[tilespmem:s14], [sflag:$0x4] =	stream.strided.gather [hbm4b:s17+s9], $0x6000, s10, s9, $0x38;
	[tilespmem:$0x18080] =	vst v63  }
0x4af: {  	_ =	swait.ge [sflag:s31], $0x6000  }
0x4b0: {  	[sflag:s31] =	ssyncset.done $0x0  }
0x4b1: {  	[sflag:s31] =	ssyncadd.s32 $0xFFFFA000  }
0x4b2: {  	[hbm4b:s15+s2] =	stream.linear.scatter [tilespmem:s2], [sflag:$0x5], $0x6000, $0x38;
	[tilespmem:$0x18080] =	vst v63  }
0x4b3: {  	_ =	swait.ge [sflag:s30], $0x6000  }
0x4b4: {  	[sflag:s30] =	ssyncset.done $0x0  }
0x4b5: {  	[sflag:s30] =	ssyncadd.s32 $0xFFFFA000  }
0x4b6: {  	_ =	swait.ge [sflag:s29], $0x6000  }
0x4b7: {  	[sflag:s29] =	ssyncset.done $0x0  }
0x4b8: {  	[sflag:s29] =	ssyncadd.s32 $0xFFFFA000  }
0x4b9: {  	[hbm4b:s13+s2] =	stream.linear.scatter [tilespmem:s22], [sflag:$0x6], $0x6000, $0x38;
	[tilespmem:$0x18080] =	vst v63  }
0x4ba: {  	_ =	swait.ge [sflag:s26], $0x6000  }
0x4bb: {  	[sflag:s26] =	ssyncset.done $0x0  }
0x4bc: {  	[sflag:s26] =	ssyncadd.s32 $0xFFFFA000  }
0x4bd: {  	_ =	swait.ge [sflag:s28], $0x6000  }
0x4be: {  	[sflag:s28] =	ssyncset.done $0x0  }
0x4bf: {  	[sflag:s28] =	ssyncadd.s32 $0xFFFFA000  }
0x4c0: {  	[hbm4b:s8+s2] =	stream.linear.scatter [tilespmem:s16], [sflag:$0x7], $0x6000, $0x38;
	[tilespmem:$0x18080] =	vst v63  }
0x4c1: {  	_ =	swait.ge [sflag:s24], $0x6000  }
0x4c2: {  	[sflag:s24] =	ssyncset.done $0x0  }
0x4c3: {  	[sflag:s24] =	ssyncadd.s32 $0xFFFFA000  }
0x4c4: {  	_ =	swait.ge [sflag:s20], $0x6000  }
0x4c5: {  	[sflag:s20] =	ssyncset.done $0x0  }
0x4c6: {  	[sflag:s20] =	ssyncadd.s32 $0xFFFFA000  }
0x4c7: {  	[hbm4b:s7+s2] =	stream.linear.scatter [tilespmem:s14], [sflag:$0x8], $0x6000, $0x38;
	[tilespmem:$0x18080] =	vst v63  }
0x4c8: {  	_ =	swait.ge [sflag:s18], $0x6000  }
0x4c9: {  	[sflag:s18] =	ssyncset.done $0x0  }
0x4ca: {  	[sflag:s18] =	ssyncadd.s32 $0xFFFFA000  }
0x4cb: {  	[tilespmem:s2], [sflag:$0x9] =	stream.strided.gather [hbm4b:s6+s9], $0x4200, s10, s9, $0x38;
	[tilespmem:$0x18080] =	vst v63  }
0x4cc: {  	_ =	swait.ge [sflag:s11], $0x4200  }
0x4cd: {  	[sflag:s11] =	ssyncset.done $0x0  }
0x4ce: {  	[sflag:s11] =	ssyncadd.s32 $0xFFFFBE00  }
0x4cf: {  	[hbm4b:s5+s2] =	stream.linear.scatter [tilespmem:s2], [sflag:$0x9], $0x4200, $0x38;
	[tilespmem:$0x18080] =	vst v63  }
0x4d0: {  	_ =	swait.ge [sflag:s11], $0x4200  }
0x4d1: {  	[sflag:s11] =	ssyncset.done $0x0  }
0x4d2: {  	[sflag:s11] =	ssyncadd.s32 $0xFFFFBE00  }
0x4d3: {  	[tilespmem:s12], [sflag:$0x9] =	stream.linear.gather [hbm4b:s4+s2], $0x80, $0x38;
	[tilespmem:$0x18080] =	vst v63  }
0x4d4: {  	_ =	swait.ge [sflag:s11], $0x80  }
0x4d5: {  	[sflag:s11] =	ssyncset.done $0x0  }
0x4d6: {  	[sflag:s11] =	ssyncadd.s32 $0xFFFFFF80  }
0x4d7: {  	[hbm4b:s3+s2] =	stream.linear.scatter [tilespmem:s12], [sflag:$0x9], $0x40, $0x38;
	[tilespmem:$0x18080] =	vst v63  }
0x4d8: {  	_ =	swait.ge [sflag:s11], $0x40  }
0x4d9: {  	[sflag:s11] =	ssyncset.done $0x0  }
0x4da: {  	[sflag:s11] =	ssyncadd.s32 $0xFFFFFFC0  }
0x4db: {  	_ =	sfence.sel $0x180000  }
0x4dc: {  	[bflag:$0x0] =	sbarrier.arrive $0xFFFF  }
0x4dd: {  	_ =	strace $0x90000047  }
0x4de: {  	s31 =	stileid.u32;
	[bflag:$0x2] =	sbarrier.arrive $0xFFFF  }
0x4df: {  	p0 =	sne.s32 s31, $0x0;
	s0 =	rddreg [dreg:$0x2]  }
0x4e0: {  	s0 =	sadd.s32 @!p0 $0x100000, s0  }
0x4e1: {  	[sflag:s0] =	ssyncadd.tile.s32 @!p0 $0x1;
	_ =	shalt  }
.Lfunc_end2:
_tile_overlayer_lowered:
.L_overlay_start_2:
0x4e2: {  	(tag) =	ssettag $0x2  }
0x4e3: {  	s0 =	rddreg [dreg:$0x0];
	s2 =	stileid.u32  }
0x4e4: {  	s1 =	rddreg [dreg:$0x1];
	p0 =	sne.s32 s2, $0x0  }
0x4e5: {  	s3 =	rddreg [dreg:$0x2];
	[bflag:$0x3] =	sbarrier.arrive $0xFFFF;
	s2 =	simm.s32 @!p0 $0x1C09  }
0x4e6: {  	[timem:s3], [sflag:s2] =	dma.local @!p0 [hbm:s0], s1  }
0x4e7: {  	s0 =	simm.s32 @!p0 $0x9  }
0x4e8: {  	_ =	swait.ge @!p0 [sflag:s0], s1  }
0x4e9: {  	s1 =	ssub.s32 @!p0 $0x0, s1;
	[sflag:s0] =	ssyncset.done @!p0 $0x0  }
0x4ea: {  	[sflag:s0] =	ssyncadd.s32 @!p0 s1  }
0x4eb: {  	[bflag:$0x3] =	sbarrier.arrive $0xFFFF  }
0x4ec: {  	_ =	shalt  }

// kernel: kernel.7.cloned.1.call-start
scs
__scs_entry_jumppad:
0x0: {  	(pc) =	sbr.rel $0x88, $3  }
0x1: {  	(tag) =	ssettag $0x0;
	lr =	simm.s32 $0x1  }
0x2: {  	[smem:$0x3F9B] =	sst lr;
	_ =	strace $0xD0000000  }
0x3: {  	_ = 	snop  }
0x4: {  	_ = 	snop  }
0x5: {  	_ = 	snop  }
0x6: {  	_ = 	snop  }
0x7: {  	_ = 	snop  }
__scs_overlays_trampoline_lowered:
0x8: {  	[smem:$0x3FAA] =	sst s0  }
0x9: {  	[smem:$0x3FAB] =	sst s1  }
0xa: {  	[smem:$0x3FAC] =	sst s2  }
0xb: {  	[smem:$0x3FAD] =	sst s3  }
0xc: {  	[smem:$0x3FAE] =	sst s4  }
0xd: {  	[smem:$0x3FAF] =	sst s5  }
0xe: {  	[smem:$0x3FB0] =	sst s6  }
0xf: {  	[smem:$0x3FB1] =	sst s7  }
0x10: {  	[smem:$0x3FB2] =	sst s8  }
0x11: {  	[smem:$0x3FB3] =	sst s9;
	s0 =	simm.s32 @!p0 $0x0  }
0x12: {  	s1 =	sld [smem:$0x3F99];
	s0 =	simm.s32 @p0 $0x1  }
0x13: {  	[smem:$0x3FB4] =	sst s0;
	s0 =	simm.s32 @!p1 $0x0  }
0x14: {  	s2 =	sld [smem:$0x3F98];
	s0 =	simm.s32 @p1 $0x1  }
0x15: {  	[smem:$0x3FB5] =	sst s0;
	s0 =	simm.s32 @!p2 $0x0  }
0x16: {  	s3 =	sld [smem:$0x3FDB];
	s0 =	simm.s32 @p2 $0x1  }
0x17: {  	s4 =	simm.s32 $0x1BF5;
	[smem:$0x3FB7] =	sst s0  }
0x18: {  	s0 =	sld [smem:$0x3F9A];
	_ =	swait.ge [sflag:s4], $0x0  }
0x19: {  	s7 =	sld [smem:$0x3F9B]  }
0x1a: {  	s8 =	sadd.s32 $0xFFFFE003, lr  }
0x1b: {  	s9 =	sadd.s32 $0xFFFFFEF7, lr;
	s5 =	simm.s32 $0xFFFFFFFF;
	p2 =	slt.u32 s8, $0xFFFFF086  }
0x1c: {  	p1 =	slt.u32 s9, $0xF7A;
	s5 =	simm.s32 @!p2 $0x0  }
0x1d: {  	s5 =	simm.s32 @p1 $0x1;
	p0 =	seq.s32 s7, s2  }
0x1e: {  	s7 =	smul.u32 @!p0 $0xF7A, s2;
	p2 =	seq.s32 @!p0 s5, $0x0  }
0x1f: {  	s9 =	smul.u32 $0xF7A, s1;
	s8 =	simm.s32 @!p0 $0x1BF5;
	p2 =	por !p2, p0  }
0x20: {  	[sflag:s8] =	ssyncset.s32 @!p0 $0xFFFFF086;
	s6 =	sadd.s32 @!p0 s3, s7;
	s7 =	simm.s32 @!p0 $0x108  }
0x21: {  	s3 =	sadd.s32 s3, s9;
	s6 =	sadd.s32 @!p0 $0x88, s6;
	s7 =	simm.s32 @p2 $0x1082  }
0x22: {  	[simem:s7], [sflag:s8] =	dma.local @!p0 [hbm:s6], $0xF7A  }
0x23: {  	s9 =	sor.u32 $0xD0000000, s2;
	s6 =	simm.s32 $0x108;
	_ =	swait.ge @!p0 [sflag:s8], $0x0  }
0x24: {  	s3 =	sadd.s32 $0x88, s3;
	s6 =	simm.s32 @!p1 $0x1082;
	[sflag:s4] =	ssyncset.s32 $0xFFFFF086  }
0x25: {  	[simem:s6], [sflag:s4] =	dma.local [hbm:s3], $0xF7A  }
0x26: {  	[smem:$0x3F9B] =	sst s1;
	(tag) =	ssettag s2;
	_ =	strace s9  }
0x27: {  	s1 =	sld [smem:$0x3FAB]  }
0x28: {  	s2 =	sld [smem:$0x3FAC]  }
0x29: {  	s4 =	sld [smem:$0x3FAE]  }
0x2a: {  	p0 =	seq.s32 s5, $0x0;
	s5 =	sld [smem:$0x3FAF]  }
0x2b: {  	s6 =	sld [smem:$0x3FB0]  }
0x2c: {  	s7 =	sld [smem:$0x3FB1]  }
0x2d: {  	s3 =	simm.s32 $0x108;
	s8 =	sld [smem:$0x3FB2]  }
0x2e: {  	s3 =	simm.s32 @!p0 $0x1082;
	s9 =	sld [smem:$0x3FB3]  }
0x2f: {  	lr =	sadd.s32 s0, s3;
	s0 =	sld [smem:$0x3FAA]  }
0x30: {  	s3 =	sld [smem:$0x3FAD]  }
0x31: {  	[smem:$0x3FB6] =	sst s10  }
0x32: {  	s10 =	sld [smem:$0x3FB4];
	_ =	sdelay $0x3  }
0x33: {  	p0 =	seq.s32 s10, $0x1;
	s10 =	sld [smem:$0x3FB6];
	_ =	sdelay $0x3  }
0x34: {  	[smem:$0x3FB6] =	sst s10  }
0x35: {  	s10 =	sld [smem:$0x3FB5];
	_ =	sdelay $0x3  }
0x36: {  	p1 =	seq.s32 s10, $0x1;
	s10 =	sld [smem:$0x3FB6];
	_ =	sdelay $0x3  }
0x37: {  	[smem:$0x3FB6] =	sst s10  }
0x38: {  	s10 =	sld [smem:$0x3FB7]  }
0x39: {  	_ = 	snop;
	(pc) =	sbr.ind lr, $3  }
0x3a: {  	_ = 	snop  }
0x3b: {  	_ = 	snop  }
0x3c: {  	p2 =	seq.s32 s10, $0x1;
	s10 =	sld [smem:$0x3FB6]  }
0x3d: {  	_ =	shalt  }
0x3e: {  	_ =	shalt  }
0x3f: {  	_ =	shalt  }
0x40: {  	_ =	shalt  }
0x41: {  	_ =	shalt  }
0x42: {  	_ =	shalt  }
0x43: {  	_ =	shalt  }
0x44: {  	_ =	shalt  }
0x45: {  	_ =	shalt  }
0x46: {  	_ =	shalt  }
0x47: {  	_ =	shalt  }
0x48: {  	_ =	shalt  }
0x49: {  	_ =	shalt  }
0x4a: {  	_ =	shalt  }
0x4b: {  	_ =	shalt  }
0x4c: {  	_ =	shalt  }
0x4d: {  	_ =	shalt  }
0x4e: {  	_ =	shalt  }
0x4f: {  	_ =	shalt  }
0x50: {  	_ =	shalt  }
0x51: {  	_ =	shalt  }
0x52: {  	_ =	shalt  }
0x53: {  	_ =	shalt  }
0x54: {  	_ =	shalt  }
0x55: {  	_ =	shalt  }
0x56: {  	_ =	shalt  }
0x57: {  	_ =	shalt  }
0x58: {  	_ =	shalt  }
0x59: {  	_ =	shalt  }
0x5a: {  	_ =	shalt  }
0x5b: {  	_ =	shalt  }
0x5c: {  	_ =	shalt  }
0x5d: {  	_ =	shalt  }
0x5e: {  	_ =	shalt  }
0x5f: {  	_ =	shalt  }
0x60: {  	_ =	shalt  }
0x61: {  	_ =	shalt  }
0x62: {  	_ =	shalt  }
0x63: {  	_ =	shalt  }
0x64: {  	_ =	shalt  }
0x65: {  	_ =	shalt  }
0x66: {  	_ =	shalt  }
0x67: {  	_ =	shalt  }
0x68: {  	_ =	shalt  }
0x69: {  	_ =	shalt  }
0x6a: {  	_ =	shalt  }
0x6b: {  	_ =	shalt  }
0x6c: {  	_ =	shalt  }
0x6d: {  	_ =	shalt  }
0x6e: {  	_ =	shalt  }
0x6f: {  	_ =	shalt  }
0x70: {  	_ =	shalt  }
0x71: {  	_ =	shalt  }
0x72: {  	_ =	shalt  }
0x73: {  	_ =	shalt  }
0x74: {  	_ =	shalt  }
0x75: {  	_ =	shalt  }
0x76: {  	_ =	shalt  }
0x77: {  	_ =	shalt  }
0x78: {  	_ =	shalt  }
0x79: {  	_ =	shalt  }
0x7a: {  	_ =	shalt  }
0x7b: {  	_ =	shalt  }
0x7c: {  	_ =	shalt  }
0x7d: {  	_ =	shalt  }
0x7e: {  	_ =	shalt  }
0x7f: {  	_ =	shalt  }
0x80: {  	_ =	shalt  }
0x81: {  	_ =	shalt  }
0x82: {  	_ =	shalt  }
0x83: {  	_ =	shalt  }
0x84: {  	_ =	shalt  }
0x85: {  	_ =	shalt  }
0x86: {  	_ =	shalt  }
0x87: {  	_ =	shalt  }
.Lfunc_end0:
.L_simem_size_0:
called_computation.1_lowered:
.L_overlay_start_0:
0x88: {  	s2 =	sld [smem:$0x3FD9]  }
0x89: {  	s3 =	sld [smem:$0x3FFE];
	_ =	sdelay $0x1  }
0x8a: {  	s1 =	srdreg.scid  }
0x8b: {  	s0 =	sand.u32 $0x1, s1  }
0x8c: {  	s17 =	sshll.u32 s0, $0xA;
	s2 =	sadd.s32 s3, s2  }
0x8d: {  	s2 =	sadd.s32 s2, s17  }
0x8e: {  	[smem:$0x3FC2] =	sst s2  }
0x8f: {  	_ = 	snop  }
0x90: {  	s2 =	sld [smem:$0x3FC9]  }
0x91: {  	s18 =	sld [smem:$0x3FC8]  }
0x92: {  	s4 =	sld [smem:$0x3FD0];
	(tm) =	ssettm $0x1  }
0x93: {  	s5 =	sld [smem:$0x3FFB];
	_ =	sdelay $0x3  }
0x94: {  	_ =	strace s5  }
0x95: {  	s5 =	sld [smem:$0x3FFC];
	_ =	sdelay $0x3  }
0x96: {  	_ =	strace s5  }
0x97: {  	s5 =	sld [smem:$0x3FFD];
	_ =	sdelay $0x3  }
0x98: {  	_ =	strace s5  }
0x99: {  	_ =	strace $0x8FFFFFFF  }
0x9a: {  	s19 =	sld [smem:$0x3FDB];
	_ =	sdelay $0x1  }
0x9b: {  	s6 =	simm.s32 $_scs_section_size  }
0x9c: {  	s7 =	simm.s32 $_size__tile_overlayer_lowered;
	s8 =	simm.s32 $_tile_overlayer_lowered  }
0x9d: {  	s22 =	simm.s32 $0x1BFF;
	s21 =	sshll.u32 s8, $0x1;
	s5 =	sadd.s32 s6, s19  }
0x9e: {  	s9 =	simm.s32 $0x0;
	s20 =	sshll.u32 s7, $0x1;
	s7 =	sadd.s32 s21, s5  }
0x9f: {  	[timem:s9], [sflag:s22] =	dma.local [hbm:s7], s20  }
0xa0: {  	_ =	swait.ge [sflag:s22], s20  }
0xa1: {  	s6 =	ssub.s32 $0x0, s20;
	[sflag:s22] =	ssyncset.done $0x0  }
0xa2: {  	[sflag:s22] =	ssyncadd.s32 s6;
	_ =	sdelay $0x1  }
0xa3: {  	s23 =	simm.s32 $0x1B8B  }
0xa4: {  	_ =	swait.ge [sflag:s23], $0x1  }
0xa5: {  	[sflag:s23] =	ssyncset.done $0x0  }
0xa6: {  	s25 =	simm.s32 $0x1B8E;
	s24 =	sld [smem:$0x3FFE];
	[sflag:s23] =	ssyncadd.s32 $0xFFFFFFFF  }
0xa7: {  	s26 =	simm.s32 $execute0_lowered;
	[smem:$0x3FD2] =	sst s25  }
0xa8: {  	s7 =	sshll.u32 s26, $0x1;
	_ =	strace $0x80000049;
	[dreg:$0x1] =	wrdreg $0xFFFFFFFF  }
0xa9: {  	s28 =	simm.s32 $_size_execute0_lowered;
	s5 =	sadd.s32 s5, s7;
	[dreg:$0x0] =	wrdreg $0x0  }
0xaa: {  	s7 =	sshll.u32 s28, $0x1;
	[dreg:$0x2] =	wrdreg s5  }
0xab: {  	[dreg:$0x3] =	wrdreg s7  }
0xac: {  	[dreg:$0x4] =	wrdreg $0xC0  }
0xad: {  	_ =	task [dreg:s9], $0x5FFFF  }
0xae: {  	[dreg:$0x1] =	wrdreg $0xFFFFFFFF  }
0xaf: {  	[dreg:$0x0] =	wrdreg $0x60  }
0xb0: {  	[dreg:$0x2] =	wrdreg s2  }
0xb1: {  	[dreg:$0x3] =	wrdreg s18  }
0xb2: {  	[dreg:$0x4] =	wrdreg s24  }
0xb3: {  	[dreg:$0x5] =	wrdreg s4  }
0xb4: {  	[dreg:$0x6] =	wrdreg $0x9  }
0xb5: {  	_ =	task.clear_ibuf [dreg:s9], $0x7FFFF;
	_ =	strace $0x90000049  }
0xb6: {  	s29 =	simm.s32 $0x9;
	_ =	strace $0x8000004B  }
0xb7: {  	_ =	swait.ge [sflag:s29], $0x1  }
0xb8: {  	[sflag:s29] =	ssyncadd.s32 $0xFFFFFFFF  }
0xb9: {  	_ =	strace $0x9000004B  }
0xba: {  	_ =	sfence  }
0xbb: {  	s30 =	sld [smem:$0x0];
	_ =	sdelay $0x2  }
0xbc: {  	s31 =	sshll.u32 s1, $0xD;
	s1 =	sshrl.u32 s1, $0x2  }
0xbd: {  	s3 =	sand.u32 $0x4000, s31;
	s1 =	sadd.s32 s1, s30  }
0xbe: {  	s0 =	sor.u32 s3, s0;
	s1 =	sshll.u32 s1, $0x11  }
0xbf: {  	s0 =	sor.u32 s1, s0  }
0xc0: {  	s0 =	sadd.s32 $0x8F2B, s0  }
0xc1: {  	[sflag:s0] =	ssyncadd.remote.s32 $0x1  }
0xc2: {  	_ =	sfence.sel $0xFFFF  }
0xc3: {  	[dreg:$0x0] =	wrdreg $0xFFFFFFFF;
	(pc) =	sbr.abs _section_cstart, $3  }
0xc4: {  	[dreg:$0x1] =	wrdreg $0xFFFFFFFF  }
0xc5: {  	_ =	task.clear_ibuf [dreg:s9], $0x2FFFF;
	_ =	strace $0x9FFFFFFF  }
0xc6: {  	(tm) =	ssettm $0x7FFFFFFF  }
0xc7: {  	_ =	shalt  }
tec
execute0_lowered:
.L_overlay_start_1:
0x0: {  	(tag) =	ssettag $0x1  }
0x1: {  	s0 =	rddreg [dreg:$0x0]  }
0x2: {  	s8 =	rddreg [dreg:$0x1]  }
0x3: {  	s6 =	rddreg [dreg:$0x2]  }
0x4: {  	s9 =	rddreg [dreg:$0x3]  }
0x5: {  	s1 =	simm.s32 $0x0;
	s7 =	srdreg.scid;
	s2 =	stileid.u32  }
0x6: {  	s13 =	simm.s32 $0xC400;
	s14 =	simm.s32 $0xC600;
	s15 =	simm.s32 $0x80  }
0x7: {  	s16 =	simm.s32 $0x8400;
	s17 =	simm.s32 $0x280;
	s18 =	simm.s32 $0x9400  }
0x8: {  	s19 =	simm.s32 $0x300;
	s20 =	simm.s32 $0xA400;
	s21 =	simm.s32 $0x380  }
0x9: {  	s22 =	simm.s32 $0xB400;
	s23 =	simm.s32 $0x2;
	s24 =	simm.s32 $0x1  }
0xa: {  	s25 =	simm.s32 $0xC610;
	s26 =	simm.s32 $0x0;
	[smem:$0x7FF] =	sst s1  }
0xb: {  	s3 =	sadd.s32 $0xC00, s6;
	s4 =	sadd.s32 $0x558200, s6;
	s7 =	sand.u32 $0x1, s7  }
0xc: {  	s5 =	sadd.s32 $0x3D1600, s6;
	s11 =	sshll.u32 s2, $0x7;
	s10 =	ssub.s32 $0x2, s7  }
0xd: {  	s6 =	sadd.s32 $0x3D1800, s6;
	s7 =	sshll.u32 s7, $0x6;
	s12 =	sshrl.u32 s10, $0x1  }
0xe: {  	_ =	strace $0x8000004A;
	s11 =	sor.u32 s7, s11;
	s10 =	ssub.s32 s10, s12  }
0xf: {  	v0 =	vlaneseq.u32;
	s7 =	sadd.s32 s0, s11;
	s8 =	sadd.s32 s8, s11;
	s9 =	sadd.s32 s9, s11  }
0x10: {  	v1 =	vor.u32 $0xFFFFFFF8, v0;
	s11 =	simm.s32 $0x3;
	s12 =	simm.s32 $0x200;
	s10 =	smax.u32 s10, $0x1  }
.LBB2_1:
0x11: {  	[tilespmem:s1], [sflag:$0x3] =	stream.linear.gather [hbm4b:s7+s1], $0x200, $0x38;
	[tilespmem:$0xC810] =	vst v63  }
0x12: {  	_ =	swait.ge [sflag:s11], $0x200  }
0x13: {  	[sflag:s11] =	ssyncset.done $0x0  }
0x14: {  	[sflag:s11] =	ssyncadd.s32 $0xFFFFFE00  }
0x15: {  	[tilespmem:s12], [sflag:$0x3] =	stream.linear.gather [hbm4b:s8+s1], $0x200, $0x38;
	[tilespmem:$0xC810] =	vst v63  }
0x16: {  	_ =	swait.ge [sflag:s11], $0x200  }
0x17: {  	[sflag:s11] =	ssyncset.done $0x0  }
0x18: {  	[sflag:s11] =	ssyncadd.s32 $0xFFFFFE00  }
0x19: {  	[tilespmem:s13], [sflag:$0x3] =	stream.linear.gather [hbm4b:s5+s1], $0x200, $0x38;
	[tilespmem:$0xC810] =	vst v63  }
0x1a: {  	_ =	swait.ge [sflag:s11], $0x200  }
0x1b: {  	[sflag:s11] =	ssyncset.done $0x0  }
0x1c: {  	[sflag:s11] =	ssyncadd.s32 $0xFFFFFE00  }
0x1d: {  	[tilespmem:s14], [sflag:$0x3] =	stream.linear.gather [hbm4b:s6+s1], $0x10, $0x38;
	[tilespmem:$0xC810] =	vst v63  }
0x1e: {  	_ =	swait.ge [sflag:s11], $0x10  }
0x1f: {  	[sflag:s11] =	ssyncset.done $0x0  }
0x20: {  	[sflag:s11] =	ssyncadd.s32 $0xFFFFFFF0  }
0x21: {  	[tilespmem:s16], [sflag:$0x1] =	stream.indirect.gather [hbm4b:s4+s15], $0x20, s12, s15, $0xb8;
	[tilespmem:$0xC810] =	vst v63  }
0x22: {  	_ = 	snop  }
0x23: {  	[tilespmem:s18], [sflag:$0x1] =	stream.indirect.gather [hbm4b:s4+s15], $0x20, s17, s15, $0xb8;
	[tilespmem:$0xC810] =	vst v63  }
0x24: {  	_ = 	snop  }
0x25: {  	[tilespmem:s20], [sflag:$0x1] =	stream.indirect.gather [hbm4b:s4+s15], $0x20, s19, s15, $0xb8;
	[tilespmem:$0xC810] =	vst v63  }
0x26: {  	_ = 	snop  }
0x27: {  	[tilespmem:s22], [sflag:$0x1] =	stream.indirect.gather [hbm4b:s4+s15], $0x20, s21, s15, $0xb8;
	[tilespmem:$0xC810] =	vst v63  }
0x28: {  	v2 =	vld [tilespmem:s1+$0x0];
	_ =	sdelay $0x3  }
0x29: {  	s28 =	simm.s32 $0x400  }
0x2a: {  	s0 =	sand.u32 $0x1F0, s1;
	[tilespmem:s28+$0x0] =	vst v2;
	v3 =	vadd.s32 $0xF4240, v2  }
0x2b: {  	v4 =	vadd.s32 $0x1E8480, v2;
	[tilespmem:s0+$0x600] =	vst v3  }
0x2c: {  	v50 =	vadd.s32 $0x3D0900, v2;
	[tilespmem:s0+$0x800] =	vst v4  }
0x2d: {  	v51 =	vadd.s32 $0x5B8D80, v2;
	[tilespmem:s0+$0xC00] =	vst v50  }
0x2e: {  	v52 =	vadd.s32 $0x7A1200, v2;
	[tilespmem:s0+$0x1000] =	vst v51  }
0x2f: {  	v53 =	vadd.s32 $0x989680, v2;
	[tilespmem:s0+$0x1400] =	vst v52  }
0x30: {  	v54 =	vadd.s32 $0xB71B00, v2;
	[tilespmem:s0+$0x1800] =	vst v53  }
0x31: {  	v55 =	vadd.s32 $0xD59F80, v2;
	[tilespmem:s0+$0x1C00] =	vst v54  }
0x32: {  	v56 =	vadd.s32 $0xF42400, v2;
	[tilespmem:s0+$0x2000] =	vst v55  }
0x33: {  	v57 =	vadd.s32 $0x112A880, v2;
	[tilespmem:s0+$0x2400] =	vst v56  }
0x34: {  	v58 =	vadd.s32 $0x1312D00, v2;
	[tilespmem:s0+$0x2800] =	vst v57  }
0x35: {  	v59 =	vadd.s32 $0x14FB180, v2;
	[tilespmem:s0+$0x2C00] =	vst v58  }
0x36: {  	v60 =	vadd.s32 $0x16E3600, v2;
	[tilespmem:s0+$0x3000] =	vst v59  }
0x37: {  	v61 =	vadd.s32 $0x18CBA80, v2;
	[tilespmem:s0+$0x3400] =	vst v60  }
0x38: {  	v62 =	vadd.s32 $0x1AB3F00, v2;
	[tilespmem:s0+$0x3800] =	vst v61  }
0x39: {  	v63 =	vadd.s32 $0x1C9C380, v2;
	[tilespmem:s0+$0x3C00] =	vst v62  }
0x3a: {  	v3 =	vadd.s32 $0x2DC6C0, v2;
	[tilespmem:s0+$0x4000] =	vst v63  }
0x3b: {  	[tilespmem:s0+$0xA00] =	vst v3;
	v3 =	vadd.s32 $0x4C4B40, v2  }
0x3c: {  	[tilespmem:s0+$0xE00] =	vst v3;
	v3 =	vadd.s32 $0x6ACFC0, v2  }
0x3d: {  	[tilespmem:s0+$0x1200] =	vst v3;
	v3 =	vadd.s32 $0x895440, v2  }
0x3e: {  	[tilespmem:s0+$0x1600] =	vst v3;
	v3 =	vadd.s32 $0xA7D8C0, v2  }
0x3f: {  	[tilespmem:s0+$0x1A00] =	vst v3;
	v3 =	vadd.s32 $0xC65D40, v2  }
0x40: {  	[tilespmem:s0+$0x1E00] =	vst v3;
	v3 =	vadd.s32 $0xE4E1C0, v2  }
0x41: {  	[tilespmem:s0+$0x2200] =	vst v3;
	v3 =	vadd.s32 $0x1036640, v2  }
0x42: {  	[tilespmem:s0+$0x2600] =	vst v3;
	v3 =	vadd.s32 $0x121EAC0, v2  }
0x43: {  	[tilespmem:s0+$0x2A00] =	vst v3;
	v3 =	vadd.s32 $0x1406F40, v2  }
0x44: {  	[tilespmem:s0+$0x2E00] =	vst v3;
	v3 =	vadd.s32 $0x15EF3C0, v2  }
0x45: {  	[tilespmem:s0+$0x3200] =	vst v3;
	v3 =	vadd.s32 $0x17D7840, v2  }
0x46: {  	[tilespmem:s0+$0x3600] =	vst v3;
	v3 =	vadd.s32 $0x19BFCC0, v2  }
0x47: {  	[tilespmem:s0+$0x3A00] =	vst v3;
	v3 =	vadd.s32 $0x1BA8140, v2  }
0x48: {  	v2 =	vadd.s32 $0x1D905C0, v2;
	[tilespmem:s0+$0x3E00] =	vst v3  }
0x49: {  	s29 =	simm.s32 $0x10;
	[tilespmem:s0+$0x4200] =	vst v2  }
0x4a: {  	s30 =	simm.s32 $0x20;
	s31 =	simm.s32 $0x10;
	v2 =	vld [tilespmem:s29+$0x0]  }
.LBB2_2:
0x4b: {  	p0 =	sne.s32 s30, $0x1F0;
	_ =	sdelay $0x2  }
0x4c: {  	s0 =	sand.u32 $0x1F0, s29;
	s28 =	sadd.s32 $0x10, s28;
	s29 =	smov.u32 s30  }
0x4d: {  	[tilespmem:s28+$0x0] =	vst v2;
	v3 =	vadd.s32 $0xF4240, v2;
	v4 =	vadd.s32 $0x1E8480, v2;
	v5 =	vadd.s32 $0x2DC6C0, v2  }
0x4e: {  	v6 =	vadd.s32 $0x4C4B40, v2;
	[tilespmem:s0+$0x600] =	vst v3;
	v3 =	vadd.s32 $0x3D0900, v2  }
0x4f: {  	v7 =	vadd.s32 $0x6ACFC0, v2;
	[tilespmem:s0+$0x800] =	vst v4;
	v4 =	vadd.s32 $0x5B8D80, v2  }
0x50: {  	v8 =	vadd.s32 $0x895440, v2;
	[tilespmem:s0+$0xA00] =	vst v5;
	v5 =	vadd.s32 $0x7A1200, v2  }
0x51: {  	v9 =	vadd.s32 $0xA7D8C0, v2;
	[tilespmem:s0+$0xC00] =	vst v3;
	v3 =	vadd.s32 $0x989680, v2  }
0x52: {  	v10 =	vadd.s32 $0xC65D40, v2;
	[tilespmem:s0+$0xE00] =	vst v6;
	v6 =	vadd.s32 $0xB71B00, v2  }
0x53: {  	v11 =	vadd.s32 $0xE4E1C0, v2;
	[tilespmem:s0+$0x1000] =	vst v4;
	v4 =	vadd.s32 $0xD59F80, v2  }
0x54: {  	v12 =	vadd.s32 $0x1036640, v2;
	[tilespmem:s0+$0x1200] =	vst v7;
	v7 =	vadd.s32 $0xF42400, v2  }
0x55: {  	v13 =	vadd.s32 $0x121EAC0, v2;
	[tilespmem:s0+$0x1400] =	vst v5;
	v5 =	vadd.s32 $0x112A880, v2  }
0x56: {  	v14 =	vadd.s32 $0x1406F40, v2;
	[tilespmem:s0+$0x1600] =	vst v8;
	v8 =	vadd.s32 $0x1312D00, v2  }
0x57: {  	v15 =	vadd.s32 $0x15EF3C0, v2;
	[tilespmem:s0+$0x1800] =	vst v3;
	v3 =	vadd.s32 $0x14FB180, v2  }
0x58: {  	v16 =	vadd.s32 $0x17D7840, v2;
	[tilespmem:s0+$0x1A00] =	vst v9;
	v9 =	vadd.s32 $0x16E3600, v2  }
0x59: {  	v17 =	vadd.s32 $0x19BFCC0, v2;
	[tilespmem:s0+$0x1C00] =	vst v6;
	v6 =	vadd.s32 $0x18CBA80, v2  }
0x5a: {  	v18 =	vadd.s32 $0x1BA8140, v2;
	[tilespmem:s0+$0x1E00] =	vst v10;
	v10 =	vadd.s32 $0x1AB3F00, v2  }
0x5b: {  	[tilespmem:s0+$0x2000] =	vst v4;
	v4 =	vadd.s32 $0x1C9C380, v2;
	v2 =	vadd.s32 $0x1D905C0, v2  }
0x5c: {  	[tilespmem:s0+$0x2200] =	vst v11  }
0x5d: {  	[tilespmem:s0+$0x2400] =	vst v7  }
0x5e: {  	[tilespmem:s0+$0x2600] =	vst v12  }
0x5f: {  	[tilespmem:s0+$0x2800] =	vst v5  }
0x60: {  	[tilespmem:s0+$0x2A00] =	vst v13  }
0x61: {  	[tilespmem:s0+$0x2C00] =	vst v8  }
0x62: {  	[tilespmem:s0+$0x2E00] =	vst v14  }
0x63: {  	[tilespmem:s0+$0x3000] =	vst v3  }
0x64: {  	[tilespmem:s0+$0x3200] =	vst v15  }
0x65: {  	[tilespmem:s0+$0x3400] =	vst v9  }
0x66: {  	[tilespmem:s0+$0x3600] =	vst v16  }
0x67: {  	[tilespmem:s0+$0x3800] =	vst v6  }
0x68: {  	[tilespmem:s0+$0x3A00] =	vst v17  }
.Ltmp0:
0x69: {  	[tilespmem:s0+$0x3C00] =	vst v10;
	(pc) =	sbr.rel @p0 .LBB2_2-.Ltmp0, $4  }
0x6a: {  	[tilespmem:s0+$0x3E00] =	vst v18  }
0x6b: {  	[tilespmem:s0+$0x4000] =	vst v4  }
0x6c: {  	s31 =	sadd.s32 $0x10, s31;
	[tilespmem:s0+$0x4200] =	vst v2  }
0x6d: {  	s30 =	sadd.s32 $0x10, s30;
	v2 =	vld [tilespmem:s31+$0x0]  }
0x6e: {  	_ =	sdelay $0x2  }
0x6f: {  	s28 =	sadd.s32 $0x10, s28  }
0x70: {  	s0 =	sand.u32 $0x1F0, s29;
	[tilespmem:s28+$0x0] =	vst v2;
	v3 =	vadd.s32 $0xF4240, v2  }
0x71: {  	v4 =	vadd.s32 $0x1E8480, v2;
	[tilespmem:s0+$0x600] =	vst v3  }
0x72: {  	v50 =	vadd.s32 $0x3D0900, v2;
	[tilespmem:s0+$0x800] =	vst v4  }
0x73: {  	v51 =	vadd.s32 $0x5B8D80, v2;
	[tilespmem:s0+$0xC00] =	vst v50  }
0x74: {  	v52 =	vadd.s32 $0x7A1200, v2;
	[tilespmem:s0+$0x1000] =	vst v51  }
0x75: {  	v53 =	vadd.s32 $0x989680, v2;
	[tilespmem:s0+$0x1400] =	vst v52  }
0x76: {  	v54 =	vadd.s32 $0xB71B00, v2;
	[tilespmem:s0+$0x1800] =	vst v53  }
0x77: {  	v55 =	vadd.s32 $0xD59F80, v2;
	[tilespmem:s0+$0x1C00] =	vst v54  }
0x78: {  	v56 =	vadd.s32 $0xF42400, v2;
	[tilespmem:s0+$0x2000] =	vst v55  }
0x79: {  	v57 =	vadd.s32 $0x112A880, v2;
	[tilespmem:s0+$0x2400] =	vst v56  }
0x7a: {  	v58 =	vadd.s32 $0x1312D00, v2;
	[tilespmem:s0+$0x2800] =	vst v57  }
0x7b: {  	v59 =	vadd.s32 $0x14FB180, v2;
	[tilespmem:s0+$0x2C00] =	vst v58  }
0x7c: {  	v60 =	vadd.s32 $0x16E3600, v2;
	[tilespmem:s0+$0x3000] =	vst v59  }
0x7d: {  	v61 =	vadd.s32 $0x18CBA80, v2;
	[tilespmem:s0+$0x3400] =	vst v60  }
0x7e: {  	v62 =	vadd.s32 $0x1AB3F00, v2;
	[tilespmem:s0+$0x3800] =	vst v61  }
0x7f: {  	v63 =	vadd.s32 $0x1C9C380, v2;
	[tilespmem:s0+$0x3C00] =	vst v62  }
0x80: {  	v3 =	vadd.s32 $0x2DC6C0, v2;
	[tilespmem:s0+$0x4000] =	vst v63  }
0x81: {  	[tilespmem:s0+$0xA00] =	vst v3;
	v3 =	vadd.s32 $0x4C4B40, v2  }
0x82: {  	[tilespmem:s0+$0xE00] =	vst v3;
	v3 =	vadd.s32 $0x6ACFC0, v2  }
0x83: {  	[tilespmem:s0+$0x1200] =	vst v3;
	v3 =	vadd.s32 $0x895440, v2  }
0x84: {  	[tilespmem:s0+$0x1600] =	vst v3;
	v3 =	vadd.s32 $0xA7D8C0, v2  }
0x85: {  	[tilespmem:s0+$0x1A00] =	vst v3;
	v3 =	vadd.s32 $0xC65D40, v2  }
0x86: {  	[tilespmem:s0+$0x1E00] =	vst v3;
	v3 =	vadd.s32 $0xE4E1C0, v2  }
0x87: {  	[tilespmem:s0+$0x2200] =	vst v3;
	v3 =	vadd.s32 $0x1036640, v2  }
0x88: {  	[tilespmem:s0+$0x2600] =	vst v3;
	v3 =	vadd.s32 $0x121EAC0, v2  }
0x89: {  	[tilespmem:s0+$0x2A00] =	vst v3;
	v3 =	vadd.s32 $0x1406F40, v2  }
0x8a: {  	[tilespmem:s0+$0x2E00] =	vst v3;
	v3 =	vadd.s32 $0x15EF3C0, v2  }
0x8b: {  	[tilespmem:s0+$0x3200] =	vst v3;
	v3 =	vadd.s32 $0x17D7840, v2  }
0x8c: {  	s29 =	simm.s32 $0x0;
	[tilespmem:s0+$0x3600] =	vst v3;
	v3 =	vadd.s32 $0x19BFCC0, v2  }
0x8d: {  	s30 =	sand.u32 $0x3F80, s29;
	[tilespmem:s0+$0x3A00] =	vst v3;
	v3 =	vadd.s32 $0x1BA8140, v2  }
0x8e: {  	s29 =	sadd.s32 $0x4400, s30;
	v2 =	vadd.s32 $0x1D905C0, v2;
	[tilespmem:s0+$0x3E00] =	vst v3  }
0x8f: {  	s30 =	sadd.s32 $0x400, s30;
	s28 =	simm.s32 $0x80;
	[tilespmem:s0+$0x4200] =	vst v2;
	s0 =	simm.s32 $0x80  }
.LBB2_4:
0x90: {  	[tilespmem:s29], [sflag:$0x2] =	stream.indirect.gather [hbm4b:s3+s0], $0x1, s30, s0, $0xb8;
	[tilespmem:$0xC810] =	vst v63  }
0x91: {  	s29 =	smov.u32 s28;
	p0 =	sne.s32 s28, $0x3F80  }
.Ltmp1:
0x92: {  	s28 =	sadd.s32 $0x80, s28;
	(pc) =	sbr.rel @p0 .LBB2_4-.Ltmp1, $3  }
0x93: {  	_ =	sdelay $0x1  }
0x94: {  	s30 =	sand.u32 $0x3F80, s29  }
0x95: {  	s29 =	sadd.s32 $0x4400, s30;
	s30 =	sadd.s32 $0x400, s30  }
0x96: {  	[tilespmem:s29], [sflag:$0x2] =	stream.indirect.gather [hbm4b:s3+s0], $0x1, s30, s0, $0xb8;
	[tilespmem:$0xC810] =	vst v63  }
0x97: {  	_ =	swait.ge [sflag:s23], $0x80  }
0x98: {  	s0 =	simm.s32 $0x7F;
	[sflag:s23] =	ssyncset.done $0x0  }
.LBB2_6:
0x99: {  	p0 =	sne.s32 s0, $0x1;
	s0 =	sadd.s32 $0xFFFFFFFF, s0;
	[sflag:s23] =	ssyncadd.s32 $0xFFFFFF80  }
.Ltmp2:
0x9a: {  	(pc) =	sbr.rel @p0 .LBB2_6-.Ltmp2, $3  }
0x9b: {  	_ =	sdelay $0x1  }
0x9c: {  	_ =	swait.ge [sflag:s23], $0x80  }
0x9d: {  	[sflag:s23] =	ssyncset.done $0x0  }
0x9e: {  	[sflag:s23] =	ssyncadd.s32 $0xFFFFFF80  }
0x9f: {  	_ =	swait.ge [sflag:s24], $0x1000  }
0xa0: {  	[sflag:s24] =	ssyncset.done $0x0  }
0xa1: {  	[sflag:s24] =	ssyncadd.s32 $0xFFFFF000  }
0xa2: {  	_ =	swait.ge [sflag:s24], $0x1000  }
0xa3: {  	[sflag:s24] =	ssyncset.done $0x0  }
0xa4: {  	[sflag:s24] =	ssyncadd.s32 $0xFFFFF000  }
0xa5: {  	_ =	swait.ge [sflag:s24], $0x1000  }
0xa6: {  	[sflag:s24] =	ssyncset.done $0x0  }
0xa7: {  	[sflag:s24] =	ssyncadd.s32 $0xFFFFF000  }
0xa8: {  	_ =	swait.ge [sflag:s24], $0x1000  }
0xa9: {  	[sflag:s24] =	ssyncset.done $0x0  }
0xaa: {  	[sflag:s24] =	ssyncadd.s32 $0xFFFFF000  }
0xab: {  	v2 =	vld [tilespmem:$0xC600]  }
0xac: {  	v3 =	vld [tilespmem:$0xC5E0]  }
0xad: {  	v4 =	vld [tilespmem:$0xC5D0]  }
0xae: {  	v5 =	vld [tilespmem:$0xC5C0]  }
0xaf: {  	v6 =	vld [tilespmem:$0xC5B0]  }
0xb0: {  	v8 =	vld [tilespmem:$0xC5A0]  }
0xb1: {  	v9 =	vld [tilespmem:$0xC590]  }
0xb2: {  	v10 =	vld [tilespmem:$0xC580]  }
0xb3: {  	v11 =	vld [tilespmem:$0xC570]  }
0xb4: {  	v12 =	vld [tilespmem:$0xC560]  }
0xb5: {  	v14 =	vld [tilespmem:$0xC550]  }
0xb6: {  	v15 =	vld [tilespmem:$0xC540]  }
0xb7: {  	v16 =	vld [tilespmem:$0xC530]  }
0xb8: {  	v17 =	vld [tilespmem:$0xC520]  }
0xb9: {  	v18 =	vld [tilespmem:$0xC510]  }
0xba: {  	v19 =	vld [tilespmem:$0xC500]  }
0xbb: {  	v20 =	vld [tilespmem:$0xC4F0]  }
0xbc: {  	v21 =	vld [tilespmem:$0xC4E0]  }
0xbd: {  	v22 =	vld [tilespmem:$0xC4D0]  }
0xbe: {  	v23 =	vld [tilespmem:$0xC4C0]  }
0xbf: {  	v24 =	vld [tilespmem:$0xC4B0]  }
0xc0: {  	v25 =	vld [tilespmem:$0xC4A0]  }
0xc1: {  	v26 =	vld [tilespmem:$0xC490]  }
0xc2: {  	v27 =	vld [tilespmem:$0xC480]  }
0xc3: {  	v28 =	vld [tilespmem:$0xC470]  }
0xc4: {  	s0 =	simm.s32 $0x0;
	v29 =	vld [tilespmem:$0xC460]  }
0xc5: {  	v7 =	vor.u32 s0, v0;
	v30 =	vld [tilespmem:$0xC450]  }
0xc6: {  	v13 =	vshll.u32 v7, $0x5;
	v31 =	vld [tilespmem:$0xC440]  }
0xc7: {  	v32 =	vld [tilespmem:$0xC430]  }
0xc8: {  	v33 =	vor.u32 $0x1, v13;
	v34 =	vld [tilespmem:$0xC420]  }
0xc9: {  	v35 =	vld [tilespmem:$0xC410]  }
0xca: {  	v37 =	vor.u32 $0x2, v13;
	v36 =	vld [tilespmem:$0xC400]  }
0xcb: {  	s28 =	simm.s32 $0x6400;
	v38 =	vld.idx.msk [tilespmem:v13+s16+$0x0], $0xffff  }
0xcc: {  	v40 =	vor.u32 $0x3, v13;
	v39 =	vld [tilespmem:s28+$0xFFFFE000]  }
0xcd: {  	v33 =	vld.idx.msk [tilespmem:v33+s16+$0x0], $0xffff  }
0xce: {  	v42 =	vor.u32 $0x4, v13;
	v41 =	vld [tilespmem:s28+$0xFFFFE200]  }
0xcf: {  	v37 =	vld.idx.msk [tilespmem:v37+s16+$0x0], $0xffff  }
0xd0: {  	v44 =	vor.u32 $0x5, v13;
	v43 =	vld [tilespmem:s28+$0xFFFFE400]  }
0xd1: {  	v62 =	vld.idx.msk [tilespmem:v40+s16+$0x0], $0xffff;
	v38 =	vmul.f32 v38, v39  }
0xd2: {  	v45 =	vor.u32 $0x6, v13;
	v63 =	vld [tilespmem:s28+$0xFFFFE600]  }
0xd3: {  	v48 =	vld.idx.msk [tilespmem:v42+s16+$0x0], $0xffff;
	v33 =	vmul.f32 v33, v41;
	v36 =	vmul.f32 v36, v38  }
0xd4: {  	v50 =	vor.u32 $0x7, v13;
	v49 =	vld [tilespmem:s28+$0xFFFFE800]  }
0xd5: {  	v52 =	vld.idx.msk [tilespmem:v44+s16+$0x0], $0xffff;
	v51 =	vmul.f32 v37, v43;
	v33 =	vmul.f32 v35, v33;
	v36 =	vadd.f32 v36, v2  }
0xd6: {  	v54 =	vor.u32 $0x8, v13;
	v53 =	vld [tilespmem:s28+$0xFFFFEA00]  }
0xd7: {  	v56 =	vld.idx.msk [tilespmem:v45+s16+$0x0], $0xffff;
	v55 =	vmul.f32 v62, v63;
	v34 =	vmul.f32 v34, v51;
	v33 =	vadd.f32 v33, v36  }
0xd8: {  	v58 =	vor.u32 $0x9, v13;
	v57 =	vld [tilespmem:s28+$0xFFFFEC00]  }
0xd9: {  	v60 =	vld.idx.msk [tilespmem:v50+s16+$0x0], $0xffff;
	v59 =	vmul.f32 v48, v49;
	v32 =	vmul.f32 v32, v55;
	v33 =	vadd.f32 v34, v33  }
0xda: {  	v61 =	vld [tilespmem:s28+$0xFFFFEE00];
	v62 =	vor.u32 $0xA, v13  }
0xdb: {  	v45 =	vld.idx.msk [tilespmem:v54+s16+$0x0], $0xffff;
	v63 =	vmul.f32 v52, v53;
	v31 =	vmul.f32 v31, v59;
	v32 =	vadd.f32 v32, v33  }
0xdc: {  	v47 =	vor.u32 $0xB, v13;
	v46 =	vld [tilespmem:s28+$0xFFFFF000]  }
0xdd: {  	v50 =	vld [tilespmem:s28+$0xFFFFF200];
	v48 =	vmul.f32 v56, v57;
	v30 =	vmul.f32 v30, v63;
	v31 =	vadd.f32 v31, v32  }
0xde: {  	v49 =	vld.idx.msk [tilespmem:v58+s16+$0x0], $0xffff;
	v51 =	vor.u32 $0xC, v13  }
0xdf: {  	v53 =	vld [tilespmem:s28+$0xFFFFF400];
	v29 =	vmul.f32 v29, v48;
	v30 =	vadd.f32 v30, v31;
	v31 =	vmul.f32 v60, v61  }
0xe0: {  	v54 =	vor.u32 $0xD, v13;
	v52 =	vld.idx.msk [tilespmem:v62+s16+$0x0], $0xffff  }
0xe1: {  	v55 =	vld [tilespmem:s28+$0xFFFFF600];
	v29 =	vadd.f32 v29, v30;
	v28 =	vmul.f32 v28, v31;
	v30 =	vmul.f32 v45, v46  }
0xe2: {  	v56 =	vor.u32 $0xE, v13;
	v31 =	vld.idx.msk [tilespmem:v47+s16+$0x0], $0xffff  }
0xe3: {  	v57 =	vld [tilespmem:s28+$0xFFFFF800];
	v28 =	vadd.f32 v28, v29;
	v27 =	vmul.f32 v27, v30;
	v29 =	vmul.f32 v49, v50  }
0xe4: {  	v58 =	vor.u32 $0xF, v13;
	v30 =	vld.idx.msk [tilespmem:v51+s16+$0x0], $0xffff  }
0xe5: {  	v59 =	vld [tilespmem:s28+$0xFFFFFA00];
	v27 =	vadd.f32 v27, v28;
	v26 =	vmul.f32 v26, v29;
	v28 =	vmul.f32 v52, v53  }
0xe6: {  	v60 =	vor.u32 $0x10, v13;
	v29 =	vld.idx.msk [tilespmem:v54+s16+$0x0], $0xffff  }
0xe7: {  	v26 =	vadd.f32 v26, v27;
	v25 =	vmul.f32 v25, v28;
	v27 =	vmul.f32 v31, v55;
	v28 =	vld.idx.msk [tilespmem:v56+s16+$0x0], $0xffff  }
0xe8: {  	v61 =	vor.u32 $0x11, v13;
	v31 =	vld [tilespmem:s28+$0xFFFFFC00]  }
0xe9: {  	v25 =	vadd.f32 v25, v26;
	v24 =	vmul.f32 v24, v27;
	v26 =	vmul.f32 v30, v57;
	v27 =	vld.idx.msk [tilespmem:v58+s16+$0x0], $0xffff  }
0xea: {  	v62 =	vor.u32 $0x12, v13;
	v30 =	vld [tilespmem:s28+$0xFFFFFE00]  }
0xeb: {  	v24 =	vadd.f32 v24, v25;
	v23 =	vmul.f32 v23, v26;
	v25 =	vmul.f32 v29, v59;
	v26 =	vld.idx.msk [tilespmem:v60+s16+$0x0], $0xffff  }
0xec: {  	v63 =	vor.u32 $0x13, v13;
	v29 =	vld [tilespmem:s28+$0x0]  }
0xed: {  	v23 =	vadd.f32 v23, v24;
	v22 =	vmul.f32 v22, v25;
	v24 =	vmul.f32 v28, v31;
	v25 =	vld.idx.msk [tilespmem:v61+s16+$0x0], $0xffff  }
0xee: {  	v28 =	vld [tilespmem:s28+$0x200];
	v31 =	vor.u32 $0x14, v13  }
0xef: {  	v22 =	vadd.f32 v22, v23;
	v21 =	vmul.f32 v21, v24;
	v23 =	vmul.f32 v27, v30;
	v24 =	vld.idx.msk [tilespmem:v62+s16+$0x0], $0xffff  }
0xf0: {  	v27 =	vld [tilespmem:s28+$0x400];
	v30 =	vor.u32 $0x15, v13  }
0xf1: {  	v21 =	vadd.f32 v21, v22;
	v20 =	vmul.f32 v20, v23;
	v22 =	vmul.f32 v26, v29;
	v23 =	vld.idx.msk [tilespmem:v63+s16+$0x0], $0xffff  }
0xf2: {  	v26 =	vld [tilespmem:s28+$0x600];
	v29 =	vor.u32 $0x16, v13  }
0xf3: {  	v20 =	vadd.f32 v20, v21;
	v19 =	vmul.f32 v19, v22;
	v21 =	vmul.f32 v25, v28;
	v22 =	vld.idx.msk [tilespmem:v31+s16+$0x0], $0xffff  }
0xf4: {  	v25 =	vld [tilespmem:s28+$0x800];
	v28 =	vor.u32 $0x17, v13  }
0xf5: {  	v19 =	vadd.f32 v19, v20;
	v18 =	vmul.f32 v18, v21;
	v20 =	vmul.f32 v24, v27;
	v21 =	vld.idx.msk [tilespmem:v30+s16+$0x0], $0xffff  }
0xf6: {  	v24 =	vld [tilespmem:s28+$0xA00];
	v27 =	vor.u32 $0x18, v13  }
0xf7: {  	v18 =	vadd.f32 v18, v19;
	v17 =	vmul.f32 v17, v20;
	v19 =	vmul.f32 v23, v26;
	v20 =	vld.idx.msk [tilespmem:v29+s16+$0x0], $0xffff  }
0xf8: {  	v23 =	vld [tilespmem:s28+$0xC00];
	v26 =	vor.u32 $0x19, v13  }
0xf9: {  	v17 =	vadd.f32 v17, v18;
	v16 =	vmul.f32 v16, v19;
	v18 =	vmul.f32 v22, v25;
	v19 =	vld.idx.msk [tilespmem:v28+s16+$0x0], $0xffff  }
0xfa: {  	v22 =	vld [tilespmem:s28+$0xE00];
	v25 =	vor.u32 $0x1A, v13  }
0xfb: {  	v16 =	vadd.f32 v16, v17;
	v15 =	vmul.f32 v15, v18;
	v17 =	vmul.f32 v21, v24;
	v18 =	vld.idx.msk [tilespmem:v27+s16+$0x0], $0xffff  }
0xfc: {  	v21 =	vld [tilespmem:s28+$0x1000];
	v24 =	vor.u32 $0x1B, v13  }
0xfd: {  	v15 =	vadd.f32 v15, v16;
	v14 =	vmul.f32 v14, v17;
	v16 =	vmul.f32 v20, v23;
	v17 =	vld.idx.msk [tilespmem:v26+s16+$0x0], $0xffff  }
0xfe: {  	v20 =	vld [tilespmem:s28+$0x1200];
	v23 =	vor.u32 $0x1C, v13  }
0xff: {  	v14 =	vadd.f32 v14, v15;
	v12 =	vmul.f32 v12, v16;
	v15 =	vmul.f32 v19, v22;
	v16 =	vld.idx.msk [tilespmem:v25+s16+$0x0], $0xffff  }
0x100: {  	v19 =	vld [tilespmem:s28+$0x1400];
	v22 =	vor.u32 $0x1D, v13  }
0x101: {  	v12 =	vadd.f32 v12, v14;
	v11 =	vmul.f32 v11, v15;
	v14 =	vmul.f32 v18, v21;
	v15 =	vld.idx.msk [tilespmem:v24+s16+$0x0], $0xffff  }
0x102: {  	v18 =	vld [tilespmem:s28+$0x1600];
	v21 =	vor.u32 $0x1E, v13  }
0x103: {  	v11 =	vadd.f32 v11, v12;
	v10 =	vmul.f32 v10, v14;
	v12 =	vmul.f32 v17, v20;
	v14 =	vld.idx.msk [tilespmem:v23+s16+$0x0], $0xffff  }
0x104: {  	v13 =	vor.u32 $0x1F, v13;
	v17 =	vld [tilespmem:s28+$0x1800]  }
0x105: {  	v10 =	vadd.f32 v10, v11;
	v9 =	vmul.f32 v9, v12;
	v11 =	vmul.f32 v16, v19;
	v12 =	vld.idx.msk [tilespmem:v22+s16+$0x0], $0xffff  }
0x106: {  	v16 =	vld [tilespmem:s28+$0x1A00]  }
0x107: {  	v9 =	vadd.f32 v9, v10;
	v8 =	vmul.f32 v8, v11;
	v10 =	vmul.f32 v15, v18;
	v11 =	vld.idx.msk [tilespmem:v21+s16+$0x0], $0xffff  }
0x108: {  	v15 =	vld [tilespmem:s28+$0x1C00]  }
0x109: {  	v8 =	vadd.f32 v8, v9;
	v6 =	vmul.f32 v6, v10;
	v9 =	vmul.f32 v14, v17;
	v10 =	vld.idx.msk [tilespmem:v13+s16+$0x0], $0xffff  }
0x10a: {  	v13 =	vld [tilespmem:s28+$0x1E00]  }
0x10b: {  	v6 =	vadd.f32 v6, v8;
	v5 =	vmul.f32 v5, v9;
	v8 =	vmul.f32 v12, v16  }
0x10c: {  	v9 =	vld [tilespmem:$0xC5F0]  }
0x10d: {  	v5 =	vadd.f32 v5, v6;
	v4 =	vmul.f32 v4, v8;
	v6 =	vmul.f32 v11, v15;
	_ =	sdelay $0x1  }
0x10e: {  	v4 =	vadd.f32 v4, v5;
	v3 =	vmul.f32 v3, v6;
	v5 =	vmul.f32 v10, v13;
	_ =	sdelay $0x1  }
0x10f: {  	v3 =	vadd.f32 v3, v4;
	v4 =	vmul.f32 v9, v5;
	_ =	sdelay $0x1  }
0x110: {  	v3 =	vadd.f32 v4, v3;
	_ =	sdelay $0x1  }
0x111: {  	v3 =	vsub.f32 $0.0e+00, v3;
	_ =	sdelay $0x1  }
0x112: {  	v3 =	vmul.f32 $1.442695020e+00, v3;
	_ =	sdelay $0x1  }
0x113: {  	(erf) = vpow2.f32 v3;
	_ =	sdelay $0x8  }
0x114: {  	v3 =	vpop (erf)  }
0x115: {  	v3 =	vadd.f32 $1.000000000e+00, v3;
	_ =	sdelay $0x1  }
0x116: {  	(erf) = vrcp.f32 v3;
	_ =	sdelay $0x8  }
0x117: {  	v3 =	vand.u32 v1, v7;
	v4 =	vpop (erf)  }
0x118: {  	v4 =	vmul.f32 $4.000000000e+00, v4;
	_ =	sdelay $0x1  }
0x119: {  	v4 =	vadd.f32 $1.000000000e+00, v4;
	_ =	sdelay $0x1  }
0x11a: {  	[tilespmem:v3+s25+$0x0] =	vst.idx.msk $0xffff, v4  }
0x11b: {  	v3 =	vld [tilespmem:$0xC5E0]  }
0x11c: {  	v4 =	vld [tilespmem:$0xC5D0]  }
0x11d: {  	v6 =	vld [tilespmem:$0xC5C0]  }
0x11e: {  	v7 =	vld [tilespmem:$0xC5B0]  }
0x11f: {  	v8 =	vld [tilespmem:$0xC5A0]  }
0x120: {  	v9 =	vld [tilespmem:$0xC590]  }
0x121: {  	v10 =	vld [tilespmem:$0xC580]  }
0x122: {  	v11 =	vld [tilespmem:$0xC570]  }
0x123: {  	v12 =	vld [tilespmem:$0xC560]  }
0x124: {  	v13 =	vld [tilespmem:$0xC550]  }
0x125: {  	v14 =	vld [tilespmem:$0xC540]  }
0x126: {  	v15 =	vld [tilespmem:$0xC530]  }
0x127: {  	v16 =	vld [tilespmem:$0xC520]  }
0x128: {  	v17 =	vld [tilespmem:$0xC510]  }
0x129: {  	v18 =	vld [tilespmem:$0xC500]  }
0x12a: {  	v19 =	vld [tilespmem:$0xC4F0]  }
0x12b: {  	v20 =	vld [tilespmem:$0xC4E0]  }
0x12c: {  	v21 =	vld [tilespmem:$0xC4D0]  }
0x12d: {  	v22 =	vld [tilespmem:$0xC4C0]  }
0x12e: {  	v23 =	vld [tilespmem:$0xC4B0]  }
0x12f: {  	v25 =	vld [tilespmem:$0xC4A0]  }
0x130: {  	v26 =	vld [tilespmem:$0xC490]  }
0x131: {  	v27 =	vld [tilespmem:$0xC480]  }
0x132: {  	v28 =	vld [tilespmem:$0xC470]  }
0x133: {  	s31 =	simm.s32 $0x10;
	v29 =	vld [tilespmem:$0xC460]  }
0x134: {  	s29 =	simm.s32 $0x20;
	v5 =	vor.u32 s31, v0;
	v30 =	vld [tilespmem:$0xC450]  }
.LBB2_8:
0x135: {  	p0 =	sne.s32 s29, $0x1F0;
	v24 =	vshll.u32 v5, $0x5;
	v31 =	vld [tilespmem:$0xC440]  }
0x136: {  	v32 =	vld [tilespmem:$0xC430]  }
0x137: {  	v33 =	vor.u32 $0x1, v24;
	v34 =	vld [tilespmem:$0xC420]  }
0x138: {  	v35 =	vld [tilespmem:$0xC410]  }
0x139: {  	v37 =	vor.u32 $0x2, v24;
	v36 =	vld [tilespmem:$0xC400]  }
0x13a: {  	s28 =	sadd.s32 $0x10, s28;
	v38 =	vld.idx.msk [tilespmem:v24+s16+$0x0], $0xffff  }
0x13b: {  	v40 =	vor.u32 $0x3, v24;
	v39 =	vld [tilespmem:s28+$0xFFFFE000]  }
0x13c: {  	v33 =	vld.idx.msk [tilespmem:v33+s16+$0x0], $0xffff  }
0x13d: {  	v42 =	vor.u32 $0x4, v24;
	v41 =	vld [tilespmem:s28+$0xFFFFE200]  }
0x13e: {  	v37 =	vld.idx.msk [tilespmem:v37+s16+$0x0], $0xffff  }
0x13f: {  	v44 =	vor.u32 $0x5, v24;
	v43 =	vld [tilespmem:s28+$0xFFFFE400]  }
0x140: {  	v38 =	vmul.f32 v38, v39;
	v39 =	vld.idx.msk [tilespmem:v40+s16+$0x0], $0xffff  }
0x141: {  	v45 =	vor.u32 $0x6, v24;
	v40 =	vld [tilespmem:s28+$0xFFFFE600]  }
0x142: {  	v36 =	vmul.f32 v36, v38;
	v33 =	vmul.f32 v33, v41;
	v38 =	vld.idx.msk [tilespmem:v42+s16+$0x0], $0xffff  }
0x143: {  	v42 =	vor.u32 $0x7, v24;
	v41 =	vld [tilespmem:s28+$0xFFFFE800]  }
0x144: {  	v36 =	vadd.f32 v36, v2;
	v33 =	vmul.f32 v35, v33;
	v35 =	vmul.f32 v37, v43;
	v37 =	vld.idx.msk [tilespmem:v44+s16+$0x0], $0xffff  }
0x145: {  	v44 =	vor.u32 $0x8, v24;
	v43 =	vld [tilespmem:s28+$0xFFFFEA00]  }
0x146: {  	v33 =	vadd.f32 v33, v36;
	v34 =	vmul.f32 v34, v35;
	v35 =	vmul.f32 v39, v40;
	v36 =	vld.idx.msk [tilespmem:v45+s16+$0x0], $0xffff  }
0x147: {  	v40 =	vor.u32 $0x9, v24;
	v39 =	vld [tilespmem:s28+$0xFFFFEC00]  }
0x148: {  	v33 =	vadd.f32 v34, v33;
	v32 =	vmul.f32 v32, v35;
	v34 =	vmul.f32 v38, v41;
	v35 =	vld.idx.msk [tilespmem:v42+s16+$0x0], $0xffff  }
0x149: {  	v41 =	vor.u32 $0xA, v24;
	v38 =	vld [tilespmem:s28+$0xFFFFEE00]  }
0x14a: {  	v32 =	vadd.f32 v32, v33;
	v31 =	vmul.f32 v31, v34;
	v33 =	vmul.f32 v37, v43;
	v34 =	vld.idx.msk [tilespmem:v44+s16+$0x0], $0xffff  }
0x14b: {  	v42 =	vor.u32 $0xB, v24;
	v37 =	vld [tilespmem:s28+$0xFFFFF000]  }
0x14c: {  	v31 =	vadd.f32 v31, v32;
	v30 =	vmul.f32 v30, v33;
	v32 =	vmul.f32 v36, v39;
	v33 =	vld.idx.msk [tilespmem:v40+s16+$0x0], $0xffff  }
0x14d: {  	v39 =	vor.u32 $0xC, v24;
	v36 =	vld [tilespmem:s28+$0xFFFFF200]  }
0x14e: {  	v30 =	vadd.f32 v30, v31;
	v29 =	vmul.f32 v29, v32;
	v31 =	vmul.f32 v35, v38;
	v32 =	vld.idx.msk [tilespmem:v41+s16+$0x0], $0xffff  }
0x14f: {  	v38 =	vor.u32 $0xD, v24;
	v35 =	vld [tilespmem:s28+$0xFFFFF400]  }
0x150: {  	v29 =	vadd.f32 v29, v30;
	v28 =	vmul.f32 v28, v31;
	v30 =	vmul.f32 v34, v37;
	v31 =	vld.idx.msk [tilespmem:v42+s16+$0x0], $0xffff  }
0x151: {  	v37 =	vor.u32 $0xE, v24;
	v34 =	vld [tilespmem:s28+$0xFFFFF600]  }
0x152: {  	v28 =	vadd.f32 v28, v29;
	v27 =	vmul.f32 v27, v30;
	v29 =	vmul.f32 v33, v36;
	v30 =	vld.idx.msk [tilespmem:v39+s16+$0x0], $0xffff  }
0x153: {  	v36 =	vor.u32 $0xF, v24;
	v33 =	vld [tilespmem:s28+$0xFFFFF800]  }
0x154: {  	v27 =	vadd.f32 v27, v28;
	v26 =	vmul.f32 v26, v29;
	v28 =	vmul.f32 v32, v35;
	v29 =	vld.idx.msk [tilespmem:v38+s16+$0x0], $0xffff  }
0x155: {  	v35 =	vor.u32 $0x10, v24;
	v32 =	vld [tilespmem:s28+$0xFFFFFA00]  }
0x156: {  	v26 =	vadd.f32 v26, v27;
	v25 =	vmul.f32 v25, v28;
	v27 =	vmul.f32 v31, v34;
	v28 =	vld.idx.msk [tilespmem:v37+s16+$0x0], $0xffff  }
0x157: {  	v34 =	vor.u32 $0x11, v24;
	v31 =	vld [tilespmem:s28+$0xFFFFFC00]  }
0x158: {  	v25 =	vadd.f32 v25, v26;
	v23 =	vmul.f32 v23, v27;
	v26 =	vmul.f32 v30, v33;
	v27 =	vld.idx.msk [tilespmem:v36+s16+$0x0], $0xffff  }
0x159: {  	v33 =	vor.u32 $0x12, v24;
	v30 =	vld [tilespmem:s28+$0xFFFFFE00]  }
0x15a: {  	v23 =	vadd.f32 v23, v25;
	v22 =	vmul.f32 v22, v26;
	v25 =	vmul.f32 v29, v32;
	v26 =	vld.idx.msk [tilespmem:v35+s16+$0x0], $0xffff  }
0x15b: {  	v32 =	vor.u32 $0x13, v24;
	v29 =	vld [tilespmem:s28+$0x0]  }
0x15c: {  	v22 =	vadd.f32 v22, v23;
	v21 =	vmul.f32 v21, v25;
	v23 =	vmul.f32 v28, v31;
	v25 =	vld.idx.msk [tilespmem:v34+s16+$0x0], $0xffff  }
0x15d: {  	v31 =	vor.u32 $0x14, v24;
	v28 =	vld [tilespmem:s28+$0x200]  }
0x15e: {  	v21 =	vadd.f32 v21, v22;
	v20 =	vmul.f32 v20, v23;
	v22 =	vmul.f32 v27, v30;
	v23 =	vld.idx.msk [tilespmem:v33+s16+$0x0], $0xffff  }
0x15f: {  	v30 =	vor.u32 $0x15, v24;
	v27 =	vld [tilespmem:s28+$0x400]  }
0x160: {  	v20 =	vadd.f32 v20, v21;
	v19 =	vmul.f32 v19, v22;
	v21 =	vmul.f32 v26, v29;
	v22 =	vld.idx.msk [tilespmem:v32+s16+$0x0], $0xffff  }
0x161: {  	v29 =	vor.u32 $0x16, v24;
	v26 =	vld [tilespmem:s28+$0x600]  }
0x162: {  	v19 =	vadd.f32 v19, v20;
	v18 =	vmul.f32 v18, v21;
	v20 =	vmul.f32 v25, v28;
	v21 =	vld.idx.msk [tilespmem:v31+s16+$0x0], $0xffff  }
0x163: {  	v28 =	vor.u32 $0x17, v24;
	v25 =	vld [tilespmem:s28+$0x800]  }
0x164: {  	v18 =	vadd.f32 v18, v19;
	v17 =	vmul.f32 v17, v20;
	v19 =	vmul.f32 v23, v27;
	v20 =	vld.idx.msk [tilespmem:v30+s16+$0x0], $0xffff  }
0x165: {  	v27 =	vor.u32 $0x18, v24;
	v23 =	vld [tilespmem:s28+$0xA00]  }
0x166: {  	v17 =	vadd.f32 v17, v18;
	v16 =	vmul.f32 v16, v19;
	v18 =	vmul.f32 v22, v26;
	v19 =	vld.idx.msk [tilespmem:v29+s16+$0x0], $0xffff  }
0x167: {  	v26 =	vor.u32 $0x19, v24;
	v22 =	vld [tilespmem:s28+$0xC00]  }
0x168: {  	v16 =	vadd.f32 v16, v17;
	v15 =	vmul.f32 v15, v18;
	v17 =	vmul.f32 v21, v25;
	v18 =	vld.idx.msk [tilespmem:v28+s16+$0x0], $0xffff  }
0x169: {  	v25 =	vor.u32 $0x1A, v24;
	v21 =	vld [tilespmem:s28+$0xE00]  }
0x16a: {  	v15 =	vadd.f32 v15, v16;
	v14 =	vmul.f32 v14, v17;
	v16 =	vmul.f32 v20, v23;
	v17 =	vld.idx.msk [tilespmem:v27+s16+$0x0], $0xffff  }
0x16b: {  	v23 =	vor.u32 $0x1B, v24;
	v20 =	vld [tilespmem:s28+$0x1000]  }
0x16c: {  	v14 =	vadd.f32 v14, v15;
	v13 =	vmul.f32 v13, v16;
	v15 =	vmul.f32 v19, v22;
	v16 =	vld.idx.msk [tilespmem:v26+s16+$0x0], $0xffff  }
0x16d: {  	v22 =	vor.u32 $0x1C, v24;
	v19 =	vld [tilespmem:s28+$0x1200]  }
0x16e: {  	v13 =	vadd.f32 v13, v14;
	v12 =	vmul.f32 v12, v15;
	v14 =	vmul.f32 v18, v21;
	v15 =	vld.idx.msk [tilespmem:v25+s16+$0x0], $0xffff  }
0x16f: {  	v21 =	vor.u32 $0x1D, v24;
	v18 =	vld [tilespmem:s28+$0x1400]  }
0x170: {  	v12 =	vadd.f32 v12, v13;
	v11 =	vmul.f32 v11, v14;
	v13 =	vmul.f32 v17, v20;
	v14 =	vld.idx.msk [tilespmem:v23+s16+$0x0], $0xffff  }
0x171: {  	v20 =	vor.u32 $0x1E, v24;
	v17 =	vld [tilespmem:s28+$0x1600]  }
0x172: {  	v11 =	vadd.f32 v11, v12;
	v10 =	vmul.f32 v10, v13;
	v12 =	vmul.f32 v16, v19;
	v13 =	vld.idx.msk [tilespmem:v22+s16+$0x0], $0xffff  }
0x173: {  	v19 =	vor.u32 $0x1F, v24;
	v16 =	vld [tilespmem:s28+$0x1800]  }
0x174: {  	v10 =	vadd.f32 v10, v11;
	v9 =	vmul.f32 v9, v12;
	v11 =	vmul.f32 v15, v18;
	v12 =	vld.idx.msk [tilespmem:v21+s16+$0x0], $0xffff  }
0x175: {  	v15 =	vld [tilespmem:s28+$0x1A00]  }
0x176: {  	v9 =	vadd.f32 v9, v10;
	v8 =	vmul.f32 v8, v11;
	v10 =	vmul.f32 v14, v17;
	v11 =	vld.idx.msk [tilespmem:v20+s16+$0x0], $0xffff  }
0x177: {  	v14 =	vld [tilespmem:s28+$0x1C00]  }
0x178: {  	v8 =	vadd.f32 v8, v9;
	v7 =	vmul.f32 v7, v10;
	v9 =	vmul.f32 v13, v16;
	v10 =	vld.idx.msk [tilespmem:v19+s16+$0x0], $0xffff  }
0x179: {  	v13 =	vld [tilespmem:s28+$0x1E00]  }
0x17a: {  	v7 =	vadd.f32 v7, v8;
	v6 =	vmul.f32 v6, v9;
	v8 =	vmul.f32 v12, v15  }
0x17b: {  	v9 =	vld [tilespmem:$0xC5F0]  }
0x17c: {  	v6 =	vadd.f32 v6, v7;
	v4 =	vmul.f32 v4, v8;
	v7 =	vmul.f32 v11, v14;
	_ =	sdelay $0x1  }
0x17d: {  	v4 =	vadd.f32 v4, v6;
	v3 =	vmul.f32 v3, v7;
	v6 =	vmul.f32 v10, v13;
	_ =	sdelay $0x1  }
0x17e: {  	v3 =	vadd.f32 v3, v4;
	v4 =	vmul.f32 v9, v6;
	_ =	sdelay $0x1  }
0x17f: {  	v3 =	vadd.f32 v4, v3;
	_ =	sdelay $0x1  }
0x180: {  	v3 =	vsub.f32 $0.0e+00, v3;
	_ =	sdelay $0x1  }
0x181: {  	v3 =	vmul.f32 $1.442695020e+00, v3;
	_ =	sdelay $0x1  }
0x182: {  	(erf) = vpow2.f32 v3;
	_ =	sdelay $0x8  }
0x183: {  	v3 =	vpop (erf)  }
0x184: {  	v3 =	vadd.f32 $1.000000000e+00, v3;
	_ =	sdelay $0x1  }
0x185: {  	(erf) = vrcp.f32 v3;
	_ =	sdelay $0x8  }
0x186: {  	v3 =	vand.u32 v1, v5;
	v4 =	vpop (erf)  }
0x187: {  	v4 =	vmul.f32 $4.000000000e+00, v4;
	_ =	sdelay $0x1  }
0x188: {  	v4 =	vadd.f32 $1.000000000e+00, v4;
	_ =	sdelay $0x1  }
0x189: {  	[tilespmem:v3+s25+$0x0] =	vst.idx.msk $0xffff, v4  }
0x18a: {  	v3 =	vld [tilespmem:$0xC5E0]  }
0x18b: {  	v4 =	vld [tilespmem:$0xC5D0]  }
0x18c: {  	v6 =	vld [tilespmem:$0xC5C0]  }
0x18d: {  	v7 =	vld [tilespmem:$0xC5B0]  }
0x18e: {  	v8 =	vld [tilespmem:$0xC5A0]  }
0x18f: {  	v9 =	vld [tilespmem:$0xC590]  }
0x190: {  	v10 =	vld [tilespmem:$0xC580]  }
0x191: {  	v11 =	vld [tilespmem:$0xC570]  }
0x192: {  	v12 =	vld [tilespmem:$0xC560]  }
0x193: {  	v13 =	vld [tilespmem:$0xC550]  }
0x194: {  	v14 =	vld [tilespmem:$0xC540]  }
0x195: {  	v15 =	vld [tilespmem:$0xC530]  }
0x196: {  	v16 =	vld [tilespmem:$0xC520]  }
0x197: {  	v17 =	vld [tilespmem:$0xC510]  }
0x198: {  	v18 =	vld [tilespmem:$0xC500]  }
0x199: {  	v19 =	vld [tilespmem:$0xC4F0]  }
0x19a: {  	v20 =	vld [tilespmem:$0xC4E0]  }
0x19b: {  	v21 =	vld [tilespmem:$0xC4D0]  }
0x19c: {  	v22 =	vld [tilespmem:$0xC4C0]  }
0x19d: {  	v23 =	vld [tilespmem:$0xC4B0]  }
0x19e: {  	v25 =	vld [tilespmem:$0xC4A0]  }
.Ltmp3:
0x19f: {  	v26 =	vld [tilespmem:$0xC490];
	(pc) =	sbr.rel @p0 .LBB2_8-.Ltmp3, $4  }
0x1a0: {  	v27 =	vld [tilespmem:$0xC480]  }
0x1a1: {  	v28 =	vld [tilespmem:$0xC470]  }
0x1a2: {  	v29 =	vld [tilespmem:$0xC460]  }
0x1a3: {  	v5 =	vor.u32 s29, v0;
	s29 =	sadd.s32 $0x10, s29;
	v30 =	vld [tilespmem:$0xC450]  }
0x1a4: {  	v31 =	vld [tilespmem:$0xC440]  }
0x1a5: {  	v32 =	vld [tilespmem:$0xC430]  }
0x1a6: {  	v24 =	vshll.u32 v5, $0x5;
	v34 =	vld [tilespmem:$0xC420]  }
0x1a7: {  	v35 =	vld [tilespmem:$0xC410]  }
0x1a8: {  	v36 =	vld [tilespmem:$0xC400];
	s28 =	sadd.s32 $0x10, s28;
	v33 =	vor.u32 $0x1, v24  }
0x1a9: {  	v39 =	vld [tilespmem:s28+$0xFFFFE000]  }
0x1aa: {  	v37 =	vor.u32 $0x2, v24;
	v41 =	vld [tilespmem:s28+$0xFFFFE200]  }
0x1ab: {  	v38 =	vld.idx.msk [tilespmem:v24+s16+$0x0], $0xffff  }
0x1ac: {  	v40 =	vor.u32 $0x3, v24;
	v43 =	vld [tilespmem:s28+$0xFFFFE400]  }
0x1ad: {  	v33 =	vld.idx.msk [tilespmem:v33+s16+$0x0], $0xffff  }
0x1ae: {  	v42 =	vor.u32 $0x4, v24;
	v57 =	vld [tilespmem:s28+$0xFFFFE600]  }
0x1af: {  	v37 =	vld.idx.msk [tilespmem:v37+s16+$0x0], $0xffff  }
0x1b0: {  	v44 =	vor.u32 $0x5, v24;
	v59 =	vld [tilespmem:s28+$0xFFFFE800];
	v38 =	vmul.f32 v38, v39  }
0x1b1: {  	v56 =	vld.idx.msk [tilespmem:v40+s16+$0x0], $0xffff  }
0x1b2: {  	v45 =	vor.u32 $0x6, v24;
	v63 =	vld [tilespmem:s28+$0xFFFFEA00];
	v33 =	vmul.f32 v33, v41;
	v36 =	vmul.f32 v36, v38  }
0x1b3: {  	v60 =	vor.u32 $0x7, v24;
	v58 =	vld.idx.msk [tilespmem:v42+s16+$0x0], $0xffff  }
0x1b4: {  	v50 =	vld [tilespmem:s28+$0xFFFFEC00];
	v61 =	vmul.f32 v37, v43;
	v33 =	vmul.f32 v35, v33;
	v2 =	vadd.f32 v36, v2  }
0x1b5: {  	v46 =	vor.u32 $0x8, v24;
	v62 =	vld.idx.msk [tilespmem:v44+s16+$0x0], $0xffff  }
0x1b6: {  	v54 =	vld [tilespmem:s28+$0xFFFFEE00];
	v48 =	vmul.f32 v56, v57;
	v47 =	vmul.f32 v34, v61;
	v2 =	vadd.f32 v33, v2  }
0x1b7: {  	v51 =	vor.u32 $0x9, v24;
	v49 =	vld.idx.msk [tilespmem:v45+s16+$0x0], $0xffff  }
0x1b8: {  	v53 =	vld.idx.msk [tilespmem:v60+s16+$0x0], $0xffff;
	v52 =	vmul.f32 v58, v59;
	v32 =	vmul.f32 v32, v48;
	v2 =	vadd.f32 v47, v2  }
0x1b9: {  	v55 =	vor.u32 $0xA, v24;
	v42 =	vld [tilespmem:s28+$0xFFFFF400]  }
0x1ba: {  	v56 =	vmul.f32 v62, v63;
	v57 =	vld.idx.msk [tilespmem:v46+s16+$0x0], $0xffff;
	v31 =	vmul.f32 v31, v52;
	v2 =	vadd.f32 v32, v2  }
0x1bb: {  	v58 =	vld [tilespmem:s28+$0xFFFFF000];
	v59 =	vor.u32 $0xB, v24  }
0x1bc: {  	v60 =	vmul.f32 v49, v50;
	v62 =	vld [tilespmem:s28+$0xFFFFF200];
	v30 =	vmul.f32 v30, v56;
	v2 =	vadd.f32 v31, v2  }
0x1bd: {  	v63 =	vor.u32 $0xC, v24;
	v61 =	vld.idx.msk [tilespmem:v51+s16+$0x0], $0xffff  }
0x1be: {  	v40 =	vmul.f32 v53, v54;
	v41 =	vld.idx.msk [tilespmem:v55+s16+$0x0], $0xffff;
	v29 =	vmul.f32 v29, v60;
	v2 =	vadd.f32 v30, v2  }
0x1bf: {  	v43 =	vor.u32 $0xD, v24;
	v46 =	vld [tilespmem:s28+$0xFFFFF600]  }
0x1c0: {  	v50 =	vld [tilespmem:s28+$0xFFFFF800];
	v28 =	vmul.f32 v28, v40;
	v44 =	vmul.f32 v57, v58;
	v2 =	vadd.f32 v29, v2  }
0x1c1: {  	v45 =	vld.idx.msk [tilespmem:v59+s16+$0x0], $0xffff;
	v47 =	vor.u32 $0xE, v24  }
0x1c2: {  	v54 =	vld [tilespmem:s28+$0xFFFFFA00];
	v27 =	vmul.f32 v27, v44;
	v48 =	vmul.f32 v61, v62;
	v2 =	vadd.f32 v28, v2  }
0x1c3: {  	v51 =	vor.u32 $0xF, v24;
	v49 =	vld.idx.msk [tilespmem:v63+s16+$0x0], $0xffff  }
0x1c4: {  	v37 =	vld [tilespmem:s28+$0x0];
	v52 =	vmul.f32 v41, v42;
	v26 =	vmul.f32 v26, v48;
	v2 =	vadd.f32 v27, v2  }
0x1c5: {  	v55 =	vor.u32 $0x10, v24;
	v53 =	vld.idx.msk [tilespmem:v43+s16+$0x0], $0xffff  }
0x1c6: {  	v58 =	vld [tilespmem:s28+$0xFFFFFC00];
	v25 =	vmul.f32 v25, v52;
	v56 =	vmul.f32 v45, v46;
	v2 =	vadd.f32 v26, v2  }
0x1c7: {  	v38 =	vor.u32 $0x13, v24;
	v59 =	vor.u32 $0x11, v24;
	v57 =	vld.idx.msk [tilespmem:v47+s16+$0x0], $0xffff  }
0x1c8: {  	v61 =	vld.idx.msk [tilespmem:v51+s16+$0x0], $0xffff;
	v60 =	vmul.f32 v49, v50;
	v23 =	vmul.f32 v23, v56;
	v2 =	vadd.f32 v25, v2  }
0x1c9: {  	v63 =	vor.u32 $0x12, v24;
	v62 =	vld [tilespmem:s28+$0xFFFFFE00]  }
0x1ca: {  	v36 =	vld.idx.msk [tilespmem:v55+s16+$0x0], $0xffff;
	v35 =	vmul.f32 v53, v54;
	v22 =	vmul.f32 v22, v60;
	v2 =	vadd.f32 v23, v2  }
0x1cb: {  	v41 =	vld [tilespmem:s28+$0x200]  }
0x1cc: {  	v48 =	vld.idx.msk [tilespmem:v38+s16+$0x0], $0xffff;
	v21 =	vmul.f32 v21, v35;
	v39 =	vmul.f32 v57, v58;
	v2 =	vadd.f32 v22, v2  }
0x1cd: {  	v42 =	vor.u32 $0x14, v24;
	v40 =	vld.idx.msk [tilespmem:v59+s16+$0x0], $0xffff  }
0x1ce: {  	v44 =	vld.idx.msk [tilespmem:v63+s16+$0x0], $0xffff;
	v43 =	vmul.f32 v61, v62;
	v20 =	vmul.f32 v20, v39;
	v2 =	vadd.f32 v21, v2  }
0x1cf: {  	v45 =	vld [tilespmem:s28+$0x400];
	v46 =	vor.u32 $0x15, v24  }
0x1d0: {  	v49 =	vld [tilespmem:s28+$0x600];
	v47 =	vmul.f32 v36, v37;
	v19 =	vmul.f32 v19, v43;
	v2 =	vadd.f32 v20, v2  }
0x1d1: {  	v50 =	vor.u32 $0x16, v24  }
0x1d2: {  	v52 =	vld.idx.msk [tilespmem:v42+s16+$0x0], $0xffff;
	v18 =	vmul.f32 v18, v47;
	v51 =	vmul.f32 v40, v41;
	v2 =	vadd.f32 v19, v2  }
0x1d3: {  	v53 =	vld [tilespmem:s28+$0x800];
	v54 =	vor.u32 $0x17, v24  }
0x1d4: {  	v55 =	vmul.f32 v44, v45;
	v56 =	vld.idx.msk [tilespmem:v46+s16+$0x0], $0xffff;
	v17 =	vmul.f32 v17, v51;
	v2 =	vadd.f32 v18, v2  }
0x1d5: {  	v59 =	vmul.f32 v48, v49;
	v57 =	vld [tilespmem:s28+$0xA00]  }
0x1d6: {  	v61 =	vld [tilespmem:s28+$0xC00];
	v58 =	vor.u32 $0x18, v24;
	v16 =	vmul.f32 v16, v55;
	v2 =	vadd.f32 v17, v2  }
0x1d7: {  	v62 =	vor.u32 $0x19, v24;
	v60 =	vld.idx.msk [tilespmem:v50+s16+$0x0], $0xffff  }
0x1d8: {  	v63 =	vmul.f32 v52, v53;
	v29 =	vld [tilespmem:s28+$0xE00];
	v15 =	vmul.f32 v15, v59;
	v2 =	vadd.f32 v16, v2  }
0x1d9: {  	v30 =	vor.u32 $0x1A, v24;
	v28 =	vld.idx.msk [tilespmem:v54+s16+$0x0], $0xffff  }
0x1da: {  	v33 =	vld [tilespmem:s28+$0x1000];
	v14 =	vmul.f32 v14, v63;
	v31 =	vmul.f32 v56, v57;
	v2 =	vadd.f32 v15, v2  }
0x1db: {  	v34 =	vor.u32 $0x1B, v24;
	v32 =	vld.idx.msk [tilespmem:v58+s16+$0x0], $0xffff  }
0x1dc: {  	v37 =	vld [tilespmem:s28+$0x1200];
	v35 =	vmul.f32 v60, v61;
	v13 =	vmul.f32 v13, v31;
	v2 =	vadd.f32 v14, v2  }
0x1dd: {  	v38 =	vor.u32 $0x1C, v24;
	v36 =	vld.idx.msk [tilespmem:v62+s16+$0x0], $0xffff  }
0x1de: {  	v41 =	vld [tilespmem:s28+$0x1400];
	v12 =	vmul.f32 v12, v35;
	v39 =	vmul.f32 v28, v29;
	v2 =	vadd.f32 v13, v2  }
0x1df: {  	v42 =	vor.u32 $0x1D, v24;
	v40 =	vld.idx.msk [tilespmem:v30+s16+$0x0], $0xffff  }
0x1e0: {  	v44 =	vld.idx.msk [tilespmem:v34+s16+$0x0], $0xffff;
	v11 =	vmul.f32 v11, v39;
	v43 =	vmul.f32 v32, v33;
	v2 =	vadd.f32 v12, v2  }
0x1e1: {  	v45 =	vld [tilespmem:s28+$0x1600];
	v46 =	vor.u32 $0x1E, v24  }
0x1e2: {  	v48 =	vld.idx.msk [tilespmem:v38+s16+$0x0], $0xffff;
	v47 =	vmul.f32 v36, v37;
	v10 =	vmul.f32 v10, v43;
	v2 =	vadd.f32 v11, v2  }
0x1e3: {  	v49 =	vld [tilespmem:s28+$0x1800];
	v50 =	vor.u32 $0x1F, v24  }
0x1e4: {  	v52 =	vld.idx.msk [tilespmem:v42+s16+$0x0], $0xffff;
	v51 =	vmul.f32 v40, v41;
	v9 =	vmul.f32 v9, v47;
	v2 =	vadd.f32 v10, v2  }
0x1e5: {  	v53 =	vld [tilespmem:s28+$0x1A00]  }
0x1e6: {  	v54 =	vmul.f32 v44, v45;
	v55 =	vld.idx.msk [tilespmem:v46+s16+$0x0], $0xffff;
	v8 =	vmul.f32 v8, v51;
	v2 =	vadd.f32 v9, v2  }
0x1e7: {  	v56 =	vld [tilespmem:s28+$0x1C00]  }
0x1e8: {  	v59 =	vld [tilespmem:s28+$0x1E00];
	v7 =	vmul.f32 v7, v54;
	v57 =	vmul.f32 v48, v49;
	v2 =	vadd.f32 v8, v2  }
0x1e9: {  	v58 =	vld.idx.msk [tilespmem:v50+s16+$0x0], $0xffff  }
0x1ea: {  	v60 =	vmul.f32 v52, v53;
	v6 =	vmul.f32 v6, v57;
	v2 =	vadd.f32 v7, v2  }
0x1eb: {  	v61 =	vld [tilespmem:$0xC5F0]  }
0x1ec: {  	v4 =	vmul.f32 v4, v60;
	v62 =	vmul.f32 v55, v56;
	v2 =	vadd.f32 v6, v2;
	_ =	sdelay $0x1  }
0x1ed: {  	v63 =	vmul.f32 v58, v59;
	v3 =	vmul.f32 v3, v62;
	v2 =	vadd.f32 v4, v2;
	_ =	sdelay $0x1  }
0x1ee: {  	v2 =	vadd.f32 v3, v2;
	v3 =	vmul.f32 v61, v63;
	_ =	sdelay $0x1  }
0x1ef: {  	v2 =	vadd.f32 v3, v2;
	_ =	sdelay $0x1  }
0x1f0: {  	v2 =	vsub.f32 $0.0e+00, v2;
	_ =	sdelay $0x1  }
0x1f1: {  	v2 =	vmul.f32 $1.442695020e+00, v2;
	_ =	sdelay $0x1  }
0x1f2: {  	(erf) = vpow2.f32 v2;
	_ =	sdelay $0x8  }
0x1f3: {  	v2 =	vpop (erf)  }
0x1f4: {  	v2 =	vadd.f32 $1.000000000e+00, v2;
	_ =	sdelay $0x1  }
0x1f5: {  	(erf) = vrcp.f32 v2;
	_ =	sdelay $0x8  }
0x1f6: {  	v2 =	vand.u32 v1, v5;
	v3 =	vpop (erf)  }
0x1f7: {  	v3 =	vmul.f32 $4.000000000e+00, v3;
	_ =	sdelay $0x1  }
0x1f8: {  	s26 =	sadd.s32 $0x1, s26;
	v3 =	vadd.f32 $1.000000000e+00, v3  }
0x1f9: {  	p0 =	sne.s32 s26, s10  }
.Ltmp4:
0x1fa: {  	[tilespmem:v2+s25+$0x0] =	vst.idx.msk $0xffff, v3;
	(pc) =	sbr.rel @p0 .LBB2_1-.Ltmp4, $4  }
0x1fb: {  	[hbm4b:s9+s1] =	stream.linear.scatter [tilespmem:s25], [sflag:$0x3], $0x200, $0x38;
	[tilespmem:$0xC810] =	vst v63  }
0x1fc: {  	_ =	swait.ge [sflag:s11], $0x200  }
0x1fd: {  	[sflag:s11] =	ssyncset.done $0x0  }
0x1fe: {  	[sflag:s11] =	ssyncadd.s32 $0xFFFFFE00  }
0x1ff: {  	_ =	sfence.sel $0x180000  }
0x200: {  	[bflag:$0x0] =	sbarrier.arrive $0xFFFF  }
0x201: {  	_ =	strace $0x9000004A  }
0x202: {  	[bflag:$0x2] =	sbarrier.arrive $0xFFFF  }
0x203: {  	p0 =	sne.s32 s2, $0x0;
	s0 =	rddreg [dreg:$0x4]  }
0x204: {  	s0 =	sadd.s32 @!p0 $0x100000, s0  }
0x205: {  	[sflag:s0] =	ssyncadd.tile.s32 @!p0 $0x1;
	_ =	shalt  }
.Lfunc_end2:
_tile_overlayer_lowered:
.L_overlay_start_2:
0x206: {  	(tag) =	ssettag $0x2  }
0x207: {  	s0 =	rddreg [dreg:$0x0];
	s2 =	stileid.u32  }
0x208: {  	s1 =	rddreg [dreg:$0x1];
	p0 =	sne.s32 s2, $0x0  }
0x209: {  	s3 =	rddreg [dreg:$0x2];
	[bflag:$0x3] =	sbarrier.arrive $0xFFFF;
	s2 =	simm.s32 @!p0 $0x1C03  }
0x20a: {  	[timem:s3], [sflag:s2] =	dma.local @!p0 [hbm:s0], s1  }
0x20b: {  	s0 =	simm.s32 @!p0 $0x3  }
0x20c: {  	_ =	swait.ge @!p0 [sflag:s0], s1  }
0x20d: {  	s1 =	ssub.s32 @!p0 $0x0, s1;
	[sflag:s0] =	ssyncset.done @!p0 $0x0  }
0x20e: {  	[sflag:s0] =	ssyncadd.s32 @!p0 s1  }
0x20f: {  	[bflag:$0x3] =	sbarrier.arrive $0xFFFF  }
0x210: {  	_ =	shalt  }

</sc_bundles>
